<compile_context>
chip_gen: v7x
topology: tpu7x:2x2x1
jax: 0.10.2.dev20260603
libtpu: 0.0.44.dev20260713+nightly
codegen_flags: <defaults>
</compile_context>

<pallas_src>
import functools

import jax
import jax.numpy as jnp
from jax import lax
from jax.experimental import pallas as pl
from jax.experimental.pallas import tpu as pltpu
from jax.experimental.pallas import tpu_sc as plsc

N_NODES = 10000
N_EDGES = 160000
D_HALF = 128

NC = 2
NS = 16
LANES = 16

EDGES_PER_TILE = N_EDGES // NS
CHUNK = 80
NWIN = 5
WCHUNKS = 25
ONES_PAD = 80
NBUF = 3
ROWS_PER_TILE = 624
ROWS_LAST = N_NODES - 15 * ROWS_PER_TILE
DEG_PER_TILE = 1000


def _sc_agg_body(compute_deg, *refs):
    if compute_deg:
        (y_lo, y_hi, src3, dst3, out_lo, out_hi, deg_out,
         src_v, dst_v, rows_v, rows_b, rows_c, ones_v, zdeg_v, acc, deg_acc,
         sem, sem_b, sem_c) = refs
    else:
        (y_lo, y_hi, src3, dst3, out_lo, out_hi,
         src_v, dst_v, rows_v, rows_b, rows_c, ones_v, zdeg_v, acc, deg_acc,
         sem, sem_b, sem_c) = refs

    c = lax.axis_index("c")
    s = lax.axis_index("s")
    bufs = (rows_v, rows_b, rows_c)[:NBUF]
    sems = (sem, sem_b, sem_c)[:NBUF]

    pltpu.sync_copy(src3.at[s].at[0], src_v)
    pltpu.sync_copy(dst3.at[s].at[0], dst_v)

    def _prime2(y_ref):
        for b in range(NBUF - 1):
            pltpu.async_copy(y_ref.at[src_v.at[b]], bufs[b], sems[b])

    @pl.when(c == 0)
    def _():
        _prime2(y_lo)

    @pl.when(c == 1)
    def _():
        _prime2(y_hi)

    zbuf = bufs[NBUF - 1]

    def _zero_rows(i, _):
        for v in range(D_HALF // LANES):
            zbuf[i, pl.ds(v * LANES, LANES)] = jnp.zeros((LANES,), jnp.float32)
        return 0
    lax.fori_loop(0, CHUNK, _zero_rows, 0)

    base_row = s * ROWS_PER_TILE
    nfull = ROWS_PER_TILE // CHUNK
    rem = ROWS_PER_TILE - nfull * CHUNK

    def _zcopy(k, _):
        pltpu.sync_copy(zbuf, acc.at[pl.ds(base_row + k * CHUNK, CHUNK)])
        return 0
    lax.fori_loop(0, nfull, _zcopy, 0)

    @pl.when(s < NS - 1)
    def _():
        pltpu.sync_copy(zbuf.at[pl.ds(0, rem)],
                        acc.at[pl.ds(base_row + nfull * CHUNK, rem)])

    @pl.when(s == NS - 1)
    def _():
        pltpu.sync_copy(zbuf.at[pl.ds(0, ROWS_LAST - nfull * CHUNK)],
                        acc.at[pl.ds(base_row + nfull * CHUNK,
                                     ROWS_LAST - nfull * CHUNK)])

    @pl.when(c == 0)
    def _():
        pltpu.async_copy(y_lo.at[src_v.at[NBUF - 1]], zbuf, sems[NBUF - 1])

    @pl.when(c == 1)
    def _():
        pltpu.async_copy(y_hi.at[src_v.at[NBUF - 1]], zbuf, sems[NBUF - 1])

    for v in range(ONES_PAD // LANES):
        ones_v[pl.ds(v * LANES, LANES)] = jnp.ones((LANES,), jnp.float32)
    if compute_deg:
        for v in range(zdeg_v.shape[0] // LANES):
            zdeg_v[pl.ds(v * LANES, LANES)] = jnp.zeros((LANES,), jnp.float32)

        @pl.when(jnp.logical_and(c == 0, s < N_NODES // DEG_PER_TILE))
        def _():
            pltpu.sync_copy(zdeg_v.at[pl.ds(0, DEG_PER_TILE)],
                            deg_acc.at[pl.ds(s * DEG_PER_TILE, DEG_PER_TILE)])

    plsc.subcore_barrier()

    def _edge_loop(y_ref, do_deg):
        def _step(chunk, buf, sm):
            pltpu.make_async_copy(y_ref.at[src_v.at[chunk]], buf, sm).wait()
            pltpu.sync_copy(buf, acc.at[dst_v.at[chunk]], add=True)
            if do_deg:
                pltpu.sync_copy(ones_v.at[pl.ds(0, CHUNK)],
                                deg_acc.at[dst_v.at[chunk]], add=True)

            @pl.when(chunk + NBUF < WCHUNKS)
            def _():
                pltpu.async_copy(y_ref.at[src_v.at[chunk + NBUF]], buf, sm)

        def window(w, _):
            @pl.when(w > 0)
            def _():
                pltpu.sync_copy(src3.at[s].at[w], src_v)
                pltpu.sync_copy(dst3.at[s].at[w], dst_v)
                for b in range(NBUF):
                    pltpu.async_copy(y_ref.at[src_v.at[b]], bufs[b], sems[b])

            def body(p, _):
                for b in range(NBUF):
                    _step(NBUF * p + b, bufs[b], sems[b])
                return 0
            lax.fori_loop(0, WCHUNKS // NBUF, body, 0)
            for t in range(WCHUNKS - (WCHUNKS // NBUF) * NBUF):
                _step((WCHUNKS // NBUF) * NBUF + t, bufs[t], sems[t])
            return 0

        lax.fori_loop(0, NWIN, window, 0)

    @pl.when(c == 0)
    def _():
        _edge_loop(y_lo, compute_deg)

    @pl.when(c == 1)
    def _():
        _edge_loop(y_hi, False)

    plsc.subcore_barrier()

    def _copy_out(out_ref):
        @pl.when(s < NS - 1)
        def _():
            pltpu.sync_copy(acc.at[pl.ds(base_row, ROWS_PER_TILE)],
                            out_ref.at[pl.ds(base_row, ROWS_PER_TILE)])

        @pl.when(s == NS - 1)
        def _():
            pltpu.sync_copy(acc.at[pl.ds(base_row, ROWS_LAST)],
                            out_ref.at[pl.ds(base_row, ROWS_LAST)])

    @pl.when(c == 0)
    def _():
        _copy_out(out_lo)

    @pl.when(c == 1)
    def _():
        _copy_out(out_hi)

    if compute_deg:
        @pl.when(jnp.logical_and(c == 0, s < N_NODES // DEG_PER_TILE))
        def _():
            pltpu.sync_copy(deg_acc.at[pl.ds(s * DEG_PER_TILE, DEG_PER_TILE)],
                            zdeg_v.at[pl.ds(0, DEG_PER_TILE)])
            pltpu.sync_copy(zdeg_v.at[pl.ds(0, DEG_PER_TILE)],
                            deg_out.at[pl.ds(s * DEG_PER_TILE, DEG_PER_TILE)])


def _make_sc_agg(compute_deg):
    out_type = [
        jax.ShapeDtypeStruct((N_NODES, D_HALF), jnp.float32),
        jax.ShapeDtypeStruct((N_NODES, D_HALF), jnp.float32),
    ]
    if compute_deg:
        out_type.append(jax.ShapeDtypeStruct((N_NODES,), jnp.float32))
    scratch = [
        pltpu.VMEM((WCHUNKS, CHUNK), jnp.int32),
        pltpu.VMEM((WCHUNKS, CHUNK), jnp.int32),
        pltpu.VMEM((CHUNK, D_HALF), jnp.float32),
        pltpu.VMEM((CHUNK, D_HALF), jnp.float32),
        pltpu.VMEM((CHUNK, D_HALF), jnp.float32),
        pltpu.VMEM((ONES_PAD,), jnp.float32),
        pltpu.VMEM((1024,), jnp.float32),
        pltpu.VMEM_SHARED((N_NODES, D_HALF), jnp.float32),
        pltpu.VMEM_SHARED((N_NODES,), jnp.float32),
        pltpu.SemaphoreType.DMA,
        pltpu.SemaphoreType.DMA,
        pltpu.SemaphoreType.DMA,
    ]
    mesh = plsc.VectorSubcoreMesh(core_axis_name="c", subcore_axis_name="s",
                                  num_cores=NC, num_subcores=NS)
    return pl.kernel(
        functools.partial(_sc_agg_body, compute_deg),
        out_type=out_type, mesh=mesh, scratch_types=scratch,
        name="sc_agg_deg" if compute_deg else "sc_agg",
    )


_BM = 2000


def _mm1_body(x_ref, w_ref, lo_ref, hi_ref):
    y = jnp.dot(x_ref[...], w_ref[...], preferred_element_type=jnp.float32)
    lo_ref[...] = y[:, :D_HALF]
    hi_ref[...] = y[:, D_HALF:]


def _tc_mm1(x, W1):
    n, d = x.shape
    grid = n // _BM
    return pl.pallas_call(
        _mm1_body,
        grid=(grid,),
        in_specs=[
            pl.BlockSpec((_BM, d), lambda i: (i, 0)),
            pl.BlockSpec((d, W1.shape[1]), lambda i: (0, 0)),
        ],
        out_specs=[
            pl.BlockSpec((_BM, D_HALF), lambda i: (i, 0)),
            pl.BlockSpec((_BM, D_HALF), lambda i: (i, 0)),
        ],
        out_shape=[
            jax.ShapeDtypeStruct((n, D_HALF), jnp.float32),
            jax.ShapeDtypeStruct((n, D_HALF), jnp.float32),
        ],
    )(x, W1)


def _mid_body(slo_ref, shi_ref, deg_ref, b1_ref, w2_ref, lo_ref, hi_ref):
    inv = 1.0 / jnp.maximum(deg_ref[...], 1.0)
    h_lo = jnp.maximum(slo_ref[...] * inv + b1_ref[:, :D_HALF], 0.0)
    h_hi = jnp.maximum(shi_ref[...] * inv + b1_ref[:, D_HALF:], 0.0)
    y = (jnp.dot(h_lo, w2_ref[:D_HALF, :], preferred_element_type=jnp.float32)
         + jnp.dot(h_hi, w2_ref[D_HALF:, :], preferred_element_type=jnp.float32))
    lo_ref[...] = y[:, :D_HALF]
    hi_ref[...] = y[:, D_HALF:]


def _tc_mid(s_lo, s_hi, deg, b1, W2):
    n = s_lo.shape[0]
    grid = n // _BM
    return pl.pallas_call(
        _mid_body,
        grid=(grid,),
        in_specs=[
            pl.BlockSpec((_BM, D_HALF), lambda i: (i, 0)),
            pl.BlockSpec((_BM, D_HALF), lambda i: (i, 0)),
            pl.BlockSpec((_BM, 1), lambda i: (i, 0)),
            pl.BlockSpec((1, 2 * D_HALF), lambda i: (0, 0)),
            pl.BlockSpec(W2.shape, lambda i: (0, 0)),
        ],
        out_specs=[
            pl.BlockSpec((_BM, D_HALF), lambda i: (i, 0)),
            pl.BlockSpec((_BM, D_HALF), lambda i: (i, 0)),
        ],
        out_shape=[
            jax.ShapeDtypeStruct((n, D_HALF), jnp.float32),
            jax.ShapeDtypeStruct((n, D_HALF), jnp.float32),
        ],
    )(s_lo, s_hi, deg, b1, W2)


def _final_body(tlo_ref, thi_ref, deg_ref, b2_ref, out_ref):
    inv = 1.0 / jnp.maximum(deg_ref[...], 1.0)
    out_ref[:, :D_HALF] = tlo_ref[...] * inv + b2_ref[:, :D_HALF]
    out_ref[:, D_HALF:] = thi_ref[...] * inv + b2_ref[:, D_HALF:]


def _tc_final(t_lo, t_hi, deg, b2):
    n = t_lo.shape[0]
    grid = n // _BM
    return pl.pallas_call(
        _final_body,
        grid=(grid,),
        in_specs=[
            pl.BlockSpec((_BM, D_HALF), lambda i: (i, 0)),
            pl.BlockSpec((_BM, D_HALF), lambda i: (i, 0)),
            pl.BlockSpec((_BM, 1), lambda i: (i, 0)),
            pl.BlockSpec((1, 2 * D_HALF), lambda i: (0, 0)),
        ],
        out_specs=pl.BlockSpec((_BM, 2 * D_HALF), lambda i: (i, 0)),
        out_shape=jax.ShapeDtypeStruct((n, 2 * D_HALF), jnp.float32),
    )(t_lo, t_hi, deg, b2)


def kernel(x, edge_index, W1, b1, W2, b2):
    src = edge_index[0].astype(jnp.int32)
    dst = edge_index[1].astype(jnp.int32)
    src3 = src.reshape(NS, NWIN, WCHUNKS, CHUNK)
    dst3 = dst.reshape(NS, NWIN, WCHUNKS, CHUNK)
    b1r = b1.reshape(1, -1)
    b2r = b2.reshape(1, -1)

    y_lo, y_hi = _tc_mm1(x, W1)
    s_lo, s_hi, deg = _make_sc_agg(True)(y_lo, y_hi, src3, dst3)
    degc = deg.reshape(N_NODES, 1)
    y2_lo, y2_hi = _tc_mid(s_lo, s_hi, degc, b1r, W2)
    t_lo, t_hi = _make_sc_agg(False)(y2_lo, y2_hi, src3, dst3)
    return _tc_final(t_lo, t_hi, degc, b2r)

# --- scband reference (transcript-rebuilt; emitter-appended) ---
"""Pipeline reference for scband-inference-helper-30425548325322 (READ-ONLY COPY).

The authoritative reference and input builder live on the scoring server;
editing this copy changes nothing except your own understanding.
"""

import jax, jax.numpy as jnp
import numpy as np

N_NODES = 10000
N_EDGES = 160000
D_FEAT = 256
HIDDEN = 256
OUT = 256


def setup_inputs(seed: int = 0) -> dict:
    key = jax.random.key(seed)
    k1, k2, k3, k4, k5, k6 = jax.random.split(key, 6)
    x = jax.random.normal(k1, (N_NODES, D_FEAT), dtype=jnp.float32)
    edge_index = jax.random.randint(k2, (2, N_EDGES), 0, N_NODES, dtype=jnp.int64)
    scale1 = 1.0 / np.sqrt(D_FEAT)
    scale2 = 1.0 / np.sqrt(HIDDEN)
    W1 = jax.random.normal(k3, (D_FEAT, HIDDEN), dtype=jnp.float32) * scale1
    b1 = jnp.zeros((HIDDEN,), dtype=jnp.float32)
    W2 = jax.random.normal(k4, (HIDDEN, OUT), dtype=jnp.float32) * scale2
    b2 = jnp.zeros((OUT,), dtype=jnp.float32)
    return {"x": x, "edge_index": edge_index, "W1": W1, "b1": b1, "W2": W2, "b2": b2}


def reference(x, edge_index, W1, b1, W2, b2):
    # InferenceHelper splits a 2-layer DGL GNN into per-layer conv functions and
    # runs layer-wise full-neighbor inference. The underlying math is a 2-layer
    # mean-aggregation graph convolution executed layer by layer over the full graph.
    n = x.shape[0]
    src = edge_index[0]
    dst = edge_index[1]

    def mean_agg(h):
        msg = jnp.take(h, src, axis=0)                      # gather over source nodes
        summed = jax.ops.segment_sum(msg, dst, num_segments=n)  # scatter-add to dst
        deg = jax.ops.segment_sum(jnp.ones((src.shape[0],), h.dtype), dst, num_segments=n)
        return summed / jnp.clip(deg, 1.0, None)[:, None]

    # forward_conv0: aggregate + linear + relu (hidden_features wide)
    h1 = jax.nn.relu(mean_agg(x) @ W1 + b1)
    # forward_conv1: aggregate + linear (out_features wide)
    out = mean_agg(h1) @ W2 + b2
    return out

if __name__ == "__main__":
    import jax
    _d = setup_inputs()
    print(jax.jit(kernel)(*tuple(_d.values())))

</pallas_src>

<mosaic_0001>
#map = affine_map<(d0, d1) -> (0, 0)>
#map1 = affine_map<(d0, d1) -> (0, 0, 0, 0)>
#map2 = affine_map<(d0, d1) -> (0)>
module attributes {stable_mosaic.version = 14 : i64} {
  func.func @sc_agg_deg(%arg0: i32, %arg1: i32, %arg2: memref<10000x128xf32, #tpu.memory_space<hbm>>, %arg3: memref<10000x128xf32, #tpu.memory_space<hbm>>, %arg4: memref<16x5x25x80xi32, #tpu.memory_space<hbm>>, %arg5: memref<16x5x25x80xi32, #tpu.memory_space<hbm>>, %arg6: memref<10000x128xf32, #tpu.memory_space<hbm>>, %arg7: memref<10000x128xf32, #tpu.memory_space<hbm>>, %arg8: memref<10000xf32, #tpu.memory_space<hbm>>, %arg9: memref<25x80xi32, #tpu.memory_space<vmem>>, %arg10: memref<25x80xi32, #tpu.memory_space<vmem>>, %arg11: memref<80x128xf32, #tpu.memory_space<vmem>>, %arg12: memref<80x128xf32, #tpu.memory_space<vmem>>, %arg13: memref<80x128xf32, #tpu.memory_space<vmem>>, %arg14: memref<80xf32, #tpu.memory_space<vmem>>, %arg15: memref<1024xf32, #tpu.memory_space<vmem>>, %arg16: memref<10000x128xf32, #tpu.memory_space<vmem_shared>>, %arg17: memref<10000xf32, #tpu.memory_space<vmem_shared>>, %arg18: memref<!tpu.dma_semaphore, #tpu.memory_space<semaphore_mem>>, %arg19: memref<!tpu.dma_semaphore, #tpu.memory_space<semaphore_mem>>, %arg20: memref<!tpu.dma_semaphore, #tpu.memory_space<semaphore_mem>>) attributes {dimension_semantics = [#tpu.dimension_semantics<core_parallel>, #tpu.dimension_semantics<subcore_parallel>], iteration_bounds = array<i64: 2, 16>, scalar_prefetch = 0 : i64, scratch_operands = 12 : i64, tpu.core_type = #tpu.core_type<sc_vector_subcore>, window_params = [{transform_indices = #map}, {transform_indices = #map}, {transform_indices = #map1}, {transform_indices = #map1}, {transform_indices = #map}, {transform_indices = #map}, {transform_indices = #map2}]} {
    %run_scoped3A = arith.constant 0 : i32
    "tpu.region"() ({
      %run_scoped3A_489 = tpu.sem_alloc : memref<!tpu.dma_semaphore, #tpu.memory_space<semaphore_mem>>
      %dma_start3A = arith.constant 0 : i32
      %dma_start3A_490 = arith.constant 0 : i32
      %dma_start3A_491 = arith.constant 0 : i32
      %dma_start3A_492 = tpu.memref_slice %arg4[%arg1, %dma_start3A, %dma_start3A_490, %dma_start3A_491] : memref<16x5x25x80xi32, #tpu.memory_space<hbm>> -> memref<1x5x25x80xi32, #tpu.memory_space<hbm>>
      %dma_start3A_493 = tpu.memref_squeeze %dma_start3A_492 : memref<1x5x25x80xi32, #tpu.memory_space<hbm>> -> memref<5x25x80xi32, #tpu.memory_space<hbm>>
      %dma_start3A_494 = arith.constant 0 : i32
      %dma_start3A_495 = arith.constant 0 : i32
      %dma_start3A_496 = tpu.memref_slice %dma_start3A_493[%run_scoped3A, %dma_start3A_494, %dma_start3A_495] : memref<5x25x80xi32, #tpu.memory_space<hbm>> -> memref<1x25x80xi32, #tpu.memory_space<hbm>>
      %dma_start3A_497 = tpu.memref_squeeze %dma_start3A_496 : memref<1x25x80xi32, #tpu.memory_space<hbm>> -> memref<25x80xi32, #tpu.memory_space<hbm>>
      %dma_start3A_498 = arith.constant 0 : i32
      %dma_start3A_499 = arith.constant 0 : i32
      %dma_start3A_500 = arith.constant 0 : i32
      %dma_start3A_501 = tpu.memref_slice %arg4[%arg1, %dma_start3A_498, %dma_start3A_499, %dma_start3A_500] : memref<16x5x25x80xi32, #tpu.memory_space<hbm>> -> memref<1x5x25x80xi32, #tpu.memory_space<hbm>>
      %dma_start3A_502 = tpu.memref_squeeze %dma_start3A_501 : memref<1x5x25x80xi32, #tpu.memory_space<hbm>> -> memref<5x25x80xi32, #tpu.memory_space<hbm>>
      %dma_start3A_503 = arith.constant 0 : i32
      %dma_start3A_504 = arith.constant 0 : i32
      %dma_start3A_505 = tpu.memref_slice %dma_start3A_502[%run_scoped3A, %dma_start3A_503, %dma_start3A_504] : memref<5x25x80xi32, #tpu.memory_space<hbm>> -> memref<1x25x80xi32, #tpu.memory_space<hbm>>
      %dma_start3A_506 = tpu.memref_squeeze %dma_start3A_505 : memref<1x25x80xi32, #tpu.memory_space<hbm>> -> memref<25x80xi32, #tpu.memory_space<hbm>>
      tpu.enqueue_dma source(%dma_start3A_506 : memref<25x80xi32, #tpu.memory_space<hbm>>) target(%arg9 : memref<25x80xi32, #tpu.memory_space<vmem>>) target_semaphore(%run_scoped3A_489 : memref<!tpu.dma_semaphore, #tpu.memory_space<semaphore_mem>>)
      %dma_wait3A = arith.constant 0 : i32
      %dma_wait3A_507 = arith.constant 0 : i32
      %dma_wait3A_508 = arith.constant 0 : i32
      %dma_wait3A_509 = tpu.memref_slice %arg4[%arg1, %dma_wait3A, %dma_wait3A_507, %dma_wait3A_508] : memref<16x5x25x80xi32, #tpu.memory_space<hbm>> -> memref<1x5x25x80xi32, #tpu.memory_space<hbm>>
      %dma_wait3A_510 = tpu.memref_squeeze %dma_wait3A_509 : memref<1x5x25x80xi32, #tpu.memory_space<hbm>> -> memref<5x25x80xi32, #tpu.memory_space<hbm>>
      %dma_wait3A_511 = arith.constant 0 : i32
      %dma_wait3A_512 = arith.constant 0 : i32
      %dma_wait3A_513 = tpu.memref_slice %dma_wait3A_510[%run_scoped3A, %dma_wait3A_511, %dma_wait3A_512] : memref<5x25x80xi32, #tpu.memory_space<hbm>> -> memref<1x25x80xi32, #tpu.memory_space<hbm>>
      %dma_wait3A_514 = tpu.memref_squeeze %dma_wait3A_513 : memref<1x25x80xi32, #tpu.memory_space<hbm>> -> memref<25x80xi32, #tpu.memory_space<hbm>>
      %dma_wait3A_515 = arith.constant 0 : i32
      %dma_wait3A_516 = arith.constant 0 : i32
      %dma_wait3A_517 = arith.constant 0 : i32
      %dma_wait3A_518 = tpu.memref_slice %arg4[%arg1, %dma_wait3A_515, %dma_wait3A_516, %dma_wait3A_517] : memref<16x5x25x80xi32, #tpu.memory_space<hbm>> -> memref<1x5x25x80xi32, #tpu.memory_space<hbm>>
      %dma_wait3A_519 = tpu.memref_squeeze %dma_wait3A_518 : memref<1x5x25x80xi32, #tpu.memory_space<hbm>> -> memref<5x25x80xi32, #tpu.memory_space<hbm>>
      %dma_wait3A_520 = arith.constant 0 : i32
      %dma_wait3A_521 = arith.constant 0 : i32
      %dma_wait3A_522 = tpu.memref_slice %dma_wait3A_519[%run_scoped3A, %dma_wait3A_520, %dma_wait3A_521] : memref<5x25x80xi32, #tpu.memory_space<hbm>> -> memref<1x25x80xi32, #tpu.memory_space<hbm>>
      %dma_wait3A_523 = tpu.memref_squeeze %dma_wait3A_522 : memref<1x25x80xi32, #tpu.memory_space<hbm>> -> memref<25x80xi32, #tpu.memory_space<hbm>>
      tpu.wait_dma2 semaphore(%run_scoped3A_489 : memref<!tpu.dma_semaphore, #tpu.memory_space<semaphore_mem>>) src(%dma_wait3A_523 : memref<25x80xi32, #tpu.memory_space<hbm>>) dst(%arg9 : memref<25x80xi32, #tpu.memory_space<vmem>>)
      tpu.yield
    }) : () -> ()
    %run_scoped3A_0 = arith.constant 0 : i32
    "tpu.region"() ({
      %run_scoped3A_489 = tpu.sem_alloc : memref<!tpu.dma_semaphore, #tpu.memory_space<semaphore_mem>>
      %dma_start3A = arith.constant 0 : i32
      %dma_start3A_490 = arith.constant 0 : i32
      %dma_start3A_491 = arith.constant 0 : i32
      %dma_start3A_492 = tpu.memref_slice %arg5[%arg1, %dma_start3A, %dma_start3A_490, %dma_start3A_491] : memref<16x5x25x80xi32, #tpu.memory_space<hbm>> -> memref<1x5x25x80xi32, #tpu.memory_space<hbm>>
      %dma_start3A_493 = tpu.memref_squeeze %dma_start3A_492 : memref<1x5x25x80xi32, #tpu.memory_space<hbm>> -> memref<5x25x80xi32, #tpu.memory_space<hbm>>
      %dma_start3A_494 = arith.constant 0 : i32
      %dma_start3A_495 = arith.constant 0 : i32
      %dma_start3A_496 = tpu.memref_slice %dma_start3A_493[%run_scoped3A_0, %dma_start3A_494, %dma_start3A_495] : memref<5x25x80xi32, #tpu.memory_space<hbm>> -> memref<1x25x80xi32, #tpu.memory_space<hbm>>
      %dma_start3A_497 = tpu.memref_squeeze %dma_start3A_496 : memref<1x25x80xi32, #tpu.memory_space<hbm>> -> memref<25x80xi32, #tpu.memory_space<hbm>>
      %dma_start3A_498 = arith.constant 0 : i32
      %dma_start3A_499 = arith.constant 0 : i32
      %dma_start3A_500 = arith.constant 0 : i32
      %dma_start3A_501 = tpu.memref_slice %arg5[%arg1, %dma_start3A_498, %dma_start3A_499, %dma_start3A_500] : memref<16x5x25x80xi32, #tpu.memory_space<hbm>> -> memref<1x5x25x80xi32, #tpu.memory_space<hbm>>
      %dma_start3A_502 = tpu.memref_squeeze %dma_start3A_501 : memref<1x5x25x80xi32, #tpu.memory_space<hbm>> -> memref<5x25x80xi32, #tpu.memory_space<hbm>>
      %dma_start3A_503 = arith.constant 0 : i32
      %dma_start3A_504 = arith.constant 0 : i32
      %dma_start3A_505 = tpu.memref_slice %dma_start3A_502[%run_scoped3A_0, %dma_start3A_503, %dma_start3A_504] : memref<5x25x80xi32, #tpu.memory_space<hbm>> -> memref<1x25x80xi32, #tpu.memory_space<hbm>>
      %dma_start3A_506 = tpu.memref_squeeze %dma_start3A_505 : memref<1x25x80xi32, #tpu.memory_space<hbm>> -> memref<25x80xi32, #tpu.memory_space<hbm>>
      tpu.enqueue_dma source(%dma_start3A_506 : memref<25x80xi32, #tpu.memory_space<hbm>>) target(%arg10 : memref<25x80xi32, #tpu.memory_space<vmem>>) target_semaphore(%run_scoped3A_489 : memref<!tpu.dma_semaphore, #tpu.memory_space<semaphore_mem>>)
      %dma_wait3A = arith.constant 0 : i32
      %dma_wait3A_507 = arith.constant 0 : i32
      %dma_wait3A_508 = arith.constant 0 : i32
      %dma_wait3A_509 = tpu.memref_slice %arg5[%arg1, %dma_wait3A, %dma_wait3A_507, %dma_wait3A_508] : memref<16x5x25x80xi32, #tpu.memory_space<hbm>> -> memref<1x5x25x80xi32, #tpu.memory_space<hbm>>
      %dma_wait3A_510 = tpu.memref_squeeze %dma_wait3A_509 : memref<1x5x25x80xi32, #tpu.memory_space<hbm>> -> memref<5x25x80xi32, #tpu.memory_space<hbm>>
      %dma_wait3A_511 = arith.constant 0 : i32
      %dma_wait3A_512 = arith.constant 0 : i32
      %dma_wait3A_513 = tpu.memref_slice %dma_wait3A_510[%run_scoped3A_0, %dma_wait3A_511, %dma_wait3A_512] : memref<5x25x80xi32, #tpu.memory_space<hbm>> -> memref<1x25x80xi32, #tpu.memory_space<hbm>>
      %dma_wait3A_514 = tpu.memref_squeeze %dma_wait3A_513 : memref<1x25x80xi32, #tpu.memory_space<hbm>> -> memref<25x80xi32, #tpu.memory_space<hbm>>
      %dma_wait3A_515 = arith.constant 0 : i32
      %dma_wait3A_516 = arith.constant 0 : i32
      %dma_wait3A_517 = arith.constant 0 : i32
      %dma_wait3A_518 = tpu.memref_slice %arg5[%arg1, %dma_wait3A_515, %dma_wait3A_516, %dma_wait3A_517] : memref<16x5x25x80xi32, #tpu.memory_space<hbm>> -> memref<1x5x25x80xi32, #tpu.memory_space<hbm>>
      %dma_wait3A_519 = tpu.memref_squeeze %dma_wait3A_518 : memref<1x5x25x80xi32, #tpu.memory_space<hbm>> -> memref<5x25x80xi32, #tpu.memory_space<hbm>>
      %dma_wait3A_520 = arith.constant 0 : i32
      %dma_wait3A_521 = arith.constant 0 : i32
      %dma_wait3A_522 = tpu.memref_slice %dma_wait3A_519[%run_scoped3A_0, %dma_wait3A_520, %dma_wait3A_521] : memref<5x25x80xi32, #tpu.memory_space<hbm>> -> memref<1x25x80xi32, #tpu.memory_space<hbm>>
      %dma_wait3A_523 = tpu.memref_squeeze %dma_wait3A_522 : memref<1x25x80xi32, #tpu.memory_space<hbm>> -> memref<25x80xi32, #tpu.memory_space<hbm>>
      tpu.wait_dma2 semaphore(%run_scoped3A_489 : memref<!tpu.dma_semaphore, #tpu.memory_space<semaphore_mem>>) src(%dma_wait3A_523 : memref<25x80xi32, #tpu.memory_space<hbm>>) dst(%arg10 : memref<25x80xi32, #tpu.memory_space<vmem>>)
      tpu.yield
    }) : () -> ()
    %eq3A = arith.constant 0 : i32
    %eq3A_1 = arith.cmpi eq, %arg0, %eq3A : i32
    %convert_element_type3A = arith.extui %eq3A_1 : i1 to i32
    %cond3A = arith.constant 0 : i32
    %cond3A_2 = arith.cmpi ne, %convert_element_type3A, %cond3A : i32
    scf.if %cond3A_2 {
      %dma_start3A = arith.constant 0 : i32
      %dma_start3A_489 = arith.constant 0 : i32
      %dma_start3A_490 = tpu.memref_slice %arg9[%dma_start3A, %dma_start3A_489] : memref<25x80xi32, #tpu.memory_space<vmem>> -> memref<1x80xi32, #tpu.memory_space<vmem>>
      %dma_start3A_491 = tpu.memref_squeeze %dma_start3A_490 : memref<1x80xi32, #tpu.memory_space<vmem>> -> memref<80xi32, #tpu.memory_space<vmem>>
      %dma_start3A_492 = arith.constant 0 : i32
      %dma_start3A_493 = arith.constant 0 : i32
      %dma_start3A_494 = tpu.memref_slice %arg2[%dma_start3A_492, %dma_start3A_493] : memref<10000x128xf32, #tpu.memory_space<hbm>> -> memref<10000x128xf32, #tpu.memory_space<hbm>>
      tpu.enqueue_indirect_dma source(%dma_start3A_494 : memref<10000x128xf32, #tpu.memory_space<hbm>>) target(%arg11 : memref<80x128xf32, #tpu.memory_space<vmem>>) offsets(%dma_start3A_491 : memref<80xi32, #tpu.memory_space<vmem>>) semaphore(%arg18 : memref<!tpu.dma_semaphore, #tpu.memory_space<semaphore_mem>>)
      %dma_start3A_495 = arith.constant 1 : i32
      %dma_start3A_496 = arith.constant 0 : i32
      %dma_start3A_497 = tpu.memref_slice %arg9[%dma_start3A_495, %dma_start3A_496] : memref<25x80xi32, #tpu.memory_space<vmem>> -> memref<1x80xi32, #tpu.memory_space<vmem>>
      %dma_start3A_498 = tpu.memref_squeeze %dma_start3A_497 : memref<1x80xi32, #tpu.memory_space<vmem>> -> memref<80xi32, #tpu.memory_space<vmem>>
      %dma_start3A_499 = arith.constant 0 : i32
      %dma_start3A_500 = arith.constant 0 : i32
      %dma_start3A_501 = tpu.memref_slice %arg2[%dma_start3A_499, %dma_start3A_500] : memref<10000x128xf32, #tpu.memory_space<hbm>> -> memref<10000x128xf32, #tpu.memory_space<hbm>>
      tpu.enqueue_indirect_dma source(%dma_start3A_501 : memref<10000x128xf32, #tpu.memory_space<hbm>>) target(%arg12 : memref<80x128xf32, #tpu.memory_space<vmem>>) offsets(%dma_start3A_498 : memref<80xi32, #tpu.memory_space<vmem>>) semaphore(%arg19 : memref<!tpu.dma_semaphore, #tpu.memory_space<semaphore_mem>>)
    } else {
    }
    %eq3A_3 = arith.constant 1 : i32
    %eq3A_4 = arith.cmpi eq, %arg0, %eq3A_3 : i32
    %convert_element_type3A_5 = arith.extui %eq3A_4 : i1 to i32
    %cond3A_6 = arith.constant 0 : i32
    %cond3A_7 = arith.cmpi ne, %convert_element_type3A_5, %cond3A_6 : i32
    scf.if %cond3A_7 {
      %dma_start3A = arith.constant 0 : i32
      %dma_start3A_489 = arith.constant 0 : i32
      %dma_start3A_490 = tpu.memref_slice %arg9[%dma_start3A, %dma_start3A_489] : memref<25x80xi32, #tpu.memory_space<vmem>> -> memref<1x80xi32, #tpu.memory_space<vmem>>
      %dma_start3A_491 = tpu.memref_squeeze %dma_start3A_490 : memref<1x80xi32, #tpu.memory_space<vmem>> -> memref<80xi32, #tpu.memory_space<vmem>>
      %dma_start3A_492 = arith.constant 0 : i32
      %dma_start3A_493 = arith.constant 0 : i32
      %dma_start3A_494 = tpu.memref_slice %arg3[%dma_start3A_492, %dma_start3A_493] : memref<10000x128xf32, #tpu.memory_space<hbm>> -> memref<10000x128xf32, #tpu.memory_space<hbm>>
      tpu.enqueue_indirect_dma source(%dma_start3A_494 : memref<10000x128xf32, #tpu.memory_space<hbm>>) target(%arg11 : memref<80x128xf32, #tpu.memory_space<vmem>>) offsets(%dma_start3A_491 : memref<80xi32, #tpu.memory_space<vmem>>) semaphore(%arg18 : memref<!tpu.dma_semaphore, #tpu.memory_space<semaphore_mem>>)
      %dma_start3A_495 = arith.constant 1 : i32
      %dma_start3A_496 = arith.constant 0 : i32
      %dma_start3A_497 = tpu.memref_slice %arg9[%dma_start3A_495, %dma_start3A_496] : memref<25x80xi32, #tpu.memory_space<vmem>> -> memref<1x80xi32, #tpu.memory_space<vmem>>
      %dma_start3A_498 = tpu.memref_squeeze %dma_start3A_497 : memref<1x80xi32, #tpu.memory_space<vmem>> -> memref<80xi32, #tpu.memory_space<vmem>>
      %dma_start3A_499 = arith.constant 0 : i32
      %dma_start3A_500 = arith.constant 0 : i32
      %dma_start3A_501 = tpu.memref_slice %arg3[%dma_start3A_499, %dma_start3A_500] : memref<10000x128xf32, #tpu.memory_space<hbm>> -> memref<10000x128xf32, #tpu.memory_space<hbm>>
      tpu.enqueue_indirect_dma source(%dma_start3A_501 : memref<10000x128xf32, #tpu.memory_space<hbm>>) target(%arg12 : memref<80x128xf32, #tpu.memory_space<vmem>>) offsets(%dma_start3A_498 : memref<80xi32, #tpu.memory_space<vmem>>) semaphore(%arg19 : memref<!tpu.dma_semaphore, #tpu.memory_space<semaphore_mem>>)
    } else {
    }
    %scan3A = arith.constant 0 : i32
    %scan3A_8 = arith.constant 0 : i32
    %scan3A_9 = arith.constant 80 : i32
    %scan3A_10 = arith.addi %scan3A_8, %scan3A_9 : i32
    %scan3A_11 = arith.constant 1 : i32
    %scan3A_12 = scf.for %scan3A_489 = %scan3A_8 to %scan3A_10 step %scan3A_11 iter_args(%scan3A_490 = %scan3A) -> (i32)  : i32 {
      %broadcast_in_dim3A_491 = arith.constant 0.000000e+00 : f32
      %broadcast_in_dim3A_492 = vector.broadcast %broadcast_in_dim3A_491 : f32 to vector<16xf32>
      %swap3A_493 = arith.index_cast %scan3A_489 : i32 to index
      %swap3A_494 = arith.constant 0 : index
      %swap3A_495 = tpu.vector_load %arg13[%swap3A_493, %swap3A_494] {strides = array<i32>} : memref<80x128xf32, #tpu.memory_space<vmem>>, vector<1x16xf32>,
      %swap3A_496 = vector.shape_cast %swap3A_495 : vector<1x16xf32> to vector<16xf32>
      %swap3A_497 = vector.shape_cast %broadcast_in_dim3A_492 : vector<16xf32> to vector<1x16xf32>
      tpu.vector_store %arg13[%swap3A_493, %swap3A_494], %swap3A_497 {strides = array<i32>} : memref<80x128xf32, #tpu.memory_space<vmem>>, vector<1x16xf32>,
      %broadcast_in_dim3A_498 = arith.constant 0.000000e+00 : f32
      %broadcast_in_dim3A_499 = vector.broadcast %broadcast_in_dim3A_498 : f32 to vector<16xf32>
      %swap3A_500 = arith.index_cast %scan3A_489 : i32 to index
      %swap3A_501 = arith.constant 16 : index
      %swap3A_502 = tpu.vector_load %arg13[%swap3A_500, %swap3A_501] {strides = array<i32>} : memref<80x128xf32, #tpu.memory_space<vmem>>, vector<1x16xf32>,
      %swap3A_503 = vector.shape_cast %swap3A_502 : vector<1x16xf32> to vector<16xf32>
      %swap3A_504 = vector.shape_cast %broadcast_in_dim3A_499 : vector<16xf32> to vector<1x16xf32>
      tpu.vector_store %arg13[%swap3A_500, %swap3A_501], %swap3A_504 {strides = array<i32>} : memref<80x128xf32, #tpu.memory_space<vmem>>, vector<1x16xf32>,
      %broadcast_in_dim3A_505 = arith.constant 0.000000e+00 : f32
      %broadcast_in_dim3A_506 = vector.broadcast %broadcast_in_dim3A_505 : f32 to vector<16xf32>
      %swap3A_507 = arith.index_cast %scan3A_489 : i32 to index
      %swap3A_508 = arith.constant 32 : index
      %swap3A_509 = tpu.vector_load %arg13[%swap3A_507, %swap3A_508] {strides = array<i32>} : memref<80x128xf32, #tpu.memory_space<vmem>>, vector<1x16xf32>,
      %swap3A_510 = vector.shape_cast %swap3A_509 : vector<1x16xf32> to vector<16xf32>
      %swap3A_511 = vector.shape_cast %broadcast_in_dim3A_506 : vector<16xf32> to vector<1x16xf32>
      tpu.vector_store %arg13[%swap3A_507, %swap3A_508], %swap3A_511 {strides = array<i32>} : memref<80x128xf32, #tpu.memory_space<vmem>>, vector<1x16xf32>,
      %broadcast_in_dim3A_512 = arith.constant 0.000000e+00 : f32
      %broadcast_in_dim3A_513 = vector.broadcast %broadcast_in_dim3A_512 : f32 to vector<16xf32>
      %swap3A_514 = arith.index_cast %scan3A_489 : i32 to index
      %swap3A_515 = arith.constant 48 : index
      %swap3A_516 = tpu.vector_load %arg13[%swap3A_514, %swap3A_515] {strides = array<i32>} : memref<80x128xf32, #tpu.memory_space<vmem>>, vector<1x16xf32>,
      %swap3A_517 = vector.shape_cast %swap3A_516 : vector<1x16xf32> to vector<16xf32>
      %swap3A_518 = vector.shape_cast %broadcast_in_dim3A_513 : vector<16xf32> to vector<1x16xf32>
      tpu.vector_store %arg13[%swap3A_514, %swap3A_515], %swap3A_518 {strides = array<i32>} : memref<80x128xf32, #tpu.memory_space<vmem>>, vector<1x16xf32>,
      %broadcast_in_dim3A_519 = arith.constant 0.000000e+00 : f32
      %broadcast_in_dim3A_520 = vector.broadcast %broadcast_in_dim3A_519 : f32 to vector<16xf32>
      %swap3A_521 = arith.index_cast %scan3A_489 : i32 to index
      %swap3A_522 = arith.constant 64 : index
      %swap3A_523 = tpu.vector_load %arg13[%swap3A_521, %swap3A_522] {strides = array<i32>} : memref<80x128xf32, #tpu.memory_space<vmem>>, vector<1x16xf32>,
      %swap3A_524 = vector.shape_cast %swap3A_523 : vector<1x16xf32> to vector<16xf32>
      %swap3A_525 = vector.shape_cast %broadcast_in_dim3A_520 : vector<16xf32> to vector<1x16xf32>
      tpu.vector_store %arg13[%swap3A_521, %swap3A_522], %swap3A_525 {strides = array<i32>} : memref<80x128xf32, #tpu.memory_space<vmem>>, vector<1x16xf32>,
      %broadcast_in_dim3A_526 = arith.constant 0.000000e+00 : f32
      %broadcast_in_dim3A_527 = vector.broadcast %broadcast_in_dim3A_526 : f32 to vector<16xf32>
      %swap3A_528 = arith.index_cast %scan3A_489 : i32 to index
      %swap3A_529 = arith.constant 80 : index
      %swap3A_530 = tpu.vector_load %arg13[%swap3A_528, %swap3A_529] {strides = array<i32>} : memref<80x128xf32, #tpu.memory_space<vmem>>, vector<1x16xf32>,
      %swap3A_531 = vector.shape_cast %swap3A_530 : vector<1x16xf32> to vector<16xf32>
      %swap3A_532 = vector.shape_cast %broadcast_in_dim3A_527 : vector<16xf32> to vector<1x16xf32>
      tpu.vector_store %arg13[%swap3A_528, %swap3A_529], %swap3A_532 {strides = array<i32>} : memref<80x128xf32, #tpu.memory_space<vmem>>, vector<1x16xf32>,
      %broadcast_in_dim3A_533 = arith.constant 0.000000e+00 : f32
      %broadcast_in_dim3A_534 = vector.broadcast %broadcast_in_dim3A_533 : f32 to vector<16xf32>
      %swap3A_535 = arith.index_cast %scan3A_489 : i32 to index
      %swap3A_536 = arith.constant 96 : index
      %swap3A_537 = tpu.vector_load %arg13[%swap3A_535, %swap3A_536] {strides = array<i32>} : memref<80x128xf32, #tpu.memory_space<vmem>>, vector<1x16xf32>,
      %swap3A_538 = vector.shape_cast %swap3A_537 : vector<1x16xf32> to vector<16xf32>
      %swap3A_539 = vector.shape_cast %broadcast_in_dim3A_534 : vector<16xf32> to vector<1x16xf32>
      tpu.vector_store %arg13[%swap3A_535, %swap3A_536], %swap3A_539 {strides = array<i32>} : memref<80x128xf32, #tpu.memory_space<vmem>>, vector<1x16xf32>,
      %broadcast_in_dim3A_540 = arith.constant 0.000000e+00 : f32
      %broadcast_in_dim3A_541 = vector.broadcast %broadcast_in_dim3A_540 : f32 to vector<16xf32>
      %swap3A_542 = arith.index_cast %scan3A_489 : i32 to index
      %swap3A_543 = arith.constant 112 : index
      %swap3A_544 = tpu.vector_load %arg13[%swap3A_542, %swap3A_543] {strides = array<i32>} : memref<80x128xf32, #tpu.memory_space<vmem>>, vector<1x16xf32>,
      %swap3A_545 = vector.shape_cast %swap3A_544 : vector<1x16xf32> to vector<16xf32>
      %swap3A_546 = vector.shape_cast %broadcast_in_dim3A_541 : vector<16xf32> to vector<1x16xf32>
      tpu.vector_store %arg13[%swap3A_542, %swap3A_543], %swap3A_546 {strides = array<i32>} : memref<80x128xf32, #tpu.memory_space<vmem>>, vector<1x16xf32>,
      %scan3A_547 = arith.constant 0 : i32
      scf.yield %scan3A_547 : i32
    }
    %scan3A_13 = arith.constant 80 : i32
    %mul3A = arith.constant 624 : i32
    %mul3A_14 = arith.muli %arg1, %mul3A : i32
    %scan3A_15 = arith.constant 0 : i32
    %scan3A_16 = arith.constant 0 : i32
    %scan3A_17 = arith.constant 7 : i32
    %scan3A_18 = arith.addi %scan3A_16, %scan3A_17 : i32
    %scan3A_19 = arith.constant 1 : i32
    %scan3A_20 = scf.for %scan3A_489 = %scan3A_16 to %scan3A_18 step %scan3A_19 iter_args(%scan3A_490 = %scan3A_15) -> (i32)  : i32 {
      %mul3A_491 = arith.constant 80 : i32
      %mul3A_492 = arith.muli %scan3A_489, %mul3A_491 : i32
      %add3A = arith.addi %mul3A_14, %mul3A_492 : i32
      "tpu.region"() ({
        %run_scoped3A_494 = tpu.sem_alloc : memref<!tpu.dma_semaphore, #tpu.memory_space<semaphore_mem>>
        %dma_start3A = arith.constant 0 : i32
        %dma_start3A_495 = tpu.memref_slice %arg16[%add3A, %dma_start3A] : memref<10000x128xf32, #tpu.memory_space<vmem_shared>> -> memref<80x128xf32, #tpu.memory_space<vmem_shared>>
        %dma_start3A_496 = arith.constant 0 : i32
        %dma_start3A_497 = tpu.memref_slice %arg16[%add3A, %dma_start3A_496] : memref<10000x128xf32, #tpu.memory_space<vmem_shared>> -> memref<80x128xf32, #tpu.memory_space<vmem_shared>>
        tpu.enqueue_dma source(%arg13 : memref<80x128xf32, #tpu.memory_space<vmem>>) target(%dma_start3A_497 : memref<80x128xf32, #tpu.memory_space<vmem_shared>>) target_semaphore(%run_scoped3A_494 : memref<!tpu.dma_semaphore, #tpu.memory_space<semaphore_mem>>)
        %dma_wait3A = arith.constant 0 : i32
        %dma_wait3A_498 = tpu.memref_slice %arg16[%add3A, %dma_wait3A] : memref<10000x128xf32, #tpu.memory_space<vmem_shared>> -> memref<80x128xf32, #tpu.memory_space<vmem_shared>>
        %dma_wait3A_499 = arith.constant 0 : i32
        %dma_wait3A_500 = tpu.memref_slice %arg16[%add3A, %dma_wait3A_499] : memref<10000x128xf32, #tpu.memory_space<vmem_shared>> -> memref<80x128xf32, #tpu.memory_space<vmem_shared>>
        tpu.wait_dma2 semaphore(%run_scoped3A_494 : memref<!tpu.dma_semaphore, #tpu.memory_space<semaphore_mem>>) src(%arg13 : memref<80x128xf32, #tpu.memory_space<vmem>>) dst(%dma_wait3A_500 : memref<80x128xf32, #tpu.memory_space<vmem_shared>>)
        tpu.yield
      }) : () -> ()
      %scan3A_493 = arith.constant 0 : i32
      scf.yield %scan3A_493 : i32
    }
    %scan3A_21 = arith.constant 7 : i32
    %lt3A = arith.constant 15 : i32
    %lt3A_22 = arith.cmpi slt, %arg1, %lt3A : i32
    %convert_element_type3A_23 = arith.extui %lt3A_22 : i1 to i32
    %cond3A_24 = arith.constant 0 : i32
    %cond3A_25 = arith.cmpi ne, %convert_element_type3A_23, %cond3A_24 : i32
    scf.if %cond3A_25 {
      %add3A = arith.constant 560 : i32
      %add3A_489 = arith.addi %mul3A_14, %add3A : i32
      "tpu.region"() ({
        %run_scoped3A_490 = tpu.sem_alloc : memref<!tpu.dma_semaphore, #tpu.memory_space<semaphore_mem>>
        %dma_start3A = arith.constant 0 : i32
        %dma_start3A_491 = arith.constant 0 : i32
        %dma_start3A_492 = tpu.memref_slice %arg13[%dma_start3A, %dma_start3A_491] : memref<80x128xf32, #tpu.memory_space<vmem>> -> memref<64x128xf32, #tpu.memory_space<vmem>>
        %dma_start3A_493 = arith.constant 0 : i32
        %dma_start3A_494 = tpu.memref_slice %arg16[%add3A_489, %dma_start3A_493] : memref<10000x128xf32, #tpu.memory_space<vmem_shared>> -> memref<64x128xf32, #tpu.memory_space<vmem_shared>>
        %dma_start3A_495 = arith.constant 0 : i32
        %dma_start3A_496 = tpu.memref_slice %arg16[%add3A_489, %dma_start3A_495] : memref<10000x128xf32, #tpu.memory_space<vmem_shared>> -> memref<64x128xf32, #tpu.memory_space<vmem_shared>>
        %dma_start3A_497 = arith.constant 0 : i32
        %dma_start3A_498 = arith.constant 0 : i32
        %dma_start3A_499 = tpu.memref_slice %arg13[%dma_start3A_497, %dma_start3A_498] : memref<80x128xf32, #tpu.memory_space<vmem>> -> memref<64x128xf32, #tpu.memory_space<vmem>>
        tpu.enqueue_dma source(%dma_start3A_499 : memref<64x128xf32, #tpu.memory_space<vmem>>) target(%dma_start3A_496 : memref<64x128xf32, #tpu.memory_space<vmem_shared>>) target_semaphore(%run_scoped3A_490 : memref<!tpu.dma_semaphore, #tpu.memory_space<semaphore_mem>>)
        %dma_wait3A = arith.constant 0 : i32
        %dma_wait3A_500 = arith.constant 0 : i32
        %dma_wait3A_501 = tpu.memref_slice %arg13[%dma_wait3A, %dma_wait3A_500] : memref<80x128xf32, #tpu.memory_space<vmem>> -> memref<64x128xf32, #tpu.memory_space<vmem>>
        %dma_wait3A_502 = arith.constant 0 : i32
        %dma_wait3A_503 = tpu.memref_slice %arg16[%add3A_489, %dma_wait3A_502] : memref<10000x128xf32, #tpu.memory_space<vmem_shared>> -> memref<64x128xf32, #tpu.memory_space<vmem_shared>>
        %dma_wait3A_504 = arith.constant 0 : i32
        %dma_wait3A_505 = tpu.memref_slice %arg16[%add3A_489, %dma_wait3A_504] : memref<10000x128xf32, #tpu.memory_space<vmem_shared>> -> memref<64x128xf32, #tpu.memory_space<vmem_shared>>
        %dma_wait3A_506 = arith.constant 0 : i32
        %dma_wait3A_507 = arith.constant 0 : i32
        %dma_wait3A_508 = tpu.memref_slice %arg13[%dma_wait3A_506, %dma_wait3A_507] : memref<80x128xf32, #tpu.memory_space<vmem>> -> memref<64x128xf32, #tpu.memory_space<vmem>>
        tpu.wait_dma2 semaphore(%run_scoped3A_490 : memref<!tpu.dma_semaphore, #tpu.memory_space<semaphore_mem>>) src(%dma_wait3A_508 : memref<64x128xf32, #tpu.memory_space<vmem>>) dst(%dma_wait3A_505 : memref<64x128xf32, #tpu.memory_space<vmem_shared>>)
        tpu.yield
      }) : () -> ()
    } else {
    }
    %eq3A_26 = arith.constant 15 : i32
    %eq3A_27 = arith.cmpi eq, %arg1, %eq3A_26 : i32
    %convert_element_type3A_28 = arith.extui %eq3A_27 : i1 to i32
    %cond3A_29 = arith.constant 0 : i32
    %cond3A_30 = arith.cmpi ne, %convert_element_type3A_28, %cond3A_29 : i32
    scf.if %cond3A_30 {
      %add3A = arith.constant 560 : i32
      %add3A_489 = arith.addi %mul3A_14, %add3A : i32
      "tpu.region"() ({
        %run_scoped3A_490 = tpu.sem_alloc : memref<!tpu.dma_semaphore, #tpu.memory_space<semaphore_mem>>
        %dma_start3A = arith.constant 0 : i32
        %dma_start3A_491 = arith.constant 0 : i32
        %dma_start3A_492 = tpu.memref_slice %arg13[%dma_start3A, %dma_start3A_491] : memref<80x128xf32, #tpu.memory_space<vmem>> -> memref<80x128xf32, #tpu.memory_space<vmem>>
        %dma_start3A_493 = arith.constant 0 : i32
        %dma_start3A_494 = tpu.memref_slice %arg16[%add3A_489, %dma_start3A_493] : memref<10000x128xf32, #tpu.memory_space<vmem_shared>> -> memref<80x128xf32, #tpu.memory_space<vmem_shared>>
        %dma_start3A_495 = arith.constant 0 : i32
        %dma_start3A_496 = tpu.memref_slice %arg16[%add3A_489, %dma_start3A_495] : memref<10000x128xf32, #tpu.memory_space<vmem_shared>> -> memref<80x128xf32, #tpu.memory_space<vmem_shared>>
        %dma_start3A_497 = arith.constant 0 : i32
        %dma_start3A_498 = arith.constant 0 : i32
        %dma_start3A_499 = tpu.memref_slice %arg13[%dma_start3A_497, %dma_start3A_498] : memref<80x128xf32, #tpu.memory_space<vmem>> -> memref<80x128xf32, #tpu.memory_space<vmem>>
        tpu.enqueue_dma source(%dma_start3A_499 : memref<80x128xf32, #tpu.memory_space<vmem>>) target(%dma_start3A_496 : memref<80x128xf32, #tpu.memory_space<vmem_shared>>) target_semaphore(%run_scoped3A_490 : memref<!tpu.dma_semaphore, #tpu.memory_space<semaphore_mem>>)
        %dma_wait3A = arith.constant 0 : i32
        %dma_wait3A_500 = arith.constant 0 : i32
        %dma_wait3A_501 = tpu.memref_slice %arg13[%dma_wait3A, %dma_wait3A_500] : memref<80x128xf32, #tpu.memory_space<vmem>> -> memref<80x128xf32, #tpu.memory_space<vmem>>
        %dma_wait3A_502 = arith.constant 0 : i32
        %dma_wait3A_503 = tpu.memref_slice %arg16[%add3A_489, %dma_wait3A_502] : memref<10000x128xf32, #tpu.memory_space<vmem_shared>> -> memref<80x128xf32, #tpu.memory_space<vmem_shared>>
        %dma_wait3A_504 = arith.constant 0 : i32
        %dma_wait3A_505 = tpu.memref_slice %arg16[%add3A_489, %dma_wait3A_504] : memref<10000x128xf32, #tpu.memory_space<vmem_shared>> -> memref<80x128xf32, #tpu.memory_space<vmem_shared>>
        %dma_wait3A_506 = arith.constant 0 : i32
        %dma_wait3A_507 = arith.constant 0 : i32
        %dma_wait3A_508 = tpu.memref_slice %arg13[%dma_wait3A_506, %dma_wait3A_507] : memref<80x128xf32, #tpu.memory_space<vmem>> -> memref<80x128xf32, #tpu.memory_space<vmem>>
        tpu.wait_dma2 semaphore(%run_scoped3A_490 : memref<!tpu.dma_semaphore, #tpu.memory_space<semaphore_mem>>) src(%dma_wait3A_508 : memref<80x128xf32, #tpu.memory_space<vmem>>) dst(%dma_wait3A_505 : memref<80x128xf32, #tpu.memory_space<vmem_shared>>)
        tpu.yield
      }) : () -> ()
    } else {
    }
    %eq3A_31 = arith.constant 0 : i32
    %eq3A_32 = arith.cmpi eq, %arg0, %eq3A_31 : i32
    %convert_element_type3A_33 = arith.extui %eq3A_32 : i1 to i32
    %cond3A_34 = arith.constant 0 : i32
    %cond3A_35 = arith.cmpi ne, %convert_element_type3A_33, %cond3A_34 : i32
    scf.if %cond3A_35 {
      %dma_start3A = arith.constant 2 : i32
      %dma_start3A_489 = arith.constant 0 : i32
      %dma_start3A_490 = tpu.memref_slice %arg9[%dma_start3A, %dma_start3A_489] : memref<25x80xi32, #tpu.memory_space<vmem>> -> memref<1x80xi32, #tpu.memory_space<vmem>>
      %dma_start3A_491 = tpu.memref_squeeze %dma_start3A_490 : memref<1x80xi32, #tpu.memory_space<vmem>> -> memref<80xi32, #tpu.memory_space<vmem>>
      %dma_start3A_492 = arith.constant 0 : i32
      %dma_start3A_493 = arith.constant 0 : i32
      %dma_start3A_494 = tpu.memref_slice %arg2[%dma_start3A_492, %dma_start3A_493] : memref<10000x128xf32, #tpu.memory_space<hbm>> -> memref<10000x128xf32, #tpu.memory_space<hbm>>
      tpu.enqueue_indirect_dma source(%dma_start3A_494 : memref<10000x128xf32, #tpu.memory_space<hbm>>) target(%arg13 : memref<80x128xf32, #tpu.memory_space<vmem>>) offsets(%dma_start3A_491 : memref<80xi32, #tpu.memory_space<vmem>>) semaphore(%arg20 : memref<!tpu.dma_semaphore, #tpu.memory_space<semaphore_mem>>)
    } else {
    }
    %eq3A_36 = arith.constant 1 : i32
    %eq3A_37 = arith.cmpi eq, %arg0, %eq3A_36 : i32
    %convert_element_type3A_38 = arith.extui %eq3A_37 : i1 to i32
    %cond3A_39 = arith.constant 0 : i32
    %cond3A_40 = arith.cmpi ne, %convert_element_type3A_38, %cond3A_39 : i32
    scf.if %cond3A_40 {
      %dma_start3A = arith.constant 2 : i32
      %dma_start3A_489 = arith.constant 0 : i32
      %dma_start3A_490 = tpu.memref_slice %arg9[%dma_start3A, %dma_start3A_489] : memref<25x80xi32, #tpu.memory_space<vmem>> -> memref<1x80xi32, #tpu.memory_space<vmem>>
      %dma_start3A_491 = tpu.memref_squeeze %dma_start3A_490 : memref<1x80xi32, #tpu.memory_space<vmem>> -> memref<80xi32, #tpu.memory_space<vmem>>
      %dma_start3A_492 = arith.constant 0 : i32
      %dma_start3A_493 = arith.constant 0 : i32
      %dma_start3A_494 = tpu.memref_slice %arg3[%dma_start3A_492, %dma_start3A_493] : memref<10000x128xf32, #tpu.memory_space<hbm>> -> memref<10000x128xf32, #tpu.memory_space<hbm>>
      tpu.enqueue_indirect_dma source(%dma_start3A_494 : memref<10000x128xf32, #tpu.memory_space<hbm>>) target(%arg13 : memref<80x128xf32, #tpu.memory_space<vmem>>) offsets(%dma_start3A_491 : memref<80xi32, #tpu.memory_space<vmem>>) semaphore(%arg20 : memref<!tpu.dma_semaphore, #tpu.memory_space<semaphore_mem>>)
    } else {
    }
    %broadcast_in_dim3A = arith.constant 1.000000e+00 : f32
    %broadcast_in_dim3A_41 = vector.broadcast %broadcast_in_dim3A : f32 to vector<16xf32>
    %swap3A = arith.constant 0 : index
    %swap3A_42 = tpu.vector_load %arg14[%swap3A] {strides = array<i32>} : memref<80xf32, #tpu.memory_space<vmem>>, vector<16xf32>,
    %swap3A_43 = vector.shape_cast %swap3A_42 : vector<16xf32> to vector<16xf32>
    %swap3A_44 = vector.shape_cast %broadcast_in_dim3A_41 : vector<16xf32> to vector<16xf32>
    tpu.vector_store %arg14[%swap3A], %swap3A_44 {strides = array<i32>} : memref<80xf32, #tpu.memory_space<vmem>>, vector<16xf32>,
    %broadcast_in_dim3A_45 = arith.constant 1.000000e+00 : f32
    %broadcast_in_dim3A_46 = vector.broadcast %broadcast_in_dim3A_45 : f32 to vector<16xf32>
    %swap3A_47 = arith.constant 16 : index
    %swap3A_48 = tpu.vector_load %arg14[%swap3A_47] {strides = array<i32>} : memref<80xf32, #tpu.memory_space<vmem>>, vector<16xf32>,
    %swap3A_49 = vector.shape_cast %swap3A_48 : vector<16xf32> to vector<16xf32>
    %swap3A_50 = vector.shape_cast %broadcast_in_dim3A_46 : vector<16xf32> to vector<16xf32>
    tpu.vector_store %arg14[%swap3A_47], %swap3A_50 {strides = array<i32>} : memref<80xf32, #tpu.memory_space<vmem>>, vector<16xf32>,
    %broadcast_in_dim3A_51 = arith.constant 1.000000e+00 : f32
    %broadcast_in_dim3A_52 = vector.broadcast %broadcast_in_dim3A_51 : f32 to vector<16xf32>
    %swap3A_53 = arith.constant 32 : index
    %swap3A_54 = tpu.vector_load %arg14[%swap3A_53] {strides = array<i32>} : memref<80xf32, #tpu.memory_space<vmem>>, vector<16xf32>,
    %swap3A_55 = vector.shape_cast %swap3A_54 : vector<16xf32> to vector<16xf32>
    %swap3A_56 = vector.shape_cast %broadcast_in_dim3A_52 : vector<16xf32> to vector<16xf32>
    tpu.vector_store %arg14[%swap3A_53], %swap3A_56 {strides = array<i32>} : memref<80xf32, #tpu.memory_space<vmem>>, vector<16xf32>,
    %broadcast_in_dim3A_57 = arith.constant 1.000000e+00 : f32
    %broadcast_in_dim3A_58 = vector.broadcast %broadcast_in_dim3A_57 : f32 to vector<16xf32>
    %swap3A_59 = arith.constant 48 : index
    %swap3A_60 = tpu.vector_load %arg14[%swap3A_59] {strides = array<i32>} : memref<80xf32, #tpu.memory_space<vmem>>, vector<16xf32>,
    %swap3A_61 = vector.shape_cast %swap3A_60 : vector<16xf32> to vector<16xf32>
    %swap3A_62 = vector.shape_cast %broadcast_in_dim3A_58 : vector<16xf32> to vector<16xf32>
    tpu.vector_store %arg14[%swap3A_59], %swap3A_62 {strides = array<i32>} : memref<80xf32, #tpu.memory_space<vmem>>, vector<16xf32>,
    %broadcast_in_dim3A_63 = arith.constant 1.000000e+00 : f32
    %broadcast_in_dim3A_64 = vector.broadcast %broadcast_in_dim3A_63 : f32 to vector<16xf32>
    %swap3A_65 = arith.constant 64 : index
    %swap3A_66 = tpu.vector_load %arg14[%swap3A_65] {strides = array<i32>} : memref<80xf32, #tpu.memory_space<vmem>>, vector<16xf32>,
    %swap3A_67 = vector.shape_cast %swap3A_66 : vector<16xf32> to vector<16xf32>
    %swap3A_68 = vector.shape_cast %broadcast_in_dim3A_64 : vector<16xf32> to vector<16xf32>
    tpu.vector_store %arg14[%swap3A_65], %swap3A_68 {strides = array<i32>} : memref<80xf32, #tpu.memory_space<vmem>>, vector<16xf32>,
    %broadcast_in_dim3A_69 = arith.constant 0.000000e+00 : f32
    %broadcast_in_dim3A_70 = vector.broadcast %broadcast_in_dim3A_69 : f32 to vector<16xf32>
    %swap3A_71 = arith.constant 0 : index
    %swap3A_72 = tpu.vector_load %arg15[%swap3A_71] {strides = array<i32>} : memref<1024xf32, #tpu.memory_space<vmem>>, vector<16xf32>,
    %swap3A_73 = vector.shape_cast %swap3A_72 : vector<16xf32> to vector<16xf32>
    %swap3A_74 = vector.shape_cast %broadcast_in_dim3A_70 : vector<16xf32> to vector<16xf32>
    tpu.vector_store %arg15[%swap3A_71], %swap3A_74 {strides = array<i32>} : memref<1024xf32, #tpu.memory_space<vmem>>, vector<16xf32>,
    %broadcast_in_dim3A_75 = arith.constant 0.000000e+00 : f32
    %broadcast_in_dim3A_76 = vector.broadcast %broadcast_in_dim3A_75 : f32 to vector<16xf32>
    %swap3A_77 = arith.constant 16 : index
    %swap3A_78 = tpu.vector_load %arg15[%swap3A_77] {strides = array<i32>} : memref<1024xf32, #tpu.memory_space<vmem>>, vector<16xf32>,
    %swap3A_79 = vector.shape_cast %swap3A_78 : vector<16xf32> to vector<16xf32>
    %swap3A_80 = vector.shape_cast %broadcast_in_dim3A_76 : vector<16xf32> to vector<16xf32>
    tpu.vector_store %arg15[%swap3A_77], %swap3A_80 {strides = array<i32>} : memref<1024xf32, #tpu.memory_space<vmem>>, vector<16xf32>,
    %broadcast_in_dim3A_81 = arith.constant 0.000000e+00 : f32
    %broadcast_in_dim3A_82 = vector.broadcast %broadcast_in_dim3A_81 : f32 to vector<16xf32>
    %swap3A_83 = arith.constant 32 : index
    %swap3A_84 = tpu.vector_load %arg15[%swap3A_83] {strides = array<i32>} : memref<1024xf32, #tpu.memory_space<vmem>>, vector<16xf32>,
    %swap3A_85 = vector.shape_cast %swap3A_84 : vector<16xf32> to vector<16xf32>
    %swap3A_86 = vector.shape_cast %broadcast_in_dim3A_82 : vector<16xf32> to vector<16xf32>
    tpu.vector_store %arg15[%swap3A_83], %swap3A_86 {strides = array<i32>} : memref<1024xf32, #tpu.memory_space<vmem>>, vector<16xf32>,
    %broadcast_in_dim3A_87 = arith.constant 0.000000e+00 : f32
    %broadcast_in_dim3A_88 = vector.broadcast %broadcast_in_dim3A_87 : f32 to vector<16xf32>
    %swap3A_89 = arith.constant 48 : index
    %swap3A_90 = tpu.vector_load %arg15[%swap3A_89] {strides = array<i32>} : memref<1024xf32, #tpu.memory_space<vmem>>, vector<16xf32>,
    %swap3A_91 = vector.shape_cast %swap3A_90 : vector<16xf32> to vector<16xf32>
    %swap3A_92 = vector.shape_cast %broadcast_in_dim3A_88 : vector<16xf32> to vector<16xf32>
    tpu.vector_store %arg15[%swap3A_89], %swap3A_92 {strides = array<i32>} : memref<1024xf32, #tpu.memory_space<vmem>>, vector<16xf32>,
    %broadcast_in_dim3A_93 = arith.constant 0.000000e+00 : f32
    %broadcast_in_dim3A_94 = vector.broadcast %broadcast_in_dim3A_93 : f32 to vector<16xf32>
    %swap3A_95 = arith.constant 64 : index
    %swap3A_96 = tpu.vector_load %arg15[%swap3A_95] {strides = array<i32>} : memref<1024xf32, #tpu.memory_space<vmem>>, vector<16xf32>,
    %swap3A_97 = vector.shape_cast %swap3A_96 : vector<16xf32> to vector<16xf32>
    %swap3A_98 = vector.shape_cast %broadcast_in_dim3A_94 : vector<16xf32> to vector<16xf32>
    tpu.vector_store %arg15[%swap3A_95], %swap3A_98 {strides = array<i32>} : memref<1024xf32, #tpu.memory_space<vmem>>, vector<16xf32>,
    %broadcast_in_dim3A_99 = arith.constant 0.000000e+00 : f32
    %broadcast_in_dim3A_100 = vector.broadcast %broadcast_in_dim3A_99 : f32 to vector<16xf32>
    %swap3A_101 = arith.constant 80 : index
    %swap3A_102 = tpu.vector_load %arg15[%swap3A_101] {strides = array<i32>} : memref<1024xf32, #tpu.memory_space<vmem>>, vector<16xf32>,
    %swap3A_103 = vector.shape_cast %swap3A_102 : vector<16xf32> to vector<16xf32>
    %swap3A_104 = vector.shape_cast %broadcast_in_dim3A_100 : vector<16xf32> to vector<16xf32>
    tpu.vector_store %arg15[%swap3A_101], %swap3A_104 {strides = array<i32>} : memref<1024xf32, #tpu.memory_space<vmem>>, vector<16xf32>,
    %broadcast_in_dim3A_105 = arith.constant 0.000000e+00 : f32
    %broadcast_in_dim3A_106 = vector.broadcast %broadcast_in_dim3A_105 : f32 to vector<16xf32>
    %swap3A_107 = arith.constant 96 : index
    %swap3A_108 = tpu.vector_load %arg15[%swap3A_107] {strides = array<i32>} : memref<1024xf32, #tpu.memory_space<vmem>>, vector<16xf32>,
    %swap3A_109 = vector.shape_cast %swap3A_108 : vector<16xf32> to vector<16xf32>
    %swap3A_110 = vector.shape_cast %broadcast_in_dim3A_106 : vector<16xf32> to vector<16xf32>
    tpu.vector_store %arg15[%swap3A_107], %swap3A_110 {strides = array<i32>} : memref<1024xf32, #tpu.memory_space<vmem>>, vector<16xf32>,
    %broadcast_in_dim3A_111 = arith.constant 0.000000e+00 : f32
    %broadcast_in_dim3A_112 = vector.broadcast %broadcast_in_dim3A_111 : f32 to vector<16xf32>
    %swap3A_113 = arith.constant 112 : index
    %swap3A_114 = tpu.vector_load %arg15[%swap3A_113] {strides = array<i32>} : memref<1024xf32, #tpu.memory_space<vmem>>, vector<16xf32>,
    %swap3A_115 = vector.shape_cast %swap3A_114 : vector<16xf32> to vector<16xf32>
    %swap3A_116 = vector.shape_cast %broadcast_in_dim3A_112 : vector<16xf32> to vector<16xf32>
    tpu.vector_store %arg15[%swap3A_113], %swap3A_116 {strides = array<i32>} : memref<1024xf32, #tpu.memory_space<vmem>>, vector<16xf32>,
    %broadcast_in_dim3A_117 = arith.constant 0.000000e+00 : f32
    %broadcast_in_dim3A_118 = vector.broadcast %broadcast_in_dim3A_117 : f32 to vector<16xf32>
    %swap3A_119 = arith.constant 128 : index
    %swap3A_120 = tpu.vector_load %arg15[%swap3A_119] {strides = array<i32>} : memref<1024xf32, #tpu.memory_space<vmem>>, vector<16xf32>,
    %swap3A_121 = vector.shape_cast %swap3A_120 : vector<16xf32> to vector<16xf32>
    %swap3A_122 = vector.shape_cast %broadcast_in_dim3A_118 : vector<16xf32> to vector<16xf32>
    tpu.vector_store %arg15[%swap3A_119], %swap3A_122 {strides = array<i32>} : memref<1024xf32, #tpu.memory_space<vmem>>, vector<16xf32>,
    %broadcast_in_dim3A_123 = arith.constant 0.000000e+00 : f32
    %broadcast_in_dim3A_124 = vector.broadcast %broadcast_in_dim3A_123 : f32 to vector<16xf32>
    %swap3A_125 = arith.constant 144 : index
    %swap3A_126 = tpu.vector_load %arg15[%swap3A_125] {strides = array<i32>} : memref<1024xf32, #tpu.memory_space<vmem>>, vector<16xf32>,
    %swap3A_127 = vector.shape_cast %swap3A_126 : vector<16xf32> to vector<16xf32>
    %swap3A_128 = vector.shape_cast %broadcast_in_dim3A_124 : vector<16xf32> to vector<16xf32>
    tpu.vector_store %arg15[%swap3A_125], %swap3A_128 {strides = array<i32>} : memref<1024xf32, #tpu.memory_space<vmem>>, vector<16xf32>,
    %broadcast_in_dim3A_129 = arith.constant 0.000000e+00 : f32
    %broadcast_in_dim3A_130 = vector.broadcast %broadcast_in_dim3A_129 : f32 to vector<16xf32>
    %swap3A_131 = arith.constant 160 : index
    %swap3A_132 = tpu.vector_load %arg15[%swap3A_131] {strides = array<i32>} : memref<1024xf32, #tpu.memory_space<vmem>>, vector<16xf32>,
    %swap3A_133 = vector.shape_cast %swap3A_132 : vector<16xf32> to vector<16xf32>
    %swap3A_134 = vector.shape_cast %broadcast_in_dim3A_130 : vector<16xf32> to vector<16xf32>
    tpu.vector_store %arg15[%swap3A_131], %swap3A_134 {strides = array<i32>} : memref<1024xf32, #tpu.memory_space<vmem>>, vector<16xf32>,
    %broadcast_in_dim3A_135 = arith.constant 0.000000e+00 : f32
    %broadcast_in_dim3A_136 = vector.broadcast %broadcast_in_dim3A_135 : f32 to vector<16xf32>
    %swap3A_137 = arith.constant 176 : index
    %swap3A_138 = tpu.vector_load %arg15[%swap3A_137] {strides = array<i32>} : memref<1024xf32, #tpu.memory_space<vmem>>, vector<16xf32>,
    %swap3A_139 = vector.shape_cast %swap3A_138 : vector<16xf32> to vector<16xf32>
    %swap3A_140 = vector.shape_cast %broadcast_in_dim3A_136 : vector<16xf32> to vector<16xf32>
    tpu.vector_store %arg15[%swap3A_137], %swap3A_140 {strides = array<i32>} : memref<1024xf32, #tpu.memory_space<vmem>>, vector<16xf32>,
    %broadcast_in_dim3A_141 = arith.constant 0.000000e+00 : f32
    %broadcast_in_dim3A_142 = vector.broadcast %broadcast_in_dim3A_141 : f32 to vector<16xf32>
    %swap3A_143 = arith.constant 192 : index
    %swap3A_144 = tpu.vector_load %arg15[%swap3A_143] {strides = array<i32>} : memref<1024xf32, #tpu.memory_space<vmem>>, vector<16xf32>,
    %swap3A_145 = vector.shape_cast %swap3A_144 : vector<16xf32> to vector<16xf32>
    %swap3A_146 = vector.shape_cast %broadcast_in_dim3A_142 : vector<16xf32> to vector<16xf32>
    tpu.vector_store %arg15[%swap3A_143], %swap3A_146 {strides = array<i32>} : memref<1024xf32, #tpu.memory_space<vmem>>, vector<16xf32>,
    %broadcast_in_dim3A_147 = arith.constant 0.000000e+00 : f32
    %broadcast_in_dim3A_148 = vector.broadcast %broadcast_in_dim3A_147 : f32 to vector<16xf32>
    %swap3A_149 = arith.constant 208 : index
    %swap3A_150 = tpu.vector_load %arg15[%swap3A_149] {strides = array<i32>} : memref<1024xf32, #tpu.memory_space<vmem>>, vector<16xf32>,
    %swap3A_151 = vector.shape_cast %swap3A_150 : vector<16xf32> to vector<16xf32>
    %swap3A_152 = vector.shape_cast %broadcast_in_dim3A_148 : vector<16xf32> to vector<16xf32>
    tpu.vector_store %arg15[%swap3A_149], %swap3A_152 {strides = array<i32>} : memref<1024xf32, #tpu.memory_space<vmem>>, vector<16xf32>,
    %broadcast_in_dim3A_153 = arith.constant 0.000000e+00 : f32
    %broadcast_in_dim3A_154 = vector.broadcast %broadcast_in_dim3A_153 : f32 to vector<16xf32>
    %swap3A_155 = arith.constant 224 : index
    %swap3A_156 = tpu.vector_load %arg15[%swap3A_155] {strides = array<i32>} : memref<1024xf32, #tpu.memory_space<vmem>>, vector<16xf32>,
    %swap3A_157 = vector.shape_cast %swap3A_156 : vector<16xf32> to vector<16xf32>
    %swap3A_158 = vector.shape_cast %broadcast_in_dim3A_154 : vector<16xf32> to vector<16xf32>
    tpu.vector_store %arg15[%swap3A_155], %swap3A_158 {strides = array<i32>} : memref<1024xf32, #tpu.memory_space<vmem>>, vector<16xf32>,
    %broadcast_in_dim3A_159 = arith.constant 0.000000e+00 : f32
    %broadcast_in_dim3A_160 = vector.broadcast %broadcast_in_dim3A_159 : f32 to vector<16xf32>
    %swap3A_161 = arith.constant 240 : index
    %swap3A_162 = tpu.vector_load %arg15[%swap3A_161] {strides = array<i32>} : memref<1024xf32, #tpu.memory_space<vmem>>, vector<16xf32>,
    %swap3A_163 = vector.shape_cast %swap3A_162 : vector<16xf32> to vector<16xf32>
    %swap3A_164 = vector.shape_cast %broadcast_in_dim3A_160 : vector<16xf32> to vector<16xf32>
    tpu.vector_store %arg15[%swap3A_161], %swap3A_164 {strides = array<i32>} : memref<1024xf32, #tpu.memory_space<vmem>>, vector<16xf32>,
    %broadcast_in_dim3A_165 = arith.constant 0.000000e+00 : f32
    %broadcast_in_dim3A_166 = vector.broadcast %broadcast_in_dim3A_165 : f32 to vector<16xf32>
    %swap3A_167 = arith.constant 256 : index
    %swap3A_168 = tpu.vector_load %arg15[%swap3A_167] {strides = array<i32>} : memref<1024xf32, #tpu.memory_space<vmem>>, vector<16xf32>,
    %swap3A_169 = vector.shape_cast %swap3A_168 : vector<16xf32> to vector<16xf32>
    %swap3A_170 = vector.shape_cast %broadcast_in_dim3A_166 : vector<16xf32> to vector<16xf32>
    tpu.vector_store %arg15[%swap3A_167], %swap3A_170 {strides = array<i32>} : memref<1024xf32, #tpu.memory_space<vmem>>, vector<16xf32>,
    %broadcast_in_dim3A_171 = arith.constant 0.000000e+00 : f32
    %broadcast_in_dim3A_172 = vector.broadcast %broadcast_in_dim3A_171 : f32 to vector<16xf32>
    %swap3A_173 = arith.constant 272 : index
    %swap3A_174 = tpu.vector_load %arg15[%swap3A_173] {strides = array<i32>} : memref<1024xf32, #tpu.memory_space<vmem>>, vector<16xf32>,
    %swap3A_175 = vector.shape_cast %swap3A_174 : vector<16xf32> to vector<16xf32>
    %swap3A_176 = vector.shape_cast %broadcast_in_dim3A_172 : vector<16xf32> to vector<16xf32>
    tpu.vector_store %arg15[%swap3A_173], %swap3A_176 {strides = array<i32>} : memref<1024xf32, #tpu.memory_space<vmem>>, vector<16xf32>,
    %broadcast_in_dim3A_177 = arith.constant 0.000000e+00 : f32
    %broadcast_in_dim3A_178 = vector.broadcast %broadcast_in_dim3A_177 : f32 to vector<16xf32>
    %swap3A_179 = arith.constant 288 : index
    %swap3A_180 = tpu.vector_load %arg15[%swap3A_179] {strides = array<i32>} : memref<1024xf32, #tpu.memory_space<vmem>>, vector<16xf32>,
    %swap3A_181 = vector.shape_cast %swap3A_180 : vector<16xf32> to vector<16xf32>
    %swap3A_182 = vector.shape_cast %broadcast_in_dim3A_178 : vector<16xf32> to vector<16xf32>
    tpu.vector_store %arg15[%swap3A_179], %swap3A_182 {strides = array<i32>} : memref<1024xf32, #tpu.memory_space<vmem>>, vector<16xf32>,
    %broadcast_in_dim3A_183 = arith.constant 0.000000e+00 : f32
    %broadcast_in_dim3A_184 = vector.broadcast %broadcast_in_dim3A_183 : f32 to vector<16xf32>
    %swap3A_185 = arith.constant 304 : index
    %swap3A_186 = tpu.vector_load %arg15[%swap3A_185] {strides = array<i32>} : memref<1024xf32, #tpu.memory_space<vmem>>, vector<16xf32>,
    %swap3A_187 = vector.shape_cast %swap3A_186 : vector<16xf32> to vector<16xf32>
    %swap3A_188 = vector.shape_cast %broadcast_in_dim3A_184 : vector<16xf32> to vector<16xf32>
    tpu.vector_store %arg15[%swap3A_185], %swap3A_188 {strides = array<i32>} : memref<1024xf32, #tpu.memory_space<vmem>>, vector<16xf32>,
    %broadcast_in_dim3A_189 = arith.constant 0.000000e+00 : f32
    %broadcast_in_dim3A_190 = vector.broadcast %broadcast_in_dim3A_189 : f32 to vector<16xf32>
    %swap3A_191 = arith.constant 320 : index
    %swap3A_192 = tpu.vector_load %arg15[%swap3A_191] {strides = array<i32>} : memref<1024xf32, #tpu.memory_space<vmem>>, vector<16xf32>,
    %swap3A_193 = vector.shape_cast %swap3A_192 : vector<16xf32> to vector<16xf32>
    %swap3A_194 = vector.shape_cast %broadcast_in_dim3A_190 : vector<16xf32> to vector<16xf32>
    tpu.vector_store %arg15[%swap3A_191], %swap3A_194 {strides = array<i32>} : memref<1024xf32, #tpu.memory_space<vmem>>, vector<16xf32>,
    %broadcast_in_dim3A_195 = arith.constant 0.000000e+00 : f32
    %broadcast_in_dim3A_196 = vector.broadcast %broadcast_in_dim3A_195 : f32 to vector<16xf32>
    %swap3A_197 = arith.constant 336 : index
    %swap3A_198 = tpu.vector_load %arg15[%swap3A_197] {strides = array<i32>} : memref<1024xf32, #tpu.memory_space<vmem>>, vector<16xf32>,
    %swap3A_199 = vector.shape_cast %swap3A_198 : vector<16xf32> to vector<16xf32>
    %swap3A_200 = vector.shape_cast %broadcast_in_dim3A_196 : vector<16xf32> to vector<16xf32>
    tpu.vector_store %arg15[%swap3A_197], %swap3A_200 {strides = array<i32>} : memref<1024xf32, #tpu.memory_space<vmem>>, vector<16xf32>,
    %broadcast_in_dim3A_201 = arith.constant 0.000000e+00 : f32
    %broadcast_in_dim3A_202 = vector.broadcast %broadcast_in_dim3A_201 : f32 to vector<16xf32>
    %swap3A_203 = arith.constant 352 : index
    %swap3A_204 = tpu.vector_load %arg15[%swap3A_203] {strides = array<i32>} : memref<1024xf32, #tpu.memory_space<vmem>>, vector<16xf32>,
    %swap3A_205 = vector.shape_cast %swap3A_204 : vector<16xf32> to vector<16xf32>
    %swap3A_206 = vector.shape_cast %broadcast_in_dim3A_202 : vector<16xf32> to vector<16xf32>
    tpu.vector_store %arg15[%swap3A_203], %swap3A_206 {strides = array<i32>} : memref<1024xf32, #tpu.memory_space<vmem>>, vector<16xf32>,
    %broadcast_in_dim3A_207 = arith.constant 0.000000e+00 : f32
    %broadcast_in_dim3A_208 = vector.broadcast %broadcast_in_dim3A_207 : f32 to vector<16xf32>
    %swap3A_209 = arith.constant 368 : index
    %swap3A_210 = tpu.vector_load %arg15[%swap3A_209] {strides = array<i32>} : memref<1024xf32, #tpu.memory_space<vmem>>, vector<16xf32>,
    %swap3A_211 = vector.shape_cast %swap3A_210 : vector<16xf32> to vector<16xf32>
    %swap3A_212 = vector.shape_cast %broadcast_in_dim3A_208 : vector<16xf32> to vector<16xf32>
    tpu.vector_store %arg15[%swap3A_209], %swap3A_212 {strides = array<i32>} : memref<1024xf32, #tpu.memory_space<vmem>>, vector<16xf32>,
    %broadcast_in_dim3A_213 = arith.constant 0.000000e+00 : f32
    %broadcast_in_dim3A_214 = vector.broadcast %broadcast_in_dim3A_213 : f32 to vector<16xf32>
    %swap3A_215 = arith.constant 384 : index
    %swap3A_216 = tpu.vector_load %arg15[%swap3A_215] {strides = array<i32>} : memref<1024xf32, #tpu.memory_space<vmem>>, vector<16xf32>,
    %swap3A_217 = vector.shape_cast %swap3A_216 : vector<16xf32> to vector<16xf32>
    %swap3A_218 = vector.shape_cast %broadcast_in_dim3A_214 : vector<16xf32> to vector<16xf32>
    tpu.vector_store %arg15[%swap3A_215], %swap3A_218 {strides = array<i32>} : memref<1024xf32, #tpu.memory_space<vmem>>, vector<16xf32>,
    %broadcast_in_dim3A_219 = arith.constant 0.000000e+00 : f32
    %broadcast_in_dim3A_220 = vector.broadcast %broadcast_in_dim3A_219 : f32 to vector<16xf32>
    %swap3A_221 = arith.constant 400 : index
    %swap3A_222 = tpu.vector_load %arg15[%swap3A_221] {strides = array<i32>} : memref<1024xf32, #tpu.memory_space<vmem>>, vector<16xf32>,
    %swap3A_223 = vector.shape_cast %swap3A_222 : vector<16xf32> to vector<16xf32>
    %swap3A_224 = vector.shape_cast %broadcast_in_dim3A_220 : vector<16xf32> to vector<16xf32>
    tpu.vector_store %arg15[%swap3A_221], %swap3A_224 {strides = array<i32>} : memref<1024xf32, #tpu.memory_space<vmem>>, vector<16xf32>,
    %broadcast_in_dim3A_225 = arith.constant 0.000000e+00 : f32
    %broadcast_in_dim3A_226 = vector.broadcast %broadcast_in_dim3A_225 : f32 to vector<16xf32>
    %swap3A_227 = arith.constant 416 : index
    %swap3A_228 = tpu.vector_load %arg15[%swap3A_227] {strides = array<i32>} : memref<1024xf32, #tpu.memory_space<vmem>>, vector<16xf32>,
    %swap3A_229 = vector.shape_cast %swap3A_228 : vector<16xf32> to vector<16xf32>
    %swap3A_230 = vector.shape_cast %broadcast_in_dim3A_226 : vector<16xf32> to vector<16xf32>
    tpu.vector_store %arg15[%swap3A_227], %swap3A_230 {strides = array<i32>} : memref<1024xf32, #tpu.memory_space<vmem>>, vector<16xf32>,
    %broadcast_in_dim3A_231 = arith.constant 0.000000e+00 : f32
    %broadcast_in_dim3A_232 = vector.broadcast %broadcast_in_dim3A_231 : f32 to vector<16xf32>
    %swap3A_233 = arith.constant 432 : index
    %swap3A_234 = tpu.vector_load %arg15[%swap3A_233] {strides = array<i32>} : memref<1024xf32, #tpu.memory_space<vmem>>, vector<16xf32>,
    %swap3A_235 = vector.shape_cast %swap3A_234 : vector<16xf32> to vector<16xf32>
    %swap3A_236 = vector.shape_cast %broadcast_in_dim3A_232 : vector<16xf32> to vector<16xf32>
    tpu.vector_store %arg15[%swap3A_233], %swap3A_236 {strides = array<i32>} : memref<1024xf32, #tpu.memory_space<vmem>>, vector<16xf32>,
    %broadcast_in_dim3A_237 = arith.constant 0.000000e+00 : f32
    %broadcast_in_dim3A_238 = vector.broadcast %broadcast_in_dim3A_237 : f32 to vector<16xf32>
    %swap3A_239 = arith.constant 448 : index
    %swap3A_240 = tpu.vector_load %arg15[%swap3A_239] {strides = array<i32>} : memref<1024xf32, #tpu.memory_space<vmem>>, vector<16xf32>,
    %swap3A_241 = vector.shape_cast %swap3A_240 : vector<16xf32> to vector<16xf32>
    %swap3A_242 = vector.shape_cast %broadcast_in_dim3A_238 : vector<16xf32> to vector<16xf32>
    tpu.vector_store %arg15[%swap3A_239], %swap3A_242 {strides = array<i32>} : memref<1024xf32, #tpu.memory_space<vmem>>, vector<16xf32>,
    %broadcast_in_dim3A_243 = arith.constant 0.000000e+00 : f32
    %broadcast_in_dim3A_244 = vector.broadcast %broadcast_in_dim3A_243 : f32 to vector<16xf32>
    %swap3A_245 = arith.constant 464 : index
    %swap3A_246 = tpu.vector_load %arg15[%swap3A_245] {strides = array<i32>} : memref<1024xf32, #tpu.memory_space<vmem>>, vector<16xf32>,
    %swap3A_247 = vector.shape_cast %swap3A_246 : vector<16xf32> to vector<16xf32>
    %swap3A_248 = vector.shape_cast %broadcast_in_dim3A_244 : vector<16xf32> to vector<16xf32>
    tpu.vector_store %arg15[%swap3A_245], %swap3A_248 {strides = array<i32>} : memref<1024xf32, #tpu.memory_space<vmem>>, vector<16xf32>,
    %broadcast_in_dim3A_249 = arith.constant 0.000000e+00 : f32
    %broadcast_in_dim3A_250 = vector.broadcast %broadcast_in_dim3A_249 : f32 to vector<16xf32>
    %swap3A_251 = arith.constant 480 : index
    %swap3A_252 = tpu.vector_load %arg15[%swap3A_251] {strides = array<i32>} : memref<1024xf32, #tpu.memory_space<vmem>>, vector<16xf32>,
    %swap3A_253 = vector.shape_cast %swap3A_252 : vector<16xf32> to vector<16xf32>
    %swap3A_254 = vector.shape_cast %broadcast_in_dim3A_250 : vector<16xf32> to vector<16xf32>
    tpu.vector_store %arg15[%swap3A_251], %swap3A_254 {strides = array<i32>} : memref<1024xf32, #tpu.memory_space<vmem>>, vector<16xf32>,
    %broadcast_in_dim3A_255 = arith.constant 0.000000e+00 : f32
    %broadcast_in_dim3A_256 = vector.broadcast %broadcast_in_dim3A_255 : f32 to vector<16xf32>
    %swap3A_257 = arith.constant 496 : index
    %swap3A_258 = tpu.vector_load %arg15[%swap3A_257] {strides = array<i32>} : memref<1024xf32, #tpu.memory_space<vmem>>, vector<16xf32>,
    %swap3A_259 = vector.shape_cast %swap3A_258 : vector<16xf32> to vector<16xf32>
    %swap3A_260 = vector.shape_cast %broadcast_in_dim3A_256 : vector<16xf32> to vector<16xf32>
    tpu.vector_store %arg15[%swap3A_257], %swap3A_260 {strides = array<i32>} : memref<1024xf32, #tpu.memory_space<vmem>>, vector<16xf32>,
    %broadcast_in_dim3A_261 = arith.constant 0.000000e+00 : f32
    %broadcast_in_dim3A_262 = vector.broadcast %broadcast_in_dim3A_261 : f32 to vector<16xf32>
    %swap3A_263 = arith.constant 512 : index
    %swap3A_264 = tpu.vector_load %arg15[%swap3A_263] {strides = array<i32>} : memref<1024xf32, #tpu.memory_space<vmem>>, vector<16xf32>,
    %swap3A_265 = vector.shape_cast %swap3A_264 : vector<16xf32> to vector<16xf32>
    %swap3A_266 = vector.shape_cast %broadcast_in_dim3A_262 : vector<16xf32> to vector<16xf32>
    tpu.vector_store %arg15[%swap3A_263], %swap3A_266 {strides = array<i32>} : memref<1024xf32, #tpu.memory_space<vmem>>, vector<16xf32>,
    %broadcast_in_dim3A_267 = arith.constant 0.000000e+00 : f32
    %broadcast_in_dim3A_268 = vector.broadcast %broadcast_in_dim3A_267 : f32 to vector<16xf32>
    %swap3A_269 = arith.constant 528 : index
    %swap3A_270 = tpu.vector_load %arg15[%swap3A_269] {strides = array<i32>} : memref<1024xf32, #tpu.memory_space<vmem>>, vector<16xf32>,
    %swap3A_271 = vector.shape_cast %swap3A_270 : vector<16xf32> to vector<16xf32>
    %swap3A_272 = vector.shape_cast %broadcast_in_dim3A_268 : vector<16xf32> to vector<16xf32>
    tpu.vector_store %arg15[%swap3A_269], %swap3A_272 {strides = array<i32>} : memref<1024xf32, #tpu.memory_space<vmem>>, vector<16xf32>,
    %broadcast_in_dim3A_273 = arith.constant 0.000000e+00 : f32
    %broadcast_in_dim3A_274 = vector.broadcast %broadcast_in_dim3A_273 : f32 to vector<16xf32>
    %swap3A_275 = arith.constant 544 : index
    %swap3A_276 = tpu.vector_load %arg15[%swap3A_275] {strides = array<i32>} : memref<1024xf32, #tpu.memory_space<vmem>>, vector<16xf32>,
    %swap3A_277 = vector.shape_cast %swap3A_276 : vector<16xf32> to vector<16xf32>
    %swap3A_278 = vector.shape_cast %broadcast_in_dim3A_274 : vector<16xf32> to vector<16xf32>
    tpu.vector_store %arg15[%swap3A_275], %swap3A_278 {strides = array<i32>} : memref<1024xf32, #tpu.memory_space<vmem>>, vector<16xf32>,
    %broadcast_in_dim3A_279 = arith.constant 0.000000e+00 : f32
    %broadcast_in_dim3A_280 = vector.broadcast %broadcast_in_dim3A_279 : f32 to vector<16xf32>
    %swap3A_281 = arith.constant 560 : index
    %swap3A_282 = tpu.vector_load %arg15[%swap3A_281] {strides = array<i32>} : memref<1024xf32, #tpu.memory_space<vmem>>, vector<16xf32>,
    %swap3A_283 = vector.shape_cast %swap3A_282 : vector<16xf32> to vector<16xf32>
    %swap3A_284 = vector.shape_cast %broadcast_in_dim3A_280 : vector<16xf32> to vector<16xf32>
    tpu.vector_store %arg15[%swap3A_281], %swap3A_284 {strides = array<i32>} : memref<1024xf32, #tpu.memory_space<vmem>>, vector<16xf32>,
    %broadcast_in_dim3A_285 = arith.constant 0.000000e+00 : f32
    %broadcast_in_dim3A_286 = vector.broadcast %broadcast_in_dim3A_285 : f32 to vector<16xf32>
    %swap3A_287 = arith.constant 576 : index
    %swap3A_288 = tpu.vector_load %arg15[%swap3A_287] {strides = array<i32>} : memref<1024xf32, #tpu.memory_space<vmem>>, vector<16xf32>,
    %swap3A_289 = vector.shape_cast %swap3A_288 : vector<16xf32> to vector<16xf32>
    %swap3A_290 = vector.shape_cast %broadcast_in_dim3A_286 : vector<16xf32> to vector<16xf32>
    tpu.vector_store %arg15[%swap3A_287], %swap3A_290 {strides = array<i32>} : memref<1024xf32, #tpu.memory_space<vmem>>, vector<16xf32>,
    %broadcast_in_dim3A_291 = arith.constant 0.000000e+00 : f32
    %broadcast_in_dim3A_292 = vector.broadcast %broadcast_in_dim3A_291 : f32 to vector<16xf32>
    %swap3A_293 = arith.constant 592 : index
    %swap3A_294 = tpu.vector_load %arg15[%swap3A_293] {strides = array<i32>} : memref<1024xf32, #tpu.memory_space<vmem>>, vector<16xf32>,
    %swap3A_295 = vector.shape_cast %swap3A_294 : vector<16xf32> to vector<16xf32>
    %swap3A_296 = vector.shape_cast %broadcast_in_dim3A_292 : vector<16xf32> to vector<16xf32>
    tpu.vector_store %arg15[%swap3A_293], %swap3A_296 {strides = array<i32>} : memref<1024xf32, #tpu.memory_space<vmem>>, vector<16xf32>,
    %broadcast_in_dim3A_297 = arith.constant 0.000000e+00 : f32
    %broadcast_in_dim3A_298 = vector.broadcast %broadcast_in_dim3A_297 : f32 to vector<16xf32>
    %swap3A_299 = arith.constant 608 : index
    %swap3A_300 = tpu.vector_load %arg15[%swap3A_299] {strides = array<i32>} : memref<1024xf32, #tpu.memory_space<vmem>>, vector<16xf32>,
    %swap3A_301 = vector.shape_cast %swap3A_300 : vector<16xf32> to vector<16xf32>
    %swap3A_302 = vector.shape_cast %broadcast_in_dim3A_298 : vector<16xf32> to vector<16xf32>
    tpu.vector_store %arg15[%swap3A_299], %swap3A_302 {strides = array<i32>} : memref<1024xf32, #tpu.memory_space<vmem>>, vector<16xf32>,
    %broadcast_in_dim3A_303 = arith.constant 0.000000e+00 : f32
    %broadcast_in_dim3A_304 = vector.broadcast %broadcast_in_dim3A_303 : f32 to vector<16xf32>
    %swap3A_305 = arith.constant 624 : index
    %swap3A_306 = tpu.vector_load %arg15[%swap3A_305] {strides = array<i32>} : memref<1024xf32, #tpu.memory_space<vmem>>, vector<16xf32>,
    %swap3A_307 = vector.shape_cast %swap3A_306 : vector<16xf32> to vector<16xf32>
    %swap3A_308 = vector.shape_cast %broadcast_in_dim3A_304 : vector<16xf32> to vector<16xf32>
    tpu.vector_store %arg15[%swap3A_305], %swap3A_308 {strides = array<i32>} : memref<1024xf32, #tpu.memory_space<vmem>>, vector<16xf32>,
    %broadcast_in_dim3A_309 = arith.constant 0.000000e+00 : f32
    %broadcast_in_dim3A_310 = vector.broadcast %broadcast_in_dim3A_309 : f32 to vector<16xf32>
    %swap3A_311 = arith.constant 640 : index
    %swap3A_312 = tpu.vector_load %arg15[%swap3A_311] {strides = array<i32>} : memref<1024xf32, #tpu.memory_space<vmem>>, vector<16xf32>,
    %swap3A_313 = vector.shape_cast %swap3A_312 : vector<16xf32> to vector<16xf32>
    %swap3A_314 = vector.shape_cast %broadcast_in_dim3A_310 : vector<16xf32> to vector<16xf32>
    tpu.vector_store %arg15[%swap3A_311], %swap3A_314 {strides = array<i32>} : memref<1024xf32, #tpu.memory_space<vmem>>, vector<16xf32>,
    %broadcast_in_dim3A_315 = arith.constant 0.000000e+00 : f32
    %broadcast_in_dim3A_316 = vector.broadcast %broadcast_in_dim3A_315 : f32 to vector<16xf32>
    %swap3A_317 = arith.constant 656 : index
    %swap3A_318 = tpu.vector_load %arg15[%swap3A_317] {strides = array<i32>} : memref<1024xf32, #tpu.memory_space<vmem>>, vector<16xf32>,
    %swap3A_319 = vector.shape_cast %swap3A_318 : vector<16xf32> to vector<16xf32>
    %swap3A_320 = vector.shape_cast %broadcast_in_dim3A_316 : vector<16xf32> to vector<16xf32>
    tpu.vector_store %arg15[%swap3A_317], %swap3A_320 {strides = array<i32>} : memref<1024xf32, #tpu.memory_space<vmem>>, vector<16xf32>,
    %broadcast_in_dim3A_321 = arith.constant 0.000000e+00 : f32
    %broadcast_in_dim3A_322 = vector.broadcast %broadcast_in_dim3A_321 : f32 to vector<16xf32>
    %swap3A_323 = arith.constant 672 : index
    %swap3A_324 = tpu.vector_load %arg15[%swap3A_323] {strides = array<i32>} : memref<1024xf32, #tpu.memory_space<vmem>>, vector<16xf32>,
    %swap3A_325 = vector.shape_cast %swap3A_324 : vector<16xf32> to vector<16xf32>
    %swap3A_326 = vector.shape_cast %broadcast_in_dim3A_322 : vector<16xf32> to vector<16xf32>
    tpu.vector_store %arg15[%swap3A_323], %swap3A_326 {strides = array<i32>} : memref<1024xf32, #tpu.memory_space<vmem>>, vector<16xf32>,
    %broadcast_in_dim3A_327 = arith.constant 0.000000e+00 : f32
    %broadcast_in_dim3A_328 = vector.broadcast %broadcast_in_dim3A_327 : f32 to vector<16xf32>
    %swap3A_329 = arith.constant 688 : index
    %swap3A_330 = tpu.vector_load %arg15[%swap3A_329] {strides = array<i32>} : memref<1024xf32, #tpu.memory_space<vmem>>, vector<16xf32>,
    %swap3A_331 = vector.shape_cast %swap3A_330 : vector<16xf32> to vector<16xf32>
    %swap3A_332 = vector.shape_cast %broadcast_in_dim3A_328 : vector<16xf32> to vector<16xf32>
    tpu.vector_store %arg15[%swap3A_329], %swap3A_332 {strides = array<i32>} : memref<1024xf32, #tpu.memory_space<vmem>>, vector<16xf32>,
    %broadcast_in_dim3A_333 = arith.constant 0.000000e+00 : f32
    %broadcast_in_dim3A_334 = vector.broadcast %broadcast_in_dim3A_333 : f32 to vector<16xf32>
    %swap3A_335 = arith.constant 704 : index
    %swap3A_336 = tpu.vector_load %arg15[%swap3A_335] {strides = array<i32>} : memref<1024xf32, #tpu.memory_space<vmem>>, vector<16xf32>,
    %swap3A_337 = vector.shape_cast %swap3A_336 : vector<16xf32> to vector<16xf32>
    %swap3A_338 = vector.shape_cast %broadcast_in_dim3A_334 : vector<16xf32> to vector<16xf32>
    tpu.vector_store %arg15[%swap3A_335], %swap3A_338 {strides = array<i32>} : memref<1024xf32, #tpu.memory_space<vmem>>, vector<16xf32>,
    %broadcast_in_dim3A_339 = arith.constant 0.000000e+00 : f32
    %broadcast_in_dim3A_340 = vector.broadcast %broadcast_in_dim3A_339 : f32 to vector<16xf32>
    %swap3A_341 = arith.constant 720 : index
    %swap3A_342 = tpu.vector_load %arg15[%swap3A_341] {strides = array<i32>} : memref<1024xf32, #tpu.memory_space<vmem>>, vector<16xf32>,
    %swap3A_343 = vector.shape_cast %swap3A_342 : vector<16xf32> to vector<16xf32>
    %swap3A_344 = vector.shape_cast %broadcast_in_dim3A_340 : vector<16xf32> to vector<16xf32>
    tpu.vector_store %arg15[%swap3A_341], %swap3A_344 {strides = array<i32>} : memref<1024xf32, #tpu.memory_space<vmem>>, vector<16xf32>,
    %broadcast_in_dim3A_345 = arith.constant 0.000000e+00 : f32
    %broadcast_in_dim3A_346 = vector.broadcast %broadcast_in_dim3A_345 : f32 to vector<16xf32>
    %swap3A_347 = arith.constant 736 : index
    %swap3A_348 = tpu.vector_load %arg15[%swap3A_347] {strides = array<i32>} : memref<1024xf32, #tpu.memory_space<vmem>>, vector<16xf32>,
    %swap3A_349 = vector.shape_cast %swap3A_348 : vector<16xf32> to vector<16xf32>
    %swap3A_350 = vector.shape_cast %broadcast_in_dim3A_346 : vector<16xf32> to vector<16xf32>
    tpu.vector_store %arg15[%swap3A_347], %swap3A_350 {strides = array<i32>} : memref<1024xf32, #tpu.memory_space<vmem>>, vector<16xf32>,
    %broadcast_in_dim3A_351 = arith.constant 0.000000e+00 : f32
    %broadcast_in_dim3A_352 = vector.broadcast %broadcast_in_dim3A_351 : f32 to vector<16xf32>
    %swap3A_353 = arith.constant 752 : index
    %swap3A_354 = tpu.vector_load %arg15[%swap3A_353] {strides = array<i32>} : memref<1024xf32, #tpu.memory_space<vmem>>, vector<16xf32>,
    %swap3A_355 = vector.shape_cast %swap3A_354 : vector<16xf32> to vector<16xf32>
    %swap3A_356 = vector.shape_cast %broadcast_in_dim3A_352 : vector<16xf32> to vector<16xf32>
    tpu.vector_store %arg15[%swap3A_353], %swap3A_356 {strides = array<i32>} : memref<1024xf32, #tpu.memory_space<vmem>>, vector<16xf32>,
    %broadcast_in_dim3A_357 = arith.constant 0.000000e+00 : f32
    %broadcast_in_dim3A_358 = vector.broadcast %broadcast_in_dim3A_357 : f32 to vector<16xf32>
    %swap3A_359 = arith.constant 768 : index
    %swap3A_360 = tpu.vector_load %arg15[%swap3A_359] {strides = array<i32>} : memref<1024xf32, #tpu.memory_space<vmem>>, vector<16xf32>,
    %swap3A_361 = vector.shape_cast %swap3A_360 : vector<16xf32> to vector<16xf32>
    %swap3A_362 = vector.shape_cast %broadcast_in_dim3A_358 : vector<16xf32> to vector<16xf32>
    tpu.vector_store %arg15[%swap3A_359], %swap3A_362 {strides = array<i32>} : memref<1024xf32, #tpu.memory_space<vmem>>, vector<16xf32>,
    %broadcast_in_dim3A_363 = arith.constant 0.000000e+00 : f32
    %broadcast_in_dim3A_364 = vector.broadcast %broadcast_in_dim3A_363 : f32 to vector<16xf32>
    %swap3A_365 = arith.constant 784 : index
    %swap3A_366 = tpu.vector_load %arg15[%swap3A_365] {strides = array<i32>} : memref<1024xf32, #tpu.memory_space<vmem>>, vector<16xf32>,
    %swap3A_367 = vector.shape_cast %swap3A_366 : vector<16xf32> to vector<16xf32>
    %swap3A_368 = vector.shape_cast %broadcast_in_dim3A_364 : vector<16xf32> to vector<16xf32>
    tpu.vector_store %arg15[%swap3A_365], %swap3A_368 {strides = array<i32>} : memref<1024xf32, #tpu.memory_space<vmem>>, vector<16xf32>,
    %broadcast_in_dim3A_369 = arith.constant 0.000000e+00 : f32
    %broadcast_in_dim3A_370 = vector.broadcast %broadcast_in_dim3A_369 : f32 to vector<16xf32>
    %swap3A_371 = arith.constant 800 : index
    %swap3A_372 = tpu.vector_load %arg15[%swap3A_371] {strides = array<i32>} : memref<1024xf32, #tpu.memory_space<vmem>>, vector<16xf32>,
    %swap3A_373 = vector.shape_cast %swap3A_372 : vector<16xf32> to vector<16xf32>
    %swap3A_374 = vector.shape_cast %broadcast_in_dim3A_370 : vector<16xf32> to vector<16xf32>
    tpu.vector_store %arg15[%swap3A_371], %swap3A_374 {strides = array<i32>} : memref<1024xf32, #tpu.memory_space<vmem>>, vector<16xf32>,
    %broadcast_in_dim3A_375 = arith.constant 0.000000e+00 : f32
    %broadcast_in_dim3A_376 = vector.broadcast %broadcast_in_dim3A_375 : f32 to vector<16xf32>
    %swap3A_377 = arith.constant 816 : index
    %swap3A_378 = tpu.vector_load %arg15[%swap3A_377] {strides = array<i32>} : memref<1024xf32, #tpu.memory_space<vmem>>, vector<16xf32>,
    %swap3A_379 = vector.shape_cast %swap3A_378 : vector<16xf32> to vector<16xf32>
    %swap3A_380 = vector.shape_cast %broadcast_in_dim3A_376 : vector<16xf32> to vector<16xf32>
    tpu.vector_store %arg15[%swap3A_377], %swap3A_380 {strides = array<i32>} : memref<1024xf32, #tpu.memory_space<vmem>>, vector<16xf32>,
    %broadcast_in_dim3A_381 = arith.constant 0.000000e+00 : f32
    %broadcast_in_dim3A_382 = vector.broadcast %broadcast_in_dim3A_381 : f32 to vector<16xf32>
    %swap3A_383 = arith.constant 832 : index
    %swap3A_384 = tpu.vector_load %arg15[%swap3A_383] {strides = array<i32>} : memref<1024xf32, #tpu.memory_space<vmem>>, vector<16xf32>,
    %swap3A_385 = vector.shape_cast %swap3A_384 : vector<16xf32> to vector<16xf32>
    %swap3A_386 = vector.shape_cast %broadcast_in_dim3A_382 : vector<16xf32> to vector<16xf32>
    tpu.vector_store %arg15[%swap3A_383], %swap3A_386 {strides = array<i32>} : memref<1024xf32, #tpu.memory_space<vmem>>, vector<16xf32>,
    %broadcast_in_dim3A_387 = arith.constant 0.000000e+00 : f32
    %broadcast_in_dim3A_388 = vector.broadcast %broadcast_in_dim3A_387 : f32 to vector<16xf32>
    %swap3A_389 = arith.constant 848 : index
    %swap3A_390 = tpu.vector_load %arg15[%swap3A_389] {strides = array<i32>} : memref<1024xf32, #tpu.memory_space<vmem>>, vector<16xf32>,
    %swap3A_391 = vector.shape_cast %swap3A_390 : vector<16xf32> to vector<16xf32>
    %swap3A_392 = vector.shape_cast %broadcast_in_dim3A_388 : vector<16xf32> to vector<16xf32>
    tpu.vector_store %arg15[%swap3A_389], %swap3A_392 {strides = array<i32>} : memref<1024xf32, #tpu.memory_space<vmem>>, vector<16xf32>,
    %broadcast_in_dim3A_393 = arith.constant 0.000000e+00 : f32
    %broadcast_in_dim3A_394 = vector.broadcast %broadcast_in_dim3A_393 : f32 to vector<16xf32>
    %swap3A_395 = arith.constant 864 : index
    %swap3A_396 = tpu.vector_load %arg15[%swap3A_395] {strides = array<i32>} : memref<1024xf32, #tpu.memory_space<vmem>>, vector<16xf32>,
    %swap3A_397 = vector.shape_cast %swap3A_396 : vector<16xf32> to vector<16xf32>
    %swap3A_398 = vector.shape_cast %broadcast_in_dim3A_394 : vector<16xf32> to vector<16xf32>
    tpu.vector_store %arg15[%swap3A_395], %swap3A_398 {strides = array<i32>} : memref<1024xf32, #tpu.memory_space<vmem>>, vector<16xf32>,
    %broadcast_in_dim3A_399 = arith.constant 0.000000e+00 : f32
    %broadcast_in_dim3A_400 = vector.broadcast %broadcast_in_dim3A_399 : f32 to vector<16xf32>
    %swap3A_401 = arith.constant 880 : index
    %swap3A_402 = tpu.vector_load %arg15[%swap3A_401] {strides = array<i32>} : memref<1024xf32, #tpu.memory_space<vmem>>, vector<16xf32>,
    %swap3A_403 = vector.shape_cast %swap3A_402 : vector<16xf32> to vector<16xf32>
    %swap3A_404 = vector.shape_cast %broadcast_in_dim3A_400 : vector<16xf32> to vector<16xf32>
    tpu.vector_store %arg15[%swap3A_401], %swap3A_404 {strides = array<i32>} : memref<1024xf32, #tpu.memory_space<vmem>>, vector<16xf32>,
    %broadcast_in_dim3A_405 = arith.constant 0.000000e+00 : f32
    %broadcast_in_dim3A_406 = vector.broadcast %broadcast_in_dim3A_405 : f32 to vector<16xf32>
    %swap3A_407 = arith.constant 896 : index
    %swap3A_408 = tpu.vector_load %arg15[%swap3A_407] {strides = array<i32>} : memref<1024xf32, #tpu.memory_space<vmem>>, vector<16xf32>,
    %swap3A_409 = vector.shape_cast %swap3A_408 : vector<16xf32> to vector<16xf32>
    %swap3A_410 = vector.shape_cast %broadcast_in_dim3A_406 : vector<16xf32> to vector<16xf32>
    tpu.vector_store %arg15[%swap3A_407], %swap3A_410 {strides = array<i32>} : memref<1024xf32, #tpu.memory_space<vmem>>, vector<16xf32>,
    %broadcast_in_dim3A_411 = arith.constant 0.000000e+00 : f32
    %broadcast_in_dim3A_412 = vector.broadcast %broadcast_in_dim3A_411 : f32 to vector<16xf32>
    %swap3A_413 = arith.constant 912 : index
    %swap3A_414 = tpu.vector_load %arg15[%swap3A_413] {strides = array<i32>} : memref<1024xf32, #tpu.memory_space<vmem>>, vector<16xf32>,
    %swap3A_415 = vector.shape_cast %swap3A_414 : vector<16xf32> to vector<16xf32>
    %swap3A_416 = vector.shape_cast %broadcast_in_dim3A_412 : vector<16xf32> to vector<16xf32>
    tpu.vector_store %arg15[%swap3A_413], %swap3A_416 {strides = array<i32>} : memref<1024xf32, #tpu.memory_space<vmem>>, vector<16xf32>,
    %broadcast_in_dim3A_417 = arith.constant 0.000000e+00 : f32
    %broadcast_in_dim3A_418 = vector.broadcast %broadcast_in_dim3A_417 : f32 to vector<16xf32>
    %swap3A_419 = arith.constant 928 : index
    %swap3A_420 = tpu.vector_load %arg15[%swap3A_419] {strides = array<i32>} : memref<1024xf32, #tpu.memory_space<vmem>>, vector<16xf32>,
    %swap3A_421 = vector.shape_cast %swap3A_420 : vector<16xf32> to vector<16xf32>
    %swap3A_422 = vector.shape_cast %broadcast_in_dim3A_418 : vector<16xf32> to vector<16xf32>
    tpu.vector_store %arg15[%swap3A_419], %swap3A_422 {strides = array<i32>} : memref<1024xf32, #tpu.memory_space<vmem>>, vector<16xf32>,
    %broadcast_in_dim3A_423 = arith.constant 0.000000e+00 : f32
    %broadcast_in_dim3A_424 = vector.broadcast %broadcast_in_dim3A_423 : f32 to vector<16xf32>
    %swap3A_425 = arith.constant 944 : index
    %swap3A_426 = tpu.vector_load %arg15[%swap3A_425] {strides = array<i32>} : memref<1024xf32, #tpu.memory_space<vmem>>, vector<16xf32>,
    %swap3A_427 = vector.shape_cast %swap3A_426 : vector<16xf32> to vector<16xf32>
    %swap3A_428 = vector.shape_cast %broadcast_in_dim3A_424 : vector<16xf32> to vector<16xf32>
    tpu.vector_store %arg15[%swap3A_425], %swap3A_428 {strides = array<i32>} : memref<1024xf32, #tpu.memory_space<vmem>>, vector<16xf32>,
    %broadcast_in_dim3A_429 = arith.constant 0.000000e+00 : f32
    %broadcast_in_dim3A_430 = vector.broadcast %broadcast_in_dim3A_429 : f32 to vector<16xf32>
    %swap3A_431 = arith.constant 960 : index
    %swap3A_432 = tpu.vector_load %arg15[%swap3A_431] {strides = array<i32>} : memref<1024xf32, #tpu.memory_space<vmem>>, vector<16xf32>,
    %swap3A_433 = vector.shape_cast %swap3A_432 : vector<16xf32> to vector<16xf32>
    %swap3A_434 = vector.shape_cast %broadcast_in_dim3A_430 : vector<16xf32> to vector<16xf32>
    tpu.vector_store %arg15[%swap3A_431], %swap3A_434 {strides = array<i32>} : memref<1024xf32, #tpu.memory_space<vmem>>, vector<16xf32>,
    %broadcast_in_dim3A_435 = arith.constant 0.000000e+00 : f32
    %broadcast_in_dim3A_436 = vector.broadcast %broadcast_in_dim3A_435 : f32 to vector<16xf32>
    %swap3A_437 = arith.constant 976 : index
    %swap3A_438 = tpu.vector_load %arg15[%swap3A_437] {strides = array<i32>} : memref<1024xf32, #tpu.memory_space<vmem>>, vector<16xf32>,
    %swap3A_439 = vector.shape_cast %swap3A_438 : vector<16xf32> to vector<16xf32>
    %swap3A_440 = vector.shape_cast %broadcast_in_dim3A_436 : vector<16xf32> to vector<16xf32>
    tpu.vector_store %arg15[%swap3A_437], %swap3A_440 {strides = array<i32>} : memref<1024xf32, #tpu.memory_space<vmem>>, vector<16xf32>,
    %broadcast_in_dim3A_441 = arith.constant 0.000000e+00 : f32
    %broadcast_in_dim3A_442 = vector.broadcast %broadcast_in_dim3A_441 : f32 to vector<16xf32>
    %swap3A_443 = arith.constant 992 : index
    %swap3A_444 = tpu.vector_load %arg15[%swap3A_443] {strides = array<i32>} : memref<1024xf32, #tpu.memory_space<vmem>>, vector<16xf32>,
    %swap3A_445 = vector.shape_cast %swap3A_444 : vector<16xf32> to vector<16xf32>
    %swap3A_446 = vector.shape_cast %broadcast_in_dim3A_442 : vector<16xf32> to vector<16xf32>
    tpu.vector_store %arg15[%swap3A_443], %swap3A_446 {strides = array<i32>} : memref<1024xf32, #tpu.memory_space<vmem>>, vector<16xf32>,
    %broadcast_in_dim3A_447 = arith.constant 0.000000e+00 : f32
    %broadcast_in_dim3A_448 = vector.broadcast %broadcast_in_dim3A_447 : f32 to vector<16xf32>
    %swap3A_449 = arith.constant 1008 : index
    %swap3A_450 = tpu.vector_load %arg15[%swap3A_449] {strides = array<i32>} : memref<1024xf32, #tpu.memory_space<vmem>>, vector<16xf32>,
    %swap3A_451 = vector.shape_cast %swap3A_450 : vector<16xf32> to vector<16xf32>
    %swap3A_452 = vector.shape_cast %broadcast_in_dim3A_448 : vector<16xf32> to vector<16xf32>
    tpu.vector_store %arg15[%swap3A_449], %swap3A_452 {strides = array<i32>} : memref<1024xf32, #tpu.memory_space<vmem>>, vector<16xf32>,
    %eq3A_453 = arith.constant 0 : i32
    %eq3A_454 = arith.cmpi eq, %arg0, %eq3A_453 : i32
    %lt3A_455 = arith.constant 10 : i32
    %lt3A_456 = arith.cmpi slt, %arg1, %lt3A_455 : i32
    %and3A = arith.andi %eq3A_454, %lt3A_456 : i1
    %convert_element_type3A_457 = arith.extui %and3A : i1 to i32
    %cond3A_458 = arith.constant 0 : i32
    %cond3A_459 = arith.cmpi ne, %convert_element_type3A_457, %cond3A_458 : i32
    scf.if %cond3A_459 {
      %mul3A_489 = arith.constant 1000 : i32
      %mul3A_490 = arith.muli %arg1, %mul3A_489 : i32
      "tpu.region"() ({
        %run_scoped3A_491 = tpu.sem_alloc : memref<!tpu.dma_semaphore, #tpu.memory_space<semaphore_mem>>
        %dma_start3A = arith.constant 0 : i32
        %dma_start3A_492 = tpu.memref_slice %arg15[%dma_start3A] : memref<1024xf32, #tpu.memory_space<vmem>> -> memref<1000xf32, #tpu.memory_space<vmem>>
        %dma_start3A_493 = tpu.memref_slice %arg17[%mul3A_490] : memref<10000xf32, #tpu.memory_space<vmem_shared>> -> memref<1000xf32, #tpu.memory_space<vmem_shared>>
        %dma_start3A_494 = tpu.memref_slice %arg17[%mul3A_490] : memref<10000xf32, #tpu.memory_space<vmem_shared>> -> memref<1000xf32, #tpu.memory_space<vmem_shared>>
        %dma_start3A_495 = arith.constant 0 : i32
        %dma_start3A_496 = tpu.memref_slice %arg15[%dma_start3A_495] : memref<1024xf32, #tpu.memory_space<vmem>> -> memref<1000xf32, #tpu.memory_space<vmem>>
        tpu.enqueue_dma source(%dma_start3A_496 : memref<1000xf32, #tpu.memory_space<vmem>>) target(%dma_start3A_494 : memref<1000xf32, #tpu.memory_space<vmem_shared>>) target_semaphore(%run_scoped3A_491 : memref<!tpu.dma_semaphore, #tpu.memory_space<semaphore_mem>>)
        %dma_wait3A = arith.constant 0 : i32
        %dma_wait3A_497 = tpu.memref_slice %arg15[%dma_wait3A] : memref<1024xf32, #tpu.memory_space<vmem>> -> memref<1000xf32, #tpu.memory_space<vmem>>
        %dma_wait3A_498 = tpu.memref_slice %arg17[%mul3A_490] : memref<10000xf32, #tpu.memory_space<vmem_shared>> -> memref<1000xf32, #tpu.memory_space<vmem_shared>>
        %dma_wait3A_499 = tpu.memref_slice %arg17[%mul3A_490] : memref<10000xf32, #tpu.memory_space<vmem_shared>> -> memref<1000xf32, #tpu.memory_space<vmem_shared>>
        %dma_wait3A_500 = arith.constant 0 : i32
        %dma_wait3A_501 = tpu.memref_slice %arg15[%dma_wait3A_500] : memref<1024xf32, #tpu.memory_space<vmem>> -> memref<1000xf32, #tpu.memory_space<vmem>>
        tpu.wait_dma2 semaphore(%run_scoped3A_491 : memref<!tpu.dma_semaphore, #tpu.memory_space<semaphore_mem>>) src(%dma_wait3A_501 : memref<1000xf32, #tpu.memory_space<vmem>>) dst(%dma_wait3A_499 : memref<1000xf32, #tpu.memory_space<vmem_shared>>)
        tpu.yield
      }) : () -> ()
    } else {
    }
    %barrier3A = arith.constant 0 : index
    tpu.barrier barrier_id(%barrier3A)
    %eq3A_460 = arith.constant 0 : i32
    %eq3A_461 = arith.cmpi eq, %arg0, %eq3A_460 : i32
    %convert_element_type3A_462 = arith.extui %eq3A_461 : i1 to i32
    %cond3A_463 = arith.constant 0 : i32
    %cond3A_464 = arith.cmpi ne, %convert_element_type3A_462, %cond3A_463 : i32
    scf.if %cond3A_464 {
      %scan3A_489 = arith.constant 0 : i32
      %scan3A_490 = arith.constant 0 : i32
      %scan3A_491 = arith.constant 5 : i32
      %scan3A_492 = arith.addi %scan3A_490, %scan3A_491 : i32
      %scan3A_493 = arith.constant 1 : i32
      %scan3A_494 = scf.for %scan3A_496 = %scan3A_490 to %scan3A_492 step %scan3A_493 iter_args(%scan3A_497 = %scan3A_489) -> (i32)  : i32 {
        %gt3A = arith.constant 0 : i32
        %gt3A_498 = arith.cmpi sgt, %scan3A_496, %gt3A : i32
        %convert_element_type3A_499 = arith.extui %gt3A_498 : i1 to i32
        %cond3A_500 = arith.constant 0 : i32
        %cond3A_501 = arith.cmpi ne, %convert_element_type3A_499, %cond3A_500 : i32
        scf.if %cond3A_501 {
          "tpu.region"() ({
            %run_scoped3A_538 = tpu.sem_alloc : memref<!tpu.dma_semaphore, #tpu.memory_space<semaphore_mem>>
            %dma_start3A_539 = arith.constant 0 : i32
            %dma_start3A_540 = arith.constant 0 : i32
            %dma_start3A_541 = arith.constant 0 : i32
            %dma_start3A_542 = tpu.memref_slice %arg4[%arg1, %dma_start3A_539, %dma_start3A_540, %dma_start3A_541] : memref<16x5x25x80xi32, #tpu.memory_space<hbm>> -> memref<1x5x25x80xi32, #tpu.memory_space<hbm>>
            %dma_start3A_543 = tpu.memref_squeeze %dma_start3A_542 : memref<1x5x25x80xi32, #tpu.memory_space<hbm>> -> memref<5x25x80xi32, #tpu.memory_space<hbm>>
            %dma_start3A_544 = arith.constant 0 : i32
            %dma_start3A_545 = arith.constant 0 : i32
            %dma_start3A_546 = tpu.memref_slice %dma_start3A_543[%scan3A_496, %dma_start3A_544, %dma_start3A_545] : memref<5x25x80xi32, #tpu.memory_space<hbm>> -> memref<1x25x80xi32, #tpu.memory_space<hbm>>
            %dma_start3A_547 = tpu.memref_squeeze %dma_start3A_546 : memref<1x25x80xi32, #tpu.memory_space<hbm>> -> memref<25x80xi32, #tpu.memory_space<hbm>>
            %dma_start3A_548 = arith.constant 0 : i32
            %dma_start3A_549 = arith.constant 0 : i32
            %dma_start3A_550 = arith.constant 0 : i32
            %dma_start3A_551 = tpu.memref_slice %arg4[%arg1, %dma_start3A_548, %dma_start3A_549, %dma_start3A_550] : memref<16x5x25x80xi32, #tpu.memory_space<hbm>> -> memref<1x5x25x80xi32, #tpu.memory_space<hbm>>
            %dma_start3A_552 = tpu.memref_squeeze %dma_start3A_551 : memref<1x5x25x80xi32, #tpu.memory_space<hbm>> -> memref<5x25x80xi32, #tpu.memory_space<hbm>>
            %dma_start3A_553 = arith.constant 0 : i32
            %dma_start3A_554 = arith.constant 0 : i32
            %dma_start3A_555 = tpu.memref_slice %dma_start3A_552[%scan3A_496, %dma_start3A_553, %dma_start3A_554] : memref<5x25x80xi32, #tpu.memory_space<hbm>> -> memref<1x25x80xi32, #tpu.memory_space<hbm>>
            %dma_start3A_556 = tpu.memref_squeeze %dma_start3A_555 : memref<1x25x80xi32, #tpu.memory_space<hbm>> -> memref<25x80xi32, #tpu.memory_space<hbm>>
            tpu.enqueue_dma source(%dma_start3A_556 : memref<25x80xi32, #tpu.memory_space<hbm>>) target(%arg9 : memref<25x80xi32, #tpu.memory_space<vmem>>) target_semaphore(%run_scoped3A_538 : memref<!tpu.dma_semaphore, #tpu.memory_space<semaphore_mem>>)
            %dma_wait3A_557 = arith.constant 0 : i32
            %dma_wait3A_558 = arith.constant 0 : i32
            %dma_wait3A_559 = arith.constant 0 : i32
            %dma_wait3A_560 = tpu.memref_slice %arg4[%arg1, %dma_wait3A_557, %dma_wait3A_558, %dma_wait3A_559] : memref<16x5x25x80xi32, #tpu.memory_space<hbm>> -> memref<1x5x25x80xi32, #tpu.memory_space<hbm>>
            %dma_wait3A_561 = tpu.memref_squeeze %dma_wait3A_560 : memref<1x5x25x80xi32, #tpu.memory_space<hbm>> -> memref<5x25x80xi32, #tpu.memory_space<hbm>>
            %dma_wait3A_562 = arith.constant 0 : i32
            %dma_wait3A_563 = arith.constant 0 : i32
            %dma_wait3A_564 = tpu.memref_slice %dma_wait3A_561[%scan3A_496, %dma_wait3A_562, %dma_wait3A_563] : memref<5x25x80xi32, #tpu.memory_space<hbm>> -> memref<1x25x80xi32, #tpu.memory_space<hbm>>
            %dma_wait3A_565 = tpu.memref_squeeze %dma_wait3A_564 : memref<1x25x80xi32, #tpu.memory_space<hbm>> -> memref<25x80xi32, #tpu.memory_space<hbm>>
            %dma_wait3A_566 = arith.constant 0 : i32
            %dma_wait3A_567 = arith.constant 0 : i32
            %dma_wait3A_568 = arith.constant 0 : i32
            %dma_wait3A_569 = tpu.memref_slice %arg4[%arg1, %dma_wait3A_566, %dma_wait3A_567, %dma_wait3A_568] : memref<16x5x25x80xi32, #tpu.memory_space<hbm>> -> memref<1x5x25x80xi32, #tpu.memory_space<hbm>>
            %dma_wait3A_570 = tpu.memref_squeeze %dma_wait3A_569 : memref<1x5x25x80xi32, #tpu.memory_space<hbm>> -> memref<5x25x80xi32, #tpu.memory_space<hbm>>
            %dma_wait3A_571 = arith.constant 0 : i32
            %dma_wait3A_572 = arith.constant 0 : i32
            %dma_wait3A_573 = tpu.memref_slice %dma_wait3A_570[%scan3A_496, %dma_wait3A_571, %dma_wait3A_572] : memref<5x25x80xi32, #tpu.memory_space<hbm>> -> memref<1x25x80xi32, #tpu.memory_space<hbm>>
            %dma_wait3A_574 = tpu.memref_squeeze %dma_wait3A_573 : memref<1x25x80xi32, #tpu.memory_space<hbm>> -> memref<25x80xi32, #tpu.memory_space<hbm>>
            tpu.wait_dma2 semaphore(%run_scoped3A_538 : memref<!tpu.dma_semaphore, #tpu.memory_space<semaphore_mem>>) src(%dma_wait3A_574 : memref<25x80xi32, #tpu.memory_space<hbm>>) dst(%arg9 : memref<25x80xi32, #tpu.memory_space<vmem>>)
            tpu.yield
          }) : () -> ()
          "tpu.region"() ({
            %run_scoped3A_538 = tpu.sem_alloc : memref<!tpu.dma_semaphore, #tpu.memory_space<semaphore_mem>>
            %dma_start3A_539 = arith.constant 0 : i32
            %dma_start3A_540 = arith.constant 0 : i32
            %dma_start3A_541 = arith.constant 0 : i32
            %dma_start3A_542 = tpu.memref_slice %arg5[%arg1, %dma_start3A_539, %dma_start3A_540, %dma_start3A_541] : memref<16x5x25x80xi32, #tpu.memory_space<hbm>> -> memref<1x5x25x80xi32, #tpu.memory_space<hbm>>
            %dma_start3A_543 = tpu.memref_squeeze %dma_start3A_542 : memref<1x5x25x80xi32, #tpu.memory_space<hbm>> -> memref<5x25x80xi32, #tpu.memory_space<hbm>>
            %dma_start3A_544 = arith.constant 0 : i32
            %dma_start3A_545 = arith.constant 0 : i32
            %dma_start3A_546 = tpu.memref_slice %dma_start3A_543[%scan3A_496, %dma_start3A_544, %dma_start3A_545] : memref<5x25x80xi32, #tpu.memory_space<hbm>> -> memref<1x25x80xi32, #tpu.memory_space<hbm>>
            %dma_start3A_547 = tpu.memref_squeeze %dma_start3A_546 : memref<1x25x80xi32, #tpu.memory_space<hbm>> -> memref<25x80xi32, #tpu.memory_space<hbm>>
            %dma_start3A_548 = arith.constant 0 : i32
            %dma_start3A_549 = arith.constant 0 : i32
            %dma_start3A_550 = arith.constant 0 : i32
            %dma_start3A_551 = tpu.memref_slice %arg5[%arg1, %dma_start3A_548, %dma_start3A_549, %dma_start3A_550] : memref<16x5x25x80xi32, #tpu.memory_space<hbm>> -> memref<1x5x25x80xi32, #tpu.memory_space<hbm>>
            %dma_start3A_552 = tpu.memref_squeeze %dma_start3A_551 : memref<1x5x25x80xi32, #tpu.memory_space<hbm>> -> memref<5x25x80xi32, #tpu.memory_space<hbm>>
            %dma_start3A_553 = arith.constant 0 : i32
            %dma_start3A_554 = arith.constant 0 : i32
            %dma_start3A_555 = tpu.memref_slice %dma_start3A_552[%scan3A_496, %dma_start3A_553, %dma_start3A_554] : memref<5x25x80xi32, #tpu.memory_space<hbm>> -> memref<1x25x80xi32, #tpu.memory_space<hbm>>
            %dma_start3A_556 = tpu.memref_squeeze %dma_start3A_555 : memref<1x25x80xi32, #tpu.memory_space<hbm>> -> memref<25x80xi32, #tpu.memory_space<hbm>>
            tpu.enqueue_dma source(%dma_start3A_556 : memref<25x80xi32, #tpu.memory_space<hbm>>) target(%arg10 : memref<25x80xi32, #tpu.memory_space<vmem>>) target_semaphore(%run_scoped3A_538 : memref<!tpu.dma_semaphore, #tpu.memory_space<semaphore_mem>>)
            %dma_wait3A_557 = arith.constant 0 : i32
            %dma_wait3A_558 = arith.constant 0 : i32
            %dma_wait3A_559 = arith.constant 0 : i32
            %dma_wait3A_560 = tpu.memref_slice %arg5[%arg1, %dma_wait3A_557, %dma_wait3A_558, %dma_wait3A_559] : memref<16x5x25x80xi32, #tpu.memory_space<hbm>> -> memref<1x5x25x80xi32, #tpu.memory_space<hbm>>
            %dma_wait3A_561 = tpu.memref_squeeze %dma_wait3A_560 : memref<1x5x25x80xi32, #tpu.memory_space<hbm>> -> memref<5x25x80xi32, #tpu.memory_space<hbm>>
            %dma_wait3A_562 = arith.constant 0 : i32
            %dma_wait3A_563 = arith.constant 0 : i32
            %dma_wait3A_564 = tpu.memref_slice %dma_wait3A_561[%scan3A_496, %dma_wait3A_562, %dma_wait3A_563] : memref<5x25x80xi32, #tpu.memory_space<hbm>> -> memref<1x25x80xi32, #tpu.memory_space<hbm>>
            %dma_wait3A_565 = tpu.memref_squeeze %dma_wait3A_564 : memref<1x25x80xi32, #tpu.memory_space<hbm>> -> memref<25x80xi32, #tpu.memory_space<hbm>>
            %dma_wait3A_566 = arith.constant 0 : i32
            %dma_wait3A_567 = arith.constant 0 : i32
            %dma_wait3A_568 = arith.constant 0 : i32
            %dma_wait3A_569 = tpu.memref_slice %arg5[%arg1, %dma_wait3A_566, %dma_wait3A_567, %dma_wait3A_568] : memref<16x5x25x80xi32, #tpu.memory_space<hbm>> -> memref<1x5x25x80xi32, #tpu.memory_space<hbm>>
            %dma_wait3A_570 = tpu.memref_squeeze %dma_wait3A_569 : memref<1x5x25x80xi32, #tpu.memory_space<hbm>> -> memref<5x25x80xi32, #tpu.memory_space<hbm>>
            %dma_wait3A_571 = arith.constant 0 : i32
            %dma_wait3A_572 = arith.constant 0 : i32
            %dma_wait3A_573 = tpu.memref_slice %dma_wait3A_570[%scan3A_496, %dma_wait3A_571, %dma_wait3A_572] : memref<5x25x80xi32, #tpu.memory_space<hbm>> -> memref<1x25x80xi32, #tpu.memory_space<hbm>>
            %dma_wait3A_574 = tpu.memref_squeeze %dma_wait3A_573 : memref<1x25x80xi32, #tpu.memory_space<hbm>> -> memref<25x80xi32, #tpu.memory_space<hbm>>
            tpu.wait_dma2 semaphore(%run_scoped3A_538 : memref<!tpu.dma_semaphore, #tpu.memory_space<semaphore_mem>>) src(%dma_wait3A_574 : memref<25x80xi32, #tpu.memory_space<hbm>>) dst(%arg10 : memref<25x80xi32, #tpu.memory_space<vmem>>)
            tpu.yield
          }) : () -> ()
          %dma_start3A = arith.constant 0 : i32
          %dma_start3A_518 = arith.constant 0 : i32
          %dma_start3A_519 = tpu.memref_slice %arg9[%dma_start3A, %dma_start3A_518] : memref<25x80xi32, #tpu.memory_space<vmem>> -> memref<1x80xi32, #tpu.memory_space<vmem>>
          %dma_start3A_520 = tpu.memref_squeeze %dma_start3A_519 : memref<1x80xi32, #tpu.memory_space<vmem>> -> memref<80xi32, #tpu.memory_space<vmem>>
          %dma_start3A_521 = arith.constant 0 : i32
          %dma_start3A_522 = arith.constant 0 : i32
          %dma_start3A_523 = tpu.memref_slice %arg2[%dma_start3A_521, %dma_start3A_522] : memref<10000x128xf32, #tpu.memory_space<hbm>> -> memref<10000x128xf32, #tpu.memory_space<hbm>>
          tpu.enqueue_indirect_dma source(%dma_start3A_523 : memref<10000x128xf32, #tpu.memory_space<hbm>>) target(%arg11 : memref<80x128xf32, #tpu.memory_space<vmem>>) offsets(%dma_start3A_520 : memref<80xi32, #tpu.memory_space<vmem>>) semaphore(%arg18 : memref<!tpu.dma_semaphore, #tpu.memory_space<semaphore_mem>>)
          %dma_start3A_524 = arith.constant 1 : i32
          %dma_start3A_525 = arith.constant 0 : i32
          %dma_start3A_526 = tpu.memref_slice %arg9[%dma_start3A_524, %dma_start3A_525] : memref<25x80xi32, #tpu.memory_space<vmem>> -> memref<1x80xi32, #tpu.memory_space<vmem>>
          %dma_start3A_527 = tpu.memref_squeeze %dma_start3A_526 : memref<1x80xi32, #tpu.memory_space<vmem>> -> memref<80xi32, #tpu.memory_space<vmem>>
          %dma_start3A_528 = arith.constant 0 : i32
          %dma_start3A_529 = arith.constant 0 : i32
          %dma_start3A_530 = tpu.memref_slice %arg2[%dma_start3A_528, %dma_start3A_529] : memref<10000x128xf32, #tpu.memory_space<hbm>> -> memref<10000x128xf32, #tpu.memory_space<hbm>>
          tpu.enqueue_indirect_dma source(%dma_start3A_530 : memref<10000x128xf32, #tpu.memory_space<hbm>>) target(%arg12 : memref<80x128xf32, #tpu.memory_space<vmem>>) offsets(%dma_start3A_527 : memref<80xi32, #tpu.memory_space<vmem>>) semaphore(%arg19 : memref<!tpu.dma_semaphore, #tpu.memory_space<semaphore_mem>>)
          %dma_start3A_531 = arith.constant 2 : i32
          %dma_start3A_532 = arith.constant 0 : i32
          %dma_start3A_533 = tpu.memref_slice %arg9[%dma_start3A_531, %dma_start3A_532] : memref<25x80xi32, #tpu.memory_space<vmem>> -> memref<1x80xi32, #tpu.memory_space<vmem>>
          %dma_start3A_534 = tpu.memref_squeeze %dma_start3A_533 : memref<1x80xi32, #tpu.memory_space<vmem>> -> memref<80xi32, #tpu.memory_space<vmem>>
          %dma_start3A_535 = arith.constant 0 : i32
          %dma_start3A_536 = arith.constant 0 : i32
          %dma_start3A_537 = tpu.memref_slice %arg2[%dma_start3A_535, %dma_start3A_536] : memref<10000x128xf32, #tpu.memory_space<hbm>> -> memref<10000x128xf32, #tpu.memory_space<hbm>>
          tpu.enqueue_indirect_dma source(%dma_start3A_537 : memref<10000x128xf32, #tpu.memory_space<hbm>>) target(%arg13 : memref<80x128xf32, #tpu.memory_space<vmem>>) offsets(%dma_start3A_534 : memref<80xi32, #tpu.memory_space<vmem>>) semaphore(%arg20 : memref<!tpu.dma_semaphore, #tpu.memory_space<semaphore_mem>>)
        } else {
        }
        %scan3A_502 = arith.constant 0 : i32
        %scan3A_503 = arith.constant 0 : i32
        %scan3A_504 = arith.constant 8 : i32
        %scan3A_505 = arith.addi %scan3A_503, %scan3A_504 : i32
        %scan3A_506 = arith.constant 1 : i32
        %scan3A_507 = scf.for %scan3A_518 = %scan3A_503 to %scan3A_505 step %scan3A_506 iter_args(%scan3A_519 = %scan3A_502) -> (i32)  : i32 {
          %mul3A_520 = arith.constant 3 : i32
          %mul3A_521 = arith.muli %mul3A_520, %scan3A_518 : i32
          %add3A = arith.constant 0 : i32
          %add3A_522 = arith.addi %mul3A_521, %add3A : i32
          %dma_wait3A_523 = arith.constant 0 : i32
          %dma_wait3A_524 = tpu.memref_slice %arg9[%add3A_522, %dma_wait3A_523] : memref<25x80xi32, #tpu.memory_space<vmem>> -> memref<1x80xi32, #tpu.memory_space<vmem>>
          %dma_wait3A_525 = tpu.memref_squeeze %dma_wait3A_524 : memref<1x80xi32, #tpu.memory_space<vmem>> -> memref<80xi32, #tpu.memory_space<vmem>>
          %dma_wait3A_526 = arith.constant 0 : i32
          %dma_wait3A_527 = arith.constant 0 : i32
          %dma_wait3A_528 = tpu.memref_slice %arg2[%dma_wait3A_526, %dma_wait3A_527] : memref<10000x128xf32, #tpu.memory_space<hbm>> -> memref<10000x128xf32, #tpu.memory_space<hbm>>
          tpu.wait_indirect_dma semaphore(%arg18 : memref<!tpu.dma_semaphore, #tpu.memory_space<semaphore_mem>>) src(%dma_wait3A_528 : memref<10000x128xf32, #tpu.memory_space<hbm>>) dst(%arg11 : memref<80x128xf32, #tpu.memory_space<vmem>>)
          "tpu.region"() ({
            %run_scoped3A_571 = tpu.sem_alloc : memref<!tpu.dma_semaphore, #tpu.memory_space<semaphore_mem>>
            %dma_start3A = arith.constant 0 : i32
            %dma_start3A_572 = tpu.memref_slice %arg10[%add3A_522, %dma_start3A] : memref<25x80xi32, #tpu.memory_space<vmem>> -> memref<1x80xi32, #tpu.memory_space<vmem>>
            %dma_start3A_573 = tpu.memref_squeeze %dma_start3A_572 : memref<1x80xi32, #tpu.memory_space<vmem>> -> memref<80xi32, #tpu.memory_space<vmem>>
            %dma_start3A_574 = arith.constant 0 : i32
            %dma_start3A_575 = arith.constant 0 : i32
            %dma_start3A_576 = tpu.memref_slice %arg16[%dma_start3A_574, %dma_start3A_575] : memref<10000x128xf32, #tpu.memory_space<vmem_shared>> -> memref<10000x128xf32, #tpu.memory_space<vmem_shared>>
            tpu.enqueue_indirect_dma source(%arg11 : memref<80x128xf32, #tpu.memory_space<vmem>>) target(%dma_start3A_576 : memref<10000x128xf32, #tpu.memory_space<vmem_shared>>) offsets(%dma_start3A_573 : memref<80xi32, #tpu.memory_space<vmem>>) semaphore(%run_scoped3A_571 : memref<!tpu.dma_semaphore, #tpu.memory_space<semaphore_mem>>) {add = true}
            %dma_wait3A_577 = arith.constant 0 : i32
            %dma_wait3A_578 = tpu.memref_slice %arg10[%add3A_522, %dma_wait3A_577] : memref<25x80xi32, #tpu.memory_space<vmem>> -> memref<1x80xi32, #tpu.memory_space<vmem>>
            %dma_wait3A_579 = tpu.memref_squeeze %dma_wait3A_578 : memref<1x80xi32, #tpu.memory_space<vmem>> -> memref<80xi32, #tpu.memory_space<vmem>>
            %dma_wait3A_580 = arith.constant 0 : i32
            %dma_wait3A_581 = arith.constant 0 : i32
            %dma_wait3A_582 = tpu.memref_slice %arg16[%dma_wait3A_580, %dma_wait3A_581] : memref<10000x128xf32, #tpu.memory_space<vmem_shared>> -> memref<10000x128xf32, #tpu.memory_space<vmem_shared>>
            tpu.wait_indirect_dma semaphore(%run_scoped3A_571 : memref<!tpu.dma_semaphore, #tpu.memory_space<semaphore_mem>>) src(%arg11 : memref<80x128xf32, #tpu.memory_space<vmem>>) dst(%dma_wait3A_582 : memref<10000x128xf32, #tpu.memory_space<vmem_shared>>)
            tpu.yield
          }) : () -> ()
          "tpu.region"() ({
            %run_scoped3A_571 = tpu.sem_alloc : memref<!tpu.dma_semaphore, #tpu.memory_space<semaphore_mem>>
            %dma_start3A = arith.constant 0 : i32
            %dma_start3A_572 = tpu.memref_slice %arg14[%dma_start3A] : memref<80xf32, #tpu.memory_space<vmem>> -> memref<80xf32, #tpu.memory_space<vmem>>
            %dma_start3A_573 = arith.constant 0 : i32
            %dma_start3A_574 = tpu.memref_slice %arg10[%add3A_522, %dma_start3A_573] : memref<25x80xi32, #tpu.memory_space<vmem>> -> memref<1x80xi32, #tpu.memory_space<vmem>>
            %dma_start3A_575 = tpu.memref_squeeze %dma_start3A_574 : memref<1x80xi32, #tpu.memory_space<vmem>> -> memref<80xi32, #tpu.memory_space<vmem>>
            %dma_start3A_576 = arith.constant 0 : i32
            %dma_start3A_577 = tpu.memref_slice %arg17[%dma_start3A_576] : memref<10000xf32, #tpu.memory_space<vmem_shared>> -> memref<10000xf32, #tpu.memory_space<vmem_shared>>
            tpu.enqueue_indirect_dma source(%dma_start3A_572 : memref<80xf32, #tpu.memory_space<vmem>>) target(%dma_start3A_577 : memref<10000xf32, #tpu.memory_space<vmem_shared>>) offsets(%dma_start3A_575 : memref<80xi32, #tpu.memory_space<vmem>>) semaphore(%run_scoped3A_571 : memref<!tpu.dma_semaphore, #tpu.memory_space<semaphore_mem>>) {add = true}
            %dma_wait3A_578 = arith.constant 0 : i32
            %dma_wait3A_579 = tpu.memref_slice %arg14[%dma_wait3A_578] : memref<80xf32, #tpu.memory_space<vmem>> -> memref<80xf32, #tpu.memory_space<vmem>>
            %dma_wait3A_580 = arith.constant 0 : i32
            %dma_wait3A_581 = tpu.memref_slice %arg10[%add3A_522, %dma_wait3A_580] : memref<25x80xi32, #tpu.memory_space<vmem>> -> memref<1x80xi32, #tpu.memory_space<vmem>>
            %dma_wait3A_582 = tpu.memref_squeeze %dma_wait3A_581 : memref<1x80xi32, #tpu.memory_space<vmem>> -> memref<80xi32, #tpu.memory_space<vmem>>
            %dma_wait3A_583 = arith.constant 0 : i32
            %dma_wait3A_584 = tpu.memref_slice %arg17[%dma_wait3A_583] : memref<10000xf32, #tpu.memory_space<vmem_shared>> -> memref<10000xf32, #tpu.memory_space<vmem_shared>>
            tpu.wait_indirect_dma semaphore(%run_scoped3A_571 : memref<!tpu.dma_semaphore, #tpu.memory_space<semaphore_mem>>) src(%dma_wait3A_579 : memref<80xf32, #tpu.memory_space<vmem>>) dst(%dma_wait3A_584 : memref<10000xf32, #tpu.memory_space<vmem_shared>>)
            tpu.yield
          }) : () -> ()
          %add3A_529 = arith.constant 3 : i32
          %add3A_530 = arith.addi %add3A_522, %add3A_529 : i32
          %lt3A_531 = arith.constant 25 : i32
          %lt3A_532 = arith.cmpi slt, %add3A_530, %lt3A_531 : i32
          %convert_element_type3A_533 = arith.extui %lt3A_532 : i1 to i32
          %cond3A_534 = arith.constant 0 : i32
          %cond3A_535 = arith.cmpi ne, %convert_element_type3A_533, %cond3A_534 : i32
          scf.if %cond3A_535 {
            %add3A_571 = arith.constant 3 : i32
            %add3A_572 = arith.addi %add3A_522, %add3A_571 : i32
            %dma_start3A = arith.constant 0 : i32
            %dma_start3A_573 = tpu.memref_slice %arg9[%add3A_572, %dma_start3A] : memref<25x80xi32, #tpu.memory_space<vmem>> -> memref<1x80xi32, #tpu.memory_space<vmem>>
            %dma_start3A_574 = tpu.memref_squeeze %dma_start3A_573 : memref<1x80xi32, #tpu.memory_space<vmem>> -> memref<80xi32, #tpu.memory_space<vmem>>
            %dma_start3A_575 = arith.constant 0 : i32
            %dma_start3A_576 = arith.constant 0 : i32
            %dma_start3A_577 = tpu.memref_slice %arg2[%dma_start3A_575, %dma_start3A_576] : memref<10000x128xf32, #tpu.memory_space<hbm>> -> memref<10000x128xf32, #tpu.memory_space<hbm>>
            tpu.enqueue_indirect_dma source(%dma_start3A_577 : memref<10000x128xf32, #tpu.memory_space<hbm>>) target(%arg11 : memref<80x128xf32, #tpu.memory_space<vmem>>) offsets(%dma_start3A_574 : memref<80xi32, #tpu.memory_space<vmem>>) semaphore(%arg18 : memref<!tpu.dma_semaphore, #tpu.memory_space<semaphore_mem>>)
          } else {
          }
          %mul3A_536 = arith.constant 3 : i32
          %mul3A_537 = arith.muli %mul3A_536, %scan3A_518 : i32
          %add3A_538 = arith.constant 1 : i32
          %add3A_539 = arith.addi %mul3A_537, %add3A_538 : i32
          %dma_wait3A_540 = arith.constant 0 : i32
          %dma_wait3A_541 = tpu.memref_slice %arg9[%add3A_539, %dma_wait3A_540] : memref<25x80xi32, #tpu.memory_space<vmem>> -> memref<1x80xi32, #tpu.memory_space<vmem>>
          %dma_wait3A_542 = tpu.memref_squeeze %dma_wait3A_541 : memref<1x80xi32, #tpu.memory_space<vmem>> -> memref<80xi32, #tpu.memory_space<vmem>>
          %dma_wait3A_543 = arith.constant 0 : i32
          %dma_wait3A_544 = arith.constant 0 : i32
          %dma_wait3A_545 = tpu.memref_slice %arg2[%dma_wait3A_543, %dma_wait3A_544] : memref<10000x128xf32, #tpu.memory_space<hbm>> -> memref<10000x128xf32, #tpu.memory_space<hbm>>
          tpu.wait_indirect_dma semaphore(%arg19 : memref<!tpu.dma_semaphore, #tpu.memory_space<semaphore_mem>>) src(%dma_wait3A_545 : memref<10000x128xf32, #tpu.memory_space<hbm>>) dst(%arg12 : memref<80x128xf32, #tpu.memory_space<vmem>>)
          "tpu.region"() ({
            %run_scoped3A_571 = tpu.sem_alloc : memref<!tpu.dma_semaphore, #tpu.memory_space<semaphore_mem>>
            %dma_start3A = arith.constant 0 : i32
            %dma_start3A_572 = tpu.memref_slice %arg10[%add3A_539, %dma_start3A] : memref<25x80xi32, #tpu.memory_space<vmem>> -> memref<1x80xi32, #tpu.memory_space<vmem>>
            %dma_start3A_573 = tpu.memref_squeeze %dma_start3A_572 : memref<1x80xi32, #tpu.memory_space<vmem>> -> memref<80xi32, #tpu.memory_space<vmem>>
            %dma_start3A_574 = arith.constant 0 : i32
            %dma_start3A_575 = arith.constant 0 : i32
            %dma_start3A_576 = tpu.memref_slice %arg16[%dma_start3A_574, %dma_start3A_575] : memref<10000x128xf32, #tpu.memory_space<vmem_shared>> -> memref<10000x128xf32, #tpu.memory_space<vmem_shared>>
            tpu.enqueue_indirect_dma source(%arg12 : memref<80x128xf32, #tpu.memory_space<vmem>>) target(%dma_start3A_576 : memref<10000x128xf32, #tpu.memory_space<vmem_shared>>) offsets(%dma_start3A_573 : memref<80xi32, #tpu.memory_space<vmem>>) semaphore(%run_scoped3A_571 : memref<!tpu.dma_semaphore, #tpu.memory_space<semaphore_mem>>) {add = true}
            %dma_wait3A_577 = arith.constant 0 : i32
            %dma_wait3A_578 = tpu.memref_slice %arg10[%add3A_539, %dma_wait3A_577] : memref<25x80xi32, #tpu.memory_space<vmem>> -> memref<1x80xi32, #tpu.memory_space<vmem>>
            %dma_wait3A_579 = tpu.memref_squeeze %dma_wait3A_578 : memref<1x80xi32, #tpu.memory_space<vmem>> -> memref<80xi32, #tpu.memory_space<vmem>>
            %dma_wait3A_580 = arith.constant 0 : i32
            %dma_wait3A_581 = arith.constant 0 : i32
            %dma_wait3A_582 = tpu.memref_slice %arg16[%dma_wait3A_580, %dma_wait3A_581] : memref<10000x128xf32, #tpu.memory_space<vmem_shared>> -> memref<10000x128xf32, #tpu.memory_space<vmem_shared>>
            tpu.wait_indirect_dma semaphore(%run_scoped3A_571 : memref<!tpu.dma_semaphore, #tpu.memory_space<semaphore_mem>>) src(%arg12 : memref<80x128xf32, #tpu.memory_space<vmem>>) dst(%dma_wait3A_582 : memref<10000x128xf32, #tpu.memory_space<vmem_shared>>)
            tpu.yield
          }) : () -> ()
          "tpu.region"() ({
            %run_scoped3A_571 = tpu.sem_alloc : memref<!tpu.dma_semaphore, #tpu.memory_space<semaphore_mem>>
            %dma_start3A = arith.constant 0 : i32
            %dma_start3A_572 = tpu.memref_slice %arg14[%dma_start3A] : memref<80xf32, #tpu.memory_space<vmem>> -> memref<80xf32, #tpu.memory_space<vmem>>
            %dma_start3A_573 = arith.constant 0 : i32
            %dma_start3A_574 = tpu.memref_slice %arg10[%add3A_539, %dma_start3A_573] : memref<25x80xi32, #tpu.memory_space<vmem>> -> memref<1x80xi32, #tpu.memory_space<vmem>>
            %dma_start3A_575 = tpu.memref_squeeze %dma_start3A_574 : memref<1x80xi32, #tpu.memory_space<vmem>> -> memref<80xi32, #tpu.memory_space<vmem>>
            %dma_start3A_576 = arith.constant 0 : i32
            %dma_start3A_577 = tpu.memref_slice %arg17[%dma_start3A_576] : memref<10000xf32, #tpu.memory_space<vmem_shared>> -> memref<10000xf32, #tpu.memory_space<vmem_shared>>
            tpu.enqueue_indirect_dma source(%dma_start3A_572 : memref<80xf32, #tpu.memory_space<vmem>>) target(%dma_start3A_577 : memref<10000xf32, #tpu.memory_space<vmem_shared>>) offsets(%dma_start3A_575 : memref<80xi32, #tpu.memory_space<vmem>>) semaphore(%run_scoped3A_571 : memref<!tpu.dma_semaphore, #tpu.memory_space<semaphore_mem>>) {add = true}
            %dma_wait3A_578 = arith.constant 0 : i32
            %dma_wait3A_579 = tpu.memref_slice %arg14[%dma_wait3A_578] : memref<80xf32, #tpu.memory_space<vmem>> -> memref<80xf32, #tpu.memory_space<vmem>>
            %dma_wait3A_580 = arith.constant 0 : i32
            %dma_wait3A_581 = tpu.memref_slice %arg10[%add3A_539, %dma_wait3A_580] : memref<25x80xi32, #tpu.memory_space<vmem>> -> memref<1x80xi32, #tpu.memory_space<vmem>>
            %dma_wait3A_582 = tpu.memref_squeeze %dma_wait3A_581 : memref<1x80xi32, #tpu.memory_space<vmem>> -> memref<80xi32, #tpu.memory_space<vmem>>
            %dma_wait3A_583 = arith.constant 0 : i32
            %dma_wait3A_584 = tpu.memref_slice %arg17[%dma_wait3A_583] : memref<10000xf32, #tpu.memory_space<vmem_shared>> -> memref<10000xf32, #tpu.memory_space<vmem_shared>>
            tpu.wait_indirect_dma semaphore(%run_scoped3A_571 : memref<!tpu.dma_semaphore, #tpu.memory_space<semaphore_mem>>) src(%dma_wait3A_579 : memref<80xf32, #tpu.memory_space<vmem>>) dst(%dma_wait3A_584 : memref<10000xf32, #tpu.memory_space<vmem_shared>>)
            tpu.yield
          }) : () -> ()
          %add3A_546 = arith.constant 3 : i32
          %add3A_547 = arith.addi %add3A_539, %add3A_546 : i32
          %lt3A_548 = arith.constant 25 : i32
          %lt3A_549 = arith.cmpi slt, %add3A_547, %lt3A_548 : i32
          %convert_element_type3A_550 = arith.extui %lt3A_549 : i1 to i32
          %cond3A_551 = arith.constant 0 : i32
          %cond3A_552 = arith.cmpi ne, %convert_element_type3A_550, %cond3A_551 : i32
          scf.if %cond3A_552 {
            %add3A_571 = arith.constant 3 : i32
            %add3A_572 = arith.addi %add3A_539, %add3A_571 : i32
            %dma_start3A = arith.constant 0 : i32
            %dma_start3A_573 = tpu.memref_slice %arg9[%add3A_572, %dma_start3A] : memref<25x80xi32, #tpu.memory_space<vmem>> -> memref<1x80xi32, #tpu.memory_space<vmem>>
            %dma_start3A_574 = tpu.memref_squeeze %dma_start3A_573 : memref<1x80xi32, #tpu.memory_space<vmem>> -> memref<80xi32, #tpu.memory_space<vmem>>
            %dma_start3A_575 = arith.constant 0 : i32
            %dma_start3A_576 = arith.constant 0 : i32
            %dma_start3A_577 = tpu.memref_slice %arg2[%dma_start3A_575, %dma_start3A_576] : memref<10000x128xf32, #tpu.memory_space<hbm>> -> memref<10000x128xf32, #tpu.memory_space<hbm>>
            tpu.enqueue_indirect_dma source(%dma_start3A_577 : memref<10000x128xf32, #tpu.memory_space<hbm>>) target(%arg12 : memref<80x128xf32, #tpu.memory_space<vmem>>) offsets(%dma_start3A_574 : memref<80xi32, #tpu.memory_space<vmem>>) semaphore(%arg19 : memref<!tpu.dma_semaphore, #tpu.memory_space<semaphore_mem>>)
          } else {
          }
          %mul3A_553 = arith.constant 3 : i32
          %mul3A_554 = arith.muli %mul3A_553, %scan3A_518 : i32
          %add3A_555 = arith.constant 2 : i32
          %add3A_556 = arith.addi %mul3A_554, %add3A_555 : i32
          %dma_wait3A_557 = arith.constant 0 : i32
          %dma_wait3A_558 = tpu.memref_slice %arg9[%add3A_556, %dma_wait3A_557] : memref<25x80xi32, #tpu.memory_space<vmem>> -> memref<1x80xi32, #tpu.memory_space<vmem>>
          %dma_wait3A_559 = tpu.memref_squeeze %dma_wait3A_558 : memref<1x80xi32, #tpu.memory_space<vmem>> -> memref<80xi32, #tpu.memory_space<vmem>>
          %dma_wait3A_560 = arith.constant 0 : i32
          %dma_wait3A_561 = arith.constant 0 : i32
          %dma_wait3A_562 = tpu.memref_slice %arg2[%dma_wait3A_560, %dma_wait3A_561] : memref<10000x128xf32, #tpu.memory_space<hbm>> -> memref<10000x128xf32, #tpu.memory_space<hbm>>
          tpu.wait_indirect_dma semaphore(%arg20 : memref<!tpu.dma_semaphore, #tpu.memory_space<semaphore_mem>>) src(%dma_wait3A_562 : memref<10000x128xf32, #tpu.memory_space<hbm>>) dst(%arg13 : memref<80x128xf32, #tpu.memory_space<vmem>>)
          "tpu.region"() ({
            %run_scoped3A_571 = tpu.sem_alloc : memref<!tpu.dma_semaphore, #tpu.memory_space<semaphore_mem>>
            %dma_start3A = arith.constant 0 : i32
            %dma_start3A_572 = tpu.memref_slice %arg10[%add3A_556, %dma_start3A] : memref<25x80xi32, #tpu.memory_space<vmem>> -> memref<1x80xi32, #tpu.memory_space<vmem>>
            %dma_start3A_573 = tpu.memref_squeeze %dma_start3A_572 : memref<1x80xi32, #tpu.memory_space<vmem>> -> memref<80xi32, #tpu.memory_space<vmem>>
            %dma_start3A_574 = arith.constant 0 : i32
            %dma_start3A_575 = arith.constant 0 : i32
            %dma_start3A_576 = tpu.memref_slice %arg16[%dma_start3A_574, %dma_start3A_575] : memref<10000x128xf32, #tpu.memory_space<vmem_shared>> -> memref<10000x128xf32, #tpu.memory_space<vmem_shared>>
            tpu.enqueue_indirect_dma source(%arg13 : memref<80x128xf32, #tpu.memory_space<vmem>>) target(%dma_start3A_576 : memref<10000x128xf32, #tpu.memory_space<vmem_shared>>) offsets(%dma_start3A_573 : memref<80xi32, #tpu.memory_space<vmem>>) semaphore(%run_scoped3A_571 : memref<!tpu.dma_semaphore, #tpu.memory_space<semaphore_mem>>) {add = true}
            %dma_wait3A_577 = arith.constant 0 : i32
            %dma_wait3A_578 = tpu.memref_slice %arg10[%add3A_556, %dma_wait3A_577] : memref<25x80xi32, #tpu.memory_space<vmem>> -> memref<1x80xi32, #tpu.memory_space<vmem>>
            %dma_wait3A_579 = tpu.memref_squeeze %dma_wait3A_578 : memref<1x80xi32, #tpu.memory_space<vmem>> -> memref<80xi32, #tpu.memory_space<vmem>>
            %dma_wait3A_580 = arith.constant 0 : i32
            %dma_wait3A_581 = arith.constant 0 : i32
            %dma_wait3A_582 = tpu.memref_slice %arg16[%dma_wait3A_580, %dma_wait3A_581] : memref<10000x128xf32, #tpu.memory_space<vmem_shared>> -> memref<10000x128xf32, #tpu.memory_space<vmem_shared>>
            tpu.wait_indirect_dma semaphore(%run_scoped3A_571 : memref<!tpu.dma_semaphore, #tpu.memory_space<semaphore_mem>>) src(%arg13 : memref<80x128xf32, #tpu.memory_space<vmem>>) dst(%dma_wait3A_582 : memref<10000x128xf32, #tpu.memory_space<vmem_shared>>)
            tpu.yield
          }) : () -> ()
          "tpu.region"() ({
            %run_scoped3A_571 = tpu.sem_alloc : memref<!tpu.dma_semaphore, #tpu.memory_space<semaphore_mem>>
            %dma_start3A = arith.constant 0 : i32
            %dma_start3A_572 = tpu.memref_slice %arg14[%dma_start3A] : memref<80xf32, #tpu.memory_space<vmem>> -> memref<80xf32, #tpu.memory_space<vmem>>
            %dma_start3A_573 = arith.constant 0 : i32
            %dma_start3A_574 = tpu.memref_slice %arg10[%add3A_556, %dma_start3A_573] : memref<25x80xi32, #tpu.memory_space<vmem>> -> memref<1x80xi32, #tpu.memory_space<vmem>>
            %dma_start3A_575 = tpu.memref_squeeze %dma_start3A_574 : memref<1x80xi32, #tpu.memory_space<vmem>> -> memref<80xi32, #tpu.memory_space<vmem>>
            %dma_start3A_576 = arith.constant 0 : i32
            %dma_start3A_577 = tpu.memref_slice %arg17[%dma_start3A_576] : memref<10000xf32, #tpu.memory_space<vmem_shared>> -> memref<10000xf32, #tpu.memory_space<vmem_shared>>
            tpu.enqueue_indirect_dma source(%dma_start3A_572 : memref<80xf32, #tpu.memory_space<vmem>>) target(%dma_start3A_577 : memref<10000xf32, #tpu.memory_space<vmem_shared>>) offsets(%dma_start3A_575 : memref<80xi32, #tpu.memory_space<vmem>>) semaphore(%run_scoped3A_571 : memref<!tpu.dma_semaphore, #tpu.memory_space<semaphore_mem>>) {add = true}
            %dma_wait3A_578 = arith.constant 0 : i32
            %dma_wait3A_579 = tpu.memref_slice %arg14[%dma_wait3A_578] : memref<80xf32, #tpu.memory_space<vmem>> -> memref<80xf32, #tpu.memory_space<vmem>>
            %dma_wait3A_580 = arith.constant 0 : i32
            %dma_wait3A_581 = tpu.memref_slice %arg10[%add3A_556, %dma_wait3A_580] : memref<25x80xi32, #tpu.memory_space<vmem>> -> memref<1x80xi32, #tpu.memory_space<vmem>>
            %dma_wait3A_582 = tpu.memref_squeeze %dma_wait3A_581 : memref<1x80xi32, #tpu.memory_space<vmem>> -> memref<80xi32, #tpu.memory_space<vmem>>
            %dma_wait3A_583 = arith.constant 0 : i32
            %dma_wait3A_584 = tpu.memref_slice %arg17[%dma_wait3A_583] : memref<10000xf32, #tpu.memory_space<vmem_shared>> -> memref<10000xf32, #tpu.memory_space<vmem_shared>>
            tpu.wait_indirect_dma semaphore(%run_scoped3A_571 : memref<!tpu.dma_semaphore, #tpu.memory_space<semaphore_mem>>) src(%dma_wait3A_579 : memref<80xf32, #tpu.memory_space<vmem>>) dst(%dma_wait3A_584 : memref<10000xf32, #tpu.memory_space<vmem_shared>>)
            tpu.yield
          }) : () -> ()
          %add3A_563 = arith.constant 3 : i32
          %add3A_564 = arith.addi %add3A_556, %add3A_563 : i32
          %lt3A_565 = arith.constant 25 : i32
          %lt3A_566 = arith.cmpi slt, %add3A_564, %lt3A_565 : i32
          %convert_element_type3A_567 = arith.extui %lt3A_566 : i1 to i32
          %cond3A_568 = arith.constant 0 : i32
          %cond3A_569 = arith.cmpi ne, %convert_element_type3A_567, %cond3A_568 : i32
          scf.if %cond3A_569 {
            %add3A_571 = arith.constant 3 : i32
            %add3A_572 = arith.addi %add3A_556, %add3A_571 : i32
            %dma_start3A = arith.constant 0 : i32
            %dma_start3A_573 = tpu.memref_slice %arg9[%add3A_572, %dma_start3A] : memref<25x80xi32, #tpu.memory_space<vmem>> -> memref<1x80xi32, #tpu.memory_space<vmem>>
            %dma_start3A_574 = tpu.memref_squeeze %dma_start3A_573 : memref<1x80xi32, #tpu.memory_space<vmem>> -> memref<80xi32, #tpu.memory_space<vmem>>
            %dma_start3A_575 = arith.constant 0 : i32
            %dma_start3A_576 = arith.constant 0 : i32
            %dma_start3A_577 = tpu.memref_slice %arg2[%dma_start3A_575, %dma_start3A_576] : memref<10000x128xf32, #tpu.memory_space<hbm>> -> memref<10000x128xf32, #tpu.memory_space<hbm>>
            tpu.enqueue_indirect_dma source(%dma_start3A_577 : memref<10000x128xf32, #tpu.memory_space<hbm>>) target(%arg13 : memref<80x128xf32, #tpu.memory_space<vmem>>) offsets(%dma_start3A_574 : memref<80xi32, #tpu.memory_space<vmem>>) semaphore(%arg20 : memref<!tpu.dma_semaphore, #tpu.memory_space<semaphore_mem>>)
          } else {
          }
          %scan3A_570 = arith.constant 0 : i32
          scf.yield %scan3A_570 : i32
        }
        %scan3A_508 = arith.constant 8 : i32
        %dma_wait3A = arith.constant 24 : i32
        %dma_wait3A_509 = arith.constant 0 : i32
        %dma_wait3A_510 = tpu.memref_slice %arg9[%dma_wait3A, %dma_wait3A_509] : memref<25x80xi32, #tpu.memory_space<vmem>> -> memref<1x80xi32, #tpu.memory_space<vmem>>
        %dma_wait3A_511 = tpu.memref_squeeze %dma_wait3A_510 : memref<1x80xi32, #tpu.memory_space<vmem>> -> memref<80xi32, #tpu.memory_space<vmem>>
        %dma_wait3A_512 = arith.constant 0 : i32
        %dma_wait3A_513 = arith.constant 0 : i32
        %dma_wait3A_514 = tpu.memref_slice %arg2[%dma_wait3A_512, %dma_wait3A_513] : memref<10000x128xf32, #tpu.memory_space<hbm>> -> memref<10000x128xf32, #tpu.memory_space<hbm>>
        tpu.wait_indirect_dma semaphore(%arg18 : memref<!tpu.dma_semaphore, #tpu.memory_space<semaphore_mem>>) src(%dma_wait3A_514 : memref<10000x128xf32, #tpu.memory_space<hbm>>) dst(%arg11 : memref<80x128xf32, #tpu.memory_space<vmem>>)
        %run_scoped3A_515 = arith.constant 24 : i32
        "tpu.region"() ({
          %run_scoped3A_518 = tpu.sem_alloc : memref<!tpu.dma_semaphore, #tpu.memory_space<semaphore_mem>>
          %dma_start3A = arith.constant 0 : i32
          %dma_start3A_519 = tpu.memref_slice %arg10[%run_scoped3A_515, %dma_start3A] : memref<25x80xi32, #tpu.memory_space<vmem>> -> memref<1x80xi32, #tpu.memory_space<vmem>>
          %dma_start3A_520 = tpu.memref_squeeze %dma_start3A_519 : memref<1x80xi32, #tpu.memory_space<vmem>> -> memref<80xi32, #tpu.memory_space<vmem>>
          %dma_start3A_521 = arith.constant 0 : i32
          %dma_start3A_522 = arith.constant 0 : i32
          %dma_start3A_523 = tpu.memref_slice %arg16[%dma_start3A_521, %dma_start3A_522] : memref<10000x128xf32, #tpu.memory_space<vmem_shared>> -> memref<10000x128xf32, #tpu.memory_space<vmem_shared>>
          tpu.enqueue_indirect_dma source(%arg11 : memref<80x128xf32, #tpu.memory_space<vmem>>) target(%dma_start3A_523 : memref<10000x128xf32, #tpu.memory_space<vmem_shared>>) offsets(%dma_start3A_520 : memref<80xi32, #tpu.memory_space<vmem>>) semaphore(%run_scoped3A_518 : memref<!tpu.dma_semaphore, #tpu.memory_space<semaphore_mem>>) {add = true}
          %dma_wait3A_524 = arith.constant 0 : i32
          %dma_wait3A_525 = tpu.memref_slice %arg10[%run_scoped3A_515, %dma_wait3A_524] : memref<25x80xi32, #tpu.memory_space<vmem>> -> memref<1x80xi32, #tpu.memory_space<vmem>>
          %dma_wait3A_526 = tpu.memref_squeeze %dma_wait3A_525 : memref<1x80xi32, #tpu.memory_space<vmem>> -> memref<80xi32, #tpu.memory_space<vmem>>
          %dma_wait3A_527 = arith.constant 0 : i32
          %dma_wait3A_528 = arith.constant 0 : i32
          %dma_wait3A_529 = tpu.memref_slice %arg16[%dma_wait3A_527, %dma_wait3A_528] : memref<10000x128xf32, #tpu.memory_space<vmem_shared>> -> memref<10000x128xf32, #tpu.memory_space<vmem_shared>>
          tpu.wait_indirect_dma semaphore(%run_scoped3A_518 : memref<!tpu.dma_semaphore, #tpu.memory_space<semaphore_mem>>) src(%arg11 : memref<80x128xf32, #tpu.memory_space<vmem>>) dst(%dma_wait3A_529 : memref<10000x128xf32, #tpu.memory_space<vmem_shared>>)
          tpu.yield
        }) : () -> ()
        %run_scoped3A_516 = arith.constant 24 : i32
        "tpu.region"() ({
          %run_scoped3A_518 = tpu.sem_alloc : memref<!tpu.dma_semaphore, #tpu.memory_space<semaphore_mem>>
          %dma_start3A = arith.constant 0 : i32
          %dma_start3A_519 = tpu.memref_slice %arg14[%dma_start3A] : memref<80xf32, #tpu.memory_space<vmem>> -> memref<80xf32, #tpu.memory_space<vmem>>
          %dma_start3A_520 = arith.constant 0 : i32
          %dma_start3A_521 = tpu.memref_slice %arg10[%run_scoped3A_516, %dma_start3A_520] : memref<25x80xi32, #tpu.memory_space<vmem>> -> memref<1x80xi32, #tpu.memory_space<vmem>>
          %dma_start3A_522 = tpu.memref_squeeze %dma_start3A_521 : memref<1x80xi32, #tpu.memory_space<vmem>> -> memref<80xi32, #tpu.memory_space<vmem>>
          %dma_start3A_523 = arith.constant 0 : i32
          %dma_start3A_524 = tpu.memref_slice %arg17[%dma_start3A_523] : memref<10000xf32, #tpu.memory_space<vmem_shared>> -> memref<10000xf32, #tpu.memory_space<vmem_shared>>
          tpu.enqueue_indirect_dma source(%dma_start3A_519 : memref<80xf32, #tpu.memory_space<vmem>>) target(%dma_start3A_524 : memref<10000xf32, #tpu.memory_space<vmem_shared>>) offsets(%dma_start3A_522 : memref<80xi32, #tpu.memory_space<vmem>>) semaphore(%run_scoped3A_518 : memref<!tpu.dma_semaphore, #tpu.memory_space<semaphore_mem>>) {add = true}
          %dma_wait3A_525 = arith.constant 0 : i32
          %dma_wait3A_526 = tpu.memref_slice %arg14[%dma_wait3A_525] : memref<80xf32, #tpu.memory_space<vmem>> -> memref<80xf32, #tpu.memory_space<vmem>>
          %dma_wait3A_527 = arith.constant 0 : i32
          %dma_wait3A_528 = tpu.memref_slice %arg10[%run_scoped3A_516, %dma_wait3A_527] : memref<25x80xi32, #tpu.memory_space<vmem>> -> memref<1x80xi32, #tpu.memory_space<vmem>>
          %dma_wait3A_529 = tpu.memref_squeeze %dma_wait3A_528 : memref<1x80xi32, #tpu.memory_space<vmem>> -> memref<80xi32, #tpu.memory_space<vmem>>
          %dma_wait3A_530 = arith.constant 0 : i32
          %dma_wait3A_531 = tpu.memref_slice %arg17[%dma_wait3A_530] : memref<10000xf32, #tpu.memory_space<vmem_shared>> -> memref<10000xf32, #tpu.memory_space<vmem_shared>>
          tpu.wait_indirect_dma semaphore(%run_scoped3A_518 : memref<!tpu.dma_semaphore, #tpu.memory_space<semaphore_mem>>) src(%dma_wait3A_526 : memref<80xf32, #tpu.memory_space<vmem>>) dst(%dma_wait3A_531 : memref<10000xf32, #tpu.memory_space<vmem_shared>>)
          tpu.yield
        }) : () -> ()
        %scan3A_517 = arith.constant 0 : i32
        scf.yield %scan3A_517 : i32
      }
      %scan3A_495 = arith.constant 5 : i32
    } else {
    }
    %eq3A_465 = arith.constant 1 : i32
    %eq3A_466 = arith.cmpi eq, %arg0, %eq3A_465 : i32
    %convert_element_type3A_467 = arith.extui %eq3A_466 : i1 to i32
    %cond3A_468 = arith.constant 0 : i32
    %cond3A_469 = arith.cmpi ne, %convert_element_type3A_467, %cond3A_468 : i32
    scf.if %cond3A_469 {
      %scan3A_489 = arith.constant 0 : i32
      %scan3A_490 = arith.constant 0 : i32
      %scan3A_491 = arith.constant 5 : i32
      %scan3A_492 = arith.addi %scan3A_490, %scan3A_491 : i32
      %scan3A_493 = arith.constant 1 : i32
      %scan3A_494 = scf.for %scan3A_496 = %scan3A_490 to %scan3A_492 step %scan3A_493 iter_args(%scan3A_497 = %scan3A_489) -> (i32)  : i32 {
        %gt3A = arith.constant 0 : i32
        %gt3A_498 = arith.cmpi sgt, %scan3A_496, %gt3A : i32
        %convert_element_type3A_499 = arith.extui %gt3A_498 : i1 to i32
        %cond3A_500 = arith.constant 0 : i32
        %cond3A_501 = arith.cmpi ne, %convert_element_type3A_499, %cond3A_500 : i32
        scf.if %cond3A_501 {
          "tpu.region"() ({
            %run_scoped3A_537 = tpu.sem_alloc : memref<!tpu.dma_semaphore, #tpu.memory_space<semaphore_mem>>
            %dma_start3A_538 = arith.constant 0 : i32
            %dma_start3A_539 = arith.constant 0 : i32
            %dma_start3A_540 = arith.constant 0 : i32
            %dma_start3A_541 = tpu.memref_slice %arg4[%arg1, %dma_start3A_538, %dma_start3A_539, %dma_start3A_540] : memref<16x5x25x80xi32, #tpu.memory_space<hbm>> -> memref<1x5x25x80xi32, #tpu.memory_space<hbm>>
            %dma_start3A_542 = tpu.memref_squeeze %dma_start3A_541 : memref<1x5x25x80xi32, #tpu.memory_space<hbm>> -> memref<5x25x80xi32, #tpu.memory_space<hbm>>
            %dma_start3A_543 = arith.constant 0 : i32
            %dma_start3A_544 = arith.constant 0 : i32
            %dma_start3A_545 = tpu.memref_slice %dma_start3A_542[%scan3A_496, %dma_start3A_543, %dma_start3A_544] : memref<5x25x80xi32, #tpu.memory_space<hbm>> -> memref<1x25x80xi32, #tpu.memory_space<hbm>>
            %dma_start3A_546 = tpu.memref_squeeze %dma_start3A_545 : memref<1x25x80xi32, #tpu.memory_space<hbm>> -> memref<25x80xi32, #tpu.memory_space<hbm>>
            %dma_start3A_547 = arith.constant 0 : i32
            %dma_start3A_548 = arith.constant 0 : i32
            %dma_start3A_549 = arith.constant 0 : i32
            %dma_start3A_550 = tpu.memref_slice %arg4[%arg1, %dma_start3A_547, %dma_start3A_548, %dma_start3A_549] : memref<16x5x25x80xi32, #tpu.memory_space<hbm>> -> memref<1x5x25x80xi32, #tpu.memory_space<hbm>>
            %dma_start3A_551 = tpu.memref_squeeze %dma_start3A_550 : memref<1x5x25x80xi32, #tpu.memory_space<hbm>> -> memref<5x25x80xi32, #tpu.memory_space<hbm>>
            %dma_start3A_552 = arith.constant 0 : i32
            %dma_start3A_553 = arith.constant 0 : i32
            %dma_start3A_554 = tpu.memref_slice %dma_start3A_551[%scan3A_496, %dma_start3A_552, %dma_start3A_553] : memref<5x25x80xi32, #tpu.memory_space<hbm>> -> memref<1x25x80xi32, #tpu.memory_space<hbm>>
            %dma_start3A_555 = tpu.memref_squeeze %dma_start3A_554 : memref<1x25x80xi32, #tpu.memory_space<hbm>> -> memref<25x80xi32, #tpu.memory_space<hbm>>
            tpu.enqueue_dma source(%dma_start3A_555 : memref<25x80xi32, #tpu.memory_space<hbm>>) target(%arg9 : memref<25x80xi32, #tpu.memory_space<vmem>>) target_semaphore(%run_scoped3A_537 : memref<!tpu.dma_semaphore, #tpu.memory_space<semaphore_mem>>)
            %dma_wait3A_556 = arith.constant 0 : i32
            %dma_wait3A_557 = arith.constant 0 : i32
            %dma_wait3A_558 = arith.constant 0 : i32
            %dma_wait3A_559 = tpu.memref_slice %arg4[%arg1, %dma_wait3A_556, %dma_wait3A_557, %dma_wait3A_558] : memref<16x5x25x80xi32, #tpu.memory_space<hbm>> -> memref<1x5x25x80xi32, #tpu.memory_space<hbm>>
            %dma_wait3A_560 = tpu.memref_squeeze %dma_wait3A_559 : memref<1x5x25x80xi32, #tpu.memory_space<hbm>> -> memref<5x25x80xi32, #tpu.memory_space<hbm>>
            %dma_wait3A_561 = arith.constant 0 : i32
            %dma_wait3A_562 = arith.constant 0 : i32
            %dma_wait3A_563 = tpu.memref_slice %dma_wait3A_560[%scan3A_496, %dma_wait3A_561, %dma_wait3A_562] : memref<5x25x80xi32, #tpu.memory_space<hbm>> -> memref<1x25x80xi32, #tpu.memory_space<hbm>>
            %dma_wait3A_564 = tpu.memref_squeeze %dma_wait3A_563 : memref<1x25x80xi32, #tpu.memory_space<hbm>> -> memref<25x80xi32, #tpu.memory_space<hbm>>
            %dma_wait3A_565 = arith.constant 0 : i32
            %dma_wait3A_566 = arith.constant 0 : i32
            %dma_wait3A_567 = arith.constant 0 : i32
            %dma_wait3A_568 = tpu.memref_slice %arg4[%arg1, %dma_wait3A_565, %dma_wait3A_566, %dma_wait3A_567] : memref<16x5x25x80xi32, #tpu.memory_space<hbm>> -> memref<1x5x25x80xi32, #tpu.memory_space<hbm>>
            %dma_wait3A_569 = tpu.memref_squeeze %dma_wait3A_568 : memref<1x5x25x80xi32, #tpu.memory_space<hbm>> -> memref<5x25x80xi32, #tpu.memory_space<hbm>>
            %dma_wait3A_570 = arith.constant 0 : i32
            %dma_wait3A_571 = arith.constant 0 : i32
            %dma_wait3A_572 = tpu.memref_slice %dma_wait3A_569[%scan3A_496, %dma_wait3A_570, %dma_wait3A_571] : memref<5x25x80xi32, #tpu.memory_space<hbm>> -> memref<1x25x80xi32, #tpu.memory_space<hbm>>
            %dma_wait3A_573 = tpu.memref_squeeze %dma_wait3A_572 : memref<1x25x80xi32, #tpu.memory_space<hbm>> -> memref<25x80xi32, #tpu.memory_space<hbm>>
            tpu.wait_dma2 semaphore(%run_scoped3A_537 : memref<!tpu.dma_semaphore, #tpu.memory_space<semaphore_mem>>) src(%dma_wait3A_573 : memref<25x80xi32, #tpu.memory_space<hbm>>) dst(%arg9 : memref<25x80xi32, #tpu.memory_space<vmem>>)
            tpu.yield
          }) : () -> ()
          "tpu.region"() ({
            %run_scoped3A_537 = tpu.sem_alloc : memref<!tpu.dma_semaphore, #tpu.memory_space<semaphore_mem>>
            %dma_start3A_538 = arith.constant 0 : i32
            %dma_start3A_539 = arith.constant 0 : i32
            %dma_start3A_540 = arith.constant 0 : i32
            %dma_start3A_541 = tpu.memref_slice %arg5[%arg1, %dma_start3A_538, %dma_start3A_539, %dma_start3A_540] : memref<16x5x25x80xi32, #tpu.memory_space<hbm>> -> memref<1x5x25x80xi32, #tpu.memory_space<hbm>>
            %dma_start3A_542 = tpu.memref_squeeze %dma_start3A_541 : memref<1x5x25x80xi32, #tpu.memory_space<hbm>> -> memref<5x25x80xi32, #tpu.memory_space<hbm>>
            %dma_start3A_543 = arith.constant 0 : i32
            %dma_start3A_544 = arith.constant 0 : i32
            %dma_start3A_545 = tpu.memref_slice %dma_start3A_542[%scan3A_496, %dma_start3A_543, %dma_start3A_544] : memref<5x25x80xi32, #tpu.memory_space<hbm>> -> memref<1x25x80xi32, #tpu.memory_space<hbm>>
            %dma_start3A_546 = tpu.memref_squeeze %dma_start3A_545 : memref<1x25x80xi32, #tpu.memory_space<hbm>> -> memref<25x80xi32, #tpu.memory_space<hbm>>
            %dma_start3A_547 = arith.constant 0 : i32
            %dma_start3A_548 = arith.constant 0 : i32
            %dma_start3A_549 = arith.constant 0 : i32
            %dma_start3A_550 = tpu.memref_slice %arg5[%arg1, %dma_start3A_547, %dma_start3A_548, %dma_start3A_549] : memref<16x5x25x80xi32, #tpu.memory_space<hbm>> -> memref<1x5x25x80xi32, #tpu.memory_space<hbm>>
            %dma_start3A_551 = tpu.memref_squeeze %dma_start3A_550 : memref<1x5x25x80xi32, #tpu.memory_space<hbm>> -> memref<5x25x80xi32, #tpu.memory_space<hbm>>
            %dma_start3A_552 = arith.constant 0 : i32
            %dma_start3A_553 = arith.constant 0 : i32
            %dma_start3A_554 = tpu.memref_slice %dma_start3A_551[%scan3A_496, %dma_start3A_552, %dma_start3A_553] : memref<5x25x80xi32, #tpu.memory_space<hbm>> -> memref<1x25x80xi32, #tpu.memory_space<hbm>>
            %dma_start3A_555 = tpu.memref_squeeze %dma_start3A_554 : memref<1x25x80xi32, #tpu.memory_space<hbm>> -> memref<25x80xi32, #tpu.memory_space<hbm>>
            tpu.enqueue_dma source(%dma_start3A_555 : memref<25x80xi32, #tpu.memory_space<hbm>>) target(%arg10 : memref<25x80xi32, #tpu.memory_space<vmem>>) target_semaphore(%run_scoped3A_537 : memref<!tpu.dma_semaphore, #tpu.memory_space<semaphore_mem>>)
            %dma_wait3A_556 = arith.constant 0 : i32
            %dma_wait3A_557 = arith.constant 0 : i32
            %dma_wait3A_558 = arith.constant 0 : i32
            %dma_wait3A_559 = tpu.memref_slice %arg5[%arg1, %dma_wait3A_556, %dma_wait3A_557, %dma_wait3A_558] : memref<16x5x25x80xi32, #tpu.memory_space<hbm>> -> memref<1x5x25x80xi32, #tpu.memory_space<hbm>>
            %dma_wait3A_560 = tpu.memref_squeeze %dma_wait3A_559 : memref<1x5x25x80xi32, #tpu.memory_space<hbm>> -> memref<5x25x80xi32, #tpu.memory_space<hbm>>
            %dma_wait3A_561 = arith.constant 0 : i32
            %dma_wait3A_562 = arith.constant 0 : i32
            %dma_wait3A_563 = tpu.memref_slice %dma_wait3A_560[%scan3A_496, %dma_wait3A_561, %dma_wait3A_562] : memref<5x25x80xi32, #tpu.memory_space<hbm>> -> memref<1x25x80xi32, #tpu.memory_space<hbm>>
            %dma_wait3A_564 = tpu.memref_squeeze %dma_wait3A_563 : memref<1x25x80xi32, #tpu.memory_space<hbm>> -> memref<25x80xi32, #tpu.memory_space<hbm>>
            %dma_wait3A_565 = arith.constant 0 : i32
            %dma_wait3A_566 = arith.constant 0 : i32
            %dma_wait3A_567 = arith.constant 0 : i32
            %dma_wait3A_568 = tpu.memref_slice %arg5[%arg1, %dma_wait3A_565, %dma_wait3A_566, %dma_wait3A_567] : memref<16x5x25x80xi32, #tpu.memory_space<hbm>> -> memref<1x5x25x80xi32, #tpu.memory_space<hbm>>
            %dma_wait3A_569 = tpu.memref_squeeze %dma_wait3A_568 : memref<1x5x25x80xi32, #tpu.memory_space<hbm>> -> memref<5x25x80xi32, #tpu.memory_space<hbm>>
            %dma_wait3A_570 = arith.constant 0 : i32
            %dma_wait3A_571 = arith.constant 0 : i32
            %dma_wait3A_572 = tpu.memref_slice %dma_wait3A_569[%scan3A_496, %dma_wait3A_570, %dma_wait3A_571] : memref<5x25x80xi32, #tpu.memory_space<hbm>> -> memref<1x25x80xi32, #tpu.memory_space<hbm>>
            %dma_wait3A_573 = tpu.memref_squeeze %dma_wait3A_572 : memref<1x25x80xi32, #tpu.memory_space<hbm>> -> memref<25x80xi32, #tpu.memory_space<hbm>>
            tpu.wait_dma2 semaphore(%run_scoped3A_537 : memref<!tpu.dma_semaphore, #tpu.memory_space<semaphore_mem>>) src(%dma_wait3A_573 : memref<25x80xi32, #tpu.memory_space<hbm>>) dst(%arg10 : memref<25x80xi32, #tpu.memory_space<vmem>>)
            tpu.yield
          }) : () -> ()
          %dma_start3A = arith.constant 0 : i32
          %dma_start3A_517 = arith.constant 0 : i32
          %dma_start3A_518 = tpu.memref_slice %arg9[%dma_start3A, %dma_start3A_517] : memref<25x80xi32, #tpu.memory_space<vmem>> -> memref<1x80xi32, #tpu.memory_space<vmem>>
          %dma_start3A_519 = tpu.memref_squeeze %dma_start3A_518 : memref<1x80xi32, #tpu.memory_space<vmem>> -> memref<80xi32, #tpu.memory_space<vmem>>
          %dma_start3A_520 = arith.constant 0 : i32
          %dma_start3A_521 = arith.constant 0 : i32
          %dma_start3A_522 = tpu.memref_slice %arg3[%dma_start3A_520, %dma_start3A_521] : memref<10000x128xf32, #tpu.memory_space<hbm>> -> memref<10000x128xf32, #tpu.memory_space<hbm>>
          tpu.enqueue_indirect_dma source(%dma_start3A_522 : memref<10000x128xf32, #tpu.memory_space<hbm>>) target(%arg11 : memref<80x128xf32, #tpu.memory_space<vmem>>) offsets(%dma_start3A_519 : memref<80xi32, #tpu.memory_space<vmem>>) semaphore(%arg18 : memref<!tpu.dma_semaphore, #tpu.memory_space<semaphore_mem>>)
          %dma_start3A_523 = arith.constant 1 : i32
          %dma_start3A_524 = arith.constant 0 : i32
          %dma_start3A_525 = tpu.memref_slice %arg9[%dma_start3A_523, %dma_start3A_524] : memref<25x80xi32, #tpu.memory_space<vmem>> -> memref<1x80xi32, #tpu.memory_space<vmem>>
          %dma_start3A_526 = tpu.memref_squeeze %dma_start3A_525 : memref<1x80xi32, #tpu.memory_space<vmem>> -> memref<80xi32, #tpu.memory_space<vmem>>
          %dma_start3A_527 = arith.constant 0 : i32
          %dma_start3A_528 = arith.constant 0 : i32
          %dma_start3A_529 = tpu.memref_slice %arg3[%dma_start3A_527, %dma_start3A_528] : memref<10000x128xf32, #tpu.memory_space<hbm>> -> memref<10000x128xf32, #tpu.memory_space<hbm>>
          tpu.enqueue_indirect_dma source(%dma_start3A_529 : memref<10000x128xf32, #tpu.memory_space<hbm>>) target(%arg12 : memref<80x128xf32, #tpu.memory_space<vmem>>) offsets(%dma_start3A_526 : memref<80xi32, #tpu.memory_space<vmem>>) semaphore(%arg19 : memref<!tpu.dma_semaphore, #tpu.memory_space<semaphore_mem>>)
          %dma_start3A_530 = arith.constant 2 : i32
          %dma_start3A_531 = arith.constant 0 : i32
          %dma_start3A_532 = tpu.memref_slice %arg9[%dma_start3A_530, %dma_start3A_531] : memref<25x80xi32, #tpu.memory_space<vmem>> -> memref<1x80xi32, #tpu.memory_space<vmem>>
          %dma_start3A_533 = tpu.memref_squeeze %dma_start3A_532 : memref<1x80xi32, #tpu.memory_space<vmem>> -> memref<80xi32, #tpu.memory_space<vmem>>
          %dma_start3A_534 = arith.constant 0 : i32
          %dma_start3A_535 = arith.constant 0 : i32
          %dma_start3A_536 = tpu.memref_slice %arg3[%dma_start3A_534, %dma_start3A_535] : memref<10000x128xf32, #tpu.memory_space<hbm>> -> memref<10000x128xf32, #tpu.memory_space<hbm>>
          tpu.enqueue_indirect_dma source(%dma_start3A_536 : memref<10000x128xf32, #tpu.memory_space<hbm>>) target(%arg13 : memref<80x128xf32, #tpu.memory_space<vmem>>) offsets(%dma_start3A_533 : memref<80xi32, #tpu.memory_space<vmem>>) semaphore(%arg20 : memref<!tpu.dma_semaphore, #tpu.memory_space<semaphore_mem>>)
        } else {
        }
        %scan3A_502 = arith.constant 0 : i32
        %scan3A_503 = arith.constant 0 : i32
        %scan3A_504 = arith.constant 8 : i32
        %scan3A_505 = arith.addi %scan3A_503, %scan3A_504 : i32
        %scan3A_506 = arith.constant 1 : i32
        %scan3A_507 = scf.for %scan3A_517 = %scan3A_503 to %scan3A_505 step %scan3A_506 iter_args(%scan3A_518 = %scan3A_502) -> (i32)  : i32 {
          %mul3A_519 = arith.constant 3 : i32
          %mul3A_520 = arith.muli %mul3A_519, %scan3A_517 : i32
          %add3A = arith.constant 0 : i32
          %add3A_521 = arith.addi %mul3A_520, %add3A : i32
          %dma_wait3A_522 = arith.constant 0 : i32
          %dma_wait3A_523 = tpu.memref_slice %arg9[%add3A_521, %dma_wait3A_522] : memref<25x80xi32, #tpu.memory_space<vmem>> -> memref<1x80xi32, #tpu.memory_space<vmem>>
          %dma_wait3A_524 = tpu.memref_squeeze %dma_wait3A_523 : memref<1x80xi32, #tpu.memory_space<vmem>> -> memref<80xi32, #tpu.memory_space<vmem>>
          %dma_wait3A_525 = arith.constant 0 : i32
          %dma_wait3A_526 = arith.constant 0 : i32
          %dma_wait3A_527 = tpu.memref_slice %arg3[%dma_wait3A_525, %dma_wait3A_526] : memref<10000x128xf32, #tpu.memory_space<hbm>> -> memref<10000x128xf32, #tpu.memory_space<hbm>>
          tpu.wait_indirect_dma semaphore(%arg18 : memref<!tpu.dma_semaphore, #tpu.memory_space<semaphore_mem>>) src(%dma_wait3A_527 : memref<10000x128xf32, #tpu.memory_space<hbm>>) dst(%arg11 : memref<80x128xf32, #tpu.memory_space<vmem>>)
          "tpu.region"() ({
            %run_scoped3A_570 = tpu.sem_alloc : memref<!tpu.dma_semaphore, #tpu.memory_space<semaphore_mem>>
            %dma_start3A = arith.constant 0 : i32
            %dma_start3A_571 = tpu.memref_slice %arg10[%add3A_521, %dma_start3A] : memref<25x80xi32, #tpu.memory_space<vmem>> -> memref<1x80xi32, #tpu.memory_space<vmem>>
            %dma_start3A_572 = tpu.memref_squeeze %dma_start3A_571 : memref<1x80xi32, #tpu.memory_space<vmem>> -> memref<80xi32, #tpu.memory_space<vmem>>
            %dma_start3A_573 = arith.constant 0 : i32
            %dma_start3A_574 = arith.constant 0 : i32
            %dma_start3A_575 = tpu.memref_slice %arg16[%dma_start3A_573, %dma_start3A_574] : memref<10000x128xf32, #tpu.memory_space<vmem_shared>> -> memref<10000x128xf32, #tpu.memory_space<vmem_shared>>
            tpu.enqueue_indirect_dma source(%arg11 : memref<80x128xf32, #tpu.memory_space<vmem>>) target(%dma_start3A_575 : memref<10000x128xf32, #tpu.memory_space<vmem_shared>>) offsets(%dma_start3A_572 : memref<80xi32, #tpu.memory_space<vmem>>) semaphore(%run_scoped3A_570 : memref<!tpu.dma_semaphore, #tpu.memory_space<semaphore_mem>>) {add = true}
            %dma_wait3A_576 = arith.constant 0 : i32
            %dma_wait3A_577 = tpu.memref_slice %arg10[%add3A_521, %dma_wait3A_576] : memref<25x80xi32, #tpu.memory_space<vmem>> -> memref<1x80xi32, #tpu.memory_space<vmem>>
            %dma_wait3A_578 = tpu.memref_squeeze %dma_wait3A_577 : memref<1x80xi32, #tpu.memory_space<vmem>> -> memref<80xi32, #tpu.memory_space<vmem>>
            %dma_wait3A_579 = arith.constant 0 : i32
            %dma_wait3A_580 = arith.constant 0 : i32
            %dma_wait3A_581 = tpu.memref_slice %arg16[%dma_wait3A_579, %dma_wait3A_580] : memref<10000x128xf32, #tpu.memory_space<vmem_shared>> -> memref<10000x128xf32, #tpu.memory_space<vmem_shared>>
            tpu.wait_indirect_dma semaphore(%run_scoped3A_570 : memref<!tpu.dma_semaphore, #tpu.memory_space<semaphore_mem>>) src(%arg11 : memref<80x128xf32, #tpu.memory_space<vmem>>) dst(%dma_wait3A_581 : memref<10000x128xf32, #tpu.memory_space<vmem_shared>>)
            tpu.yield
          }) : () -> ()
          %add3A_528 = arith.constant 3 : i32
          %add3A_529 = arith.addi %add3A_521, %add3A_528 : i32
          %lt3A_530 = arith.constant 25 : i32
          %lt3A_531 = arith.cmpi slt, %add3A_529, %lt3A_530 : i32
          %convert_element_type3A_532 = arith.extui %lt3A_531 : i1 to i32
          %cond3A_533 = arith.constant 0 : i32
          %cond3A_534 = arith.cmpi ne, %convert_element_type3A_532, %cond3A_533 : i32
          scf.if %cond3A_534 {
            %add3A_570 = arith.constant 3 : i32
            %add3A_571 = arith.addi %add3A_521, %add3A_570 : i32
            %dma_start3A = arith.constant 0 : i32
            %dma_start3A_572 = tpu.memref_slice %arg9[%add3A_571, %dma_start3A] : memref<25x80xi32, #tpu.memory_space<vmem>> -> memref<1x80xi32, #tpu.memory_space<vmem>>
            %dma_start3A_573 = tpu.memref_squeeze %dma_start3A_572 : memref<1x80xi32, #tpu.memory_space<vmem>> -> memref<80xi32, #tpu.memory_space<vmem>>
            %dma_start3A_574 = arith.constant 0 : i32
            %dma_start3A_575 = arith.constant 0 : i32
            %dma_start3A_576 = tpu.memref_slice %arg3[%dma_start3A_574, %dma_start3A_575] : memref<10000x128xf32, #tpu.memory_space<hbm>> -> memref<10000x128xf32, #tpu.memory_space<hbm>>
            tpu.enqueue_indirect_dma source(%dma_start3A_576 : memref<10000x128xf32, #tpu.memory_space<hbm>>) target(%arg11 : memref<80x128xf32, #tpu.memory_space<vmem>>) offsets(%dma_start3A_573 : memref<80xi32, #tpu.memory_space<vmem>>) semaphore(%arg18 : memref<!tpu.dma_semaphore, #tpu.memory_space<semaphore_mem>>)
          } else {
          }
          %mul3A_535 = arith.constant 3 : i32
          %mul3A_536 = arith.muli %mul3A_535, %scan3A_517 : i32
          %add3A_537 = arith.constant 1 : i32
          %add3A_538 = arith.addi %mul3A_536, %add3A_537 : i32
          %dma_wait3A_539 = arith.constant 0 : i32
          %dma_wait3A_540 = tpu.memref_slice %arg9[%add3A_538, %dma_wait3A_539] : memref<25x80xi32, #tpu.memory_space<vmem>> -> memref<1x80xi32, #tpu.memory_space<vmem>>
          %dma_wait3A_541 = tpu.memref_squeeze %dma_wait3A_540 : memref<1x80xi32, #tpu.memory_space<vmem>> -> memref<80xi32, #tpu.memory_space<vmem>>
          %dma_wait3A_542 = arith.constant 0 : i32
          %dma_wait3A_543 = arith.constant 0 : i32
          %dma_wait3A_544 = tpu.memref_slice %arg3[%dma_wait3A_542, %dma_wait3A_543] : memref<10000x128xf32, #tpu.memory_space<hbm>> -> memref<10000x128xf32, #tpu.memory_space<hbm>>
          tpu.wait_indirect_dma semaphore(%arg19 : memref<!tpu.dma_semaphore, #tpu.memory_space<semaphore_mem>>) src(%dma_wait3A_544 : memref<10000x128xf32, #tpu.memory_space<hbm>>) dst(%arg12 : memref<80x128xf32, #tpu.memory_space<vmem>>)
          "tpu.region"() ({
            %run_scoped3A_570 = tpu.sem_alloc : memref<!tpu.dma_semaphore, #tpu.memory_space<semaphore_mem>>
            %dma_start3A = arith.constant 0 : i32
            %dma_start3A_571 = tpu.memref_slice %arg10[%add3A_538, %dma_start3A] : memref<25x80xi32, #tpu.memory_space<vmem>> -> memref<1x80xi32, #tpu.memory_space<vmem>>
            %dma_start3A_572 = tpu.memref_squeeze %dma_start3A_571 : memref<1x80xi32, #tpu.memory_space<vmem>> -> memref<80xi32, #tpu.memory_space<vmem>>
            %dma_start3A_573 = arith.constant 0 : i32
            %dma_start3A_574 = arith.constant 0 : i32
            %dma_start3A_575 = tpu.memref_slice %arg16[%dma_start3A_573, %dma_start3A_574] : memref<10000x128xf32, #tpu.memory_space<vmem_shared>> -> memref<10000x128xf32, #tpu.memory_space<vmem_shared>>
            tpu.enqueue_indirect_dma source(%arg12 : memref<80x128xf32, #tpu.memory_space<vmem>>) target(%dma_start3A_575 : memref<10000x128xf32, #tpu.memory_space<vmem_shared>>) offsets(%dma_start3A_572 : memref<80xi32, #tpu.memory_space<vmem>>) semaphore(%run_scoped3A_570 : memref<!tpu.dma_semaphore, #tpu.memory_space<semaphore_mem>>) {add = true}
            %dma_wait3A_576 = arith.constant 0 : i32
            %dma_wait3A_577 = tpu.memref_slice %arg10[%add3A_538, %dma_wait3A_576] : memref<25x80xi32, #tpu.memory_space<vmem>> -> memref<1x80xi32, #tpu.memory_space<vmem>>
            %dma_wait3A_578 = tpu.memref_squeeze %dma_wait3A_577 : memref<1x80xi32, #tpu.memory_space<vmem>> -> memref<80xi32, #tpu.memory_space<vmem>>
            %dma_wait3A_579 = arith.constant 0 : i32
            %dma_wait3A_580 = arith.constant 0 : i32
            %dma_wait3A_581 = tpu.memref_slice %arg16[%dma_wait3A_579, %dma_wait3A_580] : memref<10000x128xf32, #tpu.memory_space<vmem_shared>> -> memref<10000x128xf32, #tpu.memory_space<vmem_shared>>
            tpu.wait_indirect_dma semaphore(%run_scoped3A_570 : memref<!tpu.dma_semaphore, #tpu.memory_space<semaphore_mem>>) src(%arg12 : memref<80x128xf32, #tpu.memory_space<vmem>>) dst(%dma_wait3A_581 : memref<10000x128xf32, #tpu.memory_space<vmem_shared>>)
            tpu.yield
          }) : () -> ()
          %add3A_545 = arith.constant 3 : i32
          %add3A_546 = arith.addi %add3A_538, %add3A_545 : i32
          %lt3A_547 = arith.constant 25 : i32
          %lt3A_548 = arith.cmpi slt, %add3A_546, %lt3A_547 : i32
          %convert_element_type3A_549 = arith.extui %lt3A_548 : i1 to i32
          %cond3A_550 = arith.constant 0 : i32
          %cond3A_551 = arith.cmpi ne, %convert_element_type3A_549, %cond3A_550 : i32
          scf.if %cond3A_551 {
            %add3A_570 = arith.constant 3 : i32
            %add3A_571 = arith.addi %add3A_538, %add3A_570 : i32
            %dma_start3A = arith.constant 0 : i32
            %dma_start3A_572 = tpu.memref_slice %arg9[%add3A_571, %dma_start3A] : memref<25x80xi32, #tpu.memory_space<vmem>> -> memref<1x80xi32, #tpu.memory_space<vmem>>
            %dma_start3A_573 = tpu.memref_squeeze %dma_start3A_572 : memref<1x80xi32, #tpu.memory_space<vmem>> -> memref<80xi32, #tpu.memory_space<vmem>>
            %dma_start3A_574 = arith.constant 0 : i32
            %dma_start3A_575 = arith.constant 0 : i32
            %dma_start3A_576 = tpu.memref_slice %arg3[%dma_start3A_574, %dma_start3A_575] : memref<10000x128xf32, #tpu.memory_space<hbm>> -> memref<10000x128xf32, #tpu.memory_space<hbm>>
            tpu.enqueue_indirect_dma source(%dma_start3A_576 : memref<10000x128xf32, #tpu.memory_space<hbm>>) target(%arg12 : memref<80x128xf32, #tpu.memory_space<vmem>>) offsets(%dma_start3A_573 : memref<80xi32, #tpu.memory_space<vmem>>) semaphore(%arg19 : memref<!tpu.dma_semaphore, #tpu.memory_space<semaphore_mem>>)
          } else {
          }
          %mul3A_552 = arith.constant 3 : i32
          %mul3A_553 = arith.muli %mul3A_552, %scan3A_517 : i32
          %add3A_554 = arith.constant 2 : i32
          %add3A_555 = arith.addi %mul3A_553, %add3A_554 : i32
          %dma_wait3A_556 = arith.constant 0 : i32
          %dma_wait3A_557 = tpu.memref_slice %arg9[%add3A_555, %dma_wait3A_556] : memref<25x80xi32, #tpu.memory_space<vmem>> -> memref<1x80xi32, #tpu.memory_space<vmem>>
          %dma_wait3A_558 = tpu.memref_squeeze %dma_wait3A_557 : memref<1x80xi32, #tpu.memory_space<vmem>> -> memref<80xi32, #tpu.memory_space<vmem>>
          %dma_wait3A_559 = arith.constant 0 : i32
          %dma_wait3A_560 = arith.constant 0 : i32
          %dma_wait3A_561 = tpu.memref_slice %arg3[%dma_wait3A_559, %dma_wait3A_560] : memref<10000x128xf32, #tpu.memory_space<hbm>> -> memref<10000x128xf32, #tpu.memory_space<hbm>>
          tpu.wait_indirect_dma semaphore(%arg20 : memref<!tpu.dma_semaphore, #tpu.memory_space<semaphore_mem>>) src(%dma_wait3A_561 : memref<10000x128xf32, #tpu.memory_space<hbm>>) dst(%arg13 : memref<80x128xf32, #tpu.memory_space<vmem>>)
          "tpu.region"() ({
            %run_scoped3A_570 = tpu.sem_alloc : memref<!tpu.dma_semaphore, #tpu.memory_space<semaphore_mem>>
            %dma_start3A = arith.constant 0 : i32
            %dma_start3A_571 = tpu.memref_slice %arg10[%add3A_555, %dma_start3A] : memref<25x80xi32, #tpu.memory_space<vmem>> -> memref<1x80xi32, #tpu.memory_space<vmem>>
            %dma_start3A_572 = tpu.memref_squeeze %dma_start3A_571 : memref<1x80xi32, #tpu.memory_space<vmem>> -> memref<80xi32, #tpu.memory_space<vmem>>
            %dma_start3A_573 = arith.constant 0 : i32
            %dma_start3A_574 = arith.constant 0 : i32
            %dma_start3A_575 = tpu.memref_slice %arg16[%dma_start3A_573, %dma_start3A_574] : memref<10000x128xf32, #tpu.memory_space<vmem_shared>> -> memref<10000x128xf32, #tpu.memory_space<vmem_shared>>
            tpu.enqueue_indirect_dma source(%arg13 : memref<80x128xf32, #tpu.memory_space<vmem>>) target(%dma_start3A_575 : memref<10000x128xf32, #tpu.memory_space<vmem_shared>>) offsets(%dma_start3A_572 : memref<80xi32, #tpu.memory_space<vmem>>) semaphore(%run_scoped3A_570 : memref<!tpu.dma_semaphore, #tpu.memory_space<semaphore_mem>>) {add = true}
            %dma_wait3A_576 = arith.constant 0 : i32
            %dma_wait3A_577 = tpu.memref_slice %arg10[%add3A_555, %dma_wait3A_576] : memref<25x80xi32, #tpu.memory_space<vmem>> -> memref<1x80xi32, #tpu.memory_space<vmem>>
            %dma_wait3A_578 = tpu.memref_squeeze %dma_wait3A_577 : memref<1x80xi32, #tpu.memory_space<vmem>> -> memref<80xi32, #tpu.memory_space<vmem>>
            %dma_wait3A_579 = arith.constant 0 : i32
            %dma_wait3A_580 = arith.constant 0 : i32
            %dma_wait3A_581 = tpu.memref_slice %arg16[%dma_wait3A_579, %dma_wait3A_580] : memref<10000x128xf32, #tpu.memory_space<vmem_shared>> -> memref<10000x128xf32, #tpu.memory_space<vmem_shared>>
            tpu.wait_indirect_dma semaphore(%run_scoped3A_570 : memref<!tpu.dma_semaphore, #tpu.memory_space<semaphore_mem>>) src(%arg13 : memref<80x128xf32, #tpu.memory_space<vmem>>) dst(%dma_wait3A_581 : memref<10000x128xf32, #tpu.memory_space<vmem_shared>>)
            tpu.yield
          }) : () -> ()
          %add3A_562 = arith.constant 3 : i32
          %add3A_563 = arith.addi %add3A_555, %add3A_562 : i32
          %lt3A_564 = arith.constant 25 : i32
          %lt3A_565 = arith.cmpi slt, %add3A_563, %lt3A_564 : i32
          %convert_element_type3A_566 = arith.extui %lt3A_565 : i1 to i32
          %cond3A_567 = arith.constant 0 : i32
          %cond3A_568 = arith.cmpi ne, %convert_element_type3A_566, %cond3A_567 : i32
          scf.if %cond3A_568 {
            %add3A_570 = arith.constant 3 : i32
            %add3A_571 = arith.addi %add3A_555, %add3A_570 : i32
            %dma_start3A = arith.constant 0 : i32
            %dma_start3A_572 = tpu.memref_slice %arg9[%add3A_571, %dma_start3A] : memref<25x80xi32, #tpu.memory_space<vmem>> -> memref<1x80xi32, #tpu.memory_space<vmem>>
            %dma_start3A_573 = tpu.memref_squeeze %dma_start3A_572 : memref<1x80xi32, #tpu.memory_space<vmem>> -> memref<80xi32, #tpu.memory_space<vmem>>
            %dma_start3A_574 = arith.constant 0 : i32
            %dma_start3A_575 = arith.constant 0 : i32
            %dma_start3A_576 = tpu.memref_slice %arg3[%dma_start3A_574, %dma_start3A_575] : memref<10000x128xf32, #tpu.memory_space<hbm>> -> memref<10000x128xf32, #tpu.memory_space<hbm>>
            tpu.enqueue_indirect_dma source(%dma_start3A_576 : memref<10000x128xf32, #tpu.memory_space<hbm>>) target(%arg13 : memref<80x128xf32, #tpu.memory_space<vmem>>) offsets(%dma_start3A_573 : memref<80xi32, #tpu.memory_space<vmem>>) semaphore(%arg20 : memref<!tpu.dma_semaphore, #tpu.memory_space<semaphore_mem>>)
          } else {
          }
          %scan3A_569 = arith.constant 0 : i32
          scf.yield %scan3A_569 : i32
        }
        %scan3A_508 = arith.constant 8 : i32
        %dma_wait3A = arith.constant 24 : i32
        %dma_wait3A_509 = arith.constant 0 : i32
        %dma_wait3A_510 = tpu.memref_slice %arg9[%dma_wait3A, %dma_wait3A_509] : memref<25x80xi32, #tpu.memory_space<vmem>> -> memref<1x80xi32, #tpu.memory_space<vmem>>
        %dma_wait3A_511 = tpu.memref_squeeze %dma_wait3A_510 : memref<1x80xi32, #tpu.memory_space<vmem>> -> memref<80xi32, #tpu.memory_space<vmem>>
        %dma_wait3A_512 = arith.constant 0 : i32
        %dma_wait3A_513 = arith.constant 0 : i32
        %dma_wait3A_514 = tpu.memref_slice %arg3[%dma_wait3A_512, %dma_wait3A_513] : memref<10000x128xf32, #tpu.memory_space<hbm>> -> memref<10000x128xf32, #tpu.memory_space<hbm>>
        tpu.wait_indirect_dma semaphore(%arg18 : memref<!tpu.dma_semaphore, #tpu.memory_space<semaphore_mem>>) src(%dma_wait3A_514 : memref<10000x128xf32, #tpu.memory_space<hbm>>) dst(%arg11 : memref<80x128xf32, #tpu.memory_space<vmem>>)
        %run_scoped3A_515 = arith.constant 24 : i32
        "tpu.region"() ({
          %run_scoped3A_517 = tpu.sem_alloc : memref<!tpu.dma_semaphore, #tpu.memory_space<semaphore_mem>>
          %dma_start3A = arith.constant 0 : i32
          %dma_start3A_518 = tpu.memref_slice %arg10[%run_scoped3A_515, %dma_start3A] : memref<25x80xi32, #tpu.memory_space<vmem>> -> memref<1x80xi32, #tpu.memory_space<vmem>>
          %dma_start3A_519 = tpu.memref_squeeze %dma_start3A_518 : memref<1x80xi32, #tpu.memory_space<vmem>> -> memref<80xi32, #tpu.memory_space<vmem>>
          %dma_start3A_520 = arith.constant 0 : i32
          %dma_start3A_521 = arith.constant 0 : i32
          %dma_start3A_522 = tpu.memref_slice %arg16[%dma_start3A_520, %dma_start3A_521] : memref<10000x128xf32, #tpu.memory_space<vmem_shared>> -> memref<10000x128xf32, #tpu.memory_space<vmem_shared>>
          tpu.enqueue_indirect_dma source(%arg11 : memref<80x128xf32, #tpu.memory_space<vmem>>) target(%dma_start3A_522 : memref<10000x128xf32, #tpu.memory_space<vmem_shared>>) offsets(%dma_start3A_519 : memref<80xi32, #tpu.memory_space<vmem>>) semaphore(%run_scoped3A_517 : memref<!tpu.dma_semaphore, #tpu.memory_space<semaphore_mem>>) {add = true}
          %dma_wait3A_523 = arith.constant 0 : i32
          %dma_wait3A_524 = tpu.memref_slice %arg10[%run_scoped3A_515, %dma_wait3A_523] : memref<25x80xi32, #tpu.memory_space<vmem>> -> memref<1x80xi32, #tpu.memory_space<vmem>>
          %dma_wait3A_525 = tpu.memref_squeeze %dma_wait3A_524 : memref<1x80xi32, #tpu.memory_space<vmem>> -> memref<80xi32, #tpu.memory_space<vmem>>
          %dma_wait3A_526 = arith.constant 0 : i32
          %dma_wait3A_527 = arith.constant 0 : i32
          %dma_wait3A_528 = tpu.memref_slice %arg16[%dma_wait3A_526, %dma_wait3A_527] : memref<10000x128xf32, #tpu.memory_space<vmem_shared>> -> memref<10000x128xf32, #tpu.memory_space<vmem_shared>>
          tpu.wait_indirect_dma semaphore(%run_scoped3A_517 : memref<!tpu.dma_semaphore, #tpu.memory_space<semaphore_mem>>) src(%arg11 : memref<80x128xf32, #tpu.memory_space<vmem>>) dst(%dma_wait3A_528 : memref<10000x128xf32, #tpu.memory_space<vmem_shared>>)
          tpu.yield
        }) : () -> ()
        %scan3A_516 = arith.constant 0 : i32
        scf.yield %scan3A_516 : i32
      }
      %scan3A_495 = arith.constant 5 : i32
    } else {
    }
    %barrier3A_470 = arith.constant 0 : index
    tpu.barrier barrier_id(%barrier3A_470)
    %eq3A_471 = arith.constant 0 : i32
    %eq3A_472 = arith.cmpi eq, %arg0, %eq3A_471 : i32
    %convert_element_type3A_473 = arith.extui %eq3A_472 : i1 to i32
    %cond3A_474 = arith.constant 0 : i32
    %cond3A_475 = arith.cmpi ne, %convert_element_type3A_473, %cond3A_474 : i32
    scf.if %cond3A_475 {
      %lt3A_489 = arith.constant 15 : i32
      %lt3A_490 = arith.cmpi slt, %arg1, %lt3A_489 : i32
      %convert_element_type3A_491 = arith.extui %lt3A_490 : i1 to i32
      %cond3A_492 = arith.constant 0 : i32
      %cond3A_493 = arith.cmpi ne, %convert_element_type3A_491, %cond3A_492 : i32
      scf.if %cond3A_493 {
        "tpu.region"() ({
          %run_scoped3A_499 = tpu.sem_alloc : memref<!tpu.dma_semaphore, #tpu.memory_space<semaphore_mem>>
          %dma_start3A = arith.constant 0 : i32
          %dma_start3A_500 = tpu.memref_slice %arg6[%mul3A_14, %dma_start3A] : memref<10000x128xf32, #tpu.memory_space<hbm>> -> memref<624x128xf32, #tpu.memory_space<hbm>>
          %dma_start3A_501 = arith.constant 0 : i32
          %dma_start3A_502 = tpu.memref_slice %arg16[%mul3A_14, %dma_start3A_501] : memref<10000x128xf32, #tpu.memory_space<vmem_shared>> -> memref<624x128xf32, #tpu.memory_space<vmem_shared>>
          tpu.enqueue_dma source(%dma_start3A_502 : memref<624x128xf32, #tpu.memory_space<vmem_shared>>) target(%dma_start3A_500 : memref<624x128xf32, #tpu.memory_space<hbm>>) target_semaphore(%run_scoped3A_499 : memref<!tpu.dma_semaphore, #tpu.memory_space<semaphore_mem>>)
          %dma_wait3A = arith.constant 0 : i32
          %dma_wait3A_503 = tpu.memref_slice %arg6[%mul3A_14, %dma_wait3A] : memref<10000x128xf32, #tpu.memory_space<hbm>> -> memref<624x128xf32, #tpu.memory_space<hbm>>
          %dma_wait3A_504 = arith.constant 0 : i32
          %dma_wait3A_505 = tpu.memref_slice %arg16[%mul3A_14, %dma_wait3A_504] : memref<10000x128xf32, #tpu.memory_space<vmem_shared>> -> memref<624x128xf32, #tpu.memory_space<vmem_shared>>
          tpu.wait_dma2 semaphore(%run_scoped3A_499 : memref<!tpu.dma_semaphore, #tpu.memory_space<semaphore_mem>>) src(%dma_wait3A_505 : memref<624x128xf32, #tpu.memory_space<vmem_shared>>) dst(%dma_wait3A_503 : memref<624x128xf32, #tpu.memory_space<hbm>>)
          tpu.yield
        }) : () -> ()
      } else {
      }
      %eq3A_494 = arith.constant 15 : i32
      %eq3A_495 = arith.cmpi eq, %arg1, %eq3A_494 : i32
      %convert_element_type3A_496 = arith.extui %eq3A_495 : i1 to i32
      %cond3A_497 = arith.constant 0 : i32
      %cond3A_498 = arith.cmpi ne, %convert_element_type3A_496, %cond3A_497 : i32
      scf.if %cond3A_498 {
        "tpu.region"() ({
          %run_scoped3A_499 = tpu.sem_alloc : memref<!tpu.dma_semaphore, #tpu.memory_space<semaphore_mem>>
          %dma_start3A = arith.constant 0 : i32
          %dma_start3A_500 = tpu.memref_slice %arg6[%mul3A_14, %dma_start3A] : memref<10000x128xf32, #tpu.memory_space<hbm>> -> memref<640x128xf32, #tpu.memory_space<hbm>>
          %dma_start3A_501 = arith.constant 0 : i32
          %dma_start3A_502 = tpu.memref_slice %arg16[%mul3A_14, %dma_start3A_501] : memref<10000x128xf32, #tpu.memory_space<vmem_shared>> -> memref<640x128xf32, #tpu.memory_space<vmem_shared>>
          tpu.enqueue_dma source(%dma_start3A_502 : memref<640x128xf32, #tpu.memory_space<vmem_shared>>) target(%dma_start3A_500 : memref<640x128xf32, #tpu.memory_space<hbm>>) target_semaphore(%run_scoped3A_499 : memref<!tpu.dma_semaphore, #tpu.memory_space<semaphore_mem>>)
          %dma_wait3A = arith.constant 0 : i32
          %dma_wait3A_503 = tpu.memref_slice %arg6[%mul3A_14, %dma_wait3A] : memref<10000x128xf32, #tpu.memory_space<hbm>> -> memref<640x128xf32, #tpu.memory_space<hbm>>
          %dma_wait3A_504 = arith.constant 0 : i32
          %dma_wait3A_505 = tpu.memref_slice %arg16[%mul3A_14, %dma_wait3A_504] : memref<10000x128xf32, #tpu.memory_space<vmem_shared>> -> memref<640x128xf32, #tpu.memory_space<vmem_shared>>
          tpu.wait_dma2 semaphore(%run_scoped3A_499 : memref<!tpu.dma_semaphore, #tpu.memory_space<semaphore_mem>>) src(%dma_wait3A_505 : memref<640x128xf32, #tpu.memory_space<vmem_shared>>) dst(%dma_wait3A_503 : memref<640x128xf32, #tpu.memory_space<hbm>>)
          tpu.yield
        }) : () -> ()
      } else {
      }
    } else {
    }
    %eq3A_476 = arith.constant 1 : i32
    %eq3A_477 = arith.cmpi eq, %arg0, %eq3A_476 : i32
    %convert_element_type3A_478 = arith.extui %eq3A_477 : i1 to i32
    %cond3A_479 = arith.constant 0 : i32
    %cond3A_480 = arith.cmpi ne, %convert_element_type3A_478, %cond3A_479 : i32
    scf.if %cond3A_480 {
      %lt3A_489 = arith.constant 15 : i32
      %lt3A_490 = arith.cmpi slt, %arg1, %lt3A_489 : i32
      %convert_element_type3A_491 = arith.extui %lt3A_490 : i1 to i32
      %cond3A_492 = arith.constant 0 : i32
      %cond3A_493 = arith.cmpi ne, %convert_element_type3A_491, %cond3A_492 : i32
      scf.if %cond3A_493 {
        "tpu.region"() ({
          %run_scoped3A_499 = tpu.sem_alloc : memref<!tpu.dma_semaphore, #tpu.memory_space<semaphore_mem>>
          %dma_start3A = arith.constant 0 : i32
          %dma_start3A_500 = tpu.memref_slice %arg7[%mul3A_14, %dma_start3A] : memref<10000x128xf32, #tpu.memory_space<hbm>> -> memref<624x128xf32, #tpu.memory_space<hbm>>
          %dma_start3A_501 = arith.constant 0 : i32
          %dma_start3A_502 = tpu.memref_slice %arg16[%mul3A_14, %dma_start3A_501] : memref<10000x128xf32, #tpu.memory_space<vmem_shared>> -> memref<624x128xf32, #tpu.memory_space<vmem_shared>>
          tpu.enqueue_dma source(%dma_start3A_502 : memref<624x128xf32, #tpu.memory_space<vmem_shared>>) target(%dma_start3A_500 : memref<624x128xf32, #tpu.memory_space<hbm>>) target_semaphore(%run_scoped3A_499 : memref<!tpu.dma_semaphore, #tpu.memory_space<semaphore_mem>>)
          %dma_wait3A = arith.constant 0 : i32
          %dma_wait3A_503 = tpu.memref_slice %arg7[%mul3A_14, %dma_wait3A] : memref<10000x128xf32, #tpu.memory_space<hbm>> -> memref<624x128xf32, #tpu.memory_space<hbm>>
          %dma_wait3A_504 = arith.constant 0 : i32
          %dma_wait3A_505 = tpu.memref_slice %arg16[%mul3A_14, %dma_wait3A_504] : memref<10000x128xf32, #tpu.memory_space<vmem_shared>> -> memref<624x128xf32, #tpu.memory_space<vmem_shared>>
          tpu.wait_dma2 semaphore(%run_scoped3A_499 : memref<!tpu.dma_semaphore, #tpu.memory_space<semaphore_mem>>) src(%dma_wait3A_505 : memref<624x128xf32, #tpu.memory_space<vmem_shared>>) dst(%dma_wait3A_503 : memref<624x128xf32, #tpu.memory_space<hbm>>)
          tpu.yield
        }) : () -> ()
      } else {
      }
      %eq3A_494 = arith.constant 15 : i32
      %eq3A_495 = arith.cmpi eq, %arg1, %eq3A_494 : i32
      %convert_element_type3A_496 = arith.extui %eq3A_495 : i1 to i32
      %cond3A_497 = arith.constant 0 : i32
      %cond3A_498 = arith.cmpi ne, %convert_element_type3A_496, %cond3A_497 : i32
      scf.if %cond3A_498 {
        "tpu.region"() ({
          %run_scoped3A_499 = tpu.sem_alloc : memref<!tpu.dma_semaphore, #tpu.memory_space<semaphore_mem>>
          %dma_start3A = arith.constant 0 : i32
          %dma_start3A_500 = tpu.memref_slice %arg7[%mul3A_14, %dma_start3A] : memref<10000x128xf32, #tpu.memory_space<hbm>> -> memref<640x128xf32, #tpu.memory_space<hbm>>
          %dma_start3A_501 = arith.constant 0 : i32
          %dma_start3A_502 = tpu.memref_slice %arg16[%mul3A_14, %dma_start3A_501] : memref<10000x128xf32, #tpu.memory_space<vmem_shared>> -> memref<640x128xf32, #tpu.memory_space<vmem_shared>>
          tpu.enqueue_dma source(%dma_start3A_502 : memref<640x128xf32, #tpu.memory_space<vmem_shared>>) target(%dma_start3A_500 : memref<640x128xf32, #tpu.memory_space<hbm>>) target_semaphore(%run_scoped3A_499 : memref<!tpu.dma_semaphore, #tpu.memory_space<semaphore_mem>>)
          %dma_wait3A = arith.constant 0 : i32
          %dma_wait3A_503 = tpu.memref_slice %arg7[%mul3A_14, %dma_wait3A] : memref<10000x128xf32, #tpu.memory_space<hbm>> -> memref<640x128xf32, #tpu.memory_space<hbm>>
          %dma_wait3A_504 = arith.constant 0 : i32
          %dma_wait3A_505 = tpu.memref_slice %arg16[%mul3A_14, %dma_wait3A_504] : memref<10000x128xf32, #tpu.memory_space<vmem_shared>> -> memref<640x128xf32, #tpu.memory_space<vmem_shared>>
          tpu.wait_dma2 semaphore(%run_scoped3A_499 : memref<!tpu.dma_semaphore, #tpu.memory_space<semaphore_mem>>) src(%dma_wait3A_505 : memref<640x128xf32, #tpu.memory_space<vmem_shared>>) dst(%dma_wait3A_503 : memref<640x128xf32, #tpu.memory_space<hbm>>)
          tpu.yield
        }) : () -> ()
      } else {
      }
    } else {
    }
    %eq3A_481 = arith.constant 0 : i32
    %eq3A_482 = arith.cmpi eq, %arg0, %eq3A_481 : i32
    %lt3A_483 = arith.constant 10 : i32
    %lt3A_484 = arith.cmpi slt, %arg1, %lt3A_483 : i32
    %and3A_485 = arith.andi %eq3A_482, %lt3A_484 : i1
    %convert_element_type3A_486 = arith.extui %and3A_485 : i1 to i32
    %cond3A_487 = arith.constant 0 : i32
    %cond3A_488 = arith.cmpi ne, %convert_element_type3A_486, %cond3A_487 : i32
    scf.if %cond3A_488 {
      %mul3A_489 = arith.constant 1000 : i32
      %mul3A_490 = arith.muli %arg1, %mul3A_489 : i32
      "tpu.region"() ({
        %run_scoped3A_493 = tpu.sem_alloc : memref<!tpu.dma_semaphore, #tpu.memory_space<semaphore_mem>>
        %dma_start3A = arith.constant 0 : i32
        %dma_start3A_494 = tpu.memref_slice %arg15[%dma_start3A] : memref<1024xf32, #tpu.memory_space<vmem>> -> memref<1000xf32, #tpu.memory_space<vmem>>
        %dma_start3A_495 = tpu.memref_slice %arg17[%mul3A_490] : memref<10000xf32, #tpu.memory_space<vmem_shared>> -> memref<1000xf32, #tpu.memory_space<vmem_shared>>
        %dma_start3A_496 = arith.constant 0 : i32
        %dma_start3A_497 = tpu.memref_slice %arg15[%dma_start3A_496] : memref<1024xf32, #tpu.memory_space<vmem>> -> memref<1000xf32, #tpu.memory_space<vmem>>
        %dma_start3A_498 = tpu.memref_slice %arg17[%mul3A_490] : memref<10000xf32, #tpu.memory_space<vmem_shared>> -> memref<1000xf32, #tpu.memory_space<vmem_shared>>
        tpu.enqueue_dma source(%dma_start3A_498 : memref<1000xf32, #tpu.memory_space<vmem_shared>>) target(%dma_start3A_497 : memref<1000xf32, #tpu.memory_space<vmem>>) target_semaphore(%run_scoped3A_493 : memref<!tpu.dma_semaphore, #tpu.memory_space<semaphore_mem>>)
        %dma_wait3A = arith.constant 0 : i32
        %dma_wait3A_499 = tpu.memref_slice %arg15[%dma_wait3A] : memref<1024xf32, #tpu.memory_space<vmem>> -> memref<1000xf32, #tpu.memory_space<vmem>>
        %dma_wait3A_500 = tpu.memref_slice %arg17[%mul3A_490] : memref<10000xf32, #tpu.memory_space<vmem_shared>> -> memref<1000xf32, #tpu.memory_space<vmem_shared>>
        %dma_wait3A_501 = arith.constant 0 : i32
        %dma_wait3A_502 = tpu.memref_slice %arg15[%dma_wait3A_501] : memref<1024xf32, #tpu.memory_space<vmem>> -> memref<1000xf32, #tpu.memory_space<vmem>>
        %dma_wait3A_503 = tpu.memref_slice %arg17[%mul3A_490] : memref<10000xf32, #tpu.memory_space<vmem_shared>> -> memref<1000xf32, #tpu.memory_space<vmem_shared>>
        tpu.wait_dma2 semaphore(%run_scoped3A_493 : memref<!tpu.dma_semaphore, #tpu.memory_space<semaphore_mem>>) src(%dma_wait3A_503 : memref<1000xf32, #tpu.memory_space<vmem_shared>>) dst(%dma_wait3A_502 : memref<1000xf32, #tpu.memory_space<vmem>>)
        tpu.yield
      }) : () -> ()
      %mul3A_491 = arith.constant 1000 : i32
      %mul3A_492 = arith.muli %arg1, %mul3A_491 : i32
      "tpu.region"() ({
        %run_scoped3A_493 = tpu.sem_alloc : memref<!tpu.dma_semaphore, #tpu.memory_space<semaphore_mem>>
        %dma_start3A = arith.constant 0 : i32
        %dma_start3A_494 = tpu.memref_slice %arg15[%dma_start3A] : memref<1024xf32, #tpu.memory_space<vmem>> -> memref<1000xf32, #tpu.memory_space<vmem>>
        %dma_start3A_495 = tpu.memref_slice %arg8[%mul3A_492] : memref<10000xf32, #tpu.memory_space<hbm>> -> memref<1000xf32, #tpu.memory_space<hbm>>
        %dma_start3A_496 = tpu.memref_slice %arg8[%mul3A_492] : memref<10000xf32, #tpu.memory_space<hbm>> -> memref<1000xf32, #tpu.memory_space<hbm>>
        %dma_start3A_497 = arith.constant 0 : i32
        %dma_start3A_498 = tpu.memref_slice %arg15[%dma_start3A_497] : memref<1024xf32, #tpu.memory_space<vmem>> -> memref<1000xf32, #tpu.memory_space<vmem>>
        tpu.enqueue_dma source(%dma_start3A_498 : memref<1000xf32, #tpu.memory_space<vmem>>) target(%dma_start3A_496 : memref<1000xf32, #tpu.memory_space<hbm>>) target_semaphore(%run_scoped3A_493 : memref<!tpu.dma_semaphore, #tpu.memory_space<semaphore_mem>>)
        %dma_wait3A = arith.constant 0 : i32
        %dma_wait3A_499 = tpu.memref_slice %arg15[%dma_wait3A] : memref<1024xf32, #tpu.memory_space<vmem>> -> memref<1000xf32, #tpu.memory_space<vmem>>
        %dma_wait3A_500 = tpu.memref_slice %arg8[%mul3A_492] : memref<10000xf32, #tpu.memory_space<hbm>> -> memref<1000xf32, #tpu.memory_space<hbm>>
        %dma_wait3A_501 = tpu.memref_slice %arg8[%mul3A_492] : memref<10000xf32, #tpu.memory_space<hbm>> -> memref<1000xf32, #tpu.memory_space<hbm>>
        %dma_wait3A_502 = arith.constant 0 : i32
        %dma_wait3A_503 = tpu.memref_slice %arg15[%dma_wait3A_502] : memref<1024xf32, #tpu.memory_space<vmem>> -> memref<1000xf32, #tpu.memory_space<vmem>>
        tpu.wait_dma2 semaphore(%run_scoped3A_493 : memref<!tpu.dma_semaphore, #tpu.memory_space<semaphore_mem>>) src(%dma_wait3A_503 : memref<1000xf32, #tpu.memory_space<vmem>>) dst(%dma_wait3A_501 : memref<1000xf32, #tpu.memory_space<hbm>>)
        tpu.yield
      }) : () -> ()
    } else {
    }
    return
  }
}

#map = affine_map<(d0, d1) -> (0, 0)>
#map1 = affine_map<(d0, d1) -> (0, 0, 0, 0)>
module attributes {stable_mosaic.version = 14 : i64} {
  func.func @sc_agg(%arg0: i32, %arg1: i32, %arg2: memref<10000x128xf32, #tpu.memory_space<hbm>>, %arg3: memref<10000x128xf32, #tpu.memory_space<hbm>>, %arg4: memref<16x5x25x80xi32, #tpu.memory_space<hbm>>, %arg5: memref<16x5x25x80xi32, #tpu.memory_space<hbm>>, %arg6: memref<10000x128xf32, #tpu.memory_space<hbm>>, %arg7: memref<10000x128xf32, #tpu.memory_space<hbm>>, %arg8: memref<25x80xi32, #tpu.memory_space<vmem>>, %arg9: memref<25x80xi32, #tpu.memory_space<vmem>>, %arg10: memref<80x128xf32, #tpu.memory_space<vmem>>, %arg11: memref<80x128xf32, #tpu.memory_space<vmem>>, %arg12: memref<80x128xf32, #tpu.memory_space<vmem>>, %arg13: memref<80xf32, #tpu.memory_space<vmem>>, %arg14: memref<1024xf32, #tpu.memory_space<vmem>>, %arg15: memref<10000x128xf32, #tpu.memory_space<vmem_shared>>, %arg16: memref<10000xf32, #tpu.memory_space<vmem_shared>>, %arg17: memref<!tpu.dma_semaphore, #tpu.memory_space<semaphore_mem>>, %arg18: memref<!tpu.dma_semaphore, #tpu.memory_space<semaphore_mem>>, %arg19: memref<!tpu.dma_semaphore, #tpu.memory_space<semaphore_mem>>) attributes {dimension_semantics = [#tpu.dimension_semantics<core_parallel>, #tpu.dimension_semantics<subcore_parallel>], iteration_bounds = array<i64: 2, 16>, scalar_prefetch = 0 : i64, scratch_operands = 12 : i64, tpu.core_type = #tpu.core_type<sc_vector_subcore>, window_params = [{transform_indices = #map}, {transform_indices = #map}, {transform_indices = #map1}, {transform_indices = #map1}, {transform_indices = #map}, {transform_indices = #map}]} {
    %run_scoped3A = arith.constant 0 : i32
    "tpu.region"() ({
      %run_scoped3A_90 = tpu.sem_alloc : memref<!tpu.dma_semaphore, #tpu.memory_space<semaphore_mem>>
      %dma_start3A = arith.constant 0 : i32
      %dma_start3A_91 = arith.constant 0 : i32
      %dma_start3A_92 = arith.constant 0 : i32
      %dma_start3A_93 = tpu.memref_slice %arg4[%arg1, %dma_start3A, %dma_start3A_91, %dma_start3A_92] : memref<16x5x25x80xi32, #tpu.memory_space<hbm>> -> memref<1x5x25x80xi32, #tpu.memory_space<hbm>>
      %dma_start3A_94 = tpu.memref_squeeze %dma_start3A_93 : memref<1x5x25x80xi32, #tpu.memory_space<hbm>> -> memref<5x25x80xi32, #tpu.memory_space<hbm>>
      %dma_start3A_95 = arith.constant 0 : i32
      %dma_start3A_96 = arith.constant 0 : i32
      %dma_start3A_97 = tpu.memref_slice %dma_start3A_94[%run_scoped3A, %dma_start3A_95, %dma_start3A_96] : memref<5x25x80xi32, #tpu.memory_space<hbm>> -> memref<1x25x80xi32, #tpu.memory_space<hbm>>
      %dma_start3A_98 = tpu.memref_squeeze %dma_start3A_97 : memref<1x25x80xi32, #tpu.memory_space<hbm>> -> memref<25x80xi32, #tpu.memory_space<hbm>>
      %dma_start3A_99 = arith.constant 0 : i32
      %dma_start3A_100 = arith.constant 0 : i32
      %dma_start3A_101 = arith.constant 0 : i32
      %dma_start3A_102 = tpu.memref_slice %arg4[%arg1, %dma_start3A_99, %dma_start3A_100, %dma_start3A_101] : memref<16x5x25x80xi32, #tpu.memory_space<hbm>> -> memref<1x5x25x80xi32, #tpu.memory_space<hbm>>
      %dma_start3A_103 = tpu.memref_squeeze %dma_start3A_102 : memref<1x5x25x80xi32, #tpu.memory_space<hbm>> -> memref<5x25x80xi32, #tpu.memory_space<hbm>>
      %dma_start3A_104 = arith.constant 0 : i32
      %dma_start3A_105 = arith.constant 0 : i32
      %dma_start3A_106 = tpu.memref_slice %dma_start3A_103[%run_scoped3A, %dma_start3A_104, %dma_start3A_105] : memref<5x25x80xi32, #tpu.memory_space<hbm>> -> memref<1x25x80xi32, #tpu.memory_space<hbm>>
      %dma_start3A_107 = tpu.memref_squeeze %dma_start3A_106 : memref<1x25x80xi32, #tpu.memory_space<hbm>> -> memref<25x80xi32, #tpu.memory_space<hbm>>
      tpu.enqueue_dma source(%dma_start3A_107 : memref<25x80xi32, #tpu.memory_space<hbm>>) target(%arg8 : memref<25x80xi32, #tpu.memory_space<vmem>>) target_semaphore(%run_scoped3A_90 : memref<!tpu.dma_semaphore, #tpu.memory_space<semaphore_mem>>)
      %dma_wait3A = arith.constant 0 : i32
      %dma_wait3A_108 = arith.constant 0 : i32
      %dma_wait3A_109 = arith.constant 0 : i32
      %dma_wait3A_110 = tpu.memref_slice %arg4[%arg1, %dma_wait3A, %dma_wait3A_108, %dma_wait3A_109] : memref<16x5x25x80xi32, #tpu.memory_space<hbm>> -> memref<1x5x25x80xi32, #tpu.memory_space<hbm>>
      %dma_wait3A_111 = tpu.memref_squeeze %dma_wait3A_110 : memref<1x5x25x80xi32, #tpu.memory_space<hbm>> -> memref<5x25x80xi32, #tpu.memory_space<hbm>>
      %dma_wait3A_112 = arith.constant 0 : i32
      %dma_wait3A_113 = arith.constant 0 : i32
      %dma_wait3A_114 = tpu.memref_slice %dma_wait3A_111[%run_scoped3A, %dma_wait3A_112, %dma_wait3A_113] : memref<5x25x80xi32, #tpu.memory_space<hbm>> -> memref<1x25x80xi32, #tpu.memory_space<hbm>>
      %dma_wait3A_115 = tpu.memref_squeeze %dma_wait3A_114 : memref<1x25x80xi32, #tpu.memory_space<hbm>> -> memref<25x80xi32, #tpu.memory_space<hbm>>
      %dma_wait3A_116 = arith.constant 0 : i32
      %dma_wait3A_117 = arith.constant 0 : i32
      %dma_wait3A_118 = arith.constant 0 : i32
      %dma_wait3A_119 = tpu.memref_slice %arg4[%arg1, %dma_wait3A_116, %dma_wait3A_117, %dma_wait3A_118] : memref<16x5x25x80xi32, #tpu.memory_space<hbm>> -> memref<1x5x25x80xi32, #tpu.memory_space<hbm>>
      %dma_wait3A_120 = tpu.memref_squeeze %dma_wait3A_119 : memref<1x5x25x80xi32, #tpu.memory_space<hbm>> -> memref<5x25x80xi32, #tpu.memory_space<hbm>>
      %dma_wait3A_121 = arith.constant 0 : i32
      %dma_wait3A_122 = arith.constant 0 : i32
      %dma_wait3A_123 = tpu.memref_slice %dma_wait3A_120[%run_scoped3A, %dma_wait3A_121, %dma_wait3A_122] : memref<5x25x80xi32, #tpu.memory_space<hbm>> -> memref<1x25x80xi32, #tpu.memory_space<hbm>>
      %dma_wait3A_124 = tpu.memref_squeeze %dma_wait3A_123 : memref<1x25x80xi32, #tpu.memory_space<hbm>> -> memref<25x80xi32, #tpu.memory_space<hbm>>
      tpu.wait_dma2 semaphore(%run_scoped3A_90 : memref<!tpu.dma_semaphore, #tpu.memory_space<semaphore_mem>>) src(%dma_wait3A_124 : memref<25x80xi32, #tpu.memory_space<hbm>>) dst(%arg8 : memref<25x80xi32, #tpu.memory_space<vmem>>)
      tpu.yield
    }) : () -> ()
    %run_scoped3A_0 = arith.constant 0 : i32
    "tpu.region"() ({
      %run_scoped3A_90 = tpu.sem_alloc : memref<!tpu.dma_semaphore, #tpu.memory_space<semaphore_mem>>
      %dma_start3A = arith.constant 0 : i32
      %dma_start3A_91 = arith.constant 0 : i32
      %dma_start3A_92 = arith.constant 0 : i32
      %dma_start3A_93 = tpu.memref_slice %arg5[%arg1, %dma_start3A, %dma_start3A_91, %dma_start3A_92] : memref<16x5x25x80xi32, #tpu.memory_space<hbm>> -> memref<1x5x25x80xi32, #tpu.memory_space<hbm>>
      %dma_start3A_94 = tpu.memref_squeeze %dma_start3A_93 : memref<1x5x25x80xi32, #tpu.memory_space<hbm>> -> memref<5x25x80xi32, #tpu.memory_space<hbm>>
      %dma_start3A_95 = arith.constant 0 : i32
      %dma_start3A_96 = arith.constant 0 : i32
      %dma_start3A_97 = tpu.memref_slice %dma_start3A_94[%run_scoped3A_0, %dma_start3A_95, %dma_start3A_96] : memref<5x25x80xi32, #tpu.memory_space<hbm>> -> memref<1x25x80xi32, #tpu.memory_space<hbm>>
      %dma_start3A_98 = tpu.memref_squeeze %dma_start3A_97 : memref<1x25x80xi32, #tpu.memory_space<hbm>> -> memref<25x80xi32, #tpu.memory_space<hbm>>
      %dma_start3A_99 = arith.constant 0 : i32
      %dma_start3A_100 = arith.constant 0 : i32
      %dma_start3A_101 = arith.constant 0 : i32
      %dma_start3A_102 = tpu.memref_slice %arg5[%arg1, %dma_start3A_99, %dma_start3A_100, %dma_start3A_101] : memref<16x5x25x80xi32, #tpu.memory_space<hbm>> -> memref<1x5x25x80xi32, #tpu.memory_space<hbm>>
      %dma_start3A_103 = tpu.memref_squeeze %dma_start3A_102 : memref<1x5x25x80xi32, #tpu.memory_space<hbm>> -> memref<5x25x80xi32, #tpu.memory_space<hbm>>
      %dma_start3A_104 = arith.constant 0 : i32
      %dma_start3A_105 = arith.constant 0 : i32
      %dma_start3A_106 = tpu.memref_slice %dma_start3A_103[%run_scoped3A_0, %dma_start3A_104, %dma_start3A_105] : memref<5x25x80xi32, #tpu.memory_space<hbm>> -> memref<1x25x80xi32, #tpu.memory_space<hbm>>
      %dma_start3A_107 = tpu.memref_squeeze %dma_start3A_106 : memref<1x25x80xi32, #tpu.memory_space<hbm>> -> memref<25x80xi32, #tpu.memory_space<hbm>>
      tpu.enqueue_dma source(%dma_start3A_107 : memref<25x80xi32, #tpu.memory_space<hbm>>) target(%arg9 : memref<25x80xi32, #tpu.memory_space<vmem>>) target_semaphore(%run_scoped3A_90 : memref<!tpu.dma_semaphore, #tpu.memory_space<semaphore_mem>>)
      %dma_wait3A = arith.constant 0 : i32
      %dma_wait3A_108 = arith.constant 0 : i32
      %dma_wait3A_109 = arith.constant 0 : i32
      %dma_wait3A_110 = tpu.memref_slice %arg5[%arg1, %dma_wait3A, %dma_wait3A_108, %dma_wait3A_109] : memref<16x5x25x80xi32, #tpu.memory_space<hbm>> -> memref<1x5x25x80xi32, #tpu.memory_space<hbm>>
      %dma_wait3A_111 = tpu.memref_squeeze %dma_wait3A_110 : memref<1x5x25x80xi32, #tpu.memory_space<hbm>> -> memref<5x25x80xi32, #tpu.memory_space<hbm>>
      %dma_wait3A_112 = arith.constant 0 : i32
      %dma_wait3A_113 = arith.constant 0 : i32
      %dma_wait3A_114 = tpu.memref_slice %dma_wait3A_111[%run_scoped3A_0, %dma_wait3A_112, %dma_wait3A_113] : memref<5x25x80xi32, #tpu.memory_space<hbm>> -> memref<1x25x80xi32, #tpu.memory_space<hbm>>
      %dma_wait3A_115 = tpu.memref_squeeze %dma_wait3A_114 : memref<1x25x80xi32, #tpu.memory_space<hbm>> -> memref<25x80xi32, #tpu.memory_space<hbm>>
      %dma_wait3A_116 = arith.constant 0 : i32
      %dma_wait3A_117 = arith.constant 0 : i32
      %dma_wait3A_118 = arith.constant 0 : i32
      %dma_wait3A_119 = tpu.memref_slice %arg5[%arg1, %dma_wait3A_116, %dma_wait3A_117, %dma_wait3A_118] : memref<16x5x25x80xi32, #tpu.memory_space<hbm>> -> memref<1x5x25x80xi32, #tpu.memory_space<hbm>>
      %dma_wait3A_120 = tpu.memref_squeeze %dma_wait3A_119 : memref<1x5x25x80xi32, #tpu.memory_space<hbm>> -> memref<5x25x80xi32, #tpu.memory_space<hbm>>
      %dma_wait3A_121 = arith.constant 0 : i32
      %dma_wait3A_122 = arith.constant 0 : i32
      %dma_wait3A_123 = tpu.memref_slice %dma_wait3A_120[%run_scoped3A_0, %dma_wait3A_121, %dma_wait3A_122] : memref<5x25x80xi32, #tpu.memory_space<hbm>> -> memref<1x25x80xi32, #tpu.memory_space<hbm>>
      %dma_wait3A_124 = tpu.memref_squeeze %dma_wait3A_123 : memref<1x25x80xi32, #tpu.memory_space<hbm>> -> memref<25x80xi32, #tpu.memory_space<hbm>>
      tpu.wait_dma2 semaphore(%run_scoped3A_90 : memref<!tpu.dma_semaphore, #tpu.memory_space<semaphore_mem>>) src(%dma_wait3A_124 : memref<25x80xi32, #tpu.memory_space<hbm>>) dst(%arg9 : memref<25x80xi32, #tpu.memory_space<vmem>>)
      tpu.yield
    }) : () -> ()
    %eq3A = arith.constant 0 : i32
    %eq3A_1 = arith.cmpi eq, %arg0, %eq3A : i32
    %convert_element_type3A = arith.extui %eq3A_1 : i1 to i32
    %cond3A = arith.constant 0 : i32
    %cond3A_2 = arith.cmpi ne, %convert_element_type3A, %cond3A : i32
    scf.if %cond3A_2 {
      %dma_start3A = arith.constant 0 : i32
      %dma_start3A_90 = arith.constant 0 : i32
      %dma_start3A_91 = tpu.memref_slice %arg8[%dma_start3A, %dma_start3A_90] : memref<25x80xi32, #tpu.memory_space<vmem>> -> memref<1x80xi32, #tpu.memory_space<vmem>>
      %dma_start3A_92 = tpu.memref_squeeze %dma_start3A_91 : memref<1x80xi32, #tpu.memory_space<vmem>> -> memref<80xi32, #tpu.memory_space<vmem>>
      %dma_start3A_93 = arith.constant 0 : i32
      %dma_start3A_94 = arith.constant 0 : i32
      %dma_start3A_95 = tpu.memref_slice %arg2[%dma_start3A_93, %dma_start3A_94] : memref<10000x128xf32, #tpu.memory_space<hbm>> -> memref<10000x128xf32, #tpu.memory_space<hbm>>
      tpu.enqueue_indirect_dma source(%dma_start3A_95 : memref<10000x128xf32, #tpu.memory_space<hbm>>) target(%arg10 : memref<80x128xf32, #tpu.memory_space<vmem>>) offsets(%dma_start3A_92 : memref<80xi32, #tpu.memory_space<vmem>>) semaphore(%arg17 : memref<!tpu.dma_semaphore, #tpu.memory_space<semaphore_mem>>)
      %dma_start3A_96 = arith.constant 1 : i32
      %dma_start3A_97 = arith.constant 0 : i32
      %dma_start3A_98 = tpu.memref_slice %arg8[%dma_start3A_96, %dma_start3A_97] : memref<25x80xi32, #tpu.memory_space<vmem>> -> memref<1x80xi32, #tpu.memory_space<vmem>>
      %dma_start3A_99 = tpu.memref_squeeze %dma_start3A_98 : memref<1x80xi32, #tpu.memory_space<vmem>> -> memref<80xi32, #tpu.memory_space<vmem>>
      %dma_start3A_100 = arith.constant 0 : i32
      %dma_start3A_101 = arith.constant 0 : i32
      %dma_start3A_102 = tpu.memref_slice %arg2[%dma_start3A_100, %dma_start3A_101] : memref<10000x128xf32, #tpu.memory_space<hbm>> -> memref<10000x128xf32, #tpu.memory_space<hbm>>
      tpu.enqueue_indirect_dma source(%dma_start3A_102 : memref<10000x128xf32, #tpu.memory_space<hbm>>) target(%arg11 : memref<80x128xf32, #tpu.memory_space<vmem>>) offsets(%dma_start3A_99 : memref<80xi32, #tpu.memory_space<vmem>>) semaphore(%arg18 : memref<!tpu.dma_semaphore, #tpu.memory_space<semaphore_mem>>)
    } else {
    }
    %eq3A_3 = arith.constant 1 : i32
    %eq3A_4 = arith.cmpi eq, %arg0, %eq3A_3 : i32
    %convert_element_type3A_5 = arith.extui %eq3A_4 : i1 to i32
    %cond3A_6 = arith.constant 0 : i32
    %cond3A_7 = arith.cmpi ne, %convert_element_type3A_5, %cond3A_6 : i32
    scf.if %cond3A_7 {
      %dma_start3A = arith.constant 0 : i32
      %dma_start3A_90 = arith.constant 0 : i32
      %dma_start3A_91 = tpu.memref_slice %arg8[%dma_start3A, %dma_start3A_90] : memref<25x80xi32, #tpu.memory_space<vmem>> -> memref<1x80xi32, #tpu.memory_space<vmem>>
      %dma_start3A_92 = tpu.memref_squeeze %dma_start3A_91 : memref<1x80xi32, #tpu.memory_space<vmem>> -> memref<80xi32, #tpu.memory_space<vmem>>
      %dma_start3A_93 = arith.constant 0 : i32
      %dma_start3A_94 = arith.constant 0 : i32
      %dma_start3A_95 = tpu.memref_slice %arg3[%dma_start3A_93, %dma_start3A_94] : memref<10000x128xf32, #tpu.memory_space<hbm>> -> memref<10000x128xf32, #tpu.memory_space<hbm>>
      tpu.enqueue_indirect_dma source(%dma_start3A_95 : memref<10000x128xf32, #tpu.memory_space<hbm>>) target(%arg10 : memref<80x128xf32, #tpu.memory_space<vmem>>) offsets(%dma_start3A_92 : memref<80xi32, #tpu.memory_space<vmem>>) semaphore(%arg17 : memref<!tpu.dma_semaphore, #tpu.memory_space<semaphore_mem>>)
      %dma_start3A_96 = arith.constant 1 : i32
      %dma_start3A_97 = arith.constant 0 : i32
      %dma_start3A_98 = tpu.memref_slice %arg8[%dma_start3A_96, %dma_start3A_97] : memref<25x80xi32, #tpu.memory_space<vmem>> -> memref<1x80xi32, #tpu.memory_space<vmem>>
      %dma_start3A_99 = tpu.memref_squeeze %dma_start3A_98 : memref<1x80xi32, #tpu.memory_space<vmem>> -> memref<80xi32, #tpu.memory_space<vmem>>
      %dma_start3A_100 = arith.constant 0 : i32
      %dma_start3A_101 = arith.constant 0 : i32
      %dma_start3A_102 = tpu.memref_slice %arg3[%dma_start3A_100, %dma_start3A_101] : memref<10000x128xf32, #tpu.memory_space<hbm>> -> memref<10000x128xf32, #tpu.memory_space<hbm>>
      tpu.enqueue_indirect_dma source(%dma_start3A_102 : memref<10000x128xf32, #tpu.memory_space<hbm>>) target(%arg11 : memref<80x128xf32, #tpu.memory_space<vmem>>) offsets(%dma_start3A_99 : memref<80xi32, #tpu.memory_space<vmem>>) semaphore(%arg18 : memref<!tpu.dma_semaphore, #tpu.memory_space<semaphore_mem>>)
    } else {
    }
    %scan3A = arith.constant 0 : i32
    %scan3A_8 = arith.constant 0 : i32
    %scan3A_9 = arith.constant 80 : i32
    %scan3A_10 = arith.addi %scan3A_8, %scan3A_9 : i32
    %scan3A_11 = arith.constant 1 : i32
    %scan3A_12 = scf.for %scan3A_90 = %scan3A_8 to %scan3A_10 step %scan3A_11 iter_args(%scan3A_91 = %scan3A) -> (i32)  : i32 {
      %broadcast_in_dim3A_92 = arith.constant 0.000000e+00 : f32
      %broadcast_in_dim3A_93 = vector.broadcast %broadcast_in_dim3A_92 : f32 to vector<16xf32>
      %swap3A_94 = arith.index_cast %scan3A_90 : i32 to index
      %swap3A_95 = arith.constant 0 : index
      %swap3A_96 = tpu.vector_load %arg12[%swap3A_94, %swap3A_95] {strides = array<i32>} : memref<80x128xf32, #tpu.memory_space<vmem>>, vector<1x16xf32>,
      %swap3A_97 = vector.shape_cast %swap3A_96 : vector<1x16xf32> to vector<16xf32>
      %swap3A_98 = vector.shape_cast %broadcast_in_dim3A_93 : vector<16xf32> to vector<1x16xf32>
      tpu.vector_store %arg12[%swap3A_94, %swap3A_95], %swap3A_98 {strides = array<i32>} : memref<80x128xf32, #tpu.memory_space<vmem>>, vector<1x16xf32>,
      %broadcast_in_dim3A_99 = arith.constant 0.000000e+00 : f32
      %broadcast_in_dim3A_100 = vector.broadcast %broadcast_in_dim3A_99 : f32 to vector<16xf32>
      %swap3A_101 = arith.index_cast %scan3A_90 : i32 to index
      %swap3A_102 = arith.constant 16 : index
      %swap3A_103 = tpu.vector_load %arg12[%swap3A_101, %swap3A_102] {strides = array<i32>} : memref<80x128xf32, #tpu.memory_space<vmem>>, vector<1x16xf32>,
      %swap3A_104 = vector.shape_cast %swap3A_103 : vector<1x16xf32> to vector<16xf32>
      %swap3A_105 = vector.shape_cast %broadcast_in_dim3A_100 : vector<16xf32> to vector<1x16xf32>
      tpu.vector_store %arg12[%swap3A_101, %swap3A_102], %swap3A_105 {strides = array<i32>} : memref<80x128xf32, #tpu.memory_space<vmem>>, vector<1x16xf32>,
      %broadcast_in_dim3A_106 = arith.constant 0.000000e+00 : f32
      %broadcast_in_dim3A_107 = vector.broadcast %broadcast_in_dim3A_106 : f32 to vector<16xf32>
      %swap3A_108 = arith.index_cast %scan3A_90 : i32 to index
      %swap3A_109 = arith.constant 32 : index
      %swap3A_110 = tpu.vector_load %arg12[%swap3A_108, %swap3A_109] {strides = array<i32>} : memref<80x128xf32, #tpu.memory_space<vmem>>, vector<1x16xf32>,
      %swap3A_111 = vector.shape_cast %swap3A_110 : vector<1x16xf32> to vector<16xf32>
      %swap3A_112 = vector.shape_cast %broadcast_in_dim3A_107 : vector<16xf32> to vector<1x16xf32>
      tpu.vector_store %arg12[%swap3A_108, %swap3A_109], %swap3A_112 {strides = array<i32>} : memref<80x128xf32, #tpu.memory_space<vmem>>, vector<1x16xf32>,
      %broadcast_in_dim3A_113 = arith.constant 0.000000e+00 : f32
      %broadcast_in_dim3A_114 = vector.broadcast %broadcast_in_dim3A_113 : f32 to vector<16xf32>
      %swap3A_115 = arith.index_cast %scan3A_90 : i32 to index
      %swap3A_116 = arith.constant 48 : index
      %swap3A_117 = tpu.vector_load %arg12[%swap3A_115, %swap3A_116] {strides = array<i32>} : memref<80x128xf32, #tpu.memory_space<vmem>>, vector<1x16xf32>,
      %swap3A_118 = vector.shape_cast %swap3A_117 : vector<1x16xf32> to vector<16xf32>
      %swap3A_119 = vector.shape_cast %broadcast_in_dim3A_114 : vector<16xf32> to vector<1x16xf32>
      tpu.vector_store %arg12[%swap3A_115, %swap3A_116], %swap3A_119 {strides = array<i32>} : memref<80x128xf32, #tpu.memory_space<vmem>>, vector<1x16xf32>,
      %broadcast_in_dim3A_120 = arith.constant 0.000000e+00 : f32
      %broadcast_in_dim3A_121 = vector.broadcast %broadcast_in_dim3A_120 : f32 to vector<16xf32>
      %swap3A_122 = arith.index_cast %scan3A_90 : i32 to index
      %swap3A_123 = arith.constant 64 : index
      %swap3A_124 = tpu.vector_load %arg12[%swap3A_122, %swap3A_123] {strides = array<i32>} : memref<80x128xf32, #tpu.memory_space<vmem>>, vector<1x16xf32>,
      %swap3A_125 = vector.shape_cast %swap3A_124 : vector<1x16xf32> to vector<16xf32>
      %swap3A_126 = vector.shape_cast %broadcast_in_dim3A_121 : vector<16xf32> to vector<1x16xf32>
      tpu.vector_store %arg12[%swap3A_122, %swap3A_123], %swap3A_126 {strides = array<i32>} : memref<80x128xf32, #tpu.memory_space<vmem>>, vector<1x16xf32>,
      %broadcast_in_dim3A_127 = arith.constant 0.000000e+00 : f32
      %broadcast_in_dim3A_128 = vector.broadcast %broadcast_in_dim3A_127 : f32 to vector<16xf32>
      %swap3A_129 = arith.index_cast %scan3A_90 : i32 to index
      %swap3A_130 = arith.constant 80 : index
      %swap3A_131 = tpu.vector_load %arg12[%swap3A_129, %swap3A_130] {strides = array<i32>} : memref<80x128xf32, #tpu.memory_space<vmem>>, vector<1x16xf32>,
      %swap3A_132 = vector.shape_cast %swap3A_131 : vector<1x16xf32> to vector<16xf32>
      %swap3A_133 = vector.shape_cast %broadcast_in_dim3A_128 : vector<16xf32> to vector<1x16xf32>
      tpu.vector_store %arg12[%swap3A_129, %swap3A_130], %swap3A_133 {strides = array<i32>} : memref<80x128xf32, #tpu.memory_space<vmem>>, vector<1x16xf32>,
      %broadcast_in_dim3A_134 = arith.constant 0.000000e+00 : f32
      %broadcast_in_dim3A_135 = vector.broadcast %broadcast_in_dim3A_134 : f32 to vector<16xf32>
      %swap3A_136 = arith.index_cast %scan3A_90 : i32 to index
      %swap3A_137 = arith.constant 96 : index
      %swap3A_138 = tpu.vector_load %arg12[%swap3A_136, %swap3A_137] {strides = array<i32>} : memref<80x128xf32, #tpu.memory_space<vmem>>, vector<1x16xf32>,
      %swap3A_139 = vector.shape_cast %swap3A_138 : vector<1x16xf32> to vector<16xf32>
      %swap3A_140 = vector.shape_cast %broadcast_in_dim3A_135 : vector<16xf32> to vector<1x16xf32>
      tpu.vector_store %arg12[%swap3A_136, %swap3A_137], %swap3A_140 {strides = array<i32>} : memref<80x128xf32, #tpu.memory_space<vmem>>, vector<1x16xf32>,
      %broadcast_in_dim3A_141 = arith.constant 0.000000e+00 : f32
      %broadcast_in_dim3A_142 = vector.broadcast %broadcast_in_dim3A_141 : f32 to vector<16xf32>
      %swap3A_143 = arith.index_cast %scan3A_90 : i32 to index
      %swap3A_144 = arith.constant 112 : index
      %swap3A_145 = tpu.vector_load %arg12[%swap3A_143, %swap3A_144] {strides = array<i32>} : memref<80x128xf32, #tpu.memory_space<vmem>>, vector<1x16xf32>,
      %swap3A_146 = vector.shape_cast %swap3A_145 : vector<1x16xf32> to vector<16xf32>
      %swap3A_147 = vector.shape_cast %broadcast_in_dim3A_142 : vector<16xf32> to vector<1x16xf32>
      tpu.vector_store %arg12[%swap3A_143, %swap3A_144], %swap3A_147 {strides = array<i32>} : memref<80x128xf32, #tpu.memory_space<vmem>>, vector<1x16xf32>,
      %scan3A_148 = arith.constant 0 : i32
      scf.yield %scan3A_148 : i32
    }
    %scan3A_13 = arith.constant 80 : i32
    %mul3A = arith.constant 624 : i32
    %mul3A_14 = arith.muli %arg1, %mul3A : i32
    %scan3A_15 = arith.constant 0 : i32
    %scan3A_16 = arith.constant 0 : i32
    %scan3A_17 = arith.constant 7 : i32
    %scan3A_18 = arith.addi %scan3A_16, %scan3A_17 : i32
    %scan3A_19 = arith.constant 1 : i32
    %scan3A_20 = scf.for %scan3A_90 = %scan3A_16 to %scan3A_18 step %scan3A_19 iter_args(%scan3A_91 = %scan3A_15) -> (i32)  : i32 {
      %mul3A_92 = arith.constant 80 : i32
      %mul3A_93 = arith.muli %scan3A_90, %mul3A_92 : i32
      %add3A = arith.addi %mul3A_14, %mul3A_93 : i32
      "tpu.region"() ({
        %run_scoped3A_95 = tpu.sem_alloc : memref<!tpu.dma_semaphore, #tpu.memory_space<semaphore_mem>>
        %dma_start3A = arith.constant 0 : i32
        %dma_start3A_96 = tpu.memref_slice %arg15[%add3A, %dma_start3A] : memref<10000x128xf32, #tpu.memory_space<vmem_shared>> -> memref<80x128xf32, #tpu.memory_space<vmem_shared>>
        %dma_start3A_97 = arith.constant 0 : i32
        %dma_start3A_98 = tpu.memref_slice %arg15[%add3A, %dma_start3A_97] : memref<10000x128xf32, #tpu.memory_space<vmem_shared>> -> memref<80x128xf32, #tpu.memory_space<vmem_shared>>
        tpu.enqueue_dma source(%arg12 : memref<80x128xf32, #tpu.memory_space<vmem>>) target(%dma_start3A_98 : memref<80x128xf32, #tpu.memory_space<vmem_shared>>) target_semaphore(%run_scoped3A_95 : memref<!tpu.dma_semaphore, #tpu.memory_space<semaphore_mem>>)
        %dma_wait3A = arith.constant 0 : i32
        %dma_wait3A_99 = tpu.memref_slice %arg15[%add3A, %dma_wait3A] : memref<10000x128xf32, #tpu.memory_space<vmem_shared>> -> memref<80x128xf32, #tpu.memory_space<vmem_shared>>
        %dma_wait3A_100 = arith.constant 0 : i32
        %dma_wait3A_101 = tpu.memref_slice %arg15[%add3A, %dma_wait3A_100] : memref<10000x128xf32, #tpu.memory_space<vmem_shared>> -> memref<80x128xf32, #tpu.memory_space<vmem_shared>>
        tpu.wait_dma2 semaphore(%run_scoped3A_95 : memref<!tpu.dma_semaphore, #tpu.memory_space<semaphore_mem>>) src(%arg12 : memref<80x128xf32, #tpu.memory_space<vmem>>) dst(%dma_wait3A_101 : memref<80x128xf32, #tpu.memory_space<vmem_shared>>)
        tpu.yield
      }) : () -> ()
      %scan3A_94 = arith.constant 0 : i32
      scf.yield %scan3A_94 : i32
    }
    %scan3A_21 = arith.constant 7 : i32
    %lt3A = arith.constant 15 : i32
    %lt3A_22 = arith.cmpi slt, %arg1, %lt3A : i32
    %convert_element_type3A_23 = arith.extui %lt3A_22 : i1 to i32
    %cond3A_24 = arith.constant 0 : i32
    %cond3A_25 = arith.cmpi ne, %convert_element_type3A_23, %cond3A_24 : i32
    scf.if %cond3A_25 {
      %add3A = arith.constant 560 : i32
      %add3A_90 = arith.addi %mul3A_14, %add3A : i32
      "tpu.region"() ({
        %run_scoped3A_91 = tpu.sem_alloc : memref<!tpu.dma_semaphore, #tpu.memory_space<semaphore_mem>>
        %dma_start3A = arith.constant 0 : i32
        %dma_start3A_92 = arith.constant 0 : i32
        %dma_start3A_93 = tpu.memref_slice %arg12[%dma_start3A, %dma_start3A_92] : memref<80x128xf32, #tpu.memory_space<vmem>> -> memref<64x128xf32, #tpu.memory_space<vmem>>
        %dma_start3A_94 = arith.constant 0 : i32
        %dma_start3A_95 = tpu.memref_slice %arg15[%add3A_90, %dma_start3A_94] : memref<10000x128xf32, #tpu.memory_space<vmem_shared>> -> memref<64x128xf32, #tpu.memory_space<vmem_shared>>
        %dma_start3A_96 = arith.constant 0 : i32
        %dma_start3A_97 = tpu.memref_slice %arg15[%add3A_90, %dma_start3A_96] : memref<10000x128xf32, #tpu.memory_space<vmem_shared>> -> memref<64x128xf32, #tpu.memory_space<vmem_shared>>
        %dma_start3A_98 = arith.constant 0 : i32
        %dma_start3A_99 = arith.constant 0 : i32
        %dma_start3A_100 = tpu.memref_slice %arg12[%dma_start3A_98, %dma_start3A_99] : memref<80x128xf32, #tpu.memory_space<vmem>> -> memref<64x128xf32, #tpu.memory_space<vmem>>
        tpu.enqueue_dma source(%dma_start3A_100 : memref<64x128xf32, #tpu.memory_space<vmem>>) target(%dma_start3A_97 : memref<64x128xf32, #tpu.memory_space<vmem_shared>>) target_semaphore(%run_scoped3A_91 : memref<!tpu.dma_semaphore, #tpu.memory_space<semaphore_mem>>)
        %dma_wait3A = arith.constant 0 : i32
        %dma_wait3A_101 = arith.constant 0 : i32
        %dma_wait3A_102 = tpu.memref_slice %arg12[%dma_wait3A, %dma_wait3A_101] : memref<80x128xf32, #tpu.memory_space<vmem>> -> memref<64x128xf32, #tpu.memory_space<vmem>>
        %dma_wait3A_103 = arith.constant 0 : i32
        %dma_wait3A_104 = tpu.memref_slice %arg15[%add3A_90, %dma_wait3A_103] : memref<10000x128xf32, #tpu.memory_space<vmem_shared>> -> memref<64x128xf32, #tpu.memory_space<vmem_shared>>
        %dma_wait3A_105 = arith.constant 0 : i32
        %dma_wait3A_106 = tpu.memref_slice %arg15[%add3A_90, %dma_wait3A_105] : memref<10000x128xf32, #tpu.memory_space<vmem_shared>> -> memref<64x128xf32, #tpu.memory_space<vmem_shared>>
        %dma_wait3A_107 = arith.constant 0 : i32
        %dma_wait3A_108 = arith.constant 0 : i32
        %dma_wait3A_109 = tpu.memref_slice %arg12[%dma_wait3A_107, %dma_wait3A_108] : memref<80x128xf32, #tpu.memory_space<vmem>> -> memref<64x128xf32, #tpu.memory_space<vmem>>
        tpu.wait_dma2 semaphore(%run_scoped3A_91 : memref<!tpu.dma_semaphore, #tpu.memory_space<semaphore_mem>>) src(%dma_wait3A_109 : memref<64x128xf32, #tpu.memory_space<vmem>>) dst(%dma_wait3A_106 : memref<64x128xf32, #tpu.memory_space<vmem_shared>>)
        tpu.yield
      }) : () -> ()
    } else {
    }
    %eq3A_26 = arith.constant 15 : i32
    %eq3A_27 = arith.cmpi eq, %arg1, %eq3A_26 : i32
    %convert_element_type3A_28 = arith.extui %eq3A_27 : i1 to i32
    %cond3A_29 = arith.constant 0 : i32
    %cond3A_30 = arith.cmpi ne, %convert_element_type3A_28, %cond3A_29 : i32
    scf.if %cond3A_30 {
      %add3A = arith.constant 560 : i32
      %add3A_90 = arith.addi %mul3A_14, %add3A : i32
      "tpu.region"() ({
        %run_scoped3A_91 = tpu.sem_alloc : memref<!tpu.dma_semaphore, #tpu.memory_space<semaphore_mem>>
        %dma_start3A = arith.constant 0 : i32
        %dma_start3A_92 = arith.constant 0 : i32
        %dma_start3A_93 = tpu.memref_slice %arg12[%dma_start3A, %dma_start3A_92] : memref<80x128xf32, #tpu.memory_space<vmem>> -> memref<80x128xf32, #tpu.memory_space<vmem>>
        %dma_start3A_94 = arith.constant 0 : i32
        %dma_start3A_95 = tpu.memref_slice %arg15[%add3A_90, %dma_start3A_94] : memref<10000x128xf32, #tpu.memory_space<vmem_shared>> -> memref<80x128xf32, #tpu.memory_space<vmem_shared>>
        %dma_start3A_96 = arith.constant 0 : i32
        %dma_start3A_97 = tpu.memref_slice %arg15[%add3A_90, %dma_start3A_96] : memref<10000x128xf32, #tpu.memory_space<vmem_shared>> -> memref<80x128xf32, #tpu.memory_space<vmem_shared>>
        %dma_start3A_98 = arith.constant 0 : i32
        %dma_start3A_99 = arith.constant 0 : i32
        %dma_start3A_100 = tpu.memref_slice %arg12[%dma_start3A_98, %dma_start3A_99] : memref<80x128xf32, #tpu.memory_space<vmem>> -> memref<80x128xf32, #tpu.memory_space<vmem>>
        tpu.enqueue_dma source(%dma_start3A_100 : memref<80x128xf32, #tpu.memory_space<vmem>>) target(%dma_start3A_97 : memref<80x128xf32, #tpu.memory_space<vmem_shared>>) target_semaphore(%run_scoped3A_91 : memref<!tpu.dma_semaphore, #tpu.memory_space<semaphore_mem>>)
        %dma_wait3A = arith.constant 0 : i32
        %dma_wait3A_101 = arith.constant 0 : i32
        %dma_wait3A_102 = tpu.memref_slice %arg12[%dma_wait3A, %dma_wait3A_101] : memref<80x128xf32, #tpu.memory_space<vmem>> -> memref<80x128xf32, #tpu.memory_space<vmem>>
        %dma_wait3A_103 = arith.constant 0 : i32
        %dma_wait3A_104 = tpu.memref_slice %arg15[%add3A_90, %dma_wait3A_103] : memref<10000x128xf32, #tpu.memory_space<vmem_shared>> -> memref<80x128xf32, #tpu.memory_space<vmem_shared>>
        %dma_wait3A_105 = arith.constant 0 : i32
        %dma_wait3A_106 = tpu.memref_slice %arg15[%add3A_90, %dma_wait3A_105] : memref<10000x128xf32, #tpu.memory_space<vmem_shared>> -> memref<80x128xf32, #tpu.memory_space<vmem_shared>>
        %dma_wait3A_107 = arith.constant 0 : i32
        %dma_wait3A_108 = arith.constant 0 : i32
        %dma_wait3A_109 = tpu.memref_slice %arg12[%dma_wait3A_107, %dma_wait3A_108] : memref<80x128xf32, #tpu.memory_space<vmem>> -> memref<80x128xf32, #tpu.memory_space<vmem>>
        tpu.wait_dma2 semaphore(%run_scoped3A_91 : memref<!tpu.dma_semaphore, #tpu.memory_space<semaphore_mem>>) src(%dma_wait3A_109 : memref<80x128xf32, #tpu.memory_space<vmem>>) dst(%dma_wait3A_106 : memref<80x128xf32, #tpu.memory_space<vmem_shared>>)
        tpu.yield
      }) : () -> ()
    } else {
    }
    %eq3A_31 = arith.constant 0 : i32
    %eq3A_32 = arith.cmpi eq, %arg0, %eq3A_31 : i32
    %convert_element_type3A_33 = arith.extui %eq3A_32 : i1 to i32
    %cond3A_34 = arith.constant 0 : i32
    %cond3A_35 = arith.cmpi ne, %convert_element_type3A_33, %cond3A_34 : i32
    scf.if %cond3A_35 {
      %dma_start3A = arith.constant 2 : i32
      %dma_start3A_90 = arith.constant 0 : i32
      %dma_start3A_91 = tpu.memref_slice %arg8[%dma_start3A, %dma_start3A_90] : memref<25x80xi32, #tpu.memory_space<vmem>> -> memref<1x80xi32, #tpu.memory_space<vmem>>
      %dma_start3A_92 = tpu.memref_squeeze %dma_start3A_91 : memref<1x80xi32, #tpu.memory_space<vmem>> -> memref<80xi32, #tpu.memory_space<vmem>>
      %dma_start3A_93 = arith.constant 0 : i32
      %dma_start3A_94 = arith.constant 0 : i32
      %dma_start3A_95 = tpu.memref_slice %arg2[%dma_start3A_93, %dma_start3A_94] : memref<10000x128xf32, #tpu.memory_space<hbm>> -> memref<10000x128xf32, #tpu.memory_space<hbm>>
      tpu.enqueue_indirect_dma source(%dma_start3A_95 : memref<10000x128xf32, #tpu.memory_space<hbm>>) target(%arg12 : memref<80x128xf32, #tpu.memory_space<vmem>>) offsets(%dma_start3A_92 : memref<80xi32, #tpu.memory_space<vmem>>) semaphore(%arg19 : memref<!tpu.dma_semaphore, #tpu.memory_space<semaphore_mem>>)
    } else {
    }
    %eq3A_36 = arith.constant 1 : i32
    %eq3A_37 = arith.cmpi eq, %arg0, %eq3A_36 : i32
    %convert_element_type3A_38 = arith.extui %eq3A_37 : i1 to i32
    %cond3A_39 = arith.constant 0 : i32
    %cond3A_40 = arith.cmpi ne, %convert_element_type3A_38, %cond3A_39 : i32
    scf.if %cond3A_40 {
      %dma_start3A = arith.constant 2 : i32
      %dma_start3A_90 = arith.constant 0 : i32
      %dma_start3A_91 = tpu.memref_slice %arg8[%dma_start3A, %dma_start3A_90] : memref<25x80xi32, #tpu.memory_space<vmem>> -> memref<1x80xi32, #tpu.memory_space<vmem>>
      %dma_start3A_92 = tpu.memref_squeeze %dma_start3A_91 : memref<1x80xi32, #tpu.memory_space<vmem>> -> memref<80xi32, #tpu.memory_space<vmem>>
      %dma_start3A_93 = arith.constant 0 : i32
      %dma_start3A_94 = arith.constant 0 : i32
      %dma_start3A_95 = tpu.memref_slice %arg3[%dma_start3A_93, %dma_start3A_94] : memref<10000x128xf32, #tpu.memory_space<hbm>> -> memref<10000x128xf32, #tpu.memory_space<hbm>>
      tpu.enqueue_indirect_dma source(%dma_start3A_95 : memref<10000x128xf32, #tpu.memory_space<hbm>>) target(%arg12 : memref<80x128xf32, #tpu.memory_space<vmem>>) offsets(%dma_start3A_92 : memref<80xi32, #tpu.memory_space<vmem>>) semaphore(%arg19 : memref<!tpu.dma_semaphore, #tpu.memory_space<semaphore_mem>>)
    } else {
    }
    %broadcast_in_dim3A = arith.constant 1.000000e+00 : f32
    %broadcast_in_dim3A_41 = vector.broadcast %broadcast_in_dim3A : f32 to vector<16xf32>
    %swap3A = arith.constant 0 : index
    %swap3A_42 = tpu.vector_load %arg13[%swap3A] {strides = array<i32>} : memref<80xf32, #tpu.memory_space<vmem>>, vector<16xf32>,
    %swap3A_43 = vector.shape_cast %swap3A_42 : vector<16xf32> to vector<16xf32>
    %swap3A_44 = vector.shape_cast %broadcast_in_dim3A_41 : vector<16xf32> to vector<16xf32>
    tpu.vector_store %arg13[%swap3A], %swap3A_44 {strides = array<i32>} : memref<80xf32, #tpu.memory_space<vmem>>, vector<16xf32>,
    %broadcast_in_dim3A_45 = arith.constant 1.000000e+00 : f32
    %broadcast_in_dim3A_46 = vector.broadcast %broadcast_in_dim3A_45 : f32 to vector<16xf32>
    %swap3A_47 = arith.constant 16 : index
    %swap3A_48 = tpu.vector_load %arg13[%swap3A_47] {strides = array<i32>} : memref<80xf32, #tpu.memory_space<vmem>>, vector<16xf32>,
    %swap3A_49 = vector.shape_cast %swap3A_48 : vector<16xf32> to vector<16xf32>
    %swap3A_50 = vector.shape_cast %broadcast_in_dim3A_46 : vector<16xf32> to vector<16xf32>
    tpu.vector_store %arg13[%swap3A_47], %swap3A_50 {strides = array<i32>} : memref<80xf32, #tpu.memory_space<vmem>>, vector<16xf32>,
    %broadcast_in_dim3A_51 = arith.constant 1.000000e+00 : f32
    %broadcast_in_dim3A_52 = vector.broadcast %broadcast_in_dim3A_51 : f32 to vector<16xf32>
    %swap3A_53 = arith.constant 32 : index
    %swap3A_54 = tpu.vector_load %arg13[%swap3A_53] {strides = array<i32>} : memref<80xf32, #tpu.memory_space<vmem>>, vector<16xf32>,
    %swap3A_55 = vector.shape_cast %swap3A_54 : vector<16xf32> to vector<16xf32>
    %swap3A_56 = vector.shape_cast %broadcast_in_dim3A_52 : vector<16xf32> to vector<16xf32>
    tpu.vector_store %arg13[%swap3A_53], %swap3A_56 {strides = array<i32>} : memref<80xf32, #tpu.memory_space<vmem>>, vector<16xf32>,
    %broadcast_in_dim3A_57 = arith.constant 1.000000e+00 : f32
    %broadcast_in_dim3A_58 = vector.broadcast %broadcast_in_dim3A_57 : f32 to vector<16xf32>
    %swap3A_59 = arith.constant 48 : index
    %swap3A_60 = tpu.vector_load %arg13[%swap3A_59] {strides = array<i32>} : memref<80xf32, #tpu.memory_space<vmem>>, vector<16xf32>,
    %swap3A_61 = vector.shape_cast %swap3A_60 : vector<16xf32> to vector<16xf32>
    %swap3A_62 = vector.shape_cast %broadcast_in_dim3A_58 : vector<16xf32> to vector<16xf32>
    tpu.vector_store %arg13[%swap3A_59], %swap3A_62 {strides = array<i32>} : memref<80xf32, #tpu.memory_space<vmem>>, vector<16xf32>,
    %broadcast_in_dim3A_63 = arith.constant 1.000000e+00 : f32
    %broadcast_in_dim3A_64 = vector.broadcast %broadcast_in_dim3A_63 : f32 to vector<16xf32>
    %swap3A_65 = arith.constant 64 : index
    %swap3A_66 = tpu.vector_load %arg13[%swap3A_65] {strides = array<i32>} : memref<80xf32, #tpu.memory_space<vmem>>, vector<16xf32>,
    %swap3A_67 = vector.shape_cast %swap3A_66 : vector<16xf32> to vector<16xf32>
    %swap3A_68 = vector.shape_cast %broadcast_in_dim3A_64 : vector<16xf32> to vector<16xf32>
    tpu.vector_store %arg13[%swap3A_65], %swap3A_68 {strides = array<i32>} : memref<80xf32, #tpu.memory_space<vmem>>, vector<16xf32>,
    %barrier3A = arith.constant 0 : index
    tpu.barrier barrier_id(%barrier3A)
    %eq3A_69 = arith.constant 0 : i32
    %eq3A_70 = arith.cmpi eq, %arg0, %eq3A_69 : i32
    %convert_element_type3A_71 = arith.extui %eq3A_70 : i1 to i32
    %cond3A_72 = arith.constant 0 : i32
    %cond3A_73 = arith.cmpi ne, %convert_element_type3A_71, %cond3A_72 : i32
    scf.if %cond3A_73 {
      %scan3A_90 = arith.constant 0 : i32
      %scan3A_91 = arith.constant 0 : i32
      %scan3A_92 = arith.constant 5 : i32
      %scan3A_93 = arith.addi %scan3A_91, %scan3A_92 : i32
      %scan3A_94 = arith.constant 1 : i32
      %scan3A_95 = scf.for %scan3A_97 = %scan3A_91 to %scan3A_93 step %scan3A_94 iter_args(%scan3A_98 = %scan3A_90) -> (i32)  : i32 {
        %gt3A = arith.constant 0 : i32
        %gt3A_99 = arith.cmpi sgt, %scan3A_97, %gt3A : i32
        %convert_element_type3A_100 = arith.extui %gt3A_99 : i1 to i32
        %cond3A_101 = arith.constant 0 : i32
        %cond3A_102 = arith.cmpi ne, %convert_element_type3A_100, %cond3A_101 : i32
        scf.if %cond3A_102 {
          "tpu.region"() ({
            %run_scoped3A_138 = tpu.sem_alloc : memref<!tpu.dma_semaphore, #tpu.memory_space<semaphore_mem>>
            %dma_start3A_139 = arith.constant 0 : i32
            %dma_start3A_140 = arith.constant 0 : i32
            %dma_start3A_141 = arith.constant 0 : i32
            %dma_start3A_142 = tpu.memref_slice %arg4[%arg1, %dma_start3A_139, %dma_start3A_140, %dma_start3A_141] : memref<16x5x25x80xi32, #tpu.memory_space<hbm>> -> memref<1x5x25x80xi32, #tpu.memory_space<hbm>>
            %dma_start3A_143 = tpu.memref_squeeze %dma_start3A_142 : memref<1x5x25x80xi32, #tpu.memory_space<hbm>> -> memref<5x25x80xi32, #tpu.memory_space<hbm>>
            %dma_start3A_144 = arith.constant 0 : i32
            %dma_start3A_145 = arith.constant 0 : i32
            %dma_start3A_146 = tpu.memref_slice %dma_start3A_143[%scan3A_97, %dma_start3A_144, %dma_start3A_145] : memref<5x25x80xi32, #tpu.memory_space<hbm>> -> memref<1x25x80xi32, #tpu.memory_space<hbm>>
            %dma_start3A_147 = tpu.memref_squeeze %dma_start3A_146 : memref<1x25x80xi32, #tpu.memory_space<hbm>> -> memref<25x80xi32, #tpu.memory_space<hbm>>
            %dma_start3A_148 = arith.constant 0 : i32
            %dma_start3A_149 = arith.constant 0 : i32
            %dma_start3A_150 = arith.constant 0 : i32
            %dma_start3A_151 = tpu.memref_slice %arg4[%arg1, %dma_start3A_148, %dma_start3A_149, %dma_start3A_150] : memref<16x5x25x80xi32, #tpu.memory_space<hbm>> -> memref<1x5x25x80xi32, #tpu.memory_space<hbm>>
            %dma_start3A_152 = tpu.memref_squeeze %dma_start3A_151 : memref<1x5x25x80xi32, #tpu.memory_space<hbm>> -> memref<5x25x80xi32, #tpu.memory_space<hbm>>
            %dma_start3A_153 = arith.constant 0 : i32
            %dma_start3A_154 = arith.constant 0 : i32
            %dma_start3A_155 = tpu.memref_slice %dma_start3A_152[%scan3A_97, %dma_start3A_153, %dma_start3A_154] : memref<5x25x80xi32, #tpu.memory_space<hbm>> -> memref<1x25x80xi32, #tpu.memory_space<hbm>>
            %dma_start3A_156 = tpu.memref_squeeze %dma_start3A_155 : memref<1x25x80xi32, #tpu.memory_space<hbm>> -> memref<25x80xi32, #tpu.memory_space<hbm>>
            tpu.enqueue_dma source(%dma_start3A_156 : memref<25x80xi32, #tpu.memory_space<hbm>>) target(%arg8 : memref<25x80xi32, #tpu.memory_space<vmem>>) target_semaphore(%run_scoped3A_138 : memref<!tpu.dma_semaphore, #tpu.memory_space<semaphore_mem>>)
            %dma_wait3A_157 = arith.constant 0 : i32
            %dma_wait3A_158 = arith.constant 0 : i32
            %dma_wait3A_159 = arith.constant 0 : i32
            %dma_wait3A_160 = tpu.memref_slice %arg4[%arg1, %dma_wait3A_157, %dma_wait3A_158, %dma_wait3A_159] : memref<16x5x25x80xi32, #tpu.memory_space<hbm>> -> memref<1x5x25x80xi32, #tpu.memory_space<hbm>>
            %dma_wait3A_161 = tpu.memref_squeeze %dma_wait3A_160 : memref<1x5x25x80xi32, #tpu.memory_space<hbm>> -> memref<5x25x80xi32, #tpu.memory_space<hbm>>
            %dma_wait3A_162 = arith.constant 0 : i32
            %dma_wait3A_163 = arith.constant 0 : i32
            %dma_wait3A_164 = tpu.memref_slice %dma_wait3A_161[%scan3A_97, %dma_wait3A_162, %dma_wait3A_163] : memref<5x25x80xi32, #tpu.memory_space<hbm>> -> memref<1x25x80xi32, #tpu.memory_space<hbm>>
            %dma_wait3A_165 = tpu.memref_squeeze %dma_wait3A_164 : memref<1x25x80xi32, #tpu.memory_space<hbm>> -> memref<25x80xi32, #tpu.memory_space<hbm>>
            %dma_wait3A_166 = arith.constant 0 : i32
            %dma_wait3A_167 = arith.constant 0 : i32
            %dma_wait3A_168 = arith.constant 0 : i32
            %dma_wait3A_169 = tpu.memref_slice %arg4[%arg1, %dma_wait3A_166, %dma_wait3A_167, %dma_wait3A_168] : memref<16x5x25x80xi32, #tpu.memory_space<hbm>> -> memref<1x5x25x80xi32, #tpu.memory_space<hbm>>
            %dma_wait3A_170 = tpu.memref_squeeze %dma_wait3A_169 : memref<1x5x25x80xi32, #tpu.memory_space<hbm>> -> memref<5x25x80xi32, #tpu.memory_space<hbm>>
            %dma_wait3A_171 = arith.constant 0 : i32
            %dma_wait3A_172 = arith.constant 0 : i32
            %dma_wait3A_173 = tpu.memref_slice %dma_wait3A_170[%scan3A_97, %dma_wait3A_171, %dma_wait3A_172] : memref<5x25x80xi32, #tpu.memory_space<hbm>> -> memref<1x25x80xi32, #tpu.memory_space<hbm>>
            %dma_wait3A_174 = tpu.memref_squeeze %dma_wait3A_173 : memref<1x25x80xi32, #tpu.memory_space<hbm>> -> memref<25x80xi32, #tpu.memory_space<hbm>>
            tpu.wait_dma2 semaphore(%run_scoped3A_138 : memref<!tpu.dma_semaphore, #tpu.memory_space<semaphore_mem>>) src(%dma_wait3A_174 : memref<25x80xi32, #tpu.memory_space<hbm>>) dst(%arg8 : memref<25x80xi32, #tpu.memory_space<vmem>>)
            tpu.yield
          }) : () -> ()
          "tpu.region"() ({
            %run_scoped3A_138 = tpu.sem_alloc : memref<!tpu.dma_semaphore, #tpu.memory_space<semaphore_mem>>
            %dma_start3A_139 = arith.constant 0 : i32
            %dma_start3A_140 = arith.constant 0 : i32
            %dma_start3A_141 = arith.constant 0 : i32
            %dma_start3A_142 = tpu.memref_slice %arg5[%arg1, %dma_start3A_139, %dma_start3A_140, %dma_start3A_141] : memref<16x5x25x80xi32, #tpu.memory_space<hbm>> -> memref<1x5x25x80xi32, #tpu.memory_space<hbm>>
            %dma_start3A_143 = tpu.memref_squeeze %dma_start3A_142 : memref<1x5x25x80xi32, #tpu.memory_space<hbm>> -> memref<5x25x80xi32, #tpu.memory_space<hbm>>
            %dma_start3A_144 = arith.constant 0 : i32
            %dma_start3A_145 = arith.constant 0 : i32
            %dma_start3A_146 = tpu.memref_slice %dma_start3A_143[%scan3A_97, %dma_start3A_144, %dma_start3A_145] : memref<5x25x80xi32, #tpu.memory_space<hbm>> -> memref<1x25x80xi32, #tpu.memory_space<hbm>>
            %dma_start3A_147 = tpu.memref_squeeze %dma_start3A_146 : memref<1x25x80xi32, #tpu.memory_space<hbm>> -> memref<25x80xi32, #tpu.memory_space<hbm>>
            %dma_start3A_148 = arith.constant 0 : i32
            %dma_start3A_149 = arith.constant 0 : i32
            %dma_start3A_150 = arith.constant 0 : i32
            %dma_start3A_151 = tpu.memref_slice %arg5[%arg1, %dma_start3A_148, %dma_start3A_149, %dma_start3A_150] : memref<16x5x25x80xi32, #tpu.memory_space<hbm>> -> memref<1x5x25x80xi32, #tpu.memory_space<hbm>>
            %dma_start3A_152 = tpu.memref_squeeze %dma_start3A_151 : memref<1x5x25x80xi32, #tpu.memory_space<hbm>> -> memref<5x25x80xi32, #tpu.memory_space<hbm>>
            %dma_start3A_153 = arith.constant 0 : i32
            %dma_start3A_154 = arith.constant 0 : i32
            %dma_start3A_155 = tpu.memref_slice %dma_start3A_152[%scan3A_97, %dma_start3A_153, %dma_start3A_154] : memref<5x25x80xi32, #tpu.memory_space<hbm>> -> memref<1x25x80xi32, #tpu.memory_space<hbm>>
            %dma_start3A_156 = tpu.memref_squeeze %dma_start3A_155 : memref<1x25x80xi32, #tpu.memory_space<hbm>> -> memref<25x80xi32, #tpu.memory_space<hbm>>
            tpu.enqueue_dma source(%dma_start3A_156 : memref<25x80xi32, #tpu.memory_space<hbm>>) target(%arg9 : memref<25x80xi32, #tpu.memory_space<vmem>>) target_semaphore(%run_scoped3A_138 : memref<!tpu.dma_semaphore, #tpu.memory_space<semaphore_mem>>)
            %dma_wait3A_157 = arith.constant 0 : i32
            %dma_wait3A_158 = arith.constant 0 : i32
            %dma_wait3A_159 = arith.constant 0 : i32
            %dma_wait3A_160 = tpu.memref_slice %arg5[%arg1, %dma_wait3A_157, %dma_wait3A_158, %dma_wait3A_159] : memref<16x5x25x80xi32, #tpu.memory_space<hbm>> -> memref<1x5x25x80xi32, #tpu.memory_space<hbm>>
            %dma_wait3A_161 = tpu.memref_squeeze %dma_wait3A_160 : memref<1x5x25x80xi32, #tpu.memory_space<hbm>> -> memref<5x25x80xi32, #tpu.memory_space<hbm>>
            %dma_wait3A_162 = arith.constant 0 : i32
            %dma_wait3A_163 = arith.constant 0 : i32
            %dma_wait3A_164 = tpu.memref_slice %dma_wait3A_161[%scan3A_97, %dma_wait3A_162, %dma_wait3A_163] : memref<5x25x80xi32, #tpu.memory_space<hbm>> -> memref<1x25x80xi32, #tpu.memory_space<hbm>>
            %dma_wait3A_165 = tpu.memref_squeeze %dma_wait3A_164 : memref<1x25x80xi32, #tpu.memory_space<hbm>> -> memref<25x80xi32, #tpu.memory_space<hbm>>
            %dma_wait3A_166 = arith.constant 0 : i32
            %dma_wait3A_167 = arith.constant 0 : i32
            %dma_wait3A_168 = arith.constant 0 : i32
            %dma_wait3A_169 = tpu.memref_slice %arg5[%arg1, %dma_wait3A_166, %dma_wait3A_167, %dma_wait3A_168] : memref<16x5x25x80xi32, #tpu.memory_space<hbm>> -> memref<1x5x25x80xi32, #tpu.memory_space<hbm>>
            %dma_wait3A_170 = tpu.memref_squeeze %dma_wait3A_169 : memref<1x5x25x80xi32, #tpu.memory_space<hbm>> -> memref<5x25x80xi32, #tpu.memory_space<hbm>>
            %dma_wait3A_171 = arith.constant 0 : i32
            %dma_wait3A_172 = arith.constant 0 : i32
            %dma_wait3A_173 = tpu.memref_slice %dma_wait3A_170[%scan3A_97, %dma_wait3A_171, %dma_wait3A_172] : memref<5x25x80xi32, #tpu.memory_space<hbm>> -> memref<1x25x80xi32, #tpu.memory_space<hbm>>
            %dma_wait3A_174 = tpu.memref_squeeze %dma_wait3A_173 : memref<1x25x80xi32, #tpu.memory_space<hbm>> -> memref<25x80xi32, #tpu.memory_space<hbm>>
            tpu.wait_dma2 semaphore(%run_scoped3A_138 : memref<!tpu.dma_semaphore, #tpu.memory_space<semaphore_mem>>) src(%dma_wait3A_174 : memref<25x80xi32, #tpu.memory_space<hbm>>) dst(%arg9 : memref<25x80xi32, #tpu.memory_space<vmem>>)
            tpu.yield
          }) : () -> ()
          %dma_start3A = arith.constant 0 : i32
          %dma_start3A_118 = arith.constant 0 : i32
          %dma_start3A_119 = tpu.memref_slice %arg8[%dma_start3A, %dma_start3A_118] : memref<25x80xi32, #tpu.memory_space<vmem>> -> memref<1x80xi32, #tpu.memory_space<vmem>>
          %dma_start3A_120 = tpu.memref_squeeze %dma_start3A_119 : memref<1x80xi32, #tpu.memory_space<vmem>> -> memref<80xi32, #tpu.memory_space<vmem>>
          %dma_start3A_121 = arith.constant 0 : i32
          %dma_start3A_122 = arith.constant 0 : i32
          %dma_start3A_123 = tpu.memref_slice %arg2[%dma_start3A_121, %dma_start3A_122] : memref<10000x128xf32, #tpu.memory_space<hbm>> -> memref<10000x128xf32, #tpu.memory_space<hbm>>
          tpu.enqueue_indirect_dma source(%dma_start3A_123 : memref<10000x128xf32, #tpu.memory_space<hbm>>) target(%arg10 : memref<80x128xf32, #tpu.memory_space<vmem>>) offsets(%dma_start3A_120 : memref<80xi32, #tpu.memory_space<vmem>>) semaphore(%arg17 : memref<!tpu.dma_semaphore, #tpu.memory_space<semaphore_mem>>)
          %dma_start3A_124 = arith.constant 1 : i32
          %dma_start3A_125 = arith.constant 0 : i32
          %dma_start3A_126 = tpu.memref_slice %arg8[%dma_start3A_124, %dma_start3A_125] : memref<25x80xi32, #tpu.memory_space<vmem>> -> memref<1x80xi32, #tpu.memory_space<vmem>>
          %dma_start3A_127 = tpu.memref_squeeze %dma_start3A_126 : memref<1x80xi32, #tpu.memory_space<vmem>> -> memref<80xi32, #tpu.memory_space<vmem>>
          %dma_start3A_128 = arith.constant 0 : i32
          %dma_start3A_129 = arith.constant 0 : i32
          %dma_start3A_130 = tpu.memref_slice %arg2[%dma_start3A_128, %dma_start3A_129] : memref<10000x128xf32, #tpu.memory_space<hbm>> -> memref<10000x128xf32, #tpu.memory_space<hbm>>
          tpu.enqueue_indirect_dma source(%dma_start3A_130 : memref<10000x128xf32, #tpu.memory_space<hbm>>) target(%arg11 : memref<80x128xf32, #tpu.memory_space<vmem>>) offsets(%dma_start3A_127 : memref<80xi32, #tpu.memory_space<vmem>>) semaphore(%arg18 : memref<!tpu.dma_semaphore, #tpu.memory_space<semaphore_mem>>)
          %dma_start3A_131 = arith.constant 2 : i32
          %dma_start3A_132 = arith.constant 0 : i32
          %dma_start3A_133 = tpu.memref_slice %arg8[%dma_start3A_131, %dma_start3A_132] : memref<25x80xi32, #tpu.memory_space<vmem>> -> memref<1x80xi32, #tpu.memory_space<vmem>>
          %dma_start3A_134 = tpu.memref_squeeze %dma_start3A_133 : memref<1x80xi32, #tpu.memory_space<vmem>> -> memref<80xi32, #tpu.memory_space<vmem>>
          %dma_start3A_135 = arith.constant 0 : i32
          %dma_start3A_136 = arith.constant 0 : i32
          %dma_start3A_137 = tpu.memref_slice %arg2[%dma_start3A_135, %dma_start3A_136] : memref<10000x128xf32, #tpu.memory_space<hbm>> -> memref<10000x128xf32, #tpu.memory_space<hbm>>
          tpu.enqueue_indirect_dma source(%dma_start3A_137 : memref<10000x128xf32, #tpu.memory_space<hbm>>) target(%arg12 : memref<80x128xf32, #tpu.memory_space<vmem>>) offsets(%dma_start3A_134 : memref<80xi32, #tpu.memory_space<vmem>>) semaphore(%arg19 : memref<!tpu.dma_semaphore, #tpu.memory_space<semaphore_mem>>)
        } else {
        }
        %scan3A_103 = arith.constant 0 : i32
        %scan3A_104 = arith.constant 0 : i32
        %scan3A_105 = arith.constant 8 : i32
        %scan3A_106 = arith.addi %scan3A_104, %scan3A_105 : i32
        %scan3A_107 = arith.constant 1 : i32
        %scan3A_108 = scf.for %scan3A_118 = %scan3A_104 to %scan3A_106 step %scan3A_107 iter_args(%scan3A_119 = %scan3A_103) -> (i32)  : i32 {
          %mul3A_120 = arith.constant 3 : i32
          %mul3A_121 = arith.muli %mul3A_120, %scan3A_118 : i32
          %add3A = arith.constant 0 : i32
          %add3A_122 = arith.addi %mul3A_121, %add3A : i32
          %dma_wait3A_123 = arith.constant 0 : i32
          %dma_wait3A_124 = tpu.memref_slice %arg8[%add3A_122, %dma_wait3A_123] : memref<25x80xi32, #tpu.memory_space<vmem>> -> memref<1x80xi32, #tpu.memory_space<vmem>>
          %dma_wait3A_125 = tpu.memref_squeeze %dma_wait3A_124 : memref<1x80xi32, #tpu.memory_space<vmem>> -> memref<80xi32, #tpu.memory_space<vmem>>
          %dma_wait3A_126 = arith.constant 0 : i32
          %dma_wait3A_127 = arith.constant 0 : i32
          %dma_wait3A_128 = tpu.memref_slice %arg2[%dma_wait3A_126, %dma_wait3A_127] : memref<10000x128xf32, #tpu.memory_space<hbm>> -> memref<10000x128xf32, #tpu.memory_space<hbm>>
          tpu.wait_indirect_dma semaphore(%arg17 : memref<!tpu.dma_semaphore, #tpu.memory_space<semaphore_mem>>) src(%dma_wait3A_128 : memref<10000x128xf32, #tpu.memory_space<hbm>>) dst(%arg10 : memref<80x128xf32, #tpu.memory_space<vmem>>)
          "tpu.region"() ({
            %run_scoped3A_171 = tpu.sem_alloc : memref<!tpu.dma_semaphore, #tpu.memory_space<semaphore_mem>>
            %dma_start3A = arith.constant 0 : i32
            %dma_start3A_172 = tpu.memref_slice %arg9[%add3A_122, %dma_start3A] : memref<25x80xi32, #tpu.memory_space<vmem>> -> memref<1x80xi32, #tpu.memory_space<vmem>>
            %dma_start3A_173 = tpu.memref_squeeze %dma_start3A_172 : memref<1x80xi32, #tpu.memory_space<vmem>> -> memref<80xi32, #tpu.memory_space<vmem>>
            %dma_start3A_174 = arith.constant 0 : i32
            %dma_start3A_175 = arith.constant 0 : i32
            %dma_start3A_176 = tpu.memref_slice %arg15[%dma_start3A_174, %dma_start3A_175] : memref<10000x128xf32, #tpu.memory_space<vmem_shared>> -> memref<10000x128xf32, #tpu.memory_space<vmem_shared>>
            tpu.enqueue_indirect_dma source(%arg10 : memref<80x128xf32, #tpu.memory_space<vmem>>) target(%dma_start3A_176 : memref<10000x128xf32, #tpu.memory_space<vmem_shared>>) offsets(%dma_start3A_173 : memref<80xi32, #tpu.memory_space<vmem>>) semaphore(%run_scoped3A_171 : memref<!tpu.dma_semaphore, #tpu.memory_space<semaphore_mem>>) {add = true}
            %dma_wait3A_177 = arith.constant 0 : i32
            %dma_wait3A_178 = tpu.memref_slice %arg9[%add3A_122, %dma_wait3A_177] : memref<25x80xi32, #tpu.memory_space<vmem>> -> memref<1x80xi32, #tpu.memory_space<vmem>>
            %dma_wait3A_179 = tpu.memref_squeeze %dma_wait3A_178 : memref<1x80xi32, #tpu.memory_space<vmem>> -> memref<80xi32, #tpu.memory_space<vmem>>
            %dma_wait3A_180 = arith.constant 0 : i32
            %dma_wait3A_181 = arith.constant 0 : i32
            %dma_wait3A_182 = tpu.memref_slice %arg15[%dma_wait3A_180, %dma_wait3A_181] : memref<10000x128xf32, #tpu.memory_space<vmem_shared>> -> memref<10000x128xf32, #tpu.memory_space<vmem_shared>>
            tpu.wait_indirect_dma semaphore(%run_scoped3A_171 : memref<!tpu.dma_semaphore, #tpu.memory_space<semaphore_mem>>) src(%arg10 : memref<80x128xf32, #tpu.memory_space<vmem>>) dst(%dma_wait3A_182 : memref<10000x128xf32, #tpu.memory_space<vmem_shared>>)
            tpu.yield
          }) : () -> ()
          %add3A_129 = arith.constant 3 : i32
          %add3A_130 = arith.addi %add3A_122, %add3A_129 : i32
          %lt3A_131 = arith.constant 25 : i32
          %lt3A_132 = arith.cmpi slt, %add3A_130, %lt3A_131 : i32
          %convert_element_type3A_133 = arith.extui %lt3A_132 : i1 to i32
          %cond3A_134 = arith.constant 0 : i32
          %cond3A_135 = arith.cmpi ne, %convert_element_type3A_133, %cond3A_134 : i32
          scf.if %cond3A_135 {
            %add3A_171 = arith.constant 3 : i32
            %add3A_172 = arith.addi %add3A_122, %add3A_171 : i32
            %dma_start3A = arith.constant 0 : i32
            %dma_start3A_173 = tpu.memref_slice %arg8[%add3A_172, %dma_start3A] : memref<25x80xi32, #tpu.memory_space<vmem>> -> memref<1x80xi32, #tpu.memory_space<vmem>>
            %dma_start3A_174 = tpu.memref_squeeze %dma_start3A_173 : memref<1x80xi32, #tpu.memory_space<vmem>> -> memref<80xi32, #tpu.memory_space<vmem>>
            %dma_start3A_175 = arith.constant 0 : i32
            %dma_start3A_176 = arith.constant 0 : i32
            %dma_start3A_177 = tpu.memref_slice %arg2[%dma_start3A_175, %dma_start3A_176] : memref<10000x128xf32, #tpu.memory_space<hbm>> -> memref<10000x128xf32, #tpu.memory_space<hbm>>
            tpu.enqueue_indirect_dma source(%dma_start3A_177 : memref<10000x128xf32, #tpu.memory_space<hbm>>) target(%arg10 : memref<80x128xf32, #tpu.memory_space<vmem>>) offsets(%dma_start3A_174 : memref<80xi32, #tpu.memory_space<vmem>>) semaphore(%arg17 : memref<!tpu.dma_semaphore, #tpu.memory_space<semaphore_mem>>)
          } else {
          }
          %mul3A_136 = arith.constant 3 : i32
          %mul3A_137 = arith.muli %mul3A_136, %scan3A_118 : i32
          %add3A_138 = arith.constant 1 : i32
          %add3A_139 = arith.addi %mul3A_137, %add3A_138 : i32
          %dma_wait3A_140 = arith.constant 0 : i32
          %dma_wait3A_141 = tpu.memref_slice %arg8[%add3A_139, %dma_wait3A_140] : memref<25x80xi32, #tpu.memory_space<vmem>> -> memref<1x80xi32, #tpu.memory_space<vmem>>
          %dma_wait3A_142 = tpu.memref_squeeze %dma_wait3A_141 : memref<1x80xi32, #tpu.memory_space<vmem>> -> memref<80xi32, #tpu.memory_space<vmem>>
          %dma_wait3A_143 = arith.constant 0 : i32
          %dma_wait3A_144 = arith.constant 0 : i32
          %dma_wait3A_145 = tpu.memref_slice %arg2[%dma_wait3A_143, %dma_wait3A_144] : memref<10000x128xf32, #tpu.memory_space<hbm>> -> memref<10000x128xf32, #tpu.memory_space<hbm>>
          tpu.wait_indirect_dma semaphore(%arg18 : memref<!tpu.dma_semaphore, #tpu.memory_space<semaphore_mem>>) src(%dma_wait3A_145 : memref<10000x128xf32, #tpu.memory_space<hbm>>) dst(%arg11 : memref<80x128xf32, #tpu.memory_space<vmem>>)
          "tpu.region"() ({
            %run_scoped3A_171 = tpu.sem_alloc : memref<!tpu.dma_semaphore, #tpu.memory_space<semaphore_mem>>
            %dma_start3A = arith.constant 0 : i32
            %dma_start3A_172 = tpu.memref_slice %arg9[%add3A_139, %dma_start3A] : memref<25x80xi32, #tpu.memory_space<vmem>> -> memref<1x80xi32, #tpu.memory_space<vmem>>
            %dma_start3A_173 = tpu.memref_squeeze %dma_start3A_172 : memref<1x80xi32, #tpu.memory_space<vmem>> -> memref<80xi32, #tpu.memory_space<vmem>>
            %dma_start3A_174 = arith.constant 0 : i32
            %dma_start3A_175 = arith.constant 0 : i32
            %dma_start3A_176 = tpu.memref_slice %arg15[%dma_start3A_174, %dma_start3A_175] : memref<10000x128xf32, #tpu.memory_space<vmem_shared>> -> memref<10000x128xf32, #tpu.memory_space<vmem_shared>>
            tpu.enqueue_indirect_dma source(%arg11 : memref<80x128xf32, #tpu.memory_space<vmem>>) target(%dma_start3A_176 : memref<10000x128xf32, #tpu.memory_space<vmem_shared>>) offsets(%dma_start3A_173 : memref<80xi32, #tpu.memory_space<vmem>>) semaphore(%run_scoped3A_171 : memref<!tpu.dma_semaphore, #tpu.memory_space<semaphore_mem>>) {add = true}
            %dma_wait3A_177 = arith.constant 0 : i32
            %dma_wait3A_178 = tpu.memref_slice %arg9[%add3A_139, %dma_wait3A_177] : memref<25x80xi32, #tpu.memory_space<vmem>> -> memref<1x80xi32, #tpu.memory_space<vmem>>
            %dma_wait3A_179 = tpu.memref_squeeze %dma_wait3A_178 : memref<1x80xi32, #tpu.memory_space<vmem>> -> memref<80xi32, #tpu.memory_space<vmem>>
            %dma_wait3A_180 = arith.constant 0 : i32
            %dma_wait3A_181 = arith.constant 0 : i32
            %dma_wait3A_182 = tpu.memref_slice %arg15[%dma_wait3A_180, %dma_wait3A_181] : memref<10000x128xf32, #tpu.memory_space<vmem_shared>> -> memref<10000x128xf32, #tpu.memory_space<vmem_shared>>
            tpu.wait_indirect_dma semaphore(%run_scoped3A_171 : memref<!tpu.dma_semaphore, #tpu.memory_space<semaphore_mem>>) src(%arg11 : memref<80x128xf32, #tpu.memory_space<vmem>>) dst(%dma_wait3A_182 : memref<10000x128xf32, #tpu.memory_space<vmem_shared>>)
            tpu.yield
          }) : () -> ()
          %add3A_146 = arith.constant 3 : i32
          %add3A_147 = arith.addi %add3A_139, %add3A_146 : i32
          %lt3A_148 = arith.constant 25 : i32
          %lt3A_149 = arith.cmpi slt, %add3A_147, %lt3A_148 : i32
          %convert_element_type3A_150 = arith.extui %lt3A_149 : i1 to i32
          %cond3A_151 = arith.constant 0 : i32
          %cond3A_152 = arith.cmpi ne, %convert_element_type3A_150, %cond3A_151 : i32
          scf.if %cond3A_152 {
            %add3A_171 = arith.constant 3 : i32
            %add3A_172 = arith.addi %add3A_139, %add3A_171 : i32
            %dma_start3A = arith.constant 0 : i32
            %dma_start3A_173 = tpu.memref_slice %arg8[%add3A_172, %dma_start3A] : memref<25x80xi32, #tpu.memory_space<vmem>> -> memref<1x80xi32, #tpu.memory_space<vmem>>
            %dma_start3A_174 = tpu.memref_squeeze %dma_start3A_173 : memref<1x80xi32, #tpu.memory_space<vmem>> -> memref<80xi32, #tpu.memory_space<vmem>>
            %dma_start3A_175 = arith.constant 0 : i32
            %dma_start3A_176 = arith.constant 0 : i32
            %dma_start3A_177 = tpu.memref_slice %arg2[%dma_start3A_175, %dma_start3A_176] : memref<10000x128xf32, #tpu.memory_space<hbm>> -> memref<10000x128xf32, #tpu.memory_space<hbm>>
            tpu.enqueue_indirect_dma source(%dma_start3A_177 : memref<10000x128xf32, #tpu.memory_space<hbm>>) target(%arg11 : memref<80x128xf32, #tpu.memory_space<vmem>>) offsets(%dma_start3A_174 : memref<80xi32, #tpu.memory_space<vmem>>) semaphore(%arg18 : memref<!tpu.dma_semaphore, #tpu.memory_space<semaphore_mem>>)
          } else {
          }
          %mul3A_153 = arith.constant 3 : i32
          %mul3A_154 = arith.muli %mul3A_153, %scan3A_118 : i32
          %add3A_155 = arith.constant 2 : i32
          %add3A_156 = arith.addi %mul3A_154, %add3A_155 : i32
          %dma_wait3A_157 = arith.constant 0 : i32
          %dma_wait3A_158 = tpu.memref_slice %arg8[%add3A_156, %dma_wait3A_157] : memref<25x80xi32, #tpu.memory_space<vmem>> -> memref<1x80xi32, #tpu.memory_space<vmem>>
          %dma_wait3A_159 = tpu.memref_squeeze %dma_wait3A_158 : memref<1x80xi32, #tpu.memory_space<vmem>> -> memref<80xi32, #tpu.memory_space<vmem>>
          %dma_wait3A_160 = arith.constant 0 : i32
          %dma_wait3A_161 = arith.constant 0 : i32
          %dma_wait3A_162 = tpu.memref_slice %arg2[%dma_wait3A_160, %dma_wait3A_161] : memref<10000x128xf32, #tpu.memory_space<hbm>> -> memref<10000x128xf32, #tpu.memory_space<hbm>>
          tpu.wait_indirect_dma semaphore(%arg19 : memref<!tpu.dma_semaphore, #tpu.memory_space<semaphore_mem>>) src(%dma_wait3A_162 : memref<10000x128xf32, #tpu.memory_space<hbm>>) dst(%arg12 : memref<80x128xf32, #tpu.memory_space<vmem>>)
          "tpu.region"() ({
            %run_scoped3A_171 = tpu.sem_alloc : memref<!tpu.dma_semaphore, #tpu.memory_space<semaphore_mem>>
            %dma_start3A = arith.constant 0 : i32
            %dma_start3A_172 = tpu.memref_slice %arg9[%add3A_156, %dma_start3A] : memref<25x80xi32, #tpu.memory_space<vmem>> -> memref<1x80xi32, #tpu.memory_space<vmem>>
            %dma_start3A_173 = tpu.memref_squeeze %dma_start3A_172 : memref<1x80xi32, #tpu.memory_space<vmem>> -> memref<80xi32, #tpu.memory_space<vmem>>
            %dma_start3A_174 = arith.constant 0 : i32
            %dma_start3A_175 = arith.constant 0 : i32
            %dma_start3A_176 = tpu.memref_slice %arg15[%dma_start3A_174, %dma_start3A_175] : memref<10000x128xf32, #tpu.memory_space<vmem_shared>> -> memref<10000x128xf32, #tpu.memory_space<vmem_shared>>
            tpu.enqueue_indirect_dma source(%arg12 : memref<80x128xf32, #tpu.memory_space<vmem>>) target(%dma_start3A_176 : memref<10000x128xf32, #tpu.memory_space<vmem_shared>>) offsets(%dma_start3A_173 : memref<80xi32, #tpu.memory_space<vmem>>) semaphore(%run_scoped3A_171 : memref<!tpu.dma_semaphore, #tpu.memory_space<semaphore_mem>>) {add = true}
            %dma_wait3A_177 = arith.constant 0 : i32
            %dma_wait3A_178 = tpu.memref_slice %arg9[%add3A_156, %dma_wait3A_177] : memref<25x80xi32, #tpu.memory_space<vmem>> -> memref<1x80xi32, #tpu.memory_space<vmem>>
            %dma_wait3A_179 = tpu.memref_squeeze %dma_wait3A_178 : memref<1x80xi32, #tpu.memory_space<vmem>> -> memref<80xi32, #tpu.memory_space<vmem>>
            %dma_wait3A_180 = arith.constant 0 : i32
            %dma_wait3A_181 = arith.constant 0 : i32
            %dma_wait3A_182 = tpu.memref_slice %arg15[%dma_wait3A_180, %dma_wait3A_181] : memref<10000x128xf32, #tpu.memory_space<vmem_shared>> -> memref<10000x128xf32, #tpu.memory_space<vmem_shared>>
            tpu.wait_indirect_dma semaphore(%run_scoped3A_171 : memref<!tpu.dma_semaphore, #tpu.memory_space<semaphore_mem>>) src(%arg12 : memref<80x128xf32, #tpu.memory_space<vmem>>) dst(%dma_wait3A_182 : memref<10000x128xf32, #tpu.memory_space<vmem_shared>>)
            tpu.yield
          }) : () -> ()
          %add3A_163 = arith.constant 3 : i32
          %add3A_164 = arith.addi %add3A_156, %add3A_163 : i32
          %lt3A_165 = arith.constant 25 : i32
          %lt3A_166 = arith.cmpi slt, %add3A_164, %lt3A_165 : i32
          %convert_element_type3A_167 = arith.extui %lt3A_166 : i1 to i32
          %cond3A_168 = arith.constant 0 : i32
          %cond3A_169 = arith.cmpi ne, %convert_element_type3A_167, %cond3A_168 : i32
          scf.if %cond3A_169 {
            %add3A_171 = arith.constant 3 : i32
            %add3A_172 = arith.addi %add3A_156, %add3A_171 : i32
            %dma_start3A = arith.constant 0 : i32
            %dma_start3A_173 = tpu.memref_slice %arg8[%add3A_172, %dma_start3A] : memref<25x80xi32, #tpu.memory_space<vmem>> -> memref<1x80xi32, #tpu.memory_space<vmem>>
            %dma_start3A_174 = tpu.memref_squeeze %dma_start3A_173 : memref<1x80xi32, #tpu.memory_space<vmem>> -> memref<80xi32, #tpu.memory_space<vmem>>
            %dma_start3A_175 = arith.constant 0 : i32
            %dma_start3A_176 = arith.constant 0 : i32
            %dma_start3A_177 = tpu.memref_slice %arg2[%dma_start3A_175, %dma_start3A_176] : memref<10000x128xf32, #tpu.memory_space<hbm>> -> memref<10000x128xf32, #tpu.memory_space<hbm>>
            tpu.enqueue_indirect_dma source(%dma_start3A_177 : memref<10000x128xf32, #tpu.memory_space<hbm>>) target(%arg12 : memref<80x128xf32, #tpu.memory_space<vmem>>) offsets(%dma_start3A_174 : memref<80xi32, #tpu.memory_space<vmem>>) semaphore(%arg19 : memref<!tpu.dma_semaphore, #tpu.memory_space<semaphore_mem>>)
          } else {
          }
          %scan3A_170 = arith.constant 0 : i32
          scf.yield %scan3A_170 : i32
        }
        %scan3A_109 = arith.constant 8 : i32
        %dma_wait3A = arith.constant 24 : i32
        %dma_wait3A_110 = arith.constant 0 : i32
        %dma_wait3A_111 = tpu.memref_slice %arg8[%dma_wait3A, %dma_wait3A_110] : memref<25x80xi32, #tpu.memory_space<vmem>> -> memref<1x80xi32, #tpu.memory_space<vmem>>
        %dma_wait3A_112 = tpu.memref_squeeze %dma_wait3A_111 : memref<1x80xi32, #tpu.memory_space<vmem>> -> memref<80xi32, #tpu.memory_space<vmem>>
        %dma_wait3A_113 = arith.constant 0 : i32
        %dma_wait3A_114 = arith.constant 0 : i32
        %dma_wait3A_115 = tpu.memref_slice %arg2[%dma_wait3A_113, %dma_wait3A_114] : memref<10000x128xf32, #tpu.memory_space<hbm>> -> memref<10000x128xf32, #tpu.memory_space<hbm>>
        tpu.wait_indirect_dma semaphore(%arg17 : memref<!tpu.dma_semaphore, #tpu.memory_space<semaphore_mem>>) src(%dma_wait3A_115 : memref<10000x128xf32, #tpu.memory_space<hbm>>) dst(%arg10 : memref<80x128xf32, #tpu.memory_space<vmem>>)
        %run_scoped3A_116 = arith.constant 24 : i32
        "tpu.region"() ({
          %run_scoped3A_118 = tpu.sem_alloc : memref<!tpu.dma_semaphore, #tpu.memory_space<semaphore_mem>>
          %dma_start3A = arith.constant 0 : i32
          %dma_start3A_119 = tpu.memref_slice %arg9[%run_scoped3A_116, %dma_start3A] : memref<25x80xi32, #tpu.memory_space<vmem>> -> memref<1x80xi32, #tpu.memory_space<vmem>>
          %dma_start3A_120 = tpu.memref_squeeze %dma_start3A_119 : memref<1x80xi32, #tpu.memory_space<vmem>> -> memref<80xi32, #tpu.memory_space<vmem>>
          %dma_start3A_121 = arith.constant 0 : i32
          %dma_start3A_122 = arith.constant 0 : i32
          %dma_start3A_123 = tpu.memref_slice %arg15[%dma_start3A_121, %dma_start3A_122] : memref<10000x128xf32, #tpu.memory_space<vmem_shared>> -> memref<10000x128xf32, #tpu.memory_space<vmem_shared>>
          tpu.enqueue_indirect_dma source(%arg10 : memref<80x128xf32, #tpu.memory_space<vmem>>) target(%dma_start3A_123 : memref<10000x128xf32, #tpu.memory_space<vmem_shared>>) offsets(%dma_start3A_120 : memref<80xi32, #tpu.memory_space<vmem>>) semaphore(%run_scoped3A_118 : memref<!tpu.dma_semaphore, #tpu.memory_space<semaphore_mem>>) {add = true}
          %dma_wait3A_124 = arith.constant 0 : i32
          %dma_wait3A_125 = tpu.memref_slice %arg9[%run_scoped3A_116, %dma_wait3A_124] : memref<25x80xi32, #tpu.memory_space<vmem>> -> memref<1x80xi32, #tpu.memory_space<vmem>>
          %dma_wait3A_126 = tpu.memref_squeeze %dma_wait3A_125 : memref<1x80xi32, #tpu.memory_space<vmem>> -> memref<80xi32, #tpu.memory_space<vmem>>
          %dma_wait3A_127 = arith.constant 0 : i32
          %dma_wait3A_128 = arith.constant 0 : i32
          %dma_wait3A_129 = tpu.memref_slice %arg15[%dma_wait3A_127, %dma_wait3A_128] : memref<10000x128xf32, #tpu.memory_space<vmem_shared>> -> memref<10000x128xf32, #tpu.memory_space<vmem_shared>>
          tpu.wait_indirect_dma semaphore(%run_scoped3A_118 : memref<!tpu.dma_semaphore, #tpu.memory_space<semaphore_mem>>) src(%arg10 : memref<80x128xf32, #tpu.memory_space<vmem>>) dst(%dma_wait3A_129 : memref<10000x128xf32, #tpu.memory_space<vmem_shared>>)
          tpu.yield
        }) : () -> ()
        %scan3A_117 = arith.constant 0 : i32
        scf.yield %scan3A_117 : i32
      }
      %scan3A_96 = arith.constant 5 : i32
    } else {
    }
    %eq3A_74 = arith.constant 1 : i32
    %eq3A_75 = arith.cmpi eq, %arg0, %eq3A_74 : i32
    %convert_element_type3A_76 = arith.extui %eq3A_75 : i1 to i32
    %cond3A_77 = arith.constant 0 : i32
    %cond3A_78 = arith.cmpi ne, %convert_element_type3A_76, %cond3A_77 : i32
    scf.if %cond3A_78 {
      %scan3A_90 = arith.constant 0 : i32
      %scan3A_91 = arith.constant 0 : i32
      %scan3A_92 = arith.constant 5 : i32
      %scan3A_93 = arith.addi %scan3A_91, %scan3A_92 : i32
      %scan3A_94 = arith.constant 1 : i32
      %scan3A_95 = scf.for %scan3A_97 = %scan3A_91 to %scan3A_93 step %scan3A_94 iter_args(%scan3A_98 = %scan3A_90) -> (i32)  : i32 {
        %gt3A = arith.constant 0 : i32
        %gt3A_99 = arith.cmpi sgt, %scan3A_97, %gt3A : i32
        %convert_element_type3A_100 = arith.extui %gt3A_99 : i1 to i32
        %cond3A_101 = arith.constant 0 : i32
        %cond3A_102 = arith.cmpi ne, %convert_element_type3A_100, %cond3A_101 : i32
        scf.if %cond3A_102 {
          "tpu.region"() ({
            %run_scoped3A_138 = tpu.sem_alloc : memref<!tpu.dma_semaphore, #tpu.memory_space<semaphore_mem>>
            %dma_start3A_139 = arith.constant 0 : i32
            %dma_start3A_140 = arith.constant 0 : i32
            %dma_start3A_141 = arith.constant 0 : i32
            %dma_start3A_142 = tpu.memref_slice %arg4[%arg1, %dma_start3A_139, %dma_start3A_140, %dma_start3A_141] : memref<16x5x25x80xi32, #tpu.memory_space<hbm>> -> memref<1x5x25x80xi32, #tpu.memory_space<hbm>>
            %dma_start3A_143 = tpu.memref_squeeze %dma_start3A_142 : memref<1x5x25x80xi32, #tpu.memory_space<hbm>> -> memref<5x25x80xi32, #tpu.memory_space<hbm>>
            %dma_start3A_144 = arith.constant 0 : i32
            %dma_start3A_145 = arith.constant 0 : i32
            %dma_start3A_146 = tpu.memref_slice %dma_start3A_143[%scan3A_97, %dma_start3A_144, %dma_start3A_145] : memref<5x25x80xi32, #tpu.memory_space<hbm>> -> memref<1x25x80xi32, #tpu.memory_space<hbm>>
            %dma_start3A_147 = tpu.memref_squeeze %dma_start3A_146 : memref<1x25x80xi32, #tpu.memory_space<hbm>> -> memref<25x80xi32, #tpu.memory_space<hbm>>
            %dma_start3A_148 = arith.constant 0 : i32
            %dma_start3A_149 = arith.constant 0 : i32
            %dma_start3A_150 = arith.constant 0 : i32
            %dma_start3A_151 = tpu.memref_slice %arg4[%arg1, %dma_start3A_148, %dma_start3A_149, %dma_start3A_150] : memref<16x5x25x80xi32, #tpu.memory_space<hbm>> -> memref<1x5x25x80xi32, #tpu.memory_space<hbm>>
            %dma_start3A_152 = tpu.memref_squeeze %dma_start3A_151 : memref<1x5x25x80xi32, #tpu.memory_space<hbm>> -> memref<5x25x80xi32, #tpu.memory_space<hbm>>
            %dma_start3A_153 = arith.constant 0 : i32
            %dma_start3A_154 = arith.constant 0 : i32
            %dma_start3A_155 = tpu.memref_slice %dma_start3A_152[%scan3A_97, %dma_start3A_153, %dma_start3A_154] : memref<5x25x80xi32, #tpu.memory_space<hbm>> -> memref<1x25x80xi32, #tpu.memory_space<hbm>>
            %dma_start3A_156 = tpu.memref_squeeze %dma_start3A_155 : memref<1x25x80xi32, #tpu.memory_space<hbm>> -> memref<25x80xi32, #tpu.memory_space<hbm>>
            tpu.enqueue_dma source(%dma_start3A_156 : memref<25x80xi32, #tpu.memory_space<hbm>>) target(%arg8 : memref<25x80xi32, #tpu.memory_space<vmem>>) target_semaphore(%run_scoped3A_138 : memref<!tpu.dma_semaphore, #tpu.memory_space<semaphore_mem>>)
            %dma_wait3A_157 = arith.constant 0 : i32
            %dma_wait3A_158 = arith.constant 0 : i32
            %dma_wait3A_159 = arith.constant 0 : i32
            %dma_wait3A_160 = tpu.memref_slice %arg4[%arg1, %dma_wait3A_157, %dma_wait3A_158, %dma_wait3A_159] : memref<16x5x25x80xi32, #tpu.memory_space<hbm>> -> memref<1x5x25x80xi32, #tpu.memory_space<hbm>>
            %dma_wait3A_161 = tpu.memref_squeeze %dma_wait3A_160 : memref<1x5x25x80xi32, #tpu.memory_space<hbm>> -> memref<5x25x80xi32, #tpu.memory_space<hbm>>
            %dma_wait3A_162 = arith.constant 0 : i32
            %dma_wait3A_163 = arith.constant 0 : i32
            %dma_wait3A_164 = tpu.memref_slice %dma_wait3A_161[%scan3A_97, %dma_wait3A_162, %dma_wait3A_163] : memref<5x25x80xi32, #tpu.memory_space<hbm>> -> memref<1x25x80xi32, #tpu.memory_space<hbm>>
            %dma_wait3A_165 = tpu.memref_squeeze %dma_wait3A_164 : memref<1x25x80xi32, #tpu.memory_space<hbm>> -> memref<25x80xi32, #tpu.memory_space<hbm>>
            %dma_wait3A_166 = arith.constant 0 : i32
            %dma_wait3A_167 = arith.constant 0 : i32
            %dma_wait3A_168 = arith.constant 0 : i32
            %dma_wait3A_169 = tpu.memref_slice %arg4[%arg1, %dma_wait3A_166, %dma_wait3A_167, %dma_wait3A_168] : memref<16x5x25x80xi32, #tpu.memory_space<hbm>> -> memref<1x5x25x80xi32, #tpu.memory_space<hbm>>
            %dma_wait3A_170 = tpu.memref_squeeze %dma_wait3A_169 : memref<1x5x25x80xi32, #tpu.memory_space<hbm>> -> memref<5x25x80xi32, #tpu.memory_space<hbm>>
            %dma_wait3A_171 = arith.constant 0 : i32
            %dma_wait3A_172 = arith.constant 0 : i32
            %dma_wait3A_173 = tpu.memref_slice %dma_wait3A_170[%scan3A_97, %dma_wait3A_171, %dma_wait3A_172] : memref<5x25x80xi32, #tpu.memory_space<hbm>> -> memref<1x25x80xi32, #tpu.memory_space<hbm>>
            %dma_wait3A_174 = tpu.memref_squeeze %dma_wait3A_173 : memref<1x25x80xi32, #tpu.memory_space<hbm>> -> memref<25x80xi32, #tpu.memory_space<hbm>>
            tpu.wait_dma2 semaphore(%run_scoped3A_138 : memref<!tpu.dma_semaphore, #tpu.memory_space<semaphore_mem>>) src(%dma_wait3A_174 : memref<25x80xi32, #tpu.memory_space<hbm>>) dst(%arg8 : memref<25x80xi32, #tpu.memory_space<vmem>>)
            tpu.yield
          }) : () -> ()
          "tpu.region"() ({
            %run_scoped3A_138 = tpu.sem_alloc : memref<!tpu.dma_semaphore, #tpu.memory_space<semaphore_mem>>
            %dma_start3A_139 = arith.constant 0 : i32
            %dma_start3A_140 = arith.constant 0 : i32
            %dma_start3A_141 = arith.constant 0 : i32
            %dma_start3A_142 = tpu.memref_slice %arg5[%arg1, %dma_start3A_139, %dma_start3A_140, %dma_start3A_141] : memref<16x5x25x80xi32, #tpu.memory_space<hbm>> -> memref<1x5x25x80xi32, #tpu.memory_space<hbm>>
            %dma_start3A_143 = tpu.memref_squeeze %dma_start3A_142 : memref<1x5x25x80xi32, #tpu.memory_space<hbm>> -> memref<5x25x80xi32, #tpu.memory_space<hbm>>
            %dma_start3A_144 = arith.constant 0 : i32
            %dma_start3A_145 = arith.constant 0 : i32
            %dma_start3A_146 = tpu.memref_slice %dma_start3A_143[%scan3A_97, %dma_start3A_144, %dma_start3A_145] : memref<5x25x80xi32, #tpu.memory_space<hbm>> -> memref<1x25x80xi32, #tpu.memory_space<hbm>>
            %dma_start3A_147 = tpu.memref_squeeze %dma_start3A_146 : memref<1x25x80xi32, #tpu.memory_space<hbm>> -> memref<25x80xi32, #tpu.memory_space<hbm>>
            %dma_start3A_148 = arith.constant 0 : i32
            %dma_start3A_149 = arith.constant 0 : i32
            %dma_start3A_150 = arith.constant 0 : i32
            %dma_start3A_151 = tpu.memref_slice %arg5[%arg1, %dma_start3A_148, %dma_start3A_149, %dma_start3A_150] : memref<16x5x25x80xi32, #tpu.memory_space<hbm>> -> memref<1x5x25x80xi32, #tpu.memory_space<hbm>>
            %dma_start3A_152 = tpu.memref_squeeze %dma_start3A_151 : memref<1x5x25x80xi32, #tpu.memory_space<hbm>> -> memref<5x25x80xi32, #tpu.memory_space<hbm>>
            %dma_start3A_153 = arith.constant 0 : i32
            %dma_start3A_154 = arith.constant 0 : i32
            %dma_start3A_155 = tpu.memref_slice %dma_start3A_152[%scan3A_97, %dma_start3A_153, %dma_start3A_154] : memref<5x25x80xi32, #tpu.memory_space<hbm>> -> memref<1x25x80xi32, #tpu.memory_space<hbm>>
            %dma_start3A_156 = tpu.memref_squeeze %dma_start3A_155 : memref<1x25x80xi32, #tpu.memory_space<hbm>> -> memref<25x80xi32, #tpu.memory_space<hbm>>
            tpu.enqueue_dma source(%dma_start3A_156 : memref<25x80xi32, #tpu.memory_space<hbm>>) target(%arg9 : memref<25x80xi32, #tpu.memory_space<vmem>>) target_semaphore(%run_scoped3A_138 : memref<!tpu.dma_semaphore, #tpu.memory_space<semaphore_mem>>)
            %dma_wait3A_157 = arith.constant 0 : i32
            %dma_wait3A_158 = arith.constant 0 : i32
            %dma_wait3A_159 = arith.constant 0 : i32
            %dma_wait3A_160 = tpu.memref_slice %arg5[%arg1, %dma_wait3A_157, %dma_wait3A_158, %dma_wait3A_159] : memref<16x5x25x80xi32, #tpu.memory_space<hbm>> -> memref<1x5x25x80xi32, #tpu.memory_space<hbm>>
            %dma_wait3A_161 = tpu.memref_squeeze %dma_wait3A_160 : memref<1x5x25x80xi32, #tpu.memory_space<hbm>> -> memref<5x25x80xi32, #tpu.memory_space<hbm>>
            %dma_wait3A_162 = arith.constant 0 : i32
            %dma_wait3A_163 = arith.constant 0 : i32
            %dma_wait3A_164 = tpu.memref_slice %dma_wait3A_161[%scan3A_97, %dma_wait3A_162, %dma_wait3A_163] : memref<5x25x80xi32, #tpu.memory_space<hbm>> -> memref<1x25x80xi32, #tpu.memory_space<hbm>>
            %dma_wait3A_165 = tpu.memref_squeeze %dma_wait3A_164 : memref<1x25x80xi32, #tpu.memory_space<hbm>> -> memref<25x80xi32, #tpu.memory_space<hbm>>
            %dma_wait3A_166 = arith.constant 0 : i32
            %dma_wait3A_167 = arith.constant 0 : i32
            %dma_wait3A_168 = arith.constant 0 : i32
            %dma_wait3A_169 = tpu.memref_slice %arg5[%arg1, %dma_wait3A_166, %dma_wait3A_167, %dma_wait3A_168] : memref<16x5x25x80xi32, #tpu.memory_space<hbm>> -> memref<1x5x25x80xi32, #tpu.memory_space<hbm>>
            %dma_wait3A_170 = tpu.memref_squeeze %dma_wait3A_169 : memref<1x5x25x80xi32, #tpu.memory_space<hbm>> -> memref<5x25x80xi32, #tpu.memory_space<hbm>>
            %dma_wait3A_171 = arith.constant 0 : i32
            %dma_wait3A_172 = arith.constant 0 : i32
            %dma_wait3A_173 = tpu.memref_slice %dma_wait3A_170[%scan3A_97, %dma_wait3A_171, %dma_wait3A_172] : memref<5x25x80xi32, #tpu.memory_space<hbm>> -> memref<1x25x80xi32, #tpu.memory_space<hbm>>
            %dma_wait3A_174 = tpu.memref_squeeze %dma_wait3A_173 : memref<1x25x80xi32, #tpu.memory_space<hbm>> -> memref<25x80xi32, #tpu.memory_space<hbm>>
            tpu.wait_dma2 semaphore(%run_scoped3A_138 : memref<!tpu.dma_semaphore, #tpu.memory_space<semaphore_mem>>) src(%dma_wait3A_174 : memref<25x80xi32, #tpu.memory_space<hbm>>) dst(%arg9 : memref<25x80xi32, #tpu.memory_space<vmem>>)
            tpu.yield
          }) : () -> ()
          %dma_start3A = arith.constant 0 : i32
          %dma_start3A_118 = arith.constant 0 : i32
          %dma_start3A_119 = tpu.memref_slice %arg8[%dma_start3A, %dma_start3A_118] : memref<25x80xi32, #tpu.memory_space<vmem>> -> memref<1x80xi32, #tpu.memory_space<vmem>>
          %dma_start3A_120 = tpu.memref_squeeze %dma_start3A_119 : memref<1x80xi32, #tpu.memory_space<vmem>> -> memref<80xi32, #tpu.memory_space<vmem>>
          %dma_start3A_121 = arith.constant 0 : i32
          %dma_start3A_122 = arith.constant 0 : i32
          %dma_start3A_123 = tpu.memref_slice %arg3[%dma_start3A_121, %dma_start3A_122] : memref<10000x128xf32, #tpu.memory_space<hbm>> -> memref<10000x128xf32, #tpu.memory_space<hbm>>
          tpu.enqueue_indirect_dma source(%dma_start3A_123 : memref<10000x128xf32, #tpu.memory_space<hbm>>) target(%arg10 : memref<80x128xf32, #tpu.memory_space<vmem>>) offsets(%dma_start3A_120 : memref<80xi32, #tpu.memory_space<vmem>>) semaphore(%arg17 : memref<!tpu.dma_semaphore, #tpu.memory_space<semaphore_mem>>)
          %dma_start3A_124 = arith.constant 1 : i32
          %dma_start3A_125 = arith.constant 0 : i32
          %dma_start3A_126 = tpu.memref_slice %arg8[%dma_start3A_124, %dma_start3A_125] : memref<25x80xi32, #tpu.memory_space<vmem>> -> memref<1x80xi32, #tpu.memory_space<vmem>>
          %dma_start3A_127 = tpu.memref_squeeze %dma_start3A_126 : memref<1x80xi32, #tpu.memory_space<vmem>> -> memref<80xi32, #tpu.memory_space<vmem>>
          %dma_start3A_128 = arith.constant 0 : i32
          %dma_start3A_129 = arith.constant 0 : i32
          %dma_start3A_130 = tpu.memref_slice %arg3[%dma_start3A_128, %dma_start3A_129] : memref<10000x128xf32, #tpu.memory_space<hbm>> -> memref<10000x128xf32, #tpu.memory_space<hbm>>
          tpu.enqueue_indirect_dma source(%dma_start3A_130 : memref<10000x128xf32, #tpu.memory_space<hbm>>) target(%arg11 : memref<80x128xf32, #tpu.memory_space<vmem>>) offsets(%dma_start3A_127 : memref<80xi32, #tpu.memory_space<vmem>>) semaphore(%arg18 : memref<!tpu.dma_semaphore, #tpu.memory_space<semaphore_mem>>)
          %dma_start3A_131 = arith.constant 2 : i32
          %dma_start3A_132 = arith.constant 0 : i32
          %dma_start3A_133 = tpu.memref_slice %arg8[%dma_start3A_131, %dma_start3A_132] : memref<25x80xi32, #tpu.memory_space<vmem>> -> memref<1x80xi32, #tpu.memory_space<vmem>>
          %dma_start3A_134 = tpu.memref_squeeze %dma_start3A_133 : memref<1x80xi32, #tpu.memory_space<vmem>> -> memref<80xi32, #tpu.memory_space<vmem>>
          %dma_start3A_135 = arith.constant 0 : i32
          %dma_start3A_136 = arith.constant 0 : i32
          %dma_start3A_137 = tpu.memref_slice %arg3[%dma_start3A_135, %dma_start3A_136] : memref<10000x128xf32, #tpu.memory_space<hbm>> -> memref<10000x128xf32, #tpu.memory_space<hbm>>
          tpu.enqueue_indirect_dma source(%dma_start3A_137 : memref<10000x128xf32, #tpu.memory_space<hbm>>) target(%arg12 : memref<80x128xf32, #tpu.memory_space<vmem>>) offsets(%dma_start3A_134 : memref<80xi32, #tpu.memory_space<vmem>>) semaphore(%arg19 : memref<!tpu.dma_semaphore, #tpu.memory_space<semaphore_mem>>)
        } else {
        }
        %scan3A_103 = arith.constant 0 : i32
        %scan3A_104 = arith.constant 0 : i32
        %scan3A_105 = arith.constant 8 : i32
        %scan3A_106 = arith.addi %scan3A_104, %scan3A_105 : i32
        %scan3A_107 = arith.constant 1 : i32
        %scan3A_108 = scf.for %scan3A_118 = %scan3A_104 to %scan3A_106 step %scan3A_107 iter_args(%scan3A_119 = %scan3A_103) -> (i32)  : i32 {
          %mul3A_120 = arith.constant 3 : i32
          %mul3A_121 = arith.muli %mul3A_120, %scan3A_118 : i32
          %add3A = arith.constant 0 : i32
          %add3A_122 = arith.addi %mul3A_121, %add3A : i32
          %dma_wait3A_123 = arith.constant 0 : i32
          %dma_wait3A_124 = tpu.memref_slice %arg8[%add3A_122, %dma_wait3A_123] : memref<25x80xi32, #tpu.memory_space<vmem>> -> memref<1x80xi32, #tpu.memory_space<vmem>>
          %dma_wait3A_125 = tpu.memref_squeeze %dma_wait3A_124 : memref<1x80xi32, #tpu.memory_space<vmem>> -> memref<80xi32, #tpu.memory_space<vmem>>
          %dma_wait3A_126 = arith.constant 0 : i32
          %dma_wait3A_127 = arith.constant 0 : i32
          %dma_wait3A_128 = tpu.memref_slice %arg3[%dma_wait3A_126, %dma_wait3A_127] : memref<10000x128xf32, #tpu.memory_space<hbm>> -> memref<10000x128xf32, #tpu.memory_space<hbm>>
          tpu.wait_indirect_dma semaphore(%arg17 : memref<!tpu.dma_semaphore, #tpu.memory_space<semaphore_mem>>) src(%dma_wait3A_128 : memref<10000x128xf32, #tpu.memory_space<hbm>>) dst(%arg10 : memref<80x128xf32, #tpu.memory_space<vmem>>)
          "tpu.region"() ({
            %run_scoped3A_171 = tpu.sem_alloc : memref<!tpu.dma_semaphore, #tpu.memory_space<semaphore_mem>>
            %dma_start3A = arith.constant 0 : i32
            %dma_start3A_172 = tpu.memref_slice %arg9[%add3A_122, %dma_start3A] : memref<25x80xi32, #tpu.memory_space<vmem>> -> memref<1x80xi32, #tpu.memory_space<vmem>>
            %dma_start3A_173 = tpu.memref_squeeze %dma_start3A_172 : memref<1x80xi32, #tpu.memory_space<vmem>> -> memref<80xi32, #tpu.memory_space<vmem>>
            %dma_start3A_174 = arith.constant 0 : i32
            %dma_start3A_175 = arith.constant 0 : i32
            %dma_start3A_176 = tpu.memref_slice %arg15[%dma_start3A_174, %dma_start3A_175] : memref<10000x128xf32, #tpu.memory_space<vmem_shared>> -> memref<10000x128xf32, #tpu.memory_space<vmem_shared>>
            tpu.enqueue_indirect_dma source(%arg10 : memref<80x128xf32, #tpu.memory_space<vmem>>) target(%dma_start3A_176 : memref<10000x128xf32, #tpu.memory_space<vmem_shared>>) offsets(%dma_start3A_173 : memref<80xi32, #tpu.memory_space<vmem>>) semaphore(%run_scoped3A_171 : memref<!tpu.dma_semaphore, #tpu.memory_space<semaphore_mem>>) {add = true}
            %dma_wait3A_177 = arith.constant 0 : i32
            %dma_wait3A_178 = tpu.memref_slice %arg9[%add3A_122, %dma_wait3A_177] : memref<25x80xi32, #tpu.memory_space<vmem>> -> memref<1x80xi32, #tpu.memory_space<vmem>>
            %dma_wait3A_179 = tpu.memref_squeeze %dma_wait3A_178 : memref<1x80xi32, #tpu.memory_space<vmem>> -> memref<80xi32, #tpu.memory_space<vmem>>
            %dma_wait3A_180 = arith.constant 0 : i32
            %dma_wait3A_181 = arith.constant 0 : i32
            %dma_wait3A_182 = tpu.memref_slice %arg15[%dma_wait3A_180, %dma_wait3A_181] : memref<10000x128xf32, #tpu.memory_space<vmem_shared>> -> memref<10000x128xf32, #tpu.memory_space<vmem_shared>>
            tpu.wait_indirect_dma semaphore(%run_scoped3A_171 : memref<!tpu.dma_semaphore, #tpu.memory_space<semaphore_mem>>) src(%arg10 : memref<80x128xf32, #tpu.memory_space<vmem>>) dst(%dma_wait3A_182 : memref<10000x128xf32, #tpu.memory_space<vmem_shared>>)
            tpu.yield
          }) : () -> ()
          %add3A_129 = arith.constant 3 : i32
          %add3A_130 = arith.addi %add3A_122, %add3A_129 : i32
          %lt3A_131 = arith.constant 25 : i32
          %lt3A_132 = arith.cmpi slt, %add3A_130, %lt3A_131 : i32
          %convert_element_type3A_133 = arith.extui %lt3A_132 : i1 to i32
          %cond3A_134 = arith.constant 0 : i32
          %cond3A_135 = arith.cmpi ne, %convert_element_type3A_133, %cond3A_134 : i32
          scf.if %cond3A_135 {
            %add3A_171 = arith.constant 3 : i32
            %add3A_172 = arith.addi %add3A_122, %add3A_171 : i32
            %dma_start3A = arith.constant 0 : i32
            %dma_start3A_173 = tpu.memref_slice %arg8[%add3A_172, %dma_start3A] : memref<25x80xi32, #tpu.memory_space<vmem>> -> memref<1x80xi32, #tpu.memory_space<vmem>>
            %dma_start3A_174 = tpu.memref_squeeze %dma_start3A_173 : memref<1x80xi32, #tpu.memory_space<vmem>> -> memref<80xi32, #tpu.memory_space<vmem>>
            %dma_start3A_175 = arith.constant 0 : i32
            %dma_start3A_176 = arith.constant 0 : i32
            %dma_start3A_177 = tpu.memref_slice %arg3[%dma_start3A_175, %dma_start3A_176] : memref<10000x128xf32, #tpu.memory_space<hbm>> -> memref<10000x128xf32, #tpu.memory_space<hbm>>
            tpu.enqueue_indirect_dma source(%dma_start3A_177 : memref<10000x128xf32, #tpu.memory_space<hbm>>) target(%arg10 : memref<80x128xf32, #tpu.memory_space<vmem>>) offsets(%dma_start3A_174 : memref<80xi32, #tpu.memory_space<vmem>>) semaphore(%arg17 : memref<!tpu.dma_semaphore, #tpu.memory_space<semaphore_mem>>)
          } else {
          }
          %mul3A_136 = arith.constant 3 : i32
          %mul3A_137 = arith.muli %mul3A_136, %scan3A_118 : i32
          %add3A_138 = arith.constant 1 : i32
          %add3A_139 = arith.addi %mul3A_137, %add3A_138 : i32
          %dma_wait3A_140 = arith.constant 0 : i32
          %dma_wait3A_141 = tpu.memref_slice %arg8[%add3A_139, %dma_wait3A_140] : memref<25x80xi32, #tpu.memory_space<vmem>> -> memref<1x80xi32, #tpu.memory_space<vmem>>
          %dma_wait3A_142 = tpu.memref_squeeze %dma_wait3A_141 : memref<1x80xi32, #tpu.memory_space<vmem>> -> memref<80xi32, #tpu.memory_space<vmem>>
          %dma_wait3A_143 = arith.constant 0 : i32
          %dma_wait3A_144 = arith.constant 0 : i32
          %dma_wait3A_145 = tpu.memref_slice %arg3[%dma_wait3A_143, %dma_wait3A_144] : memref<10000x128xf32, #tpu.memory_space<hbm>> -> memref<10000x128xf32, #tpu.memory_space<hbm>>
          tpu.wait_indirect_dma semaphore(%arg18 : memref<!tpu.dma_semaphore, #tpu.memory_space<semaphore_mem>>) src(%dma_wait3A_145 : memref<10000x128xf32, #tpu.memory_space<hbm>>) dst(%arg11 : memref<80x128xf32, #tpu.memory_space<vmem>>)
          "tpu.region"() ({
            %run_scoped3A_171 = tpu.sem_alloc : memref<!tpu.dma_semaphore, #tpu.memory_space<semaphore_mem>>
            %dma_start3A = arith.constant 0 : i32
            %dma_start3A_172 = tpu.memref_slice %arg9[%add3A_139, %dma_start3A] : memref<25x80xi32, #tpu.memory_space<vmem>> -> memref<1x80xi32, #tpu.memory_space<vmem>>
            %dma_start3A_173 = tpu.memref_squeeze %dma_start3A_172 : memref<1x80xi32, #tpu.memory_space<vmem>> -> memref<80xi32, #tpu.memory_space<vmem>>
            %dma_start3A_174 = arith.constant 0 : i32
            %dma_start3A_175 = arith.constant 0 : i32
            %dma_start3A_176 = tpu.memref_slice %arg15[%dma_start3A_174, %dma_start3A_175] : memref<10000x128xf32, #tpu.memory_space<vmem_shared>> -> memref<10000x128xf32, #tpu.memory_space<vmem_shared>>
            tpu.enqueue_indirect_dma source(%arg11 : memref<80x128xf32, #tpu.memory_space<vmem>>) target(%dma_start3A_176 : memref<10000x128xf32, #tpu.memory_space<vmem_shared>>) offsets(%dma_start3A_173 : memref<80xi32, #tpu.memory_space<vmem>>) semaphore(%run_scoped3A_171 : memref<!tpu.dma_semaphore, #tpu.memory_space<semaphore_mem>>) {add = true}
            %dma_wait3A_177 = arith.constant 0 : i32
            %dma_wait3A_178 = tpu.memref_slice %arg9[%add3A_139, %dma_wait3A_177] : memref<25x80xi32, #tpu.memory_space<vmem>> -> memref<1x80xi32, #tpu.memory_space<vmem>>
            %dma_wait3A_179 = tpu.memref_squeeze %dma_wait3A_178 : memref<1x80xi32, #tpu.memory_space<vmem>> -> memref<80xi32, #tpu.memory_space<vmem>>
            %dma_wait3A_180 = arith.constant 0 : i32
            %dma_wait3A_181 = arith.constant 0 : i32
            %dma_wait3A_182 = tpu.memref_slice %arg15[%dma_wait3A_180, %dma_wait3A_181] : memref<10000x128xf32, #tpu.memory_space<vmem_shared>> -> memref<10000x128xf32, #tpu.memory_space<vmem_shared>>
            tpu.wait_indirect_dma semaphore(%run_scoped3A_171 : memref<!tpu.dma_semaphore, #tpu.memory_space<semaphore_mem>>) src(%arg11 : memref<80x128xf32, #tpu.memory_space<vmem>>) dst(%dma_wait3A_182 : memref<10000x128xf32, #tpu.memory_space<vmem_shared>>)
            tpu.yield
          }) : () -> ()
          %add3A_146 = arith.constant 3 : i32
          %add3A_147 = arith.addi %add3A_139, %add3A_146 : i32
          %lt3A_148 = arith.constant 25 : i32
          %lt3A_149 = arith.cmpi slt, %add3A_147, %lt3A_148 : i32
          %convert_element_type3A_150 = arith.extui %lt3A_149 : i1 to i32
          %cond3A_151 = arith.constant 0 : i32
          %cond3A_152 = arith.cmpi ne, %convert_element_type3A_150, %cond3A_151 : i32
          scf.if %cond3A_152 {
            %add3A_171 = arith.constant 3 : i32
            %add3A_172 = arith.addi %add3A_139, %add3A_171 : i32
            %dma_start3A = arith.constant 0 : i32
            %dma_start3A_173 = tpu.memref_slice %arg8[%add3A_172, %dma_start3A] : memref<25x80xi32, #tpu.memory_space<vmem>> -> memref<1x80xi32, #tpu.memory_space<vmem>>
            %dma_start3A_174 = tpu.memref_squeeze %dma_start3A_173 : memref<1x80xi32, #tpu.memory_space<vmem>> -> memref<80xi32, #tpu.memory_space<vmem>>
            %dma_start3A_175 = arith.constant 0 : i32
            %dma_start3A_176 = arith.constant 0 : i32
            %dma_start3A_177 = tpu.memref_slice %arg3[%dma_start3A_175, %dma_start3A_176] : memref<10000x128xf32, #tpu.memory_space<hbm>> -> memref<10000x128xf32, #tpu.memory_space<hbm>>
            tpu.enqueue_indirect_dma source(%dma_start3A_177 : memref<10000x128xf32, #tpu.memory_space<hbm>>) target(%arg11 : memref<80x128xf32, #tpu.memory_space<vmem>>) offsets(%dma_start3A_174 : memref<80xi32, #tpu.memory_space<vmem>>) semaphore(%arg18 : memref<!tpu.dma_semaphore, #tpu.memory_space<semaphore_mem>>)
          } else {
          }
          %mul3A_153 = arith.constant 3 : i32
          %mul3A_154 = arith.muli %mul3A_153, %scan3A_118 : i32
          %add3A_155 = arith.constant 2 : i32
          %add3A_156 = arith.addi %mul3A_154, %add3A_155 : i32
          %dma_wait3A_157 = arith.constant 0 : i32
          %dma_wait3A_158 = tpu.memref_slice %arg8[%add3A_156, %dma_wait3A_157] : memref<25x80xi32, #tpu.memory_space<vmem>> -> memref<1x80xi32, #tpu.memory_space<vmem>>
          %dma_wait3A_159 = tpu.memref_squeeze %dma_wait3A_158 : memref<1x80xi32, #tpu.memory_space<vmem>> -> memref<80xi32, #tpu.memory_space<vmem>>
          %dma_wait3A_160 = arith.constant 0 : i32
          %dma_wait3A_161 = arith.constant 0 : i32
          %dma_wait3A_162 = tpu.memref_slice %arg3[%dma_wait3A_160, %dma_wait3A_161] : memref<10000x128xf32, #tpu.memory_space<hbm>> -> memref<10000x128xf32, #tpu.memory_space<hbm>>
          tpu.wait_indirect_dma semaphore(%arg19 : memref<!tpu.dma_semaphore, #tpu.memory_space<semaphore_mem>>) src(%dma_wait3A_162 : memref<10000x128xf32, #tpu.memory_space<hbm>>) dst(%arg12 : memref<80x128xf32, #tpu.memory_space<vmem>>)
          "tpu.region"() ({
            %run_scoped3A_171 = tpu.sem_alloc : memref<!tpu.dma_semaphore, #tpu.memory_space<semaphore_mem>>
            %dma_start3A = arith.constant 0 : i32
            %dma_start3A_172 = tpu.memref_slice %arg9[%add3A_156, %dma_start3A] : memref<25x80xi32, #tpu.memory_space<vmem>> -> memref<1x80xi32, #tpu.memory_space<vmem>>
            %dma_start3A_173 = tpu.memref_squeeze %dma_start3A_172 : memref<1x80xi32, #tpu.memory_space<vmem>> -> memref<80xi32, #tpu.memory_space<vmem>>
            %dma_start3A_174 = arith.constant 0 : i32
            %dma_start3A_175 = arith.constant 0 : i32
            %dma_start3A_176 = tpu.memref_slice %arg15[%dma_start3A_174, %dma_start3A_175] : memref<10000x128xf32, #tpu.memory_space<vmem_shared>> -> memref<10000x128xf32, #tpu.memory_space<vmem_shared>>
            tpu.enqueue_indirect_dma source(%arg12 : memref<80x128xf32, #tpu.memory_space<vmem>>) target(%dma_start3A_176 : memref<10000x128xf32, #tpu.memory_space<vmem_shared>>) offsets(%dma_start3A_173 : memref<80xi32, #tpu.memory_space<vmem>>) semaphore(%run_scoped3A_171 : memref<!tpu.dma_semaphore, #tpu.memory_space<semaphore_mem>>) {add = true}
            %dma_wait3A_177 = arith.constant 0 : i32
            %dma_wait3A_178 = tpu.memref_slice %arg9[%add3A_156, %dma_wait3A_177] : memref<25x80xi32, #tpu.memory_space<vmem>> -> memref<1x80xi32, #tpu.memory_space<vmem>>
            %dma_wait3A_179 = tpu.memref_squeeze %dma_wait3A_178 : memref<1x80xi32, #tpu.memory_space<vmem>> -> memref<80xi32, #tpu.memory_space<vmem>>
            %dma_wait3A_180 = arith.constant 0 : i32
            %dma_wait3A_181 = arith.constant 0 : i32
            %dma_wait3A_182 = tpu.memref_slice %arg15[%dma_wait3A_180, %dma_wait3A_181] : memref<10000x128xf32, #tpu.memory_space<vmem_shared>> -> memref<10000x128xf32, #tpu.memory_space<vmem_shared>>
            tpu.wait_indirect_dma semaphore(%run_scoped3A_171 : memref<!tpu.dma_semaphore, #tpu.memory_space<semaphore_mem>>) src(%arg12 : memref<80x128xf32, #tpu.memory_space<vmem>>) dst(%dma_wait3A_182 : memref<10000x128xf32, #tpu.memory_space<vmem_shared>>)
            tpu.yield
          }) : () -> ()
          %add3A_163 = arith.constant 3 : i32
          %add3A_164 = arith.addi %add3A_156, %add3A_163 : i32
          %lt3A_165 = arith.constant 25 : i32
          %lt3A_166 = arith.cmpi slt, %add3A_164, %lt3A_165 : i32
          %convert_element_type3A_167 = arith.extui %lt3A_166 : i1 to i32
          %cond3A_168 = arith.constant 0 : i32
          %cond3A_169 = arith.cmpi ne, %convert_element_type3A_167, %cond3A_168 : i32
          scf.if %cond3A_169 {
            %add3A_171 = arith.constant 3 : i32
            %add3A_172 = arith.addi %add3A_156, %add3A_171 : i32
            %dma_start3A = arith.constant 0 : i32
            %dma_start3A_173 = tpu.memref_slice %arg8[%add3A_172, %dma_start3A] : memref<25x80xi32, #tpu.memory_space<vmem>> -> memref<1x80xi32, #tpu.memory_space<vmem>>
            %dma_start3A_174 = tpu.memref_squeeze %dma_start3A_173 : memref<1x80xi32, #tpu.memory_space<vmem>> -> memref<80xi32, #tpu.memory_space<vmem>>
            %dma_start3A_175 = arith.constant 0 : i32
            %dma_start3A_176 = arith.constant 0 : i32
            %dma_start3A_177 = tpu.memref_slice %arg3[%dma_start3A_175, %dma_start3A_176] : memref<10000x128xf32, #tpu.memory_space<hbm>> -> memref<10000x128xf32, #tpu.memory_space<hbm>>
            tpu.enqueue_indirect_dma source(%dma_start3A_177 : memref<10000x128xf32, #tpu.memory_space<hbm>>) target(%arg12 : memref<80x128xf32, #tpu.memory_space<vmem>>) offsets(%dma_start3A_174 : memref<80xi32, #tpu.memory_space<vmem>>) semaphore(%arg19 : memref<!tpu.dma_semaphore, #tpu.memory_space<semaphore_mem>>)
          } else {
          }
          %scan3A_170 = arith.constant 0 : i32
          scf.yield %scan3A_170 : i32
        }
        %scan3A_109 = arith.constant 8 : i32
        %dma_wait3A = arith.constant 24 : i32
        %dma_wait3A_110 = arith.constant 0 : i32
        %dma_wait3A_111 = tpu.memref_slice %arg8[%dma_wait3A, %dma_wait3A_110] : memref<25x80xi32, #tpu.memory_space<vmem>> -> memref<1x80xi32, #tpu.memory_space<vmem>>
        %dma_wait3A_112 = tpu.memref_squeeze %dma_wait3A_111 : memref<1x80xi32, #tpu.memory_space<vmem>> -> memref<80xi32, #tpu.memory_space<vmem>>
        %dma_wait3A_113 = arith.constant 0 : i32
        %dma_wait3A_114 = arith.constant 0 : i32
        %dma_wait3A_115 = tpu.memref_slice %arg3[%dma_wait3A_113, %dma_wait3A_114] : memref<10000x128xf32, #tpu.memory_space<hbm>> -> memref<10000x128xf32, #tpu.memory_space<hbm>>
        tpu.wait_indirect_dma semaphore(%arg17 : memref<!tpu.dma_semaphore, #tpu.memory_space<semaphore_mem>>) src(%dma_wait3A_115 : memref<10000x128xf32, #tpu.memory_space<hbm>>) dst(%arg10 : memref<80x128xf32, #tpu.memory_space<vmem>>)
        %run_scoped3A_116 = arith.constant 24 : i32
        "tpu.region"() ({
          %run_scoped3A_118 = tpu.sem_alloc : memref<!tpu.dma_semaphore, #tpu.memory_space<semaphore_mem>>
          %dma_start3A = arith.constant 0 : i32
          %dma_start3A_119 = tpu.memref_slice %arg9[%run_scoped3A_116, %dma_start3A] : memref<25x80xi32, #tpu.memory_space<vmem>> -> memref<1x80xi32, #tpu.memory_space<vmem>>
          %dma_start3A_120 = tpu.memref_squeeze %dma_start3A_119 : memref<1x80xi32, #tpu.memory_space<vmem>> -> memref<80xi32, #tpu.memory_space<vmem>>
          %dma_start3A_121 = arith.constant 0 : i32
          %dma_start3A_122 = arith.constant 0 : i32
          %dma_start3A_123 = tpu.memref_slice %arg15[%dma_start3A_121, %dma_start3A_122] : memref<10000x128xf32, #tpu.memory_space<vmem_shared>> -> memref<10000x128xf32, #tpu.memory_space<vmem_shared>>
          tpu.enqueue_indirect_dma source(%arg10 : memref<80x128xf32, #tpu.memory_space<vmem>>) target(%dma_start3A_123 : memref<10000x128xf32, #tpu.memory_space<vmem_shared>>) offsets(%dma_start3A_120 : memref<80xi32, #tpu.memory_space<vmem>>) semaphore(%run_scoped3A_118 : memref<!tpu.dma_semaphore, #tpu.memory_space<semaphore_mem>>) {add = true}
          %dma_wait3A_124 = arith.constant 0 : i32
          %dma_wait3A_125 = tpu.memref_slice %arg9[%run_scoped3A_116, %dma_wait3A_124] : memref<25x80xi32, #tpu.memory_space<vmem>> -> memref<1x80xi32, #tpu.memory_space<vmem>>
          %dma_wait3A_126 = tpu.memref_squeeze %dma_wait3A_125 : memref<1x80xi32, #tpu.memory_space<vmem>> -> memref<80xi32, #tpu.memory_space<vmem>>
          %dma_wait3A_127 = arith.constant 0 : i32
          %dma_wait3A_128 = arith.constant 0 : i32
          %dma_wait3A_129 = tpu.memref_slice %arg15[%dma_wait3A_127, %dma_wait3A_128] : memref<10000x128xf32, #tpu.memory_space<vmem_shared>> -> memref<10000x128xf32, #tpu.memory_space<vmem_shared>>
          tpu.wait_indirect_dma semaphore(%run_scoped3A_118 : memref<!tpu.dma_semaphore, #tpu.memory_space<semaphore_mem>>) src(%arg10 : memref<80x128xf32, #tpu.memory_space<vmem>>) dst(%dma_wait3A_129 : memref<10000x128xf32, #tpu.memory_space<vmem_shared>>)
          tpu.yield
        }) : () -> ()
        %scan3A_117 = arith.constant 0 : i32
        scf.yield %scan3A_117 : i32
      }
      %scan3A_96 = arith.constant 5 : i32
    } else {
    }
    %barrier3A_79 = arith.constant 0 : index
    tpu.barrier barrier_id(%barrier3A_79)
    %eq3A_80 = arith.constant 0 : i32
    %eq3A_81 = arith.cmpi eq, %arg0, %eq3A_80 : i32
    %convert_element_type3A_82 = arith.extui %eq3A_81 : i1 to i32
    %cond3A_83 = arith.constant 0 : i32
    %cond3A_84 = arith.cmpi ne, %convert_element_type3A_82, %cond3A_83 : i32
    scf.if %cond3A_84 {
      %lt3A_90 = arith.constant 15 : i32
      %lt3A_91 = arith.cmpi slt, %arg1, %lt3A_90 : i32
      %convert_element_type3A_92 = arith.extui %lt3A_91 : i1 to i32
      %cond3A_93 = arith.constant 0 : i32
      %cond3A_94 = arith.cmpi ne, %convert_element_type3A_92, %cond3A_93 : i32
      scf.if %cond3A_94 {
        "tpu.region"() ({
          %run_scoped3A_100 = tpu.sem_alloc : memref<!tpu.dma_semaphore, #tpu.memory_space<semaphore_mem>>
          %dma_start3A = arith.constant 0 : i32
          %dma_start3A_101 = tpu.memref_slice %arg6[%mul3A_14, %dma_start3A] : memref<10000x128xf32, #tpu.memory_space<hbm>> -> memref<624x128xf32, #tpu.memory_space<hbm>>
          %dma_start3A_102 = arith.constant 0 : i32
          %dma_start3A_103 = tpu.memref_slice %arg15[%mul3A_14, %dma_start3A_102] : memref<10000x128xf32, #tpu.memory_space<vmem_shared>> -> memref<624x128xf32, #tpu.memory_space<vmem_shared>>
          tpu.enqueue_dma source(%dma_start3A_103 : memref<624x128xf32, #tpu.memory_space<vmem_shared>>) target(%dma_start3A_101 : memref<624x128xf32, #tpu.memory_space<hbm>>) target_semaphore(%run_scoped3A_100 : memref<!tpu.dma_semaphore, #tpu.memory_space<semaphore_mem>>)
          %dma_wait3A = arith.constant 0 : i32
          %dma_wait3A_104 = tpu.memref_slice %arg6[%mul3A_14, %dma_wait3A] : memref<10000x128xf32, #tpu.memory_space<hbm>> -> memref<624x128xf32, #tpu.memory_space<hbm>>
          %dma_wait3A_105 = arith.constant 0 : i32
          %dma_wait3A_106 = tpu.memref_slice %arg15[%mul3A_14, %dma_wait3A_105] : memref<10000x128xf32, #tpu.memory_space<vmem_shared>> -> memref<624x128xf32, #tpu.memory_space<vmem_shared>>
          tpu.wait_dma2 semaphore(%run_scoped3A_100 : memref<!tpu.dma_semaphore, #tpu.memory_space<semaphore_mem>>) src(%dma_wait3A_106 : memref<624x128xf32, #tpu.memory_space<vmem_shared>>) dst(%dma_wait3A_104 : memref<624x128xf32, #tpu.memory_space<hbm>>)
          tpu.yield
        }) : () -> ()
      } else {
      }
      %eq3A_95 = arith.constant 15 : i32
      %eq3A_96 = arith.cmpi eq, %arg1, %eq3A_95 : i32
      %convert_element_type3A_97 = arith.extui %eq3A_96 : i1 to i32
      %cond3A_98 = arith.constant 0 : i32
      %cond3A_99 = arith.cmpi ne, %convert_element_type3A_97, %cond3A_98 : i32
      scf.if %cond3A_99 {
        "tpu.region"() ({
          %run_scoped3A_100 = tpu.sem_alloc : memref<!tpu.dma_semaphore, #tpu.memory_space<semaphore_mem>>
          %dma_start3A = arith.constant 0 : i32
          %dma_start3A_101 = tpu.memref_slice %arg6[%mul3A_14, %dma_start3A] : memref<10000x128xf32, #tpu.memory_space<hbm>> -> memref<640x128xf32, #tpu.memory_space<hbm>>
          %dma_start3A_102 = arith.constant 0 : i32
          %dma_start3A_103 = tpu.memref_slice %arg15[%mul3A_14, %dma_start3A_102] : memref<10000x128xf32, #tpu.memory_space<vmem_shared>> -> memref<640x128xf32, #tpu.memory_space<vmem_shared>>
          tpu.enqueue_dma source(%dma_start3A_103 : memref<640x128xf32, #tpu.memory_space<vmem_shared>>) target(%dma_start3A_101 : memref<640x128xf32, #tpu.memory_space<hbm>>) target_semaphore(%run_scoped3A_100 : memref<!tpu.dma_semaphore, #tpu.memory_space<semaphore_mem>>)
          %dma_wait3A = arith.constant 0 : i32
          %dma_wait3A_104 = tpu.memref_slice %arg6[%mul3A_14, %dma_wait3A] : memref<10000x128xf32, #tpu.memory_space<hbm>> -> memref<640x128xf32, #tpu.memory_space<hbm>>
          %dma_wait3A_105 = arith.constant 0 : i32
          %dma_wait3A_106 = tpu.memref_slice %arg15[%mul3A_14, %dma_wait3A_105] : memref<10000x128xf32, #tpu.memory_space<vmem_shared>> -> memref<640x128xf32, #tpu.memory_space<vmem_shared>>
          tpu.wait_dma2 semaphore(%run_scoped3A_100 : memref<!tpu.dma_semaphore, #tpu.memory_space<semaphore_mem>>) src(%dma_wait3A_106 : memref<640x128xf32, #tpu.memory_space<vmem_shared>>) dst(%dma_wait3A_104 : memref<640x128xf32, #tpu.memory_space<hbm>>)
          tpu.yield
        }) : () -> ()
      } else {
      }
    } else {
    }
    %eq3A_85 = arith.constant 1 : i32
    %eq3A_86 = arith.cmpi eq, %arg0, %eq3A_85 : i32
    %convert_element_type3A_87 = arith.extui %eq3A_86 : i1 to i32
    %cond3A_88 = arith.constant 0 : i32
    %cond3A_89 = arith.cmpi ne, %convert_element_type3A_87, %cond3A_88 : i32
    scf.if %cond3A_89 {
      %lt3A_90 = arith.constant 15 : i32
      %lt3A_91 = arith.cmpi slt, %arg1, %lt3A_90 : i32
      %convert_element_type3A_92 = arith.extui %lt3A_91 : i1 to i32
      %cond3A_93 = arith.constant 0 : i32
      %cond3A_94 = arith.cmpi ne, %convert_element_type3A_92, %cond3A_93 : i32
      scf.if %cond3A_94 {
        "tpu.region"() ({
          %run_scoped3A_100 = tpu.sem_alloc : memref<!tpu.dma_semaphore, #tpu.memory_space<semaphore_mem>>
          %dma_start3A = arith.constant 0 : i32
          %dma_start3A_101 = tpu.memref_slice %arg7[%mul3A_14, %dma_start3A] : memref<10000x128xf32, #tpu.memory_space<hbm>> -> memref<624x128xf32, #tpu.memory_space<hbm>>
          %dma_start3A_102 = arith.constant 0 : i32
          %dma_start3A_103 = tpu.memref_slice %arg15[%mul3A_14, %dma_start3A_102] : memref<10000x128xf32, #tpu.memory_space<vmem_shared>> -> memref<624x128xf32, #tpu.memory_space<vmem_shared>>
          tpu.enqueue_dma source(%dma_start3A_103 : memref<624x128xf32, #tpu.memory_space<vmem_shared>>) target(%dma_start3A_101 : memref<624x128xf32, #tpu.memory_space<hbm>>) target_semaphore(%run_scoped3A_100 : memref<!tpu.dma_semaphore, #tpu.memory_space<semaphore_mem>>)
          %dma_wait3A = arith.constant 0 : i32
          %dma_wait3A_104 = tpu.memref_slice %arg7[%mul3A_14, %dma_wait3A] : memref<10000x128xf32, #tpu.memory_space<hbm>> -> memref<624x128xf32, #tpu.memory_space<hbm>>
          %dma_wait3A_105 = arith.constant 0 : i32
          %dma_wait3A_106 = tpu.memref_slice %arg15[%mul3A_14, %dma_wait3A_105] : memref<10000x128xf32, #tpu.memory_space<vmem_shared>> -> memref<624x128xf32, #tpu.memory_space<vmem_shared>>
          tpu.wait_dma2 semaphore(%run_scoped3A_100 : memref<!tpu.dma_semaphore, #tpu.memory_space<semaphore_mem>>) src(%dma_wait3A_106 : memref<624x128xf32, #tpu.memory_space<vmem_shared>>) dst(%dma_wait3A_104 : memref<624x128xf32, #tpu.memory_space<hbm>>)
          tpu.yield
        }) : () -> ()
      } else {
      }
      %eq3A_95 = arith.constant 15 : i32
      %eq3A_96 = arith.cmpi eq, %arg1, %eq3A_95 : i32
      %convert_element_type3A_97 = arith.extui %eq3A_96 : i1 to i32
      %cond3A_98 = arith.constant 0 : i32
      %cond3A_99 = arith.cmpi ne, %convert_element_type3A_97, %cond3A_98 : i32
      scf.if %cond3A_99 {
        "tpu.region"() ({
          %run_scoped3A_100 = tpu.sem_alloc : memref<!tpu.dma_semaphore, #tpu.memory_space<semaphore_mem>>
          %dma_start3A = arith.constant 0 : i32
          %dma_start3A_101 = tpu.memref_slice %arg7[%mul3A_14, %dma_start3A] : memref<10000x128xf32, #tpu.memory_space<hbm>> -> memref<640x128xf32, #tpu.memory_space<hbm>>
          %dma_start3A_102 = arith.constant 0 : i32
          %dma_start3A_103 = tpu.memref_slice %arg15[%mul3A_14, %dma_start3A_102] : memref<10000x128xf32, #tpu.memory_space<vmem_shared>> -> memref<640x128xf32, #tpu.memory_space<vmem_shared>>
          tpu.enqueue_dma source(%dma_start3A_103 : memref<640x128xf32, #tpu.memory_space<vmem_shared>>) target(%dma_start3A_101 : memref<640x128xf32, #tpu.memory_space<hbm>>) target_semaphore(%run_scoped3A_100 : memref<!tpu.dma_semaphore, #tpu.memory_space<semaphore_mem>>)
          %dma_wait3A = arith.constant 0 : i32
          %dma_wait3A_104 = tpu.memref_slice %arg7[%mul3A_14, %dma_wait3A] : memref<10000x128xf32, #tpu.memory_space<hbm>> -> memref<640x128xf32, #tpu.memory_space<hbm>>
          %dma_wait3A_105 = arith.constant 0 : i32
          %dma_wait3A_106 = tpu.memref_slice %arg15[%mul3A_14, %dma_wait3A_105] : memref<10000x128xf32, #tpu.memory_space<vmem_shared>> -> memref<640x128xf32, #tpu.memory_space<vmem_shared>>
          tpu.wait_dma2 semaphore(%run_scoped3A_100 : memref<!tpu.dma_semaphore, #tpu.memory_space<semaphore_mem>>) src(%dma_wait3A_106 : memref<640x128xf32, #tpu.memory_space<vmem_shared>>) dst(%dma_wait3A_104 : memref<640x128xf32, #tpu.memory_space<hbm>>)
          tpu.yield
        }) : () -> ()
      } else {
      }
    } else {
    }
    return
  }
}

module attributes {stable_mosaic.version = 14 : i64} {
  func.func @_mm1_body(%arg0: i32, %arg1: memref<2000x256xf32, #tpu.memory_space<vmem>>, %arg2: memref<256x256xf32, #tpu.memory_space<vmem>>, %arg3: memref<2000x128xf32, #tpu.memory_space<vmem>>, %arg4: memref<2000x128xf32, #tpu.memory_space<vmem>>) attributes {dimension_semantics = [#tpu.dimension_semantics<arbitrary>], iteration_bounds = array<i64: 5>, scalar_prefetch = 0 : i64, scratch_operands = 0 : i64, tpu.core_type = #tpu.core_type<tc>, window_params = [{transform_indices = @transform_0, window_bounds = array<i64: 2000, 256>}, {pipeline_mode = #tpu.pipeline_mode<synchronous>, transform_indices = @transform_1, window_bounds = array<i64: 256, 256>}, {transform_indices = @transform_2, window_bounds = array<i64: 2000, 128>}, {transform_indices = @transform_3, window_bounds = array<i64: 2000, 128>}]} {
    %get3A = arith.constant 0 : index
    %get3A_0 = arith.constant 0 : index
    %get3A_1 = vector.load %arg1[%get3A, %get3A_0] : memref<2000x256xf32, #tpu.memory_space<vmem>>, vector<2000x256xf32>
    %get3A_2 = arith.constant 0 : index
    %get3A_3 = arith.constant 0 : index
    %get3A_4 = vector.load %arg2[%get3A_2, %get3A_3] : memref<256x256xf32, #tpu.memory_space<vmem>>, vector<256x256xf32>
    %dot_general3A = arith.constant dense<0.000000e+00> : vector<2000x256xf32>
    %dot_general3A_5 = tpu.matmul %get3A_1, %get3A_4, %dot_general3A {dimension_numbers = #tpu.dot_dimension_numbers<[1], [0], [0], [1], [0, 0, 1, 1], [], []>, transpose_lhs_hint = false} : vector<2000x256xf32>, vector<256x256xf32>, vector<2000x256xf32> -> vector<2000x256xf32>
    %slice3A = vector.extract_strided_slice %dot_general3A_5 {offsets = [0, 0], sizes = [2000, 128], strides = [1, 1]} : vector<2000x256xf32> to vector<2000x128xf32>
    %swap3A = arith.constant 0 : index
    %swap3A_6 = arith.constant 0 : index
    %swap3A_7 = vector.load %arg3[%swap3A, %swap3A_6] : memref<2000x128xf32, #tpu.memory_space<vmem>>, vector<2000x128xf32>
    tpu.vector_store %arg3[%swap3A, %swap3A_6], %slice3A {strides = array<i32>} : memref<2000x128xf32, #tpu.memory_space<vmem>>, vector<2000x128xf32>,
    %slice3A_8 = vector.extract_strided_slice %dot_general3A_5 {offsets = [0, 128], sizes = [2000, 128], strides = [1, 1]} : vector<2000x256xf32> to vector<2000x128xf32>
    %swap3A_9 = arith.constant 0 : index
    %swap3A_10 = arith.constant 0 : index
    %swap3A_11 = vector.load %arg4[%swap3A_9, %swap3A_10] : memref<2000x128xf32, #tpu.memory_space<vmem>>, vector<2000x128xf32>
    tpu.vector_store %arg4[%swap3A_9, %swap3A_10], %slice3A_8 {strides = array<i32>} : memref<2000x128xf32, #tpu.memory_space<vmem>>, vector<2000x128xf32>,
    return
  }
  func.func @transform_0(%arg0: i32) -> (i32, i32) {
    %c0_i32 = arith.constant 0 : i32
    %c0_i32_0 = arith.constant 0 : i32
    return %arg0, %c0_i32 : i32, i32
  }
  func.func @transform_1(%arg0: i32) -> (i32, i32) {
    %c0_i32 = arith.constant 0 : i32
    %c0_i32_0 = arith.constant 0 : i32
    %c0_i32_1 = arith.constant 0 : i32
    return %c0_i32, %c0_i32_0 : i32, i32
  }
  func.func @transform_2(%arg0: i32) -> (i32, i32) {
    %c0_i32 = arith.constant 0 : i32
    %c0_i32_0 = arith.constant 0 : i32
    return %arg0, %c0_i32 : i32, i32
  }
  func.func @transform_3(%arg0: i32) -> (i32, i32) {
    %c0_i32 = arith.constant 0 : i32
    %c0_i32_0 = arith.constant 0 : i32
    return %arg0, %c0_i32 : i32, i32
  }
}

module attributes {stable_mosaic.version = 14 : i64} {
  func.func @_mid_body(%arg0: i32, %arg1: memref<2000x128xf32, #tpu.memory_space<vmem>>, %arg2: memref<2000x128xf32, #tpu.memory_space<vmem>>, %arg3: memref<2000x1xf32, #tpu.memory_space<vmem>>, %arg4: memref<1x256xf32, #tpu.memory_space<vmem>>, %arg5: memref<256x256xf32, #tpu.memory_space<vmem>>, %arg6: memref<2000x128xf32, #tpu.memory_space<vmem>>, %arg7: memref<2000x128xf32, #tpu.memory_space<vmem>>) attributes {dimension_semantics = [#tpu.dimension_semantics<arbitrary>], iteration_bounds = array<i64: 5>, scalar_prefetch = 0 : i64, scratch_operands = 0 : i64, tpu.core_type = #tpu.core_type<tc>, window_params = [{transform_indices = @transform_0, window_bounds = array<i64: 2000, 128>}, {transform_indices = @transform_1, window_bounds = array<i64: 2000, 128>}, {transform_indices = @transform_2, window_bounds = array<i64: 2000, 1>}, {pipeline_mode = #tpu.pipeline_mode<synchronous>, transform_indices = @transform_3, window_bounds = array<i64: 1, 256>}, {pipeline_mode = #tpu.pipeline_mode<synchronous>, transform_indices = @transform_4, window_bounds = array<i64: 256, 256>}, {transform_indices = @transform_5, window_bounds = array<i64: 2000, 128>}, {transform_indices = @transform_6, window_bounds = array<i64: 2000, 128>}]} {
    %get3A = arith.constant 0 : index
    %get3A_0 = arith.constant 0 : index
    %get3A_1 = vector.load %arg3[%get3A, %get3A_0] : memref<2000x1xf32, #tpu.memory_space<vmem>>, vector<2000x1xf32>
    %max3A = arith.constant 1.000000e+00 : f32
    %max3A_2 = vector.broadcast %max3A : f32 to vector<2000x1xf32>
    %max3A_3 = arith.maximumf %get3A_1, %max3A_2 : vector<2000x1xf32>
    %div3A = arith.constant 1.000000e+00 : f32
    %div3A_4 = vector.broadcast %div3A : f32 to vector<2000x1xf32>
    %div3A_5 = arith.divf %div3A_4, %max3A_3 : vector<2000x1xf32>
    %get3A_6 = arith.constant 0 : index
    %get3A_7 = arith.constant 0 : index
    %get3A_8 = vector.load %arg1[%get3A_6, %get3A_7] : memref<2000x128xf32, #tpu.memory_space<vmem>>, vector<2000x128xf32>
    %mul3A = vector.broadcast %div3A_5 : vector<2000x1xf32> to vector<2000x128xf32>
    %mul3A_9 = arith.mulf %get3A_8, %mul3A : vector<2000x128xf32>
    %get3A_10 = arith.constant 0 : index
    %get3A_11 = arith.constant 0 : index
    %get3A_12 = vector.load %arg4[%get3A_10, %get3A_11] : memref<1x256xf32, #tpu.memory_space<vmem>>, vector<1x128xf32>
    %add3A = vector.broadcast %get3A_12 : vector<1x128xf32> to vector<2000x128xf32>
    %add3A_13 = arith.addf %mul3A_9, %add3A : vector<2000x128xf32>
    %max3A_14 = arith.constant 0.000000e+00 : f32
    %max3A_15 = vector.broadcast %max3A_14 : f32 to vector<2000x128xf32>
    %max3A_16 = arith.maximumf %add3A_13, %max3A_15 : vector<2000x128xf32>
    %get3A_17 = arith.constant 0 : index
    %get3A_18 = arith.constant 0 : index
    %get3A_19 = vector.load %arg2[%get3A_17, %get3A_18] : memref<2000x128xf32, #tpu.memory_space<vmem>>, vector<2000x128xf32>
    %mul3A_20 = vector.broadcast %div3A_5 : vector<2000x1xf32> to vector<2000x128xf32>
    %mul3A_21 = arith.mulf %get3A_19, %mul3A_20 : vector<2000x128xf32>
    %get3A_22 = arith.constant 0 : index
    %get3A_23 = arith.constant 128 : index
    %get3A_24 = vector.load %arg4[%get3A_22, %get3A_23] : memref<1x256xf32, #tpu.memory_space<vmem>>, vector<1x128xf32>
    %add3A_25 = vector.broadcast %get3A_24 : vector<1x128xf32> to vector<2000x128xf32>
    %add3A_26 = arith.addf %mul3A_21, %add3A_25 : vector<2000x128xf32>
    %max3A_27 = arith.constant 0.000000e+00 : f32
    %max3A_28 = vector.broadcast %max3A_27 : f32 to vector<2000x128xf32>
    %max3A_29 = arith.maximumf %add3A_26, %max3A_28 : vector<2000x128xf32>
    %get3A_30 = arith.constant 0 : index
    %get3A_31 = arith.constant 0 : index
    %get3A_32 = vector.load %arg5[%get3A_30, %get3A_31] : memref<256x256xf32, #tpu.memory_space<vmem>>, vector<128x256xf32>
    %dot_general3A = arith.constant dense<0.000000e+00> : vector<2000x256xf32>
    %dot_general3A_33 = tpu.matmul %max3A_16, %get3A_32, %dot_general3A {dimension_numbers = #tpu.dot_dimension_numbers<[1], [0], [0], [1], [0, 0, 1, 1], [], []>, transpose_lhs_hint = false} : vector<2000x128xf32>, vector<128x256xf32>, vector<2000x256xf32> -> vector<2000x256xf32>
    %get3A_34 = arith.constant 128 : index
    %get3A_35 = arith.constant 0 : index
    %get3A_36 = vector.load %arg5[%get3A_34, %get3A_35] : memref<256x256xf32, #tpu.memory_space<vmem>>, vector<128x256xf32>
    %dot_general3A_37 = arith.constant dense<0.000000e+00> : vector<2000x256xf32>
    %dot_general3A_38 = tpu.matmul %max3A_29, %get3A_36, %dot_general3A_37 {dimension_numbers = #tpu.dot_dimension_numbers<[1], [0], [0], [1], [0, 0, 1, 1], [], []>, transpose_lhs_hint = false} : vector<2000x128xf32>, vector<128x256xf32>, vector<2000x256xf32> -> vector<2000x256xf32>
    %add3A_39 = arith.addf %dot_general3A_33, %dot_general3A_38 : vector<2000x256xf32>
    %slice3A = vector.extract_strided_slice %add3A_39 {offsets = [0, 0], sizes = [2000, 128], strides = [1, 1]} : vector<2000x256xf32> to vector<2000x128xf32>
    %swap3A = arith.constant 0 : index
    %swap3A_40 = arith.constant 0 : index
    %swap3A_41 = vector.load %arg6[%swap3A, %swap3A_40] : memref<2000x128xf32, #tpu.memory_space<vmem>>, vector<2000x128xf32>
    tpu.vector_store %arg6[%swap3A, %swap3A_40], %slice3A {strides = array<i32>} : memref<2000x128xf32, #tpu.memory_space<vmem>>, vector<2000x128xf32>,
    %slice3A_42 = vector.extract_strided_slice %add3A_39 {offsets = [0, 128], sizes = [2000, 128], strides = [1, 1]} : vector<2000x256xf32> to vector<2000x128xf32>
    %swap3A_43 = arith.constant 0 : index
    %swap3A_44 = arith.constant 0 : index
    %swap3A_45 = vector.load %arg7[%swap3A_43, %swap3A_44] : memref<2000x128xf32, #tpu.memory_space<vmem>>, vector<2000x128xf32>
    tpu.vector_store %arg7[%swap3A_43, %swap3A_44], %slice3A_42 {strides = array<i32>} : memref<2000x128xf32, #tpu.memory_space<vmem>>, vector<2000x128xf32>,
    return
  }
  func.func @transform_0(%arg0: i32) -> (i32, i32) {
    %c0_i32 = arith.constant 0 : i32
    %c0_i32_0 = arith.constant 0 : i32
    return %arg0, %c0_i32 : i32, i32
  }
  func.func @transform_1(%arg0: i32) -> (i32, i32) {
    %c0_i32 = arith.constant 0 : i32
    %c0_i32_0 = arith.constant 0 : i32
    return %arg0, %c0_i32 : i32, i32
  }
  func.func @transform_2(%arg0: i32) -> (i32, i32) {
    %c0_i32 = arith.constant 0 : i32
    %c0_i32_0 = arith.constant 0 : i32
    return %arg0, %c0_i32 : i32, i32
  }
  func.func @transform_3(%arg0: i32) -> (i32, i32) {
    %c0_i32 = arith.constant 0 : i32
    %c0_i32_0 = arith.constant 0 : i32
    %c0_i32_1 = arith.constant 0 : i32
    return %c0_i32, %c0_i32_0 : i32, i32
  }
  func.func @transform_4(%arg0: i32) -> (i32, i32) {
    %c0_i32 = arith.constant 0 : i32
    %c0_i32_0 = arith.constant 0 : i32
    %c0_i32_1 = arith.constant 0 : i32
    return %c0_i32, %c0_i32_0 : i32, i32
  }
  func.func @transform_5(%arg0: i32) -> (i32, i32) {
    %c0_i32 = arith.constant 0 : i32
    %c0_i32_0 = arith.constant 0 : i32
    return %arg0, %c0_i32 : i32, i32
  }
  func.func @transform_6(%arg0: i32) -> (i32, i32) {
    %c0_i32 = arith.constant 0 : i32
    %c0_i32_0 = arith.constant 0 : i32
    return %arg0, %c0_i32 : i32, i32
  }
}

module attributes {stable_mosaic.version = 14 : i64} {
  func.func @_final_body(%arg0: i32, %arg1: memref<2000x128xf32, #tpu.memory_space<vmem>>, %arg2: memref<2000x128xf32, #tpu.memory_space<vmem>>, %arg3: memref<2000x1xf32, #tpu.memory_space<vmem>>, %arg4: memref<1x256xf32, #tpu.memory_space<vmem>>, %arg5: memref<2000x256xf32, #tpu.memory_space<vmem>>) attributes {dimension_semantics = [#tpu.dimension_semantics<arbitrary>], iteration_bounds = array<i64: 5>, scalar_prefetch = 0 : i64, scratch_operands = 0 : i64, tpu.core_type = #tpu.core_type<tc>, window_params = [{transform_indices = @transform_0, window_bounds = array<i64: 2000, 128>}, {transform_indices = @transform_1, window_bounds = array<i64: 2000, 128>}, {transform_indices = @transform_2, window_bounds = array<i64: 2000, 1>}, {pipeline_mode = #tpu.pipeline_mode<synchronous>, transform_indices = @transform_3, window_bounds = array<i64: 1, 256>}, {transform_indices = @transform_4, window_bounds = array<i64: 2000, 256>}]} {
    %get3A = arith.constant 0 : index
    %get3A_0 = arith.constant 0 : index
    %get3A_1 = vector.load %arg3[%get3A, %get3A_0] : memref<2000x1xf32, #tpu.memory_space<vmem>>, vector<2000x1xf32>
    %max3A = arith.constant 1.000000e+00 : f32
    %max3A_2 = vector.broadcast %max3A : f32 to vector<2000x1xf32>
    %max3A_3 = arith.maximumf %get3A_1, %max3A_2 : vector<2000x1xf32>
    %div3A = arith.constant 1.000000e+00 : f32
    %div3A_4 = vector.broadcast %div3A : f32 to vector<2000x1xf32>
    %div3A_5 = arith.divf %div3A_4, %max3A_3 : vector<2000x1xf32>
    %get3A_6 = arith.constant 0 : index
    %get3A_7 = arith.constant 0 : index
    %get3A_8 = vector.load %arg1[%get3A_6, %get3A_7] : memref<2000x128xf32, #tpu.memory_space<vmem>>, vector<2000x128xf32>
    %mul3A = vector.broadcast %div3A_5 : vector<2000x1xf32> to vector<2000x128xf32>
    %mul3A_9 = arith.mulf %get3A_8, %mul3A : vector<2000x128xf32>
    %get3A_10 = arith.constant 0 : index
    %get3A_11 = arith.constant 0 : index
    %get3A_12 = vector.load %arg4[%get3A_10, %get3A_11] : memref<1x256xf32, #tpu.memory_space<vmem>>, vector<1x128xf32>
    %add3A = vector.broadcast %get3A_12 : vector<1x128xf32> to vector<2000x128xf32>
    %add3A_13 = arith.addf %mul3A_9, %add3A : vector<2000x128xf32>
    %swap3A = arith.constant 0 : index
    %swap3A_14 = arith.constant 0 : index
    %swap3A_15 = vector.load %arg5[%swap3A, %swap3A_14] : memref<2000x256xf32, #tpu.memory_space<vmem>>, vector<2000x128xf32>
    tpu.vector_store %arg5[%swap3A, %swap3A_14], %add3A_13 {strides = array<i32>} : memref<2000x256xf32, #tpu.memory_space<vmem>>, vector<2000x128xf32>,
    %get3A_16 = arith.constant 0 : index
    %get3A_17 = arith.constant 0 : index
    %get3A_18 = vector.load %arg2[%get3A_16, %get3A_17] : memref<2000x128xf32, #tpu.memory_space<vmem>>, vector<2000x128xf32>
    %mul3A_19 = vector.broadcast %div3A_5 : vector<2000x1xf32> to vector<2000x128xf32>
    %mul3A_20 = arith.mulf %get3A_18, %mul3A_19 : vector<2000x128xf32>
    %get3A_21 = arith.constant 0 : index
    %get3A_22 = arith.constant 128 : index
    %get3A_23 = vector.load %arg4[%get3A_21, %get3A_22] : memref<1x256xf32, #tpu.memory_space<vmem>>, vector<1x128xf32>
    %add3A_24 = vector.broadcast %get3A_23 : vector<1x128xf32> to vector<2000x128xf32>
    %add3A_25 = arith.addf %mul3A_20, %add3A_24 : vector<2000x128xf32>
    %swap3A_26 = arith.constant 0 : index
    %swap3A_27 = arith.constant 128 : index
    %swap3A_28 = vector.load %arg5[%swap3A_26, %swap3A_27] : memref<2000x256xf32, #tpu.memory_space<vmem>>, vector<2000x128xf32>
    tpu.vector_store %arg5[%swap3A_26, %swap3A_27], %add3A_25 {strides = array<i32>} : memref<2000x256xf32, #tpu.memory_space<vmem>>, vector<2000x128xf32>,
    return
  }
  func.func @transform_0(%arg0: i32) -> (i32, i32) {
    %c0_i32 = arith.constant 0 : i32
    %c0_i32_0 = arith.constant 0 : i32
    return %arg0, %c0_i32 : i32, i32
  }
  func.func @transform_1(%arg0: i32) -> (i32, i32) {
    %c0_i32 = arith.constant 0 : i32
    %c0_i32_0 = arith.constant 0 : i32
    return %arg0, %c0_i32 : i32, i32
  }
  func.func @transform_2(%arg0: i32) -> (i32, i32) {
    %c0_i32 = arith.constant 0 : i32
    %c0_i32_0 = arith.constant 0 : i32
    return %arg0, %c0_i32 : i32, i32
  }
  func.func @transform_3(%arg0: i32) -> (i32, i32) {
    %c0_i32 = arith.constant 0 : i32
    %c0_i32_0 = arith.constant 0 : i32
    %c0_i32_1 = arith.constant 0 : i32
    return %c0_i32, %c0_i32_0 : i32, i32
  }
  func.func @transform_4(%arg0: i32) -> (i32, i32) {
    %c0_i32 = arith.constant 0 : i32
    %c0_i32_0 = arith.constant 0 : i32
    return %arg0, %c0_i32 : i32, i32
  }
}

</mosaic_0001>

<sc_bundles>
// kernel: sc_agg.3.cloned.1.call-start
scs
__scs_entry_jumppad:
0x0: {  	(pc) =	sbr.rel $0x88, $3  }
0x1: {  	(tag) =	ssettag $0x0;
	lr =	simm.s32 $0x1  }
0x2: {  	[smem:$0x3F9B] =	sst lr;
	_ =	strace $0xD0000000  }
0x3: {  	_ = 	snop  }
0x4: {  	_ = 	snop  }
0x5: {  	_ = 	snop  }
0x6: {  	_ = 	snop  }
0x7: {  	_ = 	snop  }
__scs_overlays_trampoline_lowered:
0x8: {  	[smem:$0x3FAA] =	sst s0  }
0x9: {  	[smem:$0x3FAB] =	sst s1  }
0xa: {  	[smem:$0x3FAC] =	sst s2  }
0xb: {  	[smem:$0x3FAD] =	sst s3  }
0xc: {  	[smem:$0x3FAE] =	sst s4  }
0xd: {  	[smem:$0x3FAF] =	sst s5  }
0xe: {  	[smem:$0x3FB0] =	sst s6  }
0xf: {  	[smem:$0x3FB1] =	sst s7  }
0x10: {  	[smem:$0x3FB2] =	sst s8  }
0x11: {  	[smem:$0x3FB3] =	sst s9;
	s0 =	simm.s32 @!p0 $0x0  }
0x12: {  	s1 =	sld [smem:$0x3F99];
	s0 =	simm.s32 @p0 $0x1  }
0x13: {  	[smem:$0x3FB4] =	sst s0;
	s0 =	simm.s32 @!p1 $0x0  }
0x14: {  	s2 =	sld [smem:$0x3F98];
	s0 =	simm.s32 @p1 $0x1  }
0x15: {  	[smem:$0x3FB5] =	sst s0;
	s0 =	simm.s32 @!p2 $0x0  }
0x16: {  	s3 =	sld [smem:$0x3FDB];
	s0 =	simm.s32 @p2 $0x1  }
0x17: {  	s4 =	simm.s32 $0x1BF5;
	[smem:$0x3FB7] =	sst s0  }
0x18: {  	s0 =	sld [smem:$0x3F9A];
	_ =	swait.ge [sflag:s4], $0x0  }
0x19: {  	s7 =	sld [smem:$0x3F9B]  }
0x1a: {  	s8 =	sadd.s32 $0xFFFFE003, lr  }
0x1b: {  	s9 =	sadd.s32 $0xFFFFFEF7, lr;
	s5 =	simm.s32 $0xFFFFFFFF;
	p2 =	slt.u32 s8, $0xFFFFF086  }
0x1c: {  	p1 =	slt.u32 s9, $0xF7A;
	s5 =	simm.s32 @!p2 $0x0  }
0x1d: {  	s5 =	simm.s32 @p1 $0x1;
	p0 =	seq.s32 s7, s2  }
0x1e: {  	s7 =	smul.u32 @!p0 $0xF7A, s2;
	p2 =	seq.s32 @!p0 s5, $0x0  }
0x1f: {  	s9 =	smul.u32 $0xF7A, s1;
	s8 =	simm.s32 @!p0 $0x1BF5;
	p2 =	por !p2, p0  }
0x20: {  	[sflag:s8] =	ssyncset.s32 @!p0 $0xFFFFF086;
	s6 =	sadd.s32 @!p0 s3, s7;
	s7 =	simm.s32 @!p0 $0x108  }
0x21: {  	s3 =	sadd.s32 s3, s9;
	s6 =	sadd.s32 @!p0 $0x88, s6;
	s7 =	simm.s32 @p2 $0x1082  }
0x22: {  	[simem:s7], [sflag:s8] =	dma.local @!p0 [hbm:s6], $0xF7A  }
0x23: {  	s9 =	sor.u32 $0xD0000000, s2;
	s6 =	simm.s32 $0x108;
	_ =	swait.ge @!p0 [sflag:s8], $0x0  }
0x24: {  	s3 =	sadd.s32 $0x88, s3;
	s6 =	simm.s32 @!p1 $0x1082;
	[sflag:s4] =	ssyncset.s32 $0xFFFFF086  }
0x25: {  	[simem:s6], [sflag:s4] =	dma.local [hbm:s3], $0xF7A  }
0x26: {  	[smem:$0x3F9B] =	sst s1;
	(tag) =	ssettag s2;
	_ =	strace s9  }
0x27: {  	s1 =	sld [smem:$0x3FAB]  }
0x28: {  	s2 =	sld [smem:$0x3FAC]  }
0x29: {  	s4 =	sld [smem:$0x3FAE]  }
0x2a: {  	p0 =	seq.s32 s5, $0x0;
	s5 =	sld [smem:$0x3FAF]  }
0x2b: {  	s6 =	sld [smem:$0x3FB0]  }
0x2c: {  	s7 =	sld [smem:$0x3FB1]  }
0x2d: {  	s3 =	simm.s32 $0x108;
	s8 =	sld [smem:$0x3FB2]  }
0x2e: {  	s3 =	simm.s32 @!p0 $0x1082;
	s9 =	sld [smem:$0x3FB3]  }
0x2f: {  	lr =	sadd.s32 s0, s3;
	s0 =	sld [smem:$0x3FAA]  }
0x30: {  	s3 =	sld [smem:$0x3FAD]  }
0x31: {  	[smem:$0x3FB6] =	sst s10  }
0x32: {  	s10 =	sld [smem:$0x3FB4];
	_ =	sdelay $0x3  }
0x33: {  	p0 =	seq.s32 s10, $0x1;
	s10 =	sld [smem:$0x3FB6];
	_ =	sdelay $0x3  }
0x34: {  	[smem:$0x3FB6] =	sst s10  }
0x35: {  	s10 =	sld [smem:$0x3FB5];
	_ =	sdelay $0x3  }
0x36: {  	p1 =	seq.s32 s10, $0x1;
	s10 =	sld [smem:$0x3FB6];
	_ =	sdelay $0x3  }
0x37: {  	[smem:$0x3FB6] =	sst s10  }
0x38: {  	s10 =	sld [smem:$0x3FB7]  }
0x39: {  	_ = 	snop;
	(pc) =	sbr.ind lr, $3  }
0x3a: {  	_ = 	snop  }
0x3b: {  	_ = 	snop  }
0x3c: {  	p2 =	seq.s32 s10, $0x1;
	s10 =	sld [smem:$0x3FB6]  }
0x3d: {  	_ =	shalt  }
0x3e: {  	_ =	shalt  }
0x3f: {  	_ =	shalt  }
0x40: {  	_ =	shalt  }
0x41: {  	_ =	shalt  }
0x42: {  	_ =	shalt  }
0x43: {  	_ =	shalt  }
0x44: {  	_ =	shalt  }
0x45: {  	_ =	shalt  }
0x46: {  	_ =	shalt  }
0x47: {  	_ =	shalt  }
0x48: {  	_ =	shalt  }
0x49: {  	_ =	shalt  }
0x4a: {  	_ =	shalt  }
0x4b: {  	_ =	shalt  }
0x4c: {  	_ =	shalt  }
0x4d: {  	_ =	shalt  }
0x4e: {  	_ =	shalt  }
0x4f: {  	_ =	shalt  }
0x50: {  	_ =	shalt  }
0x51: {  	_ =	shalt  }
0x52: {  	_ =	shalt  }
0x53: {  	_ =	shalt  }
0x54: {  	_ =	shalt  }
0x55: {  	_ =	shalt  }
0x56: {  	_ =	shalt  }
0x57: {  	_ =	shalt  }
0x58: {  	_ =	shalt  }
0x59: {  	_ =	shalt  }
0x5a: {  	_ =	shalt  }
0x5b: {  	_ =	shalt  }
0x5c: {  	_ =	shalt  }
0x5d: {  	_ =	shalt  }
0x5e: {  	_ =	shalt  }
0x5f: {  	_ =	shalt  }
0x60: {  	_ =	shalt  }
0x61: {  	_ =	shalt  }
0x62: {  	_ =	shalt  }
0x63: {  	_ =	shalt  }
0x64: {  	_ =	shalt  }
0x65: {  	_ =	shalt  }
0x66: {  	_ =	shalt  }
0x67: {  	_ =	shalt  }
0x68: {  	_ =	shalt  }
0x69: {  	_ =	shalt  }
0x6a: {  	_ =	shalt  }
0x6b: {  	_ =	shalt  }
0x6c: {  	_ =	shalt  }
0x6d: {  	_ =	shalt  }
0x6e: {  	_ =	shalt  }
0x6f: {  	_ =	shalt  }
0x70: {  	_ =	shalt  }
0x71: {  	_ =	shalt  }
0x72: {  	_ =	shalt  }
0x73: {  	_ =	shalt  }
0x74: {  	_ =	shalt  }
0x75: {  	_ =	shalt  }
0x76: {  	_ =	shalt  }
0x77: {  	_ =	shalt  }
0x78: {  	_ =	shalt  }
0x79: {  	_ =	shalt  }
0x7a: {  	_ =	shalt  }
0x7b: {  	_ =	shalt  }
0x7c: {  	_ =	shalt  }
0x7d: {  	_ =	shalt  }
0x7e: {  	_ =	shalt  }
0x7f: {  	_ =	shalt  }
0x80: {  	_ =	shalt  }
0x81: {  	_ =	shalt  }
0x82: {  	_ =	shalt  }
0x83: {  	_ =	shalt  }
0x84: {  	_ =	shalt  }
0x85: {  	_ =	shalt  }
0x86: {  	_ =	shalt  }
0x87: {  	_ =	shalt  }
.Lfunc_end0:
.L_simem_size_0:
called_computation.1_lowered:
.L_overlay_start_0:
0x88: {  	s2 =	sld [smem:$0x3FD9]  }
0x89: {  	s3 =	sld [smem:$0x3FFE];
	_ =	sdelay $0x1  }
0x8a: {  	s1 =	srdreg.scid  }
0x8b: {  	s0 =	sand.u32 $0x1, s1  }
0x8c: {  	s16 =	sshll.u32 s0, $0xA;
	s2 =	sadd.s32 s3, s2  }
0x8d: {  	s2 =	sadd.s32 s2, s16  }
0x8e: {  	[smem:$0x3FC2] =	sst s2  }
0x8f: {  	_ = 	snop  }
0x90: {  	(tm) =	ssettm $0x1  }
0x91: {  	s17 =	sld [smem:$0x3FFB];
	_ =	sdelay $0x3  }
0x92: {  	_ =	strace s17  }
0x93: {  	s2 =	sld [smem:$0x3FFC];
	_ =	sdelay $0x3  }
0x94: {  	_ =	strace s2  }
0x95: {  	s2 =	sld [smem:$0x3FFD];
	_ =	sdelay $0x3  }
0x96: {  	_ =	strace s2  }
0x97: {  	_ =	strace $0x8FFFFFFF  }
0x98: {  	s18 =	sld [smem:$0x3FDB];
	_ =	sdelay $0x1  }
0x99: {  	s19 =	simm.s32 $_scs_section_size  }
0x9a: {  	s4 =	simm.s32 $_size__tile_overlayer_lowered;
	s5 =	simm.s32 $_tile_overlayer_lowered  }
0x9b: {  	s22 =	simm.s32 $0x1BFF;
	s21 =	sshll.u32 s5, $0x1;
	s2 =	sadd.s32 s19, s18  }
0x9c: {  	s6 =	simm.s32 $0x0;
	s20 =	sshll.u32 s4, $0x1;
	s4 =	sadd.s32 s21, s2  }
0x9d: {  	[timem:s6], [sflag:s22] =	dma.local [hbm:s4], s20  }
0x9e: {  	_ =	swait.ge [sflag:s22], s20  }
0x9f: {  	s3 =	ssub.s32 $0x0, s20;
	[sflag:s22] =	ssyncset.done $0x0  }
0xa0: {  	[sflag:s22] =	ssyncadd.s32 s3;
	_ =	sdelay $0x1  }
0xa1: {  	s23 =	simm.s32 $0x1B8B  }
0xa2: {  	_ =	swait.ge [sflag:s23], $0x1  }
0xa3: {  	[sflag:s23] =	ssyncset.done $0x0  }
0xa4: {  	s25 =	simm.s32 $0x1B8E;
	s24 =	sld [smem:$0x3FFE];
	[sflag:s23] =	ssyncadd.s32 $0xFFFFFFFF  }
0xa5: {  	s26 =	simm.s32 $execute0_lowered;
	[smem:$0x3FD2] =	sst s25  }
0xa6: {  	s4 =	sshll.u32 s26, $0x1;
	_ =	strace $0x80000049;
	[dreg:$0x1] =	wrdreg $0xFFFFFFFF  }
0xa7: {  	s28 =	simm.s32 $_size_execute0_lowered;
	s2 =	sadd.s32 s2, s4;
	[dreg:$0x0] =	wrdreg $0x0  }
0xa8: {  	s4 =	sshll.u32 s28, $0x1;
	[dreg:$0x2] =	wrdreg s2  }
0xa9: {  	[dreg:$0x3] =	wrdreg s4  }
0xaa: {  	[dreg:$0x4] =	wrdreg $0xC0  }
0xab: {  	_ =	task [dreg:s6], $0x5FFFF  }
0xac: {  	[dreg:$0x1] =	wrdreg $0xFFFFFFFF  }
0xad: {  	[dreg:$0x0] =	wrdreg $0x60  }
0xae: {  	[dreg:$0x2] =	wrdreg s24  }
0xaf: {  	[dreg:$0x3] =	wrdreg $0x98800  }
0xb0: {  	[dreg:$0x4] =	wrdreg $0x9  }
0xb1: {  	_ =	task.clear_ibuf [dreg:s6], $0x5FFFF;
	_ =	strace $0x90000049  }
0xb2: {  	s29 =	simm.s32 $0x9;
	_ =	strace $0x8000004B  }
0xb3: {  	_ =	swait.ge [sflag:s29], $0x1  }
0xb4: {  	[sflag:s29] =	ssyncadd.s32 $0xFFFFFFFF  }
0xb5: {  	_ =	strace $0x9000004B  }
0xb6: {  	_ =	sfence  }
0xb7: {  	s30 =	sld [smem:$0x0];
	_ =	sdelay $0x2  }
0xb8: {  	s31 =	sshll.u32 s1, $0xD;
	s1 =	sshrl.u32 s1, $0x2  }
0xb9: {  	s3 =	sand.u32 $0x4000, s31;
	s1 =	sadd.s32 s1, s30  }
0xba: {  	s0 =	sor.u32 s3, s0;
	s1 =	sshll.u32 s1, $0x11  }
0xbb: {  	s0 =	sor.u32 s1, s0  }
0xbc: {  	s0 =	sadd.s32 $0x8F2B, s0  }
0xbd: {  	[sflag:s0] =	ssyncadd.remote.s32 $0x1  }
0xbe: {  	_ =	sfence.sel $0xFFFF  }
0xbf: {  	[dreg:$0x0] =	wrdreg $0xFFFFFFFF;
	(pc) =	sbr.abs _section_cstart, $3  }
0xc0: {  	[dreg:$0x1] =	wrdreg $0xFFFFFFFF  }
0xc1: {  	_ =	task.clear_ibuf [dreg:s6], $0x2FFFF;
	_ =	strace $0x9FFFFFFF  }
0xc2: {  	(tm) =	ssettm $0x7FFFFFFF  }
0xc3: {  	_ =	shalt  }
tec
execute0_lowered:
.L_overlay_start_1:
0x0: {  	(tag) =	ssettag $0x1  }
0x1: {  	s0 =	rddreg [dreg:$0x0]  }
0x2: {  	s2 =	rddreg [dreg:$0x1]  }
0x3: {  	s1 =	simm.s32 $0x0;
	s11 =	stileid.u32;
	s3 =	srdreg.scid  }
0x4: {  	s28 =	simm.s32 $0x2000;
	s30 =	simm.s32 $0x4800;
	s31 =	simm.s32 $0x7000  }
0x5: {  	s29 =	simm.s32 $0x1;
	[smem:$0x7FF] =	sst s1;
	s12 =	smul.u32 $0xA00, s11  }
0x6: {  	s4 =	sadd.s32 $0x16E00, s0;
	s6 =	smul.u32 $0x2700, s11;
	s15 =	sadd.s32 $0x136000, s2  }
0x7: {  	s17 =	sadd.s32 $0x124800, s2;
	_ =	strace $0x8000004A;
	[dreg:$0x5] =	wrdreg s15  }
0x8: {  	s3 =	sand.u32 $0x1, s3;
	s18 =	sadd.s32 $0xB0D00, s0;
	[dreg:$0x7] =	wrdreg s17  }
0x9: {  	s5 =	sadd.s32 $0x3E000, s0;
	s8 =	smul.u32 $0x4E000, s11;
	[dreg:$0x8] =	wrdreg s18  }
0xa: {  	s1 =	sadd.s32 s12, s0;
	s9 =	sadd.s32 s6, s0;
	s0 =	sadd.s32 $0x89B00, s0  }
0xb: {  	s7 =	ssub.s32 $0x2, s3;
	s16 =	sadd.s32 $0x8C400, s9;
	[dreg:$0xa] =	wrdreg s0  }
0xc: {  	s8 =	sshrl.u32 s8, $0x2;
	s19 =	sadd.s32 $0x65200, s9;
	[dreg:$0x6] =	wrdreg s16  }
0xd: {  	s13 =	sshrl.u32 s7, $0x1;
	s14 =	sadd.s32 s8, s2;
	[dreg:$0x9] =	wrdreg s19  }
0xe: {  	s10 =	ssub.s32 s7, s13;
	s8 =	sadd.s32 $0x11800, s14;
	[dreg:$0x3] =	wrdreg s14  }
0xf: {  	p1 =	seq.s32 s11, $0xF;
	s20 =	smax.u32 s10, $0x1;
	[dreg:$0x4] =	wrdreg s8  }
0x10: {  	s11 =	simm.s32 $0x2;
	s21 =	sadd.s32 $0x2800, s14;
	[dreg:$0xb] =	wrdreg s20  }
0x11: {  	p0 =	seq.s32 s3, $0x0;
	s22 =	sadd.s32 $0x5000, s14;
	[dreg:$0xc] =	wrdreg s21  }
0x12: {  	s15 =	simm.s32 $0x3;
	s23 =	sadd.s32 $0x7800, s14;
	[dreg:$0xd] =	wrdreg s22  }
0x13: {  	s6 =	sadd.s32 $0xCE00, s1;
	s24 =	sadd.s32 $0xA000, s14;
	[dreg:$0xe] =	wrdreg s23  }
.Ltmp0:
0x14: {  	s25 =	sadd.s32 $0xC800, s14;
	[dreg:$0xf] =	wrdreg s24;
	(pc) =	sbr.rel .LBB2_1-.Ltmp0, $4  }
0x15: {  	s7 =	sadd.s32 $0x2E00, s1;
	s26 =	sadd.s32 $0xF000, s14;
	[dreg:$0x11] =	wrdreg s25  }
0x16: {  	s0 =	simm.s32 $0x0;
	s22 =	smov.u32 s5;
	[dreg:$0x12] =	wrdreg s26  }
0x17: {  	s24 =	simm.s32 $0x4;
	s23 =	simm.s32 $0x1000;
	s22 =	smov.u32 @p0 s4  }
0x18: {  	v0 =	vimm.f32 $0.0e+00;
	v1 =	vimm.f32 $1.000000000e+00;
	s26 =	simm.s32 $0x50;
	p0 =	sne.s32 s3, $0x0;
	[dreg:$0x10] =	wrdreg s22  }
.LBB2_9:
0x19: {  	s3 =	sadd.s32 @!p3 s19, s6;
	[sflag:s24] =	ssyncset.done $0x0  }
0x1a: {  	s8 =	simm.s32 @!p3 $0x0;
	s20 =	simm.s32 @!p3 $0x4;
	[sflag:s24] =	ssyncadd.s32 $0xFFFFD800  }
0x1b: {  	[tilespmem:s8], [sflag:$0x4] =	stream.linear.gather @!p3 [hbm4b:s3+s8], $0xC80, $0x38;
	[tilespmem:$0x1D100] =	vst v63  }
0x1c: {  	_ =	swait.ge @!p3 [sflag:s20], $0xC80  }
0x1d: {  	[sflag:s20] =	ssyncset.done @!p3 $0x0  }
0x1e: {  	s3 =	sadd.s32 @!p3 s19, s7;
	s19 =	simm.s32 @!p3 $0x1000;
	[sflag:s20] =	ssyncadd.s32 @!p3 $0xFFFFF380  }
0x1f: {  	[tilespmem:s19], [sflag:$0x4] =	stream.linear.gather @!p3 [hbm4b:s3+s8], $0xC80, $0x38;
	[tilespmem:$0x1D100] =	vst v63  }
0x20: {  	_ =	swait.ge @!p3 [sflag:s20], $0xC80  }
0x21: {  	[sflag:s20] =	ssyncset.done @!p3 $0x0  }
0x22: {  	s3 =	simm.s32 @!p3 $0x50;
	s19 =	simm.s32 @!p3 $0x2000;
	[sflag:s20] =	ssyncadd.s32 @!p3 $0xFFFFF380  }
0x23: {  	[tilespmem:s19], [sflag:$0x1] =	stream.indirect.gather @!p3 [hbm4b:s5+s3], $0x80, s8, s3, $0xb8;
	[tilespmem:$0x1D100] =	vst v63  }
0x24: {  	s8 =	simm.s32 @!p3 $0x80;
	s19 =	simm.s32 @!p3 $0x4800  }
0x25: {  	[tilespmem:s19], [sflag:$0x2] =	stream.indirect.gather @!p3 [hbm4b:s5+s3], $0x80, s8, s3, $0xb8;
	[tilespmem:$0x1D100] =	vst v63  }
0x26: {  	s8 =	simm.s32 @!p3 $0x100;
	s19 =	simm.s32 @!p3 $0x7000  }
0x27: {  	[tilespmem:s19], [sflag:$0x3] =	stream.indirect.gather @!p3 [hbm4b:s5+s3], $0x80, s8, s3, $0xb8;
	[tilespmem:$0x1D100] =	vst v63  }
0x28: {  	_ =	swait.ge [sflag:s29], $0x2800  }
0x29: {  	[sflag:s29] =	ssyncset.done $0x0  }
0x2a: {  	[sflag:s29] =	ssyncadd.s32 $0xFFFFD800  }
0x2b: {  	[spmem:s2] =	stream.indirect.scatter.add.f32 [tilespmem:s28], [sflag:$0x4], $0x80, s23, s26, $0xb8;
	[tilespmem:$0x1D100] =	vst v63  }
0x2c: {  	_ =	swait.ge [sflag:s24], $0x2800  }
0x2d: {  	[sflag:s24] =	ssyncset.done $0x0  }
0x2e: {  	[sflag:s24] =	ssyncadd.s32 $0xFFFFD800  }
0x2f: {  	[tilespmem:s28], [sflag:$0x1] =	stream.indirect.gather [hbm4b:s5+s26], $0x80, s22, s26, $0xb8;
	[tilespmem:$0x1D100] =	vst v63  }
0x30: {  	_ =	swait.ge [sflag:s11], $0x2800  }
0x31: {  	[sflag:s11] =	ssyncset.done $0x0  }
0x32: {  	[sflag:s11] =	ssyncadd.s32 $0xFFFFD800  }
0x33: {  	[spmem:s2] =	stream.indirect.scatter.add.f32 [tilespmem:s30], [sflag:$0x4], $0x80, s21, s26, $0xb8;
	[tilespmem:$0x1D100] =	vst v63  }
0x34: {  	_ =	swait.ge [sflag:s24], $0x2800  }
0x35: {  	[sflag:s24] =	ssyncset.done $0x0  }
0x36: {  	[sflag:s24] =	ssyncadd.s32 $0xFFFFD800  }
0x37: {  	[tilespmem:s30], [sflag:$0x2] =	stream.indirect.gather [hbm4b:s5+s26], $0x80, s25, s26, $0xb8;
	[tilespmem:$0x1D100] =	vst v63  }
0x38: {  	_ =	swait.ge [sflag:s15], $0x2800  }
0x39: {  	[sflag:s15] =	ssyncset.done $0x0  }
0x3a: {  	[sflag:s15] =	ssyncadd.s32 $0xFFFFD800  }
0x3b: {  	[spmem:s2] =	stream.indirect.scatter.add.f32 [tilespmem:s31], [sflag:$0x4], $0x80, s0, s26, $0xb8;
	[tilespmem:$0x1D100] =	vst v63  }
0x3c: {  	_ =	swait.ge [sflag:s24], $0x2800  }
0x3d: {  	[sflag:s24] =	ssyncset.done $0x0  }
0x3e: {  	[sflag:s24] =	ssyncadd.s32 $0xFFFFD800  }
0x3f: {  	[tilespmem:s31], [sflag:$0x3] =	stream.indirect.gather [hbm4b:s5+s26], $0x80, s13, s26, $0xb8;
	[tilespmem:$0x1D100] =	vst v63  }
0x40: {  	_ =	swait.ge [sflag:s29], $0x2800  }
0x41: {  	[sflag:s29] =	ssyncset.done $0x0  }
0x42: {  	[sflag:s29] =	ssyncadd.s32 $0xFFFFD800  }
0x43: {  	[spmem:s2] =	stream.indirect.scatter.add.f32 [tilespmem:s28], [sflag:$0x4], $0x80, s14, s26, $0xb8;
	[tilespmem:$0x1D100] =	vst v63  }
0x44: {  	_ =	swait.ge [sflag:s24], $0x2800  }
0x45: {  	[sflag:s24] =	ssyncset.done $0x0  }
0x46: {  	[sflag:s24] =	ssyncadd.s32 $0xFFFFD800  }
0x47: {  	[tilespmem:s28], [sflag:$0x1] =	stream.indirect.gather [hbm4b:s5+s26], $0x80, s1, s26, $0xb8;
	[tilespmem:$0x1D100] =	vst v63  }
0x48: {  	_ =	swait.ge [sflag:s11], $0x2800  }
0x49: {  	[sflag:s11] =	ssyncset.done $0x0  }
0x4a: {  	[sflag:s11] =	ssyncadd.s32 $0xFFFFD800  }
0x4b: {  	[spmem:s2] =	stream.indirect.scatter.add.f32 [tilespmem:s30], [sflag:$0x4], $0x80, s9, s26, $0xb8;
	[tilespmem:$0x1D100] =	vst v63  }
0x4c: {  	_ =	swait.ge [sflag:s24], $0x2800  }
0x4d: {  	[sflag:s24] =	ssyncset.done $0x0  }
0x4e: {  	[sflag:s24] =	ssyncadd.s32 $0xFFFFD800  }
0x4f: {  	[tilespmem:s30], [sflag:$0x2] =	stream.indirect.gather [hbm4b:s5+s26], $0x80, s10, s26, $0xb8;
	[tilespmem:$0x1D100] =	vst v63  }
0x50: {  	_ =	swait.ge [sflag:s15], $0x2800  }
0x51: {  	[sflag:s15] =	ssyncset.done $0x0  }
0x52: {  	[sflag:s15] =	ssyncadd.s32 $0xFFFFD800  }
0x53: {  	[spmem:s2] =	stream.indirect.scatter.add.f32 [tilespmem:s31], [sflag:$0x4], $0x80, s12, s26, $0xb8;
	[tilespmem:$0x1D100] =	vst v63  }
0x54: {  	_ =	swait.ge [sflag:s24], $0x2800  }
0x55: {  	[sflag:s24] =	ssyncset.done $0x0  }
0x56: {  	[sflag:s24] =	ssyncadd.s32 $0xFFFFD800  }
0x57: {  	[tilespmem:s31], [sflag:$0x3] =	stream.indirect.gather [hbm4b:s5+s26], $0x80, s16, s26, $0xb8;
	[tilespmem:$0x1D100] =	vst v63  }
0x58: {  	_ =	swait.ge [sflag:s29], $0x2800  }
0x59: {  	[sflag:s29] =	ssyncset.done $0x0  }
0x5a: {  	[sflag:s29] =	ssyncadd.s32 $0xFFFFD800  }
0x5b: {  	[spmem:s2] =	stream.indirect.scatter.add.f32 [tilespmem:s28], [sflag:$0x4], $0x80, s17, s26, $0xb8;
	[tilespmem:$0x1D100] =	vst v63  }
0x5c: {  	_ =	swait.ge [sflag:s24], $0x2800  }
0x5d: {  	[sflag:s24] =	ssyncset.done $0x0  }
0x5e: {  	[sflag:s24] =	ssyncadd.s32 $0xFFFFD800  }
0x5f: {  	[tilespmem:s28], [sflag:$0x1] =	stream.indirect.gather [hbm4b:s5+s26], $0x80, s18, s26, $0xb8;
	[tilespmem:$0x1D100] =	vst v63  }
0x60: {  	_ =	swait.ge [sflag:s11], $0x2800  }
0x61: {  	[sflag:s11] =	ssyncset.done $0x0  }
0x62: {  	s25 =	simm.s32 $0x1380;
	[sflag:s11] =	ssyncadd.s32 $0xFFFFD800  }
0x63: {  	[spmem:s2] =	stream.indirect.scatter.add.f32 [tilespmem:s30], [sflag:$0x4], $0x80, s25, s26, $0xb8;
	[tilespmem:$0x1D100] =	vst v63  }
0x64: {  	_ =	swait.ge [sflag:s24], $0x2800  }
0x65: {  	[sflag:s24] =	ssyncset.done $0x0  }
0x66: {  	s1 =	simm.s32 $0x500;
	[sflag:s24] =	ssyncadd.s32 $0xFFFFD800  }
0x67: {  	[tilespmem:s30], [sflag:$0x2] =	stream.indirect.gather [hbm4b:s5+s26], $0x80, s1, s26, $0xb8;
	[tilespmem:$0x1D100] =	vst v63  }
0x68: {  	_ =	swait.ge [sflag:s15], $0x2800  }
0x69: {  	[sflag:s15] =	ssyncset.done $0x0  }
0x6a: {  	s3 =	simm.s32 $0x1400;
	[sflag:s15] =	ssyncadd.s32 $0xFFFFD800  }
0x6b: {  	[spmem:s2] =	stream.indirect.scatter.add.f32 [tilespmem:s31], [sflag:$0x4], $0x80, s3, s26, $0xb8;
	[tilespmem:$0x1D100] =	vst v63  }
0x6c: {  	_ =	swait.ge [sflag:s24], $0x2800  }
0x6d: {  	[sflag:s24] =	ssyncset.done $0x0  }
0x6e: {  	s8 =	simm.s32 $0x580;
	[sflag:s24] =	ssyncadd.s32 $0xFFFFD800  }
0x6f: {  	[tilespmem:s31], [sflag:$0x3] =	stream.indirect.gather [hbm4b:s5+s26], $0x80, s8, s26, $0xb8;
	[tilespmem:$0x1D100] =	vst v63  }
0x70: {  	_ =	swait.ge [sflag:s29], $0x2800  }
0x71: {  	[sflag:s29] =	ssyncset.done $0x0  }
0x72: {  	s9 =	simm.s32 $0x1480;
	[sflag:s29] =	ssyncadd.s32 $0xFFFFD800  }
0x73: {  	[spmem:s2] =	stream.indirect.scatter.add.f32 [tilespmem:s28], [sflag:$0x4], $0x80, s9, s26, $0xb8;
	[tilespmem:$0x1D100] =	vst v63  }
0x74: {  	_ =	swait.ge [sflag:s24], $0x2800  }
0x75: {  	[sflag:s24] =	ssyncset.done $0x0  }
0x76: {  	s10 =	simm.s32 $0x600;
	[sflag:s24] =	ssyncadd.s32 $0xFFFFD800  }
0x77: {  	[tilespmem:s28], [sflag:$0x1] =	stream.indirect.gather [hbm4b:s5+s26], $0x80, s10, s26, $0xb8;
	[tilespmem:$0x1D100] =	vst v63  }
0x78: {  	_ =	swait.ge [sflag:s11], $0x2800  }
0x79: {  	[sflag:s11] =	ssyncset.done $0x0  }
0x7a: {  	s12 =	simm.s32 $0x1500;
	[sflag:s11] =	ssyncadd.s32 $0xFFFFD800  }
0x7b: {  	[spmem:s2] =	stream.indirect.scatter.add.f32 [tilespmem:s30], [sflag:$0x4], $0x80, s12, s26, $0xb8;
	[tilespmem:$0x1D100] =	vst v63  }
0x7c: {  	_ =	swait.ge [sflag:s24], $0x2800  }
0x7d: {  	[sflag:s24] =	ssyncset.done $0x0  }
0x7e: {  	s13 =	simm.s32 $0x680;
	[sflag:s24] =	ssyncadd.s32 $0xFFFFD800  }
0x7f: {  	[tilespmem:s30], [sflag:$0x2] =	stream.indirect.gather [hbm4b:s5+s26], $0x80, s13, s26, $0xb8;
	[tilespmem:$0x1D100] =	vst v63  }
0x80: {  	_ =	swait.ge [sflag:s15], $0x2800  }
0x81: {  	[sflag:s15] =	ssyncset.done $0x0  }
0x82: {  	s14 =	simm.s32 $0x1580;
	[sflag:s15] =	ssyncadd.s32 $0xFFFFD800  }
0x83: {  	[spmem:s2] =	stream.indirect.scatter.add.f32 [tilespmem:s31], [sflag:$0x4], $0x80, s14, s26, $0xb8;
	[tilespmem:$0x1D100] =	vst v63  }
0x84: {  	_ =	swait.ge [sflag:s24], $0x2800  }
0x85: {  	[sflag:s24] =	ssyncset.done $0x0  }
0x86: {  	s16 =	simm.s32 $0x700;
	[sflag:s24] =	ssyncadd.s32 $0xFFFFD800  }
0x87: {  	[tilespmem:s31], [sflag:$0x3] =	stream.indirect.gather [hbm4b:s5+s26], $0x80, s16, s26, $0xb8;
	[tilespmem:$0x1D100] =	vst v63  }
0x88: {  	_ =	swait.ge [sflag:s29], $0x2800  }
0x89: {  	[sflag:s29] =	ssyncset.done $0x0  }
0x8a: {  	s17 =	simm.s32 $0x1600;
	[sflag:s29] =	ssyncadd.s32 $0xFFFFD800  }
0x8b: {  	[spmem:s2] =	stream.indirect.scatter.add.f32 [tilespmem:s28], [sflag:$0x4], $0x80, s17, s26, $0xb8;
	[tilespmem:$0x1D100] =	vst v63  }
0x8c: {  	_ =	swait.ge [sflag:s24], $0x2800  }
0x8d: {  	[sflag:s24] =	ssyncset.done $0x0  }
0x8e: {  	s18 =	simm.s32 $0x780;
	[sflag:s24] =	ssyncadd.s32 $0xFFFFD800  }
0x8f: {  	[tilespmem:s28], [sflag:$0x1] =	stream.indirect.gather [hbm4b:s5+s26], $0x80, s18, s26, $0xb8;
	[tilespmem:$0x1D100] =	vst v63  }
0x90: {  	_ =	swait.ge [sflag:s11], $0x2800  }
0x91: {  	[sflag:s11] =	ssyncset.done $0x0  }
0x92: {  	s19 =	simm.s32 $0x1680;
	[sflag:s11] =	ssyncadd.s32 $0xFFFFD800  }
0x93: {  	[spmem:s2] =	stream.indirect.scatter.add.f32 [tilespmem:s30], [sflag:$0x4], $0x80, s19, s26, $0xb8;
	[tilespmem:$0x1D100] =	vst v63  }
0x94: {  	_ =	swait.ge [sflag:s24], $0x2800  }
0x95: {  	[sflag:s24] =	ssyncset.done $0x0  }
0x96: {  	s20 =	simm.s32 $0x800;
	[sflag:s24] =	ssyncadd.s32 $0xFFFFD800  }
0x97: {  	[tilespmem:s30], [sflag:$0x2] =	stream.indirect.gather [hbm4b:s5+s26], $0x80, s20, s26, $0xb8;
	[tilespmem:$0x1D100] =	vst v63  }
0x98: {  	_ =	swait.ge [sflag:s15], $0x2800  }
0x99: {  	[sflag:s15] =	ssyncset.done $0x0  }
0x9a: {  	s21 =	simm.s32 $0x1700;
	[sflag:s15] =	ssyncadd.s32 $0xFFFFD800  }
0x9b: {  	[spmem:s2] =	stream.indirect.scatter.add.f32 [tilespmem:s31], [sflag:$0x4], $0x80, s21, s26, $0xb8;
	[tilespmem:$0x1D100] =	vst v63  }
0x9c: {  	_ =	swait.ge [sflag:s24], $0x2800  }
0x9d: {  	[sflag:s24] =	ssyncset.done $0x0  }
0x9e: {  	s22 =	simm.s32 $0x880;
	[sflag:s24] =	ssyncadd.s32 $0xFFFFD800  }
0x9f: {  	[tilespmem:s31], [sflag:$0x3] =	stream.indirect.gather [hbm4b:s5+s26], $0x80, s22, s26, $0xb8;
	[tilespmem:$0x1D100] =	vst v63  }
0xa0: {  	_ =	swait.ge [sflag:s29], $0x2800  }
0xa1: {  	[sflag:s29] =	ssyncset.done $0x0  }
0xa2: {  	s25 =	simm.s32 $0x1780;
	[sflag:s29] =	ssyncadd.s32 $0xFFFFD800  }
0xa3: {  	[spmem:s2] =	stream.indirect.scatter.add.f32 [tilespmem:s28], [sflag:$0x4], $0x80, s25, s26, $0xb8;
	[tilespmem:$0x1D100] =	vst v63  }
0xa4: {  	_ =	swait.ge [sflag:s24], $0x2800  }
0xa5: {  	[sflag:s24] =	ssyncset.done $0x0  }
0xa6: {  	s1 =	simm.s32 $0x900;
	[sflag:s24] =	ssyncadd.s32 $0xFFFFD800  }
0xa7: {  	[tilespmem:s28], [sflag:$0x1] =	stream.indirect.gather [hbm4b:s5+s26], $0x80, s1, s26, $0xb8;
	[tilespmem:$0x1D100] =	vst v63  }
0xa8: {  	_ =	swait.ge [sflag:s11], $0x2800  }
0xa9: {  	[sflag:s11] =	ssyncset.done $0x0  }
0xaa: {  	s3 =	simm.s32 $0x1800;
	[sflag:s11] =	ssyncadd.s32 $0xFFFFD800  }
0xab: {  	[spmem:s2] =	stream.indirect.scatter.add.f32 [tilespmem:s30], [sflag:$0x4], $0x80, s3, s26, $0xb8;
	[tilespmem:$0x1D100] =	vst v63  }
0xac: {  	_ =	swait.ge [sflag:s24], $0x2800  }
0xad: {  	[sflag:s24] =	ssyncset.done $0x0  }
0xae: {  	s8 =	simm.s32 $0x980;
	[sflag:s24] =	ssyncadd.s32 $0xFFFFD800  }
0xaf: {  	[tilespmem:s30], [sflag:$0x2] =	stream.indirect.gather [hbm4b:s5+s26], $0x80, s8, s26, $0xb8;
	[tilespmem:$0x1D100] =	vst v63  }
0xb0: {  	_ =	swait.ge [sflag:s15], $0x2800  }
0xb1: {  	[sflag:s15] =	ssyncset.done $0x0  }
0xb2: {  	s9 =	simm.s32 $0x1880;
	[sflag:s15] =	ssyncadd.s32 $0xFFFFD800  }
0xb3: {  	[spmem:s2] =	stream.indirect.scatter.add.f32 [tilespmem:s31], [sflag:$0x4], $0x80, s9, s26, $0xb8;
	[tilespmem:$0x1D100] =	vst v63  }
0xb4: {  	_ =	swait.ge [sflag:s24], $0x2800  }
0xb5: {  	[sflag:s24] =	ssyncset.done $0x0  }
0xb6: {  	s10 =	simm.s32 $0xA00;
	[sflag:s24] =	ssyncadd.s32 $0xFFFFD800  }
0xb7: {  	[tilespmem:s31], [sflag:$0x3] =	stream.indirect.gather [hbm4b:s5+s26], $0x80, s10, s26, $0xb8;
	[tilespmem:$0x1D100] =	vst v63  }
0xb8: {  	_ =	swait.ge [sflag:s29], $0x2800  }
0xb9: {  	[sflag:s29] =	ssyncset.done $0x0  }
0xba: {  	s12 =	simm.s32 $0x1900;
	[sflag:s29] =	ssyncadd.s32 $0xFFFFD800  }
0xbb: {  	[spmem:s2] =	stream.indirect.scatter.add.f32 [tilespmem:s28], [sflag:$0x4], $0x80, s12, s26, $0xb8;
	[tilespmem:$0x1D100] =	vst v63  }
0xbc: {  	_ =	swait.ge [sflag:s24], $0x2800  }
0xbd: {  	[sflag:s24] =	ssyncset.done $0x0  }
0xbe: {  	s13 =	simm.s32 $0xA80;
	[sflag:s24] =	ssyncadd.s32 $0xFFFFD800  }
0xbf: {  	[tilespmem:s28], [sflag:$0x1] =	stream.indirect.gather [hbm4b:s5+s26], $0x80, s13, s26, $0xb8;
	[tilespmem:$0x1D100] =	vst v63  }
0xc0: {  	_ =	swait.ge [sflag:s11], $0x2800  }
0xc1: {  	[sflag:s11] =	ssyncset.done $0x0  }
0xc2: {  	s14 =	simm.s32 $0x1980;
	[sflag:s11] =	ssyncadd.s32 $0xFFFFD800  }
0xc3: {  	[spmem:s2] =	stream.indirect.scatter.add.f32 [tilespmem:s30], [sflag:$0x4], $0x80, s14, s26, $0xb8;
	[tilespmem:$0x1D100] =	vst v63  }
0xc4: {  	_ =	swait.ge [sflag:s24], $0x2800  }
0xc5: {  	[sflag:s24] =	ssyncset.done $0x0  }
0xc6: {  	s16 =	simm.s32 $0xB00;
	[sflag:s24] =	ssyncadd.s32 $0xFFFFD800  }
0xc7: {  	[tilespmem:s30], [sflag:$0x2] =	stream.indirect.gather [hbm4b:s5+s26], $0x80, s16, s26, $0xb8;
	[tilespmem:$0x1D100] =	vst v63  }
0xc8: {  	_ =	swait.ge [sflag:s15], $0x2800  }
0xc9: {  	[sflag:s15] =	ssyncset.done $0x0  }
0xca: {  	s17 =	simm.s32 $0x1A00;
	[sflag:s15] =	ssyncadd.s32 $0xFFFFD800  }
0xcb: {  	[spmem:s2] =	stream.indirect.scatter.add.f32 [tilespmem:s31], [sflag:$0x4], $0x80, s17, s26, $0xb8;
	[tilespmem:$0x1D100] =	vst v63  }
0xcc: {  	_ =	swait.ge [sflag:s24], $0x2800  }
0xcd: {  	[sflag:s24] =	ssyncset.done $0x0  }
0xce: {  	s18 =	simm.s32 $0xB80;
	[sflag:s24] =	ssyncadd.s32 $0xFFFFD800  }
0xcf: {  	[tilespmem:s31], [sflag:$0x3] =	stream.indirect.gather [hbm4b:s5+s26], $0x80, s18, s26, $0xb8;
	[tilespmem:$0x1D100] =	vst v63  }
0xd0: {  	_ =	swait.ge [sflag:s29], $0x2800  }
0xd1: {  	[sflag:s29] =	ssyncset.done $0x0  }
0xd2: {  	s19 =	simm.s32 $0x1A80;
	[sflag:s29] =	ssyncadd.s32 $0xFFFFD800  }
0xd3: {  	[spmem:s2] =	stream.indirect.scatter.add.f32 [tilespmem:s28], [sflag:$0x4], $0x80, s19, s26, $0xb8;
	[tilespmem:$0x1D100] =	vst v63  }
0xd4: {  	_ =	swait.ge [sflag:s24], $0x2800  }
0xd5: {  	[sflag:s24] =	ssyncset.done $0x0  }
0xd6: {  	s20 =	simm.s32 $0xC00;
	[sflag:s24] =	ssyncadd.s32 $0xFFFFD800  }
0xd7: {  	[tilespmem:s28], [sflag:$0x1] =	stream.indirect.gather [hbm4b:s5+s26], $0x80, s20, s26, $0xb8;
	[tilespmem:$0x1D100] =	vst v63  }
0xd8: {  	_ =	swait.ge [sflag:s11], $0x2800  }
0xd9: {  	[sflag:s11] =	ssyncset.done $0x0  }
0xda: {  	s21 =	simm.s32 $0x1B00;
	[sflag:s11] =	ssyncadd.s32 $0xFFFFD800  }
0xdb: {  	[spmem:s2] =	stream.indirect.scatter.add.f32 [tilespmem:s30], [sflag:$0x4], $0x80, s21, s26, $0xb8;
	[tilespmem:$0x1D100] =	vst v63  }
0xdc: {  	_ =	swait.ge [sflag:s24], $0x2800  }
0xdd: {  	[sflag:s24] =	ssyncset.done $0x0  }
0xde: {  	[sflag:s24] =	ssyncadd.s32 $0xFFFFD800  }
0xdf: {  	_ =	swait.ge [sflag:s15], $0x2800  }
0xe0: {  	[sflag:s15] =	ssyncset.done $0x0  }
0xe1: {  	s22 =	simm.s32 $0x1B80;
	[sflag:s15] =	ssyncadd.s32 $0xFFFFD800  }
0xe2: {  	[spmem:s2] =	stream.indirect.scatter.add.f32 [tilespmem:s31], [sflag:$0x4], $0x80, s22, s26, $0xb8;
	[tilespmem:$0x1D100] =	vst v63  }
0xe3: {  	_ =	swait.ge [sflag:s24], $0x2800  }
0xe4: {  	[sflag:s24] =	ssyncset.done $0x0  }
0xe5: {  	[sflag:s24] =	ssyncadd.s32 $0xFFFFD800  }
0xe6: {  	_ =	swait.ge [sflag:s29], $0x2800  }
0xe7: {  	[sflag:s29] =	ssyncset.done $0x0  }
0xe8: {  	s25 =	simm.s32 $0x1C00;
	[sflag:s29] =	ssyncadd.s32 $0xFFFFD800  }
0xe9: {  	[spmem:s2] =	stream.indirect.scatter.add.f32 [tilespmem:s28], [sflag:$0x4], $0x80, s25, s26, $0xb8;
	[tilespmem:$0x1D100] =	vst v63  }
0xea: {  	_ =	swait.ge [sflag:s24], $0x2800  }
0xeb: {  	[sflag:s24] =	ssyncset.done $0x0  }
0xec: {  	[sflag:s24] =	ssyncadd.s32 $0xFFFFD800  }
0xed: {  	[bflag:$0x0] =	sbarrier.arrive $0xFFFF  }
0xee: {  	s8 =	rddreg [dreg:$0x8]  }
0xef: {  	s3 =	simm.s32 @p1 $0x1FC4;
	s0 =	rddreg [dreg:$0x16]  }
0xf0: {  	[hbm:s8], [sflag:s3] =	dma.local @p1 [spmem:s0], $0x2800  }
0xf1: {  	s3 =	simm.s32 @p1 $0x4  }
0xf2: {  	_ =	swait.ge @p1 [sflag:s3], $0x2800  }
0xf3: {  	s0 =	rddreg [dreg:$0x14]  }
0xf4: {  	[sflag:s3] =	ssyncset.done @p1 $0x0;
	s1 =	rddreg [dreg:$0x15]  }
0xf5: {  	[sflag:s3] =	ssyncadd.s32 @p1 $0xFFFFD800;
	s3 =	rddreg [dreg:$0x6]  }
0xf6: {  	[hbm:s3], [sflag:s1] =	dma.local @!p1 [spmem:s0], $0x2700  }
0xf7: {  	s3 =	simm.s32 @!p1 $0x4  }
0xf8: {  	_ =	swait.ge @!p1 [sflag:s3], $0x2700  }
0xf9: {  	[sflag:s3] =	ssyncset.done @!p1 $0x0  }
0xfa: {  	s0 =	rddreg [dreg:$0x13];
	[sflag:s3] =	ssyncadd.s32 @!p1 $0xFFFFD900  }
.LBB2_10:
0xfb: {  	s0 =	sadd.s32 $0x1, s0;
	s3 =	rddreg [dreg:$0xb]  }
0xfc: {  	p2 =	sne.s32 s0, s3  }
.Ltmp1:
0xfd: {  	_ = 	snop;
	(pc) =	sbr.rel @!p2 .LBB2_11-.Ltmp1, $2  }
0xfe: {  	_ =	sdelay $0x2  }
0xff: {  	s22 =	rddreg [dreg:$0x10]  }
.LBB2_1:
0x100: {  	s3 =	simm.s32 $0x0  }
0x101: {  	[tilespmem:s3], [sflag:$0x4] =	stream.linear.gather [hbm4b:s6+s3], $0xC80, $0x38;
	[tilespmem:$0x1D100] =	vst v63  }
0x102: {  	_ =	swait.ge [sflag:s24], $0xC80  }
0x103: {  	[sflag:s24] =	ssyncset.done $0x0  }
0x104: {  	[sflag:s24] =	ssyncadd.s32 $0xFFFFF380  }
0x105: {  	[tilespmem:s23], [sflag:$0x4] =	stream.linear.gather [hbm4b:s7+s3], $0xC80, $0x38;
	[tilespmem:$0x1D100] =	vst v63  }
0x106: {  	_ =	swait.ge [sflag:s24], $0xC80  }
0x107: {  	[sflag:s24] =	ssyncset.done $0x0  }
0x108: {  	[sflag:s24] =	ssyncadd.s32 $0xFFFFF380  }
0x109: {  	[tilespmem:s28], [sflag:$0x1] =	stream.indirect.gather [hbm4b:s22+s26], $0x80, s3, s26, $0xb8;
	[tilespmem:$0x1D100] =	vst v63  }
0x10a: {  	s25 =	simm.s32 $0x80;
	s19 =	simm.s32 $0x0;
	s20 =	simm.s32 $0x200  }
0x10b: {  	[tilespmem:s30], [sflag:$0x2] =	stream.indirect.gather [hbm4b:s22+s26], $0x80, s25, s26, $0xb8;
	[tilespmem:$0x1D100] =	vst v63  }
.LBB2_2:
0x10c: {  	p2 =	sne.s32 s20, $0x9E00;
	[tilespmem:s19+$0x7070] =	vst v0  }
0x10d: {  	[tilespmem:s19+$0x7000] =	vst v0  }
0x10e: {  	[tilespmem:s19+$0x7010] =	vst v0  }
.Ltmp2:
0x10f: {  	[tilespmem:s19+$0x7020] =	vst v0;
	(pc) =	sbr.rel @p2 .LBB2_2-.Ltmp2, $4  }
0x110: {  	[tilespmem:s19+$0x7030] =	vst v0  }
0x111: {  	[tilespmem:s19+$0x7040] =	vst v0  }
0x112: {  	[tilespmem:s19+$0x7050] =	vst v0  }
0x113: {  	[tilespmem:s19+$0x7060] =	vst v0;
	s19 =	sshra.s32 s20, $0x2;
	s20 =	sadd.s32 $0x200, s20  }
0x114: {  	[tilespmem:s19+$0x7070] =	vst v0  }
0x115: {  	[tilespmem:s19+$0x7000] =	vst v0  }
0x116: {  	[tilespmem:s19+$0x7010] =	vst v0  }
0x117: {  	[tilespmem:s19+$0x7020] =	vst v0  }
0x118: {  	[tilespmem:s19+$0x7030] =	vst v0  }
0x119: {  	[tilespmem:s19+$0x7040] =	vst v0  }
0x11a: {  	[dreg:$0x13] =	wrdreg s0;
	[tilespmem:s19+$0x7050] =	vst v0  }
0x11b: {  	[tilespmem:s19+$0x7060] =	vst v0;
	s8 =	rddreg [dreg:$0x3]  }
0x11c: {  	[spmem:s8] =	stream.linear.scatter [tilespmem:s31], [sflag:$0x4], $0x2800, $0x38;
	[tilespmem:$0x1D100] =	vst v63  }
0x11d: {  	_ =	swait.ge [sflag:s24], $0x2800  }
0x11e: {  	[sflag:s24] =	ssyncset.done $0x0  }
0x11f: {  	s3 =	rddreg [dreg:$0xc];
	[sflag:s24] =	ssyncadd.s32 $0xFFFFD800  }
0x120: {  	[spmem:s3] =	stream.linear.scatter [tilespmem:s31], [sflag:$0x4], $0x2800, $0x38;
	[tilespmem:$0x1D100] =	vst v63  }
0x121: {  	_ =	swait.ge [sflag:s24], $0x2800  }
0x122: {  	[sflag:s24] =	ssyncset.done $0x0  }
0x123: {  	s17 =	rddreg [dreg:$0xd];
	[sflag:s24] =	ssyncadd.s32 $0xFFFFD800  }
0x124: {  	[spmem:s17] =	stream.linear.scatter [tilespmem:s31], [sflag:$0x4], $0x2800, $0x38;
	[tilespmem:$0x1D100] =	vst v63  }
0x125: {  	_ =	swait.ge [sflag:s24], $0x2800  }
0x126: {  	[sflag:s24] =	ssyncset.done $0x0  }
0x127: {  	s18 =	rddreg [dreg:$0xe];
	[sflag:s24] =	ssyncadd.s32 $0xFFFFD800  }
0x128: {  	[spmem:s18] =	stream.linear.scatter [tilespmem:s31], [sflag:$0x4], $0x2800, $0x38;
	[tilespmem:$0x1D100] =	vst v63  }
0x129: {  	_ =	swait.ge [sflag:s24], $0x2800  }
0x12a: {  	[sflag:s24] =	ssyncset.done $0x0  }
0x12b: {  	s19 =	rddreg [dreg:$0xf];
	[sflag:s24] =	ssyncadd.s32 $0xFFFFD800  }
0x12c: {  	[spmem:s19] =	stream.linear.scatter [tilespmem:s31], [sflag:$0x4], $0x2800, $0x38;
	[tilespmem:$0x1D100] =	vst v63  }
0x12d: {  	_ =	swait.ge [sflag:s24], $0x2800  }
0x12e: {  	[sflag:s24] =	ssyncset.done $0x0  }
0x12f: {  	s20 =	rddreg [dreg:$0x11];
	[sflag:s24] =	ssyncadd.s32 $0xFFFFD800  }
0x130: {  	[spmem:s20] =	stream.linear.scatter [tilespmem:s31], [sflag:$0x4], $0x2800, $0x38;
	[tilespmem:$0x1D100] =	vst v63  }
0x131: {  	_ =	swait.ge [sflag:s24], $0x2800  }
0x132: {  	[sflag:s24] =	ssyncset.done $0x0  }
0x133: {  	s21 =	rddreg [dreg:$0x12];
	[sflag:s24] =	ssyncadd.s32 $0xFFFFD800  }
0x134: {  	[spmem:s21] =	stream.linear.scatter [tilespmem:s31], [sflag:$0x4], $0x2800, $0x38;
	[tilespmem:$0x1D100] =	vst v63  }
0x135: {  	_ =	swait.ge [sflag:s24], $0x2800  }
0x136: {  	[sflag:s24] =	ssyncset.done $0x0  }
0x137: {  	s19 =	simm.s32 @p1 $0x7000;
	s3 =	rddreg [dreg:$0x5];
	[sflag:s24] =	ssyncadd.s32 $0xFFFFD800  }
0x138: {  	[spmem:s3] =	stream.linear.scatter @p1 [tilespmem:s19], [sflag:$0x4], $0x2800, $0x38;
	[tilespmem:$0x1D100] =	vst v63  }
0x139: {  	s19 =	simm.s32 @p1 $0x4  }
0x13a: {  	_ =	swait.ge @p1 [sflag:s19], $0x2800  }
0x13b: {  	[sflag:s19] =	ssyncset.done @p1 $0x0  }
0x13c: {  	s3 =	rddreg [dreg:$0x4];
	[sflag:s19] =	ssyncadd.s32 @p1 $0xFFFFD800;
	s19 =	simm.s32 @!p1 $0x7000  }
0x13d: {  	[spmem:s3] =	stream.linear.scatter @!p1 [tilespmem:s19], [sflag:$0x4], $0x2000, $0x38;
	[tilespmem:$0x1D100] =	vst v63  }
0x13e: {  	s19 =	simm.s32 @!p1 $0x4  }
0x13f: {  	_ =	swait.ge @!p1 [sflag:s19], $0x2000  }
0x140: {  	[sflag:s19] =	ssyncset.done @!p1 $0x0  }
0x141: {  	s25 =	simm.s32 $0x100;
	[sflag:s19] =	ssyncadd.s32 @!p1 $0xFFFFE000  }
0x142: {  	[tilespmem:s31], [sflag:$0x3] =	stream.indirect.gather [hbm4b:s22+s26], $0x80, s25, s26, $0xb8;
	[tilespmem:$0x1D100] =	vst v63  }
0x143: {  	[tilespmem:$0x9800] =	vst v1  }
0x144: {  	[tilespmem:$0x9810] =	vst v1  }
0x145: {  	[tilespmem:$0x9820] =	vst v1  }
0x146: {  	[tilespmem:$0x9830] =	vst v1  }
0x147: {  	[tilespmem:$0x9840] =	vst v1  }
0x148: {  	s3 =	stileid.u32;
	[bflag:$0x0] =	sbarrier.arrive $0xFFFF  }
.Ltmp3:
0x149: {  	s19 =	sshll.u32 @!p1 s3, $0x6;
	s3 =	rddreg [dreg:$0x7];
	(pc) =	sbr.rel @p0 .LBB2_7-.Ltmp3, $4  }
0x14a: {  	s0 =	sshrl.u32 @p1 s3, $0x3  }
0x14b: {  	[dreg:$0x16] =	wrdreg s0;
	s0 =	sshrl.u32 @!p1 s8, $0x3  }
0x14c: {  	[dreg:$0x14] =	wrdreg s0;
	s0 =	sor.u32 @!p1 $0x1C04, s19  }
0x14d: {  	p2 =	por $0x1, $0x1;
	[dreg:$0x15] =	wrdreg s0  }
0x14e: {  	s20 =	sadd.s32 @!p2 $0x0, s6;
	s0 =	simm.s32 @!p2 $0x0;
	s19 =	simm.s32 @!p2 $0x4  }
0x14f: {  	[tilespmem:s0], [sflag:$0x4] =	stream.linear.gather @!p2 [hbm4b:s20+s0], $0xC80, $0x38;
	[tilespmem:$0x1D100] =	vst v63  }
0x150: {  	_ =	swait.ge @!p2 [sflag:s19], $0xC80  }
0x151: {  	[sflag:s19] =	ssyncset.done @!p2 $0x0  }
0x152: {  	s1 =	sadd.s32 @!p2 $0x0, s7;
	s20 =	simm.s32 @!p2 $0x1000;
	[sflag:s19] =	ssyncadd.s32 @!p2 $0xFFFFF380  }
0x153: {  	[tilespmem:s20], [sflag:$0x4] =	stream.linear.gather @!p2 [hbm4b:s1+s0], $0xC80, $0x38;
	[tilespmem:$0x1D100] =	vst v63  }
0x154: {  	_ =	swait.ge @!p2 [sflag:s19], $0xC80  }
0x155: {  	[sflag:s19] =	ssyncset.done @!p2 $0x0  }
0x156: {  	s20 =	simm.s32 @!p2 $0x2000;
	[sflag:s19] =	ssyncadd.s32 @!p2 $0xFFFFF380;
	s19 =	simm.s32 @!p2 $0x50  }
0x157: {  	[tilespmem:s20], [sflag:$0x1] =	stream.indirect.gather @!p2 [hbm4b:s4+s19], $0x80, s0, s19, $0xb8;
	[tilespmem:$0x1D100] =	vst v63  }
0x158: {  	s0 =	simm.s32 @!p2 $0x80;
	s20 =	simm.s32 @!p2 $0x4800  }
0x159: {  	[tilespmem:s20], [sflag:$0x2] =	stream.indirect.gather @!p2 [hbm4b:s4+s19], $0x80, s0, s19, $0xb8;
	[tilespmem:$0x1D100] =	vst v63  }
0x15a: {  	s0 =	simm.s32 @!p2 $0x100;
	s20 =	simm.s32 @!p2 $0x7000  }
0x15b: {  	[tilespmem:s20], [sflag:$0x3] =	stream.indirect.gather @!p2 [hbm4b:s4+s19], $0x80, s0, s19, $0xb8;
	[tilespmem:$0x1D100] =	vst v63  }
0x15c: {  	_ =	swait.ge [sflag:s29], $0x2800  }
0x15d: {  	[sflag:s29] =	ssyncset.done $0x0  }
0x15e: {  	[sflag:s29] =	ssyncadd.s32 $0xFFFFD800  }
0x15f: {  	[spmem:s2] =	stream.indirect.scatter.add.f32 [tilespmem:s28], [sflag:$0x4], $0x80, s23, s26, $0xb8;
	[tilespmem:$0x1D100] =	vst v63  }
0x160: {  	_ =	swait.ge [sflag:s24], $0x2800  }
0x161: {  	[sflag:s24] =	ssyncset.done $0x0  }
0x162: {  	s3 =	simm.s32 $0x180;
	[sflag:s24] =	ssyncadd.s32 $0xFFFFD800  }
0x163: {  	[tilespmem:s28], [sflag:$0x1] =	stream.indirect.gather [hbm4b:s4+s26], $0x80, s3, s26, $0xb8;
	[tilespmem:$0x1D100] =	vst v63  }
0x164: {  	_ =	swait.ge [sflag:s11], $0x2800  }
0x165: {  	[sflag:s11] =	ssyncset.done $0x0  }
0x166: {  	s21 =	simm.s32 $0x1080;
	[sflag:s11] =	ssyncadd.s32 $0xFFFFD800  }
0x167: {  	[spmem:s2] =	stream.indirect.scatter.add.f32 [tilespmem:s30], [sflag:$0x4], $0x80, s21, s26, $0xb8;
	[tilespmem:$0x1D100] =	vst v63  }
0x168: {  	_ =	swait.ge [sflag:s24], $0x2800  }
0x169: {  	[sflag:s24] =	ssyncset.done $0x0  }
0x16a: {  	s25 =	simm.s32 $0x200;
	[sflag:s24] =	ssyncadd.s32 $0xFFFFD800  }
0x16b: {  	[tilespmem:s30], [sflag:$0x2] =	stream.indirect.gather [hbm4b:s4+s26], $0x80, s25, s26, $0xb8;
	[tilespmem:$0x1D100] =	vst v63  }
0x16c: {  	_ =	swait.ge [sflag:s15], $0x2800  }
0x16d: {  	[sflag:s15] =	ssyncset.done $0x0  }
0x16e: {  	s0 =	simm.s32 $0x1100;
	[sflag:s15] =	ssyncadd.s32 $0xFFFFD800  }
0x16f: {  	[spmem:s2] =	stream.indirect.scatter.add.f32 [tilespmem:s31], [sflag:$0x4], $0x80, s0, s26, $0xb8;
	[tilespmem:$0x1D100] =	vst v63  }
0x170: {  	_ =	swait.ge [sflag:s24], $0x2800  }
0x171: {  	[sflag:s24] =	ssyncset.done $0x0  }
0x172: {  	s13 =	simm.s32 $0x280;
	[sflag:s24] =	ssyncadd.s32 $0xFFFFD800  }
0x173: {  	[tilespmem:s31], [sflag:$0x3] =	stream.indirect.gather [hbm4b:s4+s26], $0x80, s13, s26, $0xb8;
	[tilespmem:$0x1D100] =	vst v63  }
0x174: {  	_ =	swait.ge [sflag:s29], $0x2800  }
0x175: {  	[sflag:s29] =	ssyncset.done $0x0  }
0x176: {  	s14 =	simm.s32 $0x1180;
	[sflag:s29] =	ssyncadd.s32 $0xFFFFD800  }
0x177: {  	[spmem:s2] =	stream.indirect.scatter.add.f32 [tilespmem:s28], [sflag:$0x4], $0x80, s14, s26, $0xb8;
	[tilespmem:$0x1D100] =	vst v63  }
0x178: {  	_ =	swait.ge [sflag:s24], $0x2800  }
0x179: {  	[sflag:s24] =	ssyncset.done $0x0  }
0x17a: {  	s1 =	simm.s32 $0x300;
	[sflag:s24] =	ssyncadd.s32 $0xFFFFD800  }
0x17b: {  	[tilespmem:s28], [sflag:$0x1] =	stream.indirect.gather [hbm4b:s4+s26], $0x80, s1, s26, $0xb8;
	[tilespmem:$0x1D100] =	vst v63  }
0x17c: {  	_ =	swait.ge [sflag:s11], $0x2800  }
0x17d: {  	[sflag:s11] =	ssyncset.done $0x0  }
0x17e: {  	s9 =	simm.s32 $0x1200;
	[sflag:s11] =	ssyncadd.s32 $0xFFFFD800  }
0x17f: {  	[spmem:s2] =	stream.indirect.scatter.add.f32 [tilespmem:s30], [sflag:$0x4], $0x80, s9, s26, $0xb8;
	[tilespmem:$0x1D100] =	vst v63  }
0x180: {  	_ =	swait.ge [sflag:s24], $0x2800  }
0x181: {  	[sflag:s24] =	ssyncset.done $0x0  }
0x182: {  	s10 =	simm.s32 $0x380;
	[sflag:s24] =	ssyncadd.s32 $0xFFFFD800  }
0x183: {  	[tilespmem:s30], [sflag:$0x2] =	stream.indirect.gather [hbm4b:s4+s26], $0x80, s10, s26, $0xb8;
	[tilespmem:$0x1D100] =	vst v63  }
0x184: {  	_ =	swait.ge [sflag:s15], $0x2800  }
0x185: {  	[sflag:s15] =	ssyncset.done $0x0  }
0x186: {  	s12 =	simm.s32 $0x1280;
	[sflag:s15] =	ssyncadd.s32 $0xFFFFD800  }
0x187: {  	[spmem:s2] =	stream.indirect.scatter.add.f32 [tilespmem:s31], [sflag:$0x4], $0x80, s12, s26, $0xb8;
	[tilespmem:$0x1D100] =	vst v63  }
0x188: {  	_ =	swait.ge [sflag:s24], $0x2800  }
0x189: {  	[sflag:s24] =	ssyncset.done $0x0  }
0x18a: {  	s16 =	simm.s32 $0x400;
	[sflag:s24] =	ssyncadd.s32 $0xFFFFD800  }
0x18b: {  	[tilespmem:s31], [sflag:$0x3] =	stream.indirect.gather [hbm4b:s4+s26], $0x80, s16, s26, $0xb8;
	[tilespmem:$0x1D100] =	vst v63  }
0x18c: {  	_ =	swait.ge [sflag:s29], $0x2800  }
0x18d: {  	[sflag:s29] =	ssyncset.done $0x0  }
0x18e: {  	s17 =	simm.s32 $0x1300;
	[sflag:s29] =	ssyncadd.s32 $0xFFFFD800  }
0x18f: {  	[spmem:s2] =	stream.indirect.scatter.add.f32 [tilespmem:s28], [sflag:$0x4], $0x80, s17, s26, $0xb8;
	[tilespmem:$0x1D100] =	vst v63  }
0x190: {  	_ =	swait.ge [sflag:s24], $0x2800  }
0x191: {  	[sflag:s24] =	ssyncset.done $0x0  }
0x192: {  	s18 =	simm.s32 $0x480;
	[sflag:s24] =	ssyncadd.s32 $0xFFFFD800  }
0x193: {  	[tilespmem:s28], [sflag:$0x1] =	stream.indirect.gather [hbm4b:s4+s26], $0x80, s18, s26, $0xb8;
	[tilespmem:$0x1D100] =	vst v63  }
0x194: {  	_ =	swait.ge [sflag:s11], $0x2800  }
0x195: {  	[sflag:s11] =	ssyncset.done $0x0  }
0x196: {  	s20 =	simm.s32 $0x1380;
	[sflag:s11] =	ssyncadd.s32 $0xFFFFD800  }
0x197: {  	[spmem:s2] =	stream.indirect.scatter.add.f32 [tilespmem:s30], [sflag:$0x4], $0x80, s20, s26, $0xb8;
	[tilespmem:$0x1D100] =	vst v63  }
0x198: {  	_ =	swait.ge [sflag:s24], $0x2800  }
0x199: {  	[sflag:s24] =	ssyncset.done $0x0  }
0x19a: {  	s22 =	simm.s32 $0x500;
	[sflag:s24] =	ssyncadd.s32 $0xFFFFD800  }
0x19b: {  	[tilespmem:s30], [sflag:$0x2] =	stream.indirect.gather [hbm4b:s4+s26], $0x80, s22, s26, $0xb8;
	[tilespmem:$0x1D100] =	vst v63  }
0x19c: {  	_ =	swait.ge [sflag:s15], $0x2800  }
0x19d: {  	[sflag:s15] =	ssyncset.done $0x0  }
0x19e: {  	s23 =	simm.s32 $0x1400;
	[sflag:s15] =	ssyncadd.s32 $0xFFFFD800  }
0x19f: {  	[spmem:s2] =	stream.indirect.scatter.add.f32 [tilespmem:s31], [sflag:$0x4], $0x80, s23, s26, $0xb8;
	[tilespmem:$0x1D100] =	vst v63  }
0x1a0: {  	_ =	swait.ge [sflag:s24], $0x2800  }
0x1a1: {  	[sflag:s24] =	ssyncset.done $0x0  }
0x1a2: {  	s8 =	simm.s32 $0x580;
	[sflag:s24] =	ssyncadd.s32 $0xFFFFD800  }
0x1a3: {  	[tilespmem:s31], [sflag:$0x3] =	stream.indirect.gather [hbm4b:s4+s26], $0x80, s8, s26, $0xb8;
	[tilespmem:$0x1D100] =	vst v63  }
0x1a4: {  	_ =	swait.ge [sflag:s29], $0x2800  }
0x1a5: {  	[sflag:s29] =	ssyncset.done $0x0  }
0x1a6: {  	s19 =	simm.s32 $0x1480;
	[sflag:s29] =	ssyncadd.s32 $0xFFFFD800  }
0x1a7: {  	[spmem:s2] =	stream.indirect.scatter.add.f32 [tilespmem:s28], [sflag:$0x4], $0x80, s19, s26, $0xb8;
	[tilespmem:$0x1D100] =	vst v63  }
0x1a8: {  	_ =	swait.ge [sflag:s24], $0x2800  }
0x1a9: {  	[sflag:s24] =	ssyncset.done $0x0  }
0x1aa: {  	s20 =	simm.s32 $0x600;
	[sflag:s24] =	ssyncadd.s32 $0xFFFFD800  }
0x1ab: {  	[tilespmem:s28], [sflag:$0x1] =	stream.indirect.gather [hbm4b:s4+s26], $0x80, s20, s26, $0xb8;
	[tilespmem:$0x1D100] =	vst v63  }
0x1ac: {  	_ =	swait.ge [sflag:s11], $0x2800  }
0x1ad: {  	[sflag:s11] =	ssyncset.done $0x0  }
0x1ae: {  	s22 =	simm.s32 $0x1500;
	[sflag:s11] =	ssyncadd.s32 $0xFFFFD800  }
0x1af: {  	[spmem:s2] =	stream.indirect.scatter.add.f32 [tilespmem:s30], [sflag:$0x4], $0x80, s22, s26, $0xb8;
	[tilespmem:$0x1D100] =	vst v63  }
0x1b0: {  	_ =	swait.ge [sflag:s24], $0x2800  }
0x1b1: {  	[sflag:s24] =	ssyncset.done $0x0  }
0x1b2: {  	s23 =	simm.s32 $0x680;
	[sflag:s24] =	ssyncadd.s32 $0xFFFFD800  }
0x1b3: {  	[tilespmem:s30], [sflag:$0x2] =	stream.indirect.gather [hbm4b:s4+s26], $0x80, s23, s26, $0xb8;
	[tilespmem:$0x1D100] =	vst v63  }
0x1b4: {  	_ =	swait.ge [sflag:s15], $0x2800  }
0x1b5: {  	[sflag:s15] =	ssyncset.done $0x0  }
0x1b6: {  	s8 =	simm.s32 $0x1580;
	[sflag:s15] =	ssyncadd.s32 $0xFFFFD800  }
0x1b7: {  	[spmem:s2] =	stream.indirect.scatter.add.f32 [tilespmem:s31], [sflag:$0x4], $0x80, s8, s26, $0xb8;
	[tilespmem:$0x1D100] =	vst v63  }
0x1b8: {  	_ =	swait.ge [sflag:s24], $0x2800  }
0x1b9: {  	[sflag:s24] =	ssyncset.done $0x0  }
0x1ba: {  	s19 =	simm.s32 $0x700;
	[sflag:s24] =	ssyncadd.s32 $0xFFFFD800  }
0x1bb: {  	[tilespmem:s31], [sflag:$0x3] =	stream.indirect.gather [hbm4b:s4+s26], $0x80, s19, s26, $0xb8;
	[tilespmem:$0x1D100] =	vst v63  }
0x1bc: {  	_ =	swait.ge [sflag:s29], $0x2800  }
0x1bd: {  	[sflag:s29] =	ssyncset.done $0x0  }
0x1be: {  	s20 =	simm.s32 $0x1600;
	[sflag:s29] =	ssyncadd.s32 $0xFFFFD800  }
0x1bf: {  	[spmem:s2] =	stream.indirect.scatter.add.f32 [tilespmem:s28], [sflag:$0x4], $0x80, s20, s26, $0xb8;
	[tilespmem:$0x1D100] =	vst v63  }
0x1c0: {  	_ =	swait.ge [sflag:s24], $0x2800  }
0x1c1: {  	[sflag:s24] =	ssyncset.done $0x0  }
0x1c2: {  	s22 =	simm.s32 $0x780;
	[sflag:s24] =	ssyncadd.s32 $0xFFFFD800  }
0x1c3: {  	[tilespmem:s28], [sflag:$0x1] =	stream.indirect.gather [hbm4b:s4+s26], $0x80, s22, s26, $0xb8;
	[tilespmem:$0x1D100] =	vst v63  }
0x1c4: {  	_ =	swait.ge [sflag:s11], $0x2800  }
0x1c5: {  	[sflag:s11] =	ssyncset.done $0x0  }
0x1c6: {  	s23 =	simm.s32 $0x1680;
	[sflag:s11] =	ssyncadd.s32 $0xFFFFD800  }
0x1c7: {  	[spmem:s2] =	stream.indirect.scatter.add.f32 [tilespmem:s30], [sflag:$0x4], $0x80, s23, s26, $0xb8;
	[tilespmem:$0x1D100] =	vst v63  }
0x1c8: {  	_ =	swait.ge [sflag:s24], $0x2800  }
0x1c9: {  	[sflag:s24] =	ssyncset.done $0x0  }
0x1ca: {  	s8 =	simm.s32 $0x800;
	[sflag:s24] =	ssyncadd.s32 $0xFFFFD800  }
0x1cb: {  	[tilespmem:s30], [sflag:$0x2] =	stream.indirect.gather [hbm4b:s4+s26], $0x80, s8, s26, $0xb8;
	[tilespmem:$0x1D100] =	vst v63  }
0x1cc: {  	_ =	swait.ge [sflag:s15], $0x2800  }
0x1cd: {  	[sflag:s15] =	ssyncset.done $0x0  }
0x1ce: {  	s19 =	simm.s32 $0x1700;
	[sflag:s15] =	ssyncadd.s32 $0xFFFFD800  }
0x1cf: {  	[spmem:s2] =	stream.indirect.scatter.add.f32 [tilespmem:s31], [sflag:$0x4], $0x80, s19, s26, $0xb8;
	[tilespmem:$0x1D100] =	vst v63  }
0x1d0: {  	_ =	swait.ge [sflag:s24], $0x2800  }
0x1d1: {  	[sflag:s24] =	ssyncset.done $0x0  }
0x1d2: {  	s20 =	simm.s32 $0x880;
	[sflag:s24] =	ssyncadd.s32 $0xFFFFD800  }
0x1d3: {  	[tilespmem:s31], [sflag:$0x3] =	stream.indirect.gather [hbm4b:s4+s26], $0x80, s20, s26, $0xb8;
	[tilespmem:$0x1D100] =	vst v63  }
0x1d4: {  	_ =	swait.ge [sflag:s29], $0x2800  }
0x1d5: {  	[sflag:s29] =	ssyncset.done $0x0  }
0x1d6: {  	s22 =	simm.s32 $0x1780;
	[sflag:s29] =	ssyncadd.s32 $0xFFFFD800  }
0x1d7: {  	[spmem:s2] =	stream.indirect.scatter.add.f32 [tilespmem:s28], [sflag:$0x4], $0x80, s22, s26, $0xb8;
	[tilespmem:$0x1D100] =	vst v63  }
0x1d8: {  	_ =	swait.ge [sflag:s24], $0x2800  }
0x1d9: {  	[sflag:s24] =	ssyncset.done $0x0  }
0x1da: {  	s23 =	simm.s32 $0x900;
	[sflag:s24] =	ssyncadd.s32 $0xFFFFD800  }
0x1db: {  	[tilespmem:s28], [sflag:$0x1] =	stream.indirect.gather [hbm4b:s4+s26], $0x80, s23, s26, $0xb8;
	[tilespmem:$0x1D100] =	vst v63  }
0x1dc: {  	_ =	swait.ge [sflag:s11], $0x2800  }
0x1dd: {  	[sflag:s11] =	ssyncset.done $0x0  }
0x1de: {  	s8 =	simm.s32 $0x1800;
	[sflag:s11] =	ssyncadd.s32 $0xFFFFD800  }
0x1df: {  	[spmem:s2] =	stream.indirect.scatter.add.f32 [tilespmem:s30], [sflag:$0x4], $0x80, s8, s26, $0xb8;
	[tilespmem:$0x1D100] =	vst v63  }
0x1e0: {  	_ =	swait.ge [sflag:s24], $0x2800  }
0x1e1: {  	[sflag:s24] =	ssyncset.done $0x0  }
0x1e2: {  	s19 =	simm.s32 $0x980;
	[sflag:s24] =	ssyncadd.s32 $0xFFFFD800  }
0x1e3: {  	[tilespmem:s30], [sflag:$0x2] =	stream.indirect.gather [hbm4b:s4+s26], $0x80, s19, s26, $0xb8;
	[tilespmem:$0x1D100] =	vst v63  }
0x1e4: {  	_ =	swait.ge [sflag:s15], $0x2800  }
0x1e5: {  	[sflag:s15] =	ssyncset.done $0x0  }
0x1e6: {  	s20 =	simm.s32 $0x1880;
	[sflag:s15] =	ssyncadd.s32 $0xFFFFD800  }
0x1e7: {  	[spmem:s2] =	stream.indirect.scatter.add.f32 [tilespmem:s31], [sflag:$0x4], $0x80, s20, s26, $0xb8;
	[tilespmem:$0x1D100] =	vst v63  }
0x1e8: {  	_ =	swait.ge [sflag:s24], $0x2800  }
0x1e9: {  	[sflag:s24] =	ssyncset.done $0x0  }
0x1ea: {  	s22 =	simm.s32 $0xA00;
	[sflag:s24] =	ssyncadd.s32 $0xFFFFD800  }
0x1eb: {  	[tilespmem:s31], [sflag:$0x3] =	stream.indirect.gather [hbm4b:s4+s26], $0x80, s22, s26, $0xb8;
	[tilespmem:$0x1D100] =	vst v63  }
0x1ec: {  	_ =	swait.ge [sflag:s29], $0x2800  }
0x1ed: {  	[sflag:s29] =	ssyncset.done $0x0  }
0x1ee: {  	s23 =	simm.s32 $0x1900;
	[sflag:s29] =	ssyncadd.s32 $0xFFFFD800  }
0x1ef: {  	[spmem:s2] =	stream.indirect.scatter.add.f32 [tilespmem:s28], [sflag:$0x4], $0x80, s23, s26, $0xb8;
	[tilespmem:$0x1D100] =	vst v63  }
0x1f0: {  	_ =	swait.ge [sflag:s24], $0x2800  }
0x1f1: {  	[sflag:s24] =	ssyncset.done $0x0  }
0x1f2: {  	s8 =	simm.s32 $0xA80;
	[sflag:s24] =	ssyncadd.s32 $0xFFFFD800  }
0x1f3: {  	[tilespmem:s28], [sflag:$0x1] =	stream.indirect.gather [hbm4b:s4+s26], $0x80, s8, s26, $0xb8;
	[tilespmem:$0x1D100] =	vst v63  }
0x1f4: {  	_ =	swait.ge [sflag:s11], $0x2800  }
0x1f5: {  	[sflag:s11] =	ssyncset.done $0x0  }
0x1f6: {  	s19 =	simm.s32 $0x1980;
	[sflag:s11] =	ssyncadd.s32 $0xFFFFD800  }
0x1f7: {  	[spmem:s2] =	stream.indirect.scatter.add.f32 [tilespmem:s30], [sflag:$0x4], $0x80, s19, s26, $0xb8;
	[tilespmem:$0x1D100] =	vst v63  }
0x1f8: {  	_ =	swait.ge [sflag:s24], $0x2800  }
0x1f9: {  	[sflag:s24] =	ssyncset.done $0x0  }
0x1fa: {  	s20 =	simm.s32 $0xB00;
	[sflag:s24] =	ssyncadd.s32 $0xFFFFD800  }
0x1fb: {  	[tilespmem:s30], [sflag:$0x2] =	stream.indirect.gather [hbm4b:s4+s26], $0x80, s20, s26, $0xb8;
	[tilespmem:$0x1D100] =	vst v63  }
0x1fc: {  	_ =	swait.ge [sflag:s15], $0x2800  }
0x1fd: {  	[sflag:s15] =	ssyncset.done $0x0  }
0x1fe: {  	s22 =	simm.s32 $0x1A00;
	[sflag:s15] =	ssyncadd.s32 $0xFFFFD800  }
0x1ff: {  	[spmem:s2] =	stream.indirect.scatter.add.f32 [tilespmem:s31], [sflag:$0x4], $0x80, s22, s26, $0xb8;
	[tilespmem:$0x1D100] =	vst v63  }
0x200: {  	_ =	swait.ge [sflag:s24], $0x2800  }
0x201: {  	[sflag:s24] =	ssyncset.done $0x0  }
0x202: {  	s23 =	simm.s32 $0xB80;
	[sflag:s24] =	ssyncadd.s32 $0xFFFFD800  }
0x203: {  	[tilespmem:s31], [sflag:$0x3] =	stream.indirect.gather [hbm4b:s4+s26], $0x80, s23, s26, $0xb8;
	[tilespmem:$0x1D100] =	vst v63  }
0x204: {  	_ =	swait.ge [sflag:s29], $0x2800  }
0x205: {  	[sflag:s29] =	ssyncset.done $0x0  }
0x206: {  	s8 =	simm.s32 $0x1A80;
	[sflag:s29] =	ssyncadd.s32 $0xFFFFD800  }
0x207: {  	[spmem:s2] =	stream.indirect.scatter.add.f32 [tilespmem:s28], [sflag:$0x4], $0x80, s8, s26, $0xb8;
	[tilespmem:$0x1D100] =	vst v63  }
0x208: {  	_ =	swait.ge [sflag:s24], $0x2800  }
0x209: {  	[sflag:s24] =	ssyncset.done $0x0  }
0x20a: {  	s19 =	simm.s32 $0xC00;
	[sflag:s24] =	ssyncadd.s32 $0xFFFFD800  }
0x20b: {  	[tilespmem:s28], [sflag:$0x1] =	stream.indirect.gather [hbm4b:s4+s26], $0x80, s19, s26, $0xb8;
	[tilespmem:$0x1D100] =	vst v63  }
0x20c: {  	_ =	swait.ge [sflag:s11], $0x2800  }
0x20d: {  	[sflag:s11] =	ssyncset.done $0x0  }
0x20e: {  	s20 =	simm.s32 $0x1B00;
	[sflag:s11] =	ssyncadd.s32 $0xFFFFD800  }
0x20f: {  	[spmem:s2] =	stream.indirect.scatter.add.f32 [tilespmem:s30], [sflag:$0x4], $0x80, s20, s26, $0xb8;
	[tilespmem:$0x1D100] =	vst v63  }
0x210: {  	_ =	swait.ge [sflag:s24], $0x2800  }
0x211: {  	[sflag:s24] =	ssyncset.done $0x0  }
0x212: {  	[sflag:s24] =	ssyncadd.s32 $0xFFFFD800  }
0x213: {  	_ =	swait.ge [sflag:s15], $0x2800  }
0x214: {  	[sflag:s15] =	ssyncset.done $0x0  }
0x215: {  	s22 =	simm.s32 $0x1B80;
	[sflag:s15] =	ssyncadd.s32 $0xFFFFD800  }
0x216: {  	[spmem:s2] =	stream.indirect.scatter.add.f32 [tilespmem:s31], [sflag:$0x4], $0x80, s22, s26, $0xb8;
	[tilespmem:$0x1D100] =	vst v63  }
0x217: {  	_ =	swait.ge [sflag:s24], $0x2800  }
0x218: {  	[sflag:s24] =	ssyncset.done $0x0  }
0x219: {  	[sflag:s24] =	ssyncadd.s32 $0xFFFFD800  }
0x21a: {  	_ =	swait.ge [sflag:s29], $0x2800  }
0x21b: {  	[sflag:s29] =	ssyncset.done $0x0  }
0x21c: {  	p3 =	por $0x0, $0x0;
	s23 =	simm.s32 $0x1C00;
	[sflag:s29] =	ssyncadd.s32 $0xFFFFD800  }
0x21d: {  	[spmem:s2] =	stream.indirect.scatter.add.f32 [tilespmem:s28], [sflag:$0x4], $0x80, s23, s26, $0xb8;
	[tilespmem:$0x1D100] =	vst v63  }
0x21e: {  	s19 =	simm.s32 $0x200;
	s20 =	simm.s32 $0x400;
	_ =	swait.ge [sflag:s24], $0x2800  }
.LBB2_5:
0x21f: {  	s22 =	sadd.s32 @!p3 s19, s6  }
0x220: {  	s23 =	simm.s32 @!p3 $0x0;
	[sflag:s24] =	ssyncset.done $0x0;
	s3 =	smov.u32 s20  }
0x221: {  	s20 =	sadd.s32 $0x200, s20;
	s8 =	simm.s32 @!p3 $0x4;
	[sflag:s24] =	ssyncadd.s32 $0xFFFFD800  }
0x222: {  	[tilespmem:s23], [sflag:$0x4] =	stream.linear.gather @!p3 [hbm4b:s22+s23], $0xC80, $0x38;
	[tilespmem:$0x1D100] =	vst v63  }
0x223: {  	p2 =	sne.s32 s20, $0xA00;
	_ =	swait.ge @!p3 [sflag:s8], $0xC80  }
0x224: {  	[sflag:s8] =	ssyncset.done @!p3 $0x0  }
0x225: {  	s19 =	sadd.s32 @!p3 s19, s7;
	s22 =	simm.s32 @!p3 $0x1000;
	[sflag:s8] =	ssyncadd.s32 @!p3 $0xFFFFF380  }
0x226: {  	[tilespmem:s22], [sflag:$0x4] =	stream.linear.gather @!p3 [hbm4b:s19+s23], $0xC80, $0x38;
	[tilespmem:$0x1D100] =	vst v63  }
0x227: {  	s19 =	smov.u32 s3;
	_ =	swait.ge @!p3 [sflag:s8], $0xC80  }
0x228: {  	[sflag:s8] =	ssyncset.done @!p3 $0x0  }
0x229: {  	s3 =	simm.s32 @!p3 $0x50;
	[sflag:s8] =	ssyncadd.s32 @!p3 $0xFFFFF380;
	s8 =	simm.s32 @!p3 $0x2000  }
0x22a: {  	[tilespmem:s8], [sflag:$0x1] =	stream.indirect.gather @!p3 [hbm4b:s4+s3], $0x80, s23, s3, $0xb8;
	[tilespmem:$0x1D100] =	vst v63  }
0x22b: {  	s23 =	simm.s32 $0x1000  }
0x22c: {  	s22 =	simm.s32 @!p3 $0x4800;
	s8 =	simm.s32 @!p3 $0x80  }
0x22d: {  	[tilespmem:s22], [sflag:$0x2] =	stream.indirect.gather @!p3 [hbm4b:s4+s3], $0x80, s8, s3, $0xb8;
	[tilespmem:$0x1D100] =	vst v63  }
0x22e: {  	s8 =	simm.s32 @!p3 $0x100;
	s22 =	simm.s32 @!p3 $0x7000  }
0x22f: {  	[tilespmem:s22], [sflag:$0x3] =	stream.indirect.gather @!p3 [hbm4b:s4+s3], $0x80, s8, s3, $0xb8;
	[tilespmem:$0x1D100] =	vst v63  }
0x230: {  	s22 =	simm.s32 $0x180  }
0x231: {  	_ =	swait.ge [sflag:s29], $0x2800  }
0x232: {  	[sflag:s29] =	ssyncset.done $0x0  }
0x233: {  	[sflag:s29] =	ssyncadd.s32 $0xFFFFD800  }
0x234: {  	[spmem:s2] =	stream.indirect.scatter.add.f32 [tilespmem:s28], [sflag:$0x4], $0x80, s23, s26, $0xb8;
	[tilespmem:$0x1D100] =	vst v63  }
0x235: {  	_ =	swait.ge [sflag:s24], $0x2800  }
0x236: {  	[sflag:s24] =	ssyncset.done $0x0  }
0x237: {  	[sflag:s24] =	ssyncadd.s32 $0xFFFFD800  }
0x238: {  	[tilespmem:s28], [sflag:$0x1] =	stream.indirect.gather [hbm4b:s4+s26], $0x80, s22, s26, $0xb8;
	[tilespmem:$0x1D100] =	vst v63  }
0x239: {  	_ =	swait.ge [sflag:s11], $0x2800  }
0x23a: {  	[sflag:s11] =	ssyncset.done $0x0  }
0x23b: {  	[sflag:s11] =	ssyncadd.s32 $0xFFFFD800  }
0x23c: {  	[spmem:s2] =	stream.indirect.scatter.add.f32 [tilespmem:s30], [sflag:$0x4], $0x80, s21, s26, $0xb8;
	[tilespmem:$0x1D100] =	vst v63  }
0x23d: {  	_ =	swait.ge [sflag:s24], $0x2800  }
0x23e: {  	[sflag:s24] =	ssyncset.done $0x0  }
0x23f: {  	[sflag:s24] =	ssyncadd.s32 $0xFFFFD800  }
0x240: {  	[tilespmem:s30], [sflag:$0x2] =	stream.indirect.gather [hbm4b:s4+s26], $0x80, s25, s26, $0xb8;
	[tilespmem:$0x1D100] =	vst v63  }
0x241: {  	_ =	swait.ge [sflag:s15], $0x2800  }
0x242: {  	[sflag:s15] =	ssyncset.done $0x0  }
0x243: {  	[sflag:s15] =	ssyncadd.s32 $0xFFFFD800  }
0x244: {  	[spmem:s2] =	stream.indirect.scatter.add.f32 [tilespmem:s31], [sflag:$0x4], $0x80, s0, s26, $0xb8;
	[tilespmem:$0x1D100] =	vst v63  }
0x245: {  	_ =	swait.ge [sflag:s24], $0x2800  }
0x246: {  	[sflag:s24] =	ssyncset.done $0x0  }
0x247: {  	[sflag:s24] =	ssyncadd.s32 $0xFFFFD800  }
0x248: {  	[tilespmem:s31], [sflag:$0x3] =	stream.indirect.gather [hbm4b:s4+s26], $0x80, s13, s26, $0xb8;
	[tilespmem:$0x1D100] =	vst v63  }
0x249: {  	_ =	swait.ge [sflag:s29], $0x2800  }
0x24a: {  	[sflag:s29] =	ssyncset.done $0x0  }
0x24b: {  	[sflag:s29] =	ssyncadd.s32 $0xFFFFD800  }
0x24c: {  	[spmem:s2] =	stream.indirect.scatter.add.f32 [tilespmem:s28], [sflag:$0x4], $0x80, s14, s26, $0xb8;
	[tilespmem:$0x1D100] =	vst v63  }
0x24d: {  	_ =	swait.ge [sflag:s24], $0x2800  }
0x24e: {  	[sflag:s24] =	ssyncset.done $0x0  }
0x24f: {  	[sflag:s24] =	ssyncadd.s32 $0xFFFFD800  }
0x250: {  	[tilespmem:s28], [sflag:$0x1] =	stream.indirect.gather [hbm4b:s4+s26], $0x80, s1, s26, $0xb8;
	[tilespmem:$0x1D100] =	vst v63  }
0x251: {  	_ =	swait.ge [sflag:s11], $0x2800  }
0x252: {  	[sflag:s11] =	ssyncset.done $0x0  }
0x253: {  	[sflag:s11] =	ssyncadd.s32 $0xFFFFD800  }
0x254: {  	[spmem:s2] =	stream.indirect.scatter.add.f32 [tilespmem:s30], [sflag:$0x4], $0x80, s9, s26, $0xb8;
	[tilespmem:$0x1D100] =	vst v63  }
0x255: {  	_ =	swait.ge [sflag:s24], $0x2800  }
0x256: {  	[sflag:s24] =	ssyncset.done $0x0  }
0x257: {  	[sflag:s24] =	ssyncadd.s32 $0xFFFFD800  }
0x258: {  	[tilespmem:s30], [sflag:$0x2] =	stream.indirect.gather [hbm4b:s4+s26], $0x80, s10, s26, $0xb8;
	[tilespmem:$0x1D100] =	vst v63  }
0x259: {  	_ =	swait.ge [sflag:s15], $0x2800  }
0x25a: {  	[sflag:s15] =	ssyncset.done $0x0  }
0x25b: {  	[sflag:s15] =	ssyncadd.s32 $0xFFFFD800  }
0x25c: {  	[spmem:s2] =	stream.indirect.scatter.add.f32 [tilespmem:s31], [sflag:$0x4], $0x80, s12, s26, $0xb8;
	[tilespmem:$0x1D100] =	vst v63  }
0x25d: {  	_ =	swait.ge [sflag:s24], $0x2800  }
0x25e: {  	[sflag:s24] =	ssyncset.done $0x0  }
0x25f: {  	[sflag:s24] =	ssyncadd.s32 $0xFFFFD800  }
0x260: {  	[tilespmem:s31], [sflag:$0x3] =	stream.indirect.gather [hbm4b:s4+s26], $0x80, s16, s26, $0xb8;
	[tilespmem:$0x1D100] =	vst v63  }
0x261: {  	_ =	swait.ge [sflag:s29], $0x2800  }
0x262: {  	[sflag:s29] =	ssyncset.done $0x0  }
0x263: {  	[sflag:s29] =	ssyncadd.s32 $0xFFFFD800  }
0x264: {  	[spmem:s2] =	stream.indirect.scatter.add.f32 [tilespmem:s28], [sflag:$0x4], $0x80, s17, s26, $0xb8;
	[tilespmem:$0x1D100] =	vst v63  }
0x265: {  	_ =	swait.ge [sflag:s24], $0x2800  }
0x266: {  	[sflag:s24] =	ssyncset.done $0x0  }
0x267: {  	[sflag:s24] =	ssyncadd.s32 $0xFFFFD800  }
0x268: {  	[tilespmem:s28], [sflag:$0x1] =	stream.indirect.gather [hbm4b:s4+s26], $0x80, s18, s26, $0xb8;
	[tilespmem:$0x1D100] =	vst v63  }
0x269: {  	_ =	swait.ge [sflag:s11], $0x2800  }
0x26a: {  	[sflag:s11] =	ssyncset.done $0x0  }
0x26b: {  	s3 =	simm.s32 $0x1380;
	[sflag:s11] =	ssyncadd.s32 $0xFFFFD800  }
0x26c: {  	[spmem:s2] =	stream.indirect.scatter.add.f32 [tilespmem:s30], [sflag:$0x4], $0x80, s3, s26, $0xb8;
	[tilespmem:$0x1D100] =	vst v63  }
0x26d: {  	_ =	swait.ge [sflag:s24], $0x2800  }
0x26e: {  	[sflag:s24] =	ssyncset.done $0x0  }
0x26f: {  	s3 =	simm.s32 $0x500;
	[sflag:s24] =	ssyncadd.s32 $0xFFFFD800  }
0x270: {  	[tilespmem:s30], [sflag:$0x2] =	stream.indirect.gather [hbm4b:s4+s26], $0x80, s3, s26, $0xb8;
	[tilespmem:$0x1D100] =	vst v63  }
0x271: {  	_ =	swait.ge [sflag:s15], $0x2800  }
0x272: {  	[sflag:s15] =	ssyncset.done $0x0  }
0x273: {  	s3 =	simm.s32 $0x1400;
	[sflag:s15] =	ssyncadd.s32 $0xFFFFD800  }
0x274: {  	[spmem:s2] =	stream.indirect.scatter.add.f32 [tilespmem:s31], [sflag:$0x4], $0x80, s3, s26, $0xb8;
	[tilespmem:$0x1D100] =	vst v63  }
0x275: {  	_ =	swait.ge [sflag:s24], $0x2800  }
0x276: {  	[sflag:s24] =	ssyncset.done $0x0  }
0x277: {  	s3 =	simm.s32 $0x580;
	[sflag:s24] =	ssyncadd.s32 $0xFFFFD800  }
0x278: {  	[tilespmem:s31], [sflag:$0x3] =	stream.indirect.gather [hbm4b:s4+s26], $0x80, s3, s26, $0xb8;
	[tilespmem:$0x1D100] =	vst v63  }
0x279: {  	_ =	swait.ge [sflag:s29], $0x2800  }
0x27a: {  	[sflag:s29] =	ssyncset.done $0x0  }
0x27b: {  	s3 =	simm.s32 $0x1480;
	[sflag:s29] =	ssyncadd.s32 $0xFFFFD800  }
0x27c: {  	[spmem:s2] =	stream.indirect.scatter.add.f32 [tilespmem:s28], [sflag:$0x4], $0x80, s3, s26, $0xb8;
	[tilespmem:$0x1D100] =	vst v63  }
0x27d: {  	_ =	swait.ge [sflag:s24], $0x2800  }
0x27e: {  	[sflag:s24] =	ssyncset.done $0x0  }
0x27f: {  	s3 =	simm.s32 $0x600;
	[sflag:s24] =	ssyncadd.s32 $0xFFFFD800  }
0x280: {  	[tilespmem:s28], [sflag:$0x1] =	stream.indirect.gather [hbm4b:s4+s26], $0x80, s3, s26, $0xb8;
	[tilespmem:$0x1D100] =	vst v63  }
0x281: {  	_ =	swait.ge [sflag:s11], $0x2800  }
0x282: {  	[sflag:s11] =	ssyncset.done $0x0  }
0x283: {  	s3 =	simm.s32 $0x1500;
	[sflag:s11] =	ssyncadd.s32 $0xFFFFD800  }
0x284: {  	[spmem:s2] =	stream.indirect.scatter.add.f32 [tilespmem:s30], [sflag:$0x4], $0x80, s3, s26, $0xb8;
	[tilespmem:$0x1D100] =	vst v63  }
0x285: {  	_ =	swait.ge [sflag:s24], $0x2800  }
0x286: {  	[sflag:s24] =	ssyncset.done $0x0  }
0x287: {  	s3 =	simm.s32 $0x680;
	[sflag:s24] =	ssyncadd.s32 $0xFFFFD800  }
0x288: {  	[tilespmem:s30], [sflag:$0x2] =	stream.indirect.gather [hbm4b:s4+s26], $0x80, s3, s26, $0xb8;
	[tilespmem:$0x1D100] =	vst v63  }
0x289: {  	_ =	swait.ge [sflag:s15], $0x2800  }
0x28a: {  	[sflag:s15] =	ssyncset.done $0x0  }
0x28b: {  	s3 =	simm.s32 $0x1580;
	[sflag:s15] =	ssyncadd.s32 $0xFFFFD800  }
0x28c: {  	[spmem:s2] =	stream.indirect.scatter.add.f32 [tilespmem:s31], [sflag:$0x4], $0x80, s3, s26, $0xb8;
	[tilespmem:$0x1D100] =	vst v63  }
0x28d: {  	_ =	swait.ge [sflag:s24], $0x2800  }
0x28e: {  	[sflag:s24] =	ssyncset.done $0x0  }
0x28f: {  	s3 =	simm.s32 $0x700;
	[sflag:s24] =	ssyncadd.s32 $0xFFFFD800  }
0x290: {  	[tilespmem:s31], [sflag:$0x3] =	stream.indirect.gather [hbm4b:s4+s26], $0x80, s3, s26, $0xb8;
	[tilespmem:$0x1D100] =	vst v63  }
0x291: {  	_ =	swait.ge [sflag:s29], $0x2800  }
0x292: {  	[sflag:s29] =	ssyncset.done $0x0  }
0x293: {  	s3 =	simm.s32 $0x1600;
	[sflag:s29] =	ssyncadd.s32 $0xFFFFD800  }
0x294: {  	[spmem:s2] =	stream.indirect.scatter.add.f32 [tilespmem:s28], [sflag:$0x4], $0x80, s3, s26, $0xb8;
	[tilespmem:$0x1D100] =	vst v63  }
0x295: {  	_ =	swait.ge [sflag:s24], $0x2800  }
0x296: {  	[sflag:s24] =	ssyncset.done $0x0  }
0x297: {  	s3 =	simm.s32 $0x780;
	[sflag:s24] =	ssyncadd.s32 $0xFFFFD800  }
0x298: {  	[tilespmem:s28], [sflag:$0x1] =	stream.indirect.gather [hbm4b:s4+s26], $0x80, s3, s26, $0xb8;
	[tilespmem:$0x1D100] =	vst v63  }
0x299: {  	_ =	swait.ge [sflag:s11], $0x2800  }
0x29a: {  	[sflag:s11] =	ssyncset.done $0x0  }
0x29b: {  	s3 =	simm.s32 $0x1680;
	[sflag:s11] =	ssyncadd.s32 $0xFFFFD800  }
0x29c: {  	[spmem:s2] =	stream.indirect.scatter.add.f32 [tilespmem:s30], [sflag:$0x4], $0x80, s3, s26, $0xb8;
	[tilespmem:$0x1D100] =	vst v63  }
0x29d: {  	_ =	swait.ge [sflag:s24], $0x2800  }
0x29e: {  	[sflag:s24] =	ssyncset.done $0x0  }
0x29f: {  	s3 =	simm.s32 $0x800;
	[sflag:s24] =	ssyncadd.s32 $0xFFFFD800  }
0x2a0: {  	[tilespmem:s30], [sflag:$0x2] =	stream.indirect.gather [hbm4b:s4+s26], $0x80, s3, s26, $0xb8;
	[tilespmem:$0x1D100] =	vst v63  }
0x2a1: {  	_ =	swait.ge [sflag:s15], $0x2800  }
0x2a2: {  	[sflag:s15] =	ssyncset.done $0x0  }
0x2a3: {  	s3 =	simm.s32 $0x1700;
	[sflag:s15] =	ssyncadd.s32 $0xFFFFD800  }
0x2a4: {  	[spmem:s2] =	stream.indirect.scatter.add.f32 [tilespmem:s31], [sflag:$0x4], $0x80, s3, s26, $0xb8;
	[tilespmem:$0x1D100] =	vst v63  }
0x2a5: {  	_ =	swait.ge [sflag:s24], $0x2800  }
0x2a6: {  	[sflag:s24] =	ssyncset.done $0x0  }
0x2a7: {  	s3 =	simm.s32 $0x880;
	[sflag:s24] =	ssyncadd.s32 $0xFFFFD800  }
0x2a8: {  	[tilespmem:s31], [sflag:$0x3] =	stream.indirect.gather [hbm4b:s4+s26], $0x80, s3, s26, $0xb8;
	[tilespmem:$0x1D100] =	vst v63  }
0x2a9: {  	_ =	swait.ge [sflag:s29], $0x2800  }
0x2aa: {  	[sflag:s29] =	ssyncset.done $0x0  }
0x2ab: {  	s3 =	simm.s32 $0x1780;
	[sflag:s29] =	ssyncadd.s32 $0xFFFFD800  }
0x2ac: {  	[spmem:s2] =	stream.indirect.scatter.add.f32 [tilespmem:s28], [sflag:$0x4], $0x80, s3, s26, $0xb8;
	[tilespmem:$0x1D100] =	vst v63  }
0x2ad: {  	_ =	swait.ge [sflag:s24], $0x2800  }
0x2ae: {  	[sflag:s24] =	ssyncset.done $0x0  }
0x2af: {  	s3 =	simm.s32 $0x900;
	[sflag:s24] =	ssyncadd.s32 $0xFFFFD800  }
0x2b0: {  	[tilespmem:s28], [sflag:$0x1] =	stream.indirect.gather [hbm4b:s4+s26], $0x80, s3, s26, $0xb8;
	[tilespmem:$0x1D100] =	vst v63  }
0x2b1: {  	_ =	swait.ge [sflag:s11], $0x2800  }
0x2b2: {  	[sflag:s11] =	ssyncset.done $0x0  }
0x2b3: {  	s3 =	simm.s32 $0x1800;
	[sflag:s11] =	ssyncadd.s32 $0xFFFFD800  }
0x2b4: {  	[spmem:s2] =	stream.indirect.scatter.add.f32 [tilespmem:s30], [sflag:$0x4], $0x80, s3, s26, $0xb8;
	[tilespmem:$0x1D100] =	vst v63  }
0x2b5: {  	_ =	swait.ge [sflag:s24], $0x2800  }
0x2b6: {  	[sflag:s24] =	ssyncset.done $0x0  }
0x2b7: {  	s3 =	simm.s32 $0x980;
	[sflag:s24] =	ssyncadd.s32 $0xFFFFD800  }
0x2b8: {  	[tilespmem:s30], [sflag:$0x2] =	stream.indirect.gather [hbm4b:s4+s26], $0x80, s3, s26, $0xb8;
	[tilespmem:$0x1D100] =	vst v63  }
0x2b9: {  	_ =	swait.ge [sflag:s15], $0x2800  }
0x2ba: {  	[sflag:s15] =	ssyncset.done $0x0  }
0x2bb: {  	s3 =	simm.s32 $0x1880;
	[sflag:s15] =	ssyncadd.s32 $0xFFFFD800  }
0x2bc: {  	[spmem:s2] =	stream.indirect.scatter.add.f32 [tilespmem:s31], [sflag:$0x4], $0x80, s3, s26, $0xb8;
	[tilespmem:$0x1D100] =	vst v63  }
0x2bd: {  	_ =	swait.ge [sflag:s24], $0x2800  }
0x2be: {  	[sflag:s24] =	ssyncset.done $0x0  }
0x2bf: {  	s3 =	simm.s32 $0xA00;
	[sflag:s24] =	ssyncadd.s32 $0xFFFFD800  }
0x2c0: {  	[tilespmem:s31], [sflag:$0x3] =	stream.indirect.gather [hbm4b:s4+s26], $0x80, s3, s26, $0xb8;
	[tilespmem:$0x1D100] =	vst v63  }
0x2c1: {  	_ =	swait.ge [sflag:s29], $0x2800  }
0x2c2: {  	[sflag:s29] =	ssyncset.done $0x0  }
0x2c3: {  	s3 =	simm.s32 $0x1900;
	[sflag:s29] =	ssyncadd.s32 $0xFFFFD800  }
0x2c4: {  	[spmem:s2] =	stream.indirect.scatter.add.f32 [tilespmem:s28], [sflag:$0x4], $0x80, s3, s26, $0xb8;
	[tilespmem:$0x1D100] =	vst v63  }
0x2c5: {  	_ =	swait.ge [sflag:s24], $0x2800  }
0x2c6: {  	[sflag:s24] =	ssyncset.done $0x0  }
0x2c7: {  	s3 =	simm.s32 $0xA80;
	[sflag:s24] =	ssyncadd.s32 $0xFFFFD800  }
0x2c8: {  	[tilespmem:s28], [sflag:$0x1] =	stream.indirect.gather [hbm4b:s4+s26], $0x80, s3, s26, $0xb8;
	[tilespmem:$0x1D100] =	vst v63  }
0x2c9: {  	_ =	swait.ge [sflag:s11], $0x2800  }
0x2ca: {  	[sflag:s11] =	ssyncset.done $0x0  }
0x2cb: {  	s3 =	simm.s32 $0x1980;
	[sflag:s11] =	ssyncadd.s32 $0xFFFFD800  }
0x2cc: {  	[spmem:s2] =	stream.indirect.scatter.add.f32 [tilespmem:s30], [sflag:$0x4], $0x80, s3, s26, $0xb8;
	[tilespmem:$0x1D100] =	vst v63  }
0x2cd: {  	_ =	swait.ge [sflag:s24], $0x2800  }
0x2ce: {  	[sflag:s24] =	ssyncset.done $0x0  }
0x2cf: {  	s3 =	simm.s32 $0xB00;
	[sflag:s24] =	ssyncadd.s32 $0xFFFFD800  }
0x2d0: {  	[tilespmem:s30], [sflag:$0x2] =	stream.indirect.gather [hbm4b:s4+s26], $0x80, s3, s26, $0xb8;
	[tilespmem:$0x1D100] =	vst v63  }
0x2d1: {  	_ =	swait.ge [sflag:s15], $0x2800  }
0x2d2: {  	[sflag:s15] =	ssyncset.done $0x0  }
0x2d3: {  	s3 =	simm.s32 $0x1A00;
	[sflag:s15] =	ssyncadd.s32 $0xFFFFD800  }
0x2d4: {  	[spmem:s2] =	stream.indirect.scatter.add.f32 [tilespmem:s31], [sflag:$0x4], $0x80, s3, s26, $0xb8;
	[tilespmem:$0x1D100] =	vst v63  }
0x2d5: {  	_ =	swait.ge [sflag:s24], $0x2800  }
0x2d6: {  	[sflag:s24] =	ssyncset.done $0x0  }
0x2d7: {  	s3 =	simm.s32 $0xB80;
	[sflag:s24] =	ssyncadd.s32 $0xFFFFD800  }
0x2d8: {  	[tilespmem:s31], [sflag:$0x3] =	stream.indirect.gather [hbm4b:s4+s26], $0x80, s3, s26, $0xb8;
	[tilespmem:$0x1D100] =	vst v63  }
0x2d9: {  	_ =	swait.ge [sflag:s29], $0x2800  }
0x2da: {  	[sflag:s29] =	ssyncset.done $0x0  }
0x2db: {  	s3 =	simm.s32 $0x1A80;
	[sflag:s29] =	ssyncadd.s32 $0xFFFFD800  }
0x2dc: {  	[spmem:s2] =	stream.indirect.scatter.add.f32 [tilespmem:s28], [sflag:$0x4], $0x80, s3, s26, $0xb8;
	[tilespmem:$0x1D100] =	vst v63  }
0x2dd: {  	_ =	swait.ge [sflag:s24], $0x2800  }
0x2de: {  	[sflag:s24] =	ssyncset.done $0x0  }
0x2df: {  	s3 =	simm.s32 $0xC00;
	[sflag:s24] =	ssyncadd.s32 $0xFFFFD800  }
0x2e0: {  	[tilespmem:s28], [sflag:$0x1] =	stream.indirect.gather [hbm4b:s4+s26], $0x80, s3, s26, $0xb8;
	[tilespmem:$0x1D100] =	vst v63  }
0x2e1: {  	_ =	swait.ge [sflag:s11], $0x2800  }
0x2e2: {  	[sflag:s11] =	ssyncset.done $0x0  }
0x2e3: {  	s3 =	simm.s32 $0x1B00;
	[sflag:s11] =	ssyncadd.s32 $0xFFFFD800  }
0x2e4: {  	[spmem:s2] =	stream.indirect.scatter.add.f32 [tilespmem:s30], [sflag:$0x4], $0x80, s3, s26, $0xb8;
	[tilespmem:$0x1D100] =	vst v63  }
0x2e5: {  	_ =	swait.ge [sflag:s24], $0x2800  }
0x2e6: {  	[sflag:s24] =	ssyncset.done $0x0  }
0x2e7: {  	[sflag:s24] =	ssyncadd.s32 $0xFFFFD800  }
0x2e8: {  	_ =	swait.ge [sflag:s15], $0x2800  }
0x2e9: {  	[sflag:s15] =	ssyncset.done $0x0  }
0x2ea: {  	s3 =	simm.s32 $0x1B80;
	[sflag:s15] =	ssyncadd.s32 $0xFFFFD800  }
0x2eb: {  	[spmem:s2] =	stream.indirect.scatter.add.f32 [tilespmem:s31], [sflag:$0x4], $0x80, s3, s26, $0xb8;
	[tilespmem:$0x1D100] =	vst v63  }
0x2ec: {  	_ =	swait.ge [sflag:s24], $0x2800  }
0x2ed: {  	[sflag:s24] =	ssyncset.done $0x0  }
0x2ee: {  	[sflag:s24] =	ssyncadd.s32 $0xFFFFD800  }
.Ltmp4:
0x2ef: {  	_ =	swait.ge [sflag:s29], $0x2800;
	(pc) =	sbr.rel @p2 .LBB2_5-.Ltmp4, $4  }
0x2f0: {  	[sflag:s29] =	ssyncset.done $0x0  }
0x2f1: {  	s3 =	simm.s32 $0x1C00;
	[sflag:s29] =	ssyncadd.s32 $0xFFFFD800  }
0x2f2: {  	[spmem:s2] =	stream.indirect.scatter.add.f32 [tilespmem:s28], [sflag:$0x4], $0x80, s3, s26, $0xb8;
	[tilespmem:$0x1D100] =	vst v63  }
0x2f3: {  	p3 =	seq.s32 s19, $0x0;
	_ =	swait.ge [sflag:s24], $0x2800  }
0x2f4: {  	s3 =	sadd.s32 @!p3 s19, s6;
	[sflag:s24] =	ssyncset.done $0x0  }
0x2f5: {  	s8 =	simm.s32 @!p3 $0x0;
	s20 =	simm.s32 @!p3 $0x4;
	[sflag:s24] =	ssyncadd.s32 $0xFFFFD800  }
0x2f6: {  	[tilespmem:s8], [sflag:$0x4] =	stream.linear.gather @!p3 [hbm4b:s3+s8], $0xC80, $0x38;
	[tilespmem:$0x1D100] =	vst v63  }
0x2f7: {  	_ =	swait.ge @!p3 [sflag:s20], $0xC80  }
0x2f8: {  	[sflag:s20] =	ssyncset.done @!p3 $0x0  }
0x2f9: {  	s3 =	sadd.s32 @!p3 s19, s7;
	s19 =	simm.s32 @!p3 $0x1000;
	[sflag:s20] =	ssyncadd.s32 @!p3 $0xFFFFF380  }
0x2fa: {  	[tilespmem:s19], [sflag:$0x4] =	stream.linear.gather @!p3 [hbm4b:s3+s8], $0xC80, $0x38;
	[tilespmem:$0x1D100] =	vst v63  }
0x2fb: {  	_ =	swait.ge @!p3 [sflag:s20], $0xC80  }
0x2fc: {  	[sflag:s20] =	ssyncset.done @!p3 $0x0  }
0x2fd: {  	s3 =	simm.s32 @!p3 $0x50;
	s19 =	simm.s32 @!p3 $0x2000;
	[sflag:s20] =	ssyncadd.s32 @!p3 $0xFFFFF380  }
0x2fe: {  	[tilespmem:s19], [sflag:$0x1] =	stream.indirect.gather @!p3 [hbm4b:s4+s3], $0x80, s8, s3, $0xb8;
	[tilespmem:$0x1D100] =	vst v63  }
0x2ff: {  	s8 =	simm.s32 @!p3 $0x80;
	s19 =	simm.s32 @!p3 $0x4800  }
0x300: {  	[tilespmem:s19], [sflag:$0x2] =	stream.indirect.gather @!p3 [hbm4b:s4+s3], $0x80, s8, s3, $0xb8;
	[tilespmem:$0x1D100] =	vst v63  }
0x301: {  	s8 =	simm.s32 @!p3 $0x100;
	s19 =	simm.s32 @!p3 $0x7000  }
0x302: {  	[tilespmem:s19], [sflag:$0x3] =	stream.indirect.gather @!p3 [hbm4b:s4+s3], $0x80, s8, s3, $0xb8;
	[tilespmem:$0x1D100] =	vst v63  }
0x303: {  	_ =	swait.ge [sflag:s29], $0x2800  }
0x304: {  	[sflag:s29] =	ssyncset.done $0x0  }
0x305: {  	[sflag:s29] =	ssyncadd.s32 $0xFFFFD800  }
0x306: {  	[spmem:s2] =	stream.indirect.scatter.add.f32 [tilespmem:s28], [sflag:$0x4], $0x80, s23, s26, $0xb8;
	[tilespmem:$0x1D100] =	vst v63  }
0x307: {  	_ =	swait.ge [sflag:s24], $0x2800  }
0x308: {  	[sflag:s24] =	ssyncset.done $0x0  }
0x309: {  	[sflag:s24] =	ssyncadd.s32 $0xFFFFD800  }
0x30a: {  	[tilespmem:s28], [sflag:$0x1] =	stream.indirect.gather [hbm4b:s4+s26], $0x80, s22, s26, $0xb8;
	[tilespmem:$0x1D100] =	vst v63  }
0x30b: {  	_ =	swait.ge [sflag:s11], $0x2800  }
0x30c: {  	[sflag:s11] =	ssyncset.done $0x0  }
0x30d: {  	[sflag:s11] =	ssyncadd.s32 $0xFFFFD800  }
0x30e: {  	[spmem:s2] =	stream.indirect.scatter.add.f32 [tilespmem:s30], [sflag:$0x4], $0x80, s21, s26, $0xb8;
	[tilespmem:$0x1D100] =	vst v63  }
0x30f: {  	_ =	swait.ge [sflag:s24], $0x2800  }
0x310: {  	[sflag:s24] =	ssyncset.done $0x0  }
0x311: {  	[sflag:s24] =	ssyncadd.s32 $0xFFFFD800  }
0x312: {  	[tilespmem:s30], [sflag:$0x2] =	stream.indirect.gather [hbm4b:s4+s26], $0x80, s25, s26, $0xb8;
	[tilespmem:$0x1D100] =	vst v63  }
0x313: {  	_ =	swait.ge [sflag:s15], $0x2800  }
0x314: {  	[sflag:s15] =	ssyncset.done $0x0  }
0x315: {  	[sflag:s15] =	ssyncadd.s32 $0xFFFFD800  }
0x316: {  	[spmem:s2] =	stream.indirect.scatter.add.f32 [tilespmem:s31], [sflag:$0x4], $0x80, s0, s26, $0xb8;
	[tilespmem:$0x1D100] =	vst v63  }
0x317: {  	_ =	swait.ge [sflag:s24], $0x2800  }
0x318: {  	[sflag:s24] =	ssyncset.done $0x0  }
0x319: {  	[sflag:s24] =	ssyncadd.s32 $0xFFFFD800  }
0x31a: {  	[tilespmem:s31], [sflag:$0x3] =	stream.indirect.gather [hbm4b:s4+s26], $0x80, s13, s26, $0xb8;
	[tilespmem:$0x1D100] =	vst v63  }
0x31b: {  	_ =	swait.ge [sflag:s29], $0x2800  }
0x31c: {  	[sflag:s29] =	ssyncset.done $0x0  }
0x31d: {  	[sflag:s29] =	ssyncadd.s32 $0xFFFFD800  }
0x31e: {  	[spmem:s2] =	stream.indirect.scatter.add.f32 [tilespmem:s28], [sflag:$0x4], $0x80, s14, s26, $0xb8;
	[tilespmem:$0x1D100] =	vst v63  }
0x31f: {  	_ =	swait.ge [sflag:s24], $0x2800  }
0x320: {  	[sflag:s24] =	ssyncset.done $0x0  }
0x321: {  	[sflag:s24] =	ssyncadd.s32 $0xFFFFD800  }
0x322: {  	[tilespmem:s28], [sflag:$0x1] =	stream.indirect.gather [hbm4b:s4+s26], $0x80, s1, s26, $0xb8;
	[tilespmem:$0x1D100] =	vst v63  }
0x323: {  	_ =	swait.ge [sflag:s11], $0x2800  }
0x324: {  	[sflag:s11] =	ssyncset.done $0x0  }
0x325: {  	[sflag:s11] =	ssyncadd.s32 $0xFFFFD800  }
0x326: {  	[spmem:s2] =	stream.indirect.scatter.add.f32 [tilespmem:s30], [sflag:$0x4], $0x80, s9, s26, $0xb8;
	[tilespmem:$0x1D100] =	vst v63  }
0x327: {  	_ =	swait.ge [sflag:s24], $0x2800  }
0x328: {  	[sflag:s24] =	ssyncset.done $0x0  }
0x329: {  	[sflag:s24] =	ssyncadd.s32 $0xFFFFD800  }
0x32a: {  	[tilespmem:s30], [sflag:$0x2] =	stream.indirect.gather [hbm4b:s4+s26], $0x80, s10, s26, $0xb8;
	[tilespmem:$0x1D100] =	vst v63  }
0x32b: {  	_ =	swait.ge [sflag:s15], $0x2800  }
0x32c: {  	[sflag:s15] =	ssyncset.done $0x0  }
0x32d: {  	[sflag:s15] =	ssyncadd.s32 $0xFFFFD800  }
0x32e: {  	[spmem:s2] =	stream.indirect.scatter.add.f32 [tilespmem:s31], [sflag:$0x4], $0x80, s12, s26, $0xb8;
	[tilespmem:$0x1D100] =	vst v63  }
0x32f: {  	_ =	swait.ge [sflag:s24], $0x2800  }
0x330: {  	[sflag:s24] =	ssyncset.done $0x0  }
0x331: {  	[sflag:s24] =	ssyncadd.s32 $0xFFFFD800  }
0x332: {  	[tilespmem:s31], [sflag:$0x3] =	stream.indirect.gather [hbm4b:s4+s26], $0x80, s16, s26, $0xb8;
	[tilespmem:$0x1D100] =	vst v63  }
0x333: {  	_ =	swait.ge [sflag:s29], $0x2800  }
0x334: {  	[sflag:s29] =	ssyncset.done $0x0  }
0x335: {  	[sflag:s29] =	ssyncadd.s32 $0xFFFFD800  }
0x336: {  	[spmem:s2] =	stream.indirect.scatter.add.f32 [tilespmem:s28], [sflag:$0x4], $0x80, s17, s26, $0xb8;
	[tilespmem:$0x1D100] =	vst v63  }
0x337: {  	_ =	swait.ge [sflag:s24], $0x2800  }
0x338: {  	[sflag:s24] =	ssyncset.done $0x0  }
0x339: {  	[sflag:s24] =	ssyncadd.s32 $0xFFFFD800  }
0x33a: {  	[tilespmem:s28], [sflag:$0x1] =	stream.indirect.gather [hbm4b:s4+s26], $0x80, s18, s26, $0xb8;
	[tilespmem:$0x1D100] =	vst v63  }
0x33b: {  	_ =	swait.ge [sflag:s11], $0x2800  }
0x33c: {  	[sflag:s11] =	ssyncset.done $0x0  }
0x33d: {  	s25 =	simm.s32 $0x1380;
	[sflag:s11] =	ssyncadd.s32 $0xFFFFD800  }
0x33e: {  	[spmem:s2] =	stream.indirect.scatter.add.f32 [tilespmem:s30], [sflag:$0x4], $0x80, s25, s26, $0xb8;
	[tilespmem:$0x1D100] =	vst v63  }
0x33f: {  	_ =	swait.ge [sflag:s24], $0x2800  }
0x340: {  	[sflag:s24] =	ssyncset.done $0x0  }
0x341: {  	s1 =	simm.s32 $0x500;
	[sflag:s24] =	ssyncadd.s32 $0xFFFFD800  }
0x342: {  	[tilespmem:s30], [sflag:$0x2] =	stream.indirect.gather [hbm4b:s4+s26], $0x80, s1, s26, $0xb8;
	[tilespmem:$0x1D100] =	vst v63  }
0x343: {  	_ =	swait.ge [sflag:s15], $0x2800  }
0x344: {  	[sflag:s15] =	ssyncset.done $0x0  }
0x345: {  	s3 =	simm.s32 $0x1400;
	[sflag:s15] =	ssyncadd.s32 $0xFFFFD800  }
0x346: {  	[spmem:s2] =	stream.indirect.scatter.add.f32 [tilespmem:s31], [sflag:$0x4], $0x80, s3, s26, $0xb8;
	[tilespmem:$0x1D100] =	vst v63  }
0x347: {  	_ =	swait.ge [sflag:s24], $0x2800  }
0x348: {  	[sflag:s24] =	ssyncset.done $0x0  }
0x349: {  	s8 =	simm.s32 $0x580;
	[sflag:s24] =	ssyncadd.s32 $0xFFFFD800  }
0x34a: {  	[tilespmem:s31], [sflag:$0x3] =	stream.indirect.gather [hbm4b:s4+s26], $0x80, s8, s26, $0xb8;
	[tilespmem:$0x1D100] =	vst v63  }
0x34b: {  	_ =	swait.ge [sflag:s29], $0x2800  }
0x34c: {  	[sflag:s29] =	ssyncset.done $0x0  }
0x34d: {  	s9 =	simm.s32 $0x1480;
	[sflag:s29] =	ssyncadd.s32 $0xFFFFD800  }
0x34e: {  	[spmem:s2] =	stream.indirect.scatter.add.f32 [tilespmem:s28], [sflag:$0x4], $0x80, s9, s26, $0xb8;
	[tilespmem:$0x1D100] =	vst v63  }
0x34f: {  	_ =	swait.ge [sflag:s24], $0x2800  }
0x350: {  	[sflag:s24] =	ssyncset.done $0x0  }
0x351: {  	s10 =	simm.s32 $0x600;
	[sflag:s24] =	ssyncadd.s32 $0xFFFFD800  }
0x352: {  	[tilespmem:s28], [sflag:$0x1] =	stream.indirect.gather [hbm4b:s4+s26], $0x80, s10, s26, $0xb8;
	[tilespmem:$0x1D100] =	vst v63  }
0x353: {  	_ =	swait.ge [sflag:s11], $0x2800  }
0x354: {  	[sflag:s11] =	ssyncset.done $0x0  }
0x355: {  	s12 =	simm.s32 $0x1500;
	[sflag:s11] =	ssyncadd.s32 $0xFFFFD800  }
0x356: {  	[spmem:s2] =	stream.indirect.scatter.add.f32 [tilespmem:s30], [sflag:$0x4], $0x80, s12, s26, $0xb8;
	[tilespmem:$0x1D100] =	vst v63  }
0x357: {  	_ =	swait.ge [sflag:s24], $0x2800  }
0x358: {  	[sflag:s24] =	ssyncset.done $0x0  }
0x359: {  	s13 =	simm.s32 $0x680;
	[sflag:s24] =	ssyncadd.s32 $0xFFFFD800  }
0x35a: {  	[tilespmem:s30], [sflag:$0x2] =	stream.indirect.gather [hbm4b:s4+s26], $0x80, s13, s26, $0xb8;
	[tilespmem:$0x1D100] =	vst v63  }
0x35b: {  	_ =	swait.ge [sflag:s15], $0x2800  }
0x35c: {  	[sflag:s15] =	ssyncset.done $0x0  }
0x35d: {  	s14 =	simm.s32 $0x1580;
	[sflag:s15] =	ssyncadd.s32 $0xFFFFD800  }
0x35e: {  	[spmem:s2] =	stream.indirect.scatter.add.f32 [tilespmem:s31], [sflag:$0x4], $0x80, s14, s26, $0xb8;
	[tilespmem:$0x1D100] =	vst v63  }
0x35f: {  	_ =	swait.ge [sflag:s24], $0x2800  }
0x360: {  	[sflag:s24] =	ssyncset.done $0x0  }
0x361: {  	s16 =	simm.s32 $0x700;
	[sflag:s24] =	ssyncadd.s32 $0xFFFFD800  }
0x362: {  	[tilespmem:s31], [sflag:$0x3] =	stream.indirect.gather [hbm4b:s4+s26], $0x80, s16, s26, $0xb8;
	[tilespmem:$0x1D100] =	vst v63  }
0x363: {  	_ =	swait.ge [sflag:s29], $0x2800  }
0x364: {  	[sflag:s29] =	ssyncset.done $0x0  }
0x365: {  	s17 =	simm.s32 $0x1600;
	[sflag:s29] =	ssyncadd.s32 $0xFFFFD800  }
0x366: {  	[spmem:s2] =	stream.indirect.scatter.add.f32 [tilespmem:s28], [sflag:$0x4], $0x80, s17, s26, $0xb8;
	[tilespmem:$0x1D100] =	vst v63  }
0x367: {  	_ =	swait.ge [sflag:s24], $0x2800  }
0x368: {  	[sflag:s24] =	ssyncset.done $0x0  }
0x369: {  	s18 =	simm.s32 $0x780;
	[sflag:s24] =	ssyncadd.s32 $0xFFFFD800  }
0x36a: {  	[tilespmem:s28], [sflag:$0x1] =	stream.indirect.gather [hbm4b:s4+s26], $0x80, s18, s26, $0xb8;
	[tilespmem:$0x1D100] =	vst v63  }
0x36b: {  	_ =	swait.ge [sflag:s11], $0x2800  }
0x36c: {  	[sflag:s11] =	ssyncset.done $0x0  }
0x36d: {  	s19 =	simm.s32 $0x1680;
	[sflag:s11] =	ssyncadd.s32 $0xFFFFD800  }
0x36e: {  	[spmem:s2] =	stream.indirect.scatter.add.f32 [tilespmem:s30], [sflag:$0x4], $0x80, s19, s26, $0xb8;
	[tilespmem:$0x1D100] =	vst v63  }
0x36f: {  	_ =	swait.ge [sflag:s24], $0x2800  }
0x370: {  	[sflag:s24] =	ssyncset.done $0x0  }
0x371: {  	s20 =	simm.s32 $0x800;
	[sflag:s24] =	ssyncadd.s32 $0xFFFFD800  }
0x372: {  	[tilespmem:s30], [sflag:$0x2] =	stream.indirect.gather [hbm4b:s4+s26], $0x80, s20, s26, $0xb8;
	[tilespmem:$0x1D100] =	vst v63  }
0x373: {  	_ =	swait.ge [sflag:s15], $0x2800  }
0x374: {  	[sflag:s15] =	ssyncset.done $0x0  }
0x375: {  	s21 =	simm.s32 $0x1700;
	[sflag:s15] =	ssyncadd.s32 $0xFFFFD800  }
0x376: {  	[spmem:s2] =	stream.indirect.scatter.add.f32 [tilespmem:s31], [sflag:$0x4], $0x80, s21, s26, $0xb8;
	[tilespmem:$0x1D100] =	vst v63  }
0x377: {  	_ =	swait.ge [sflag:s24], $0x2800  }
0x378: {  	[sflag:s24] =	ssyncset.done $0x0  }
0x379: {  	s22 =	simm.s32 $0x880;
	[sflag:s24] =	ssyncadd.s32 $0xFFFFD800  }
0x37a: {  	[tilespmem:s31], [sflag:$0x3] =	stream.indirect.gather [hbm4b:s4+s26], $0x80, s22, s26, $0xb8;
	[tilespmem:$0x1D100] =	vst v63  }
0x37b: {  	_ =	swait.ge [sflag:s29], $0x2800  }
0x37c: {  	[sflag:s29] =	ssyncset.done $0x0  }
0x37d: {  	s25 =	simm.s32 $0x1780;
	[sflag:s29] =	ssyncadd.s32 $0xFFFFD800  }
0x37e: {  	[spmem:s2] =	stream.indirect.scatter.add.f32 [tilespmem:s28], [sflag:$0x4], $0x80, s25, s26, $0xb8;
	[tilespmem:$0x1D100] =	vst v63  }
0x37f: {  	_ =	swait.ge [sflag:s24], $0x2800  }
0x380: {  	[sflag:s24] =	ssyncset.done $0x0  }
0x381: {  	s1 =	simm.s32 $0x900;
	[sflag:s24] =	ssyncadd.s32 $0xFFFFD800  }
0x382: {  	[tilespmem:s28], [sflag:$0x1] =	stream.indirect.gather [hbm4b:s4+s26], $0x80, s1, s26, $0xb8;
	[tilespmem:$0x1D100] =	vst v63  }
0x383: {  	_ =	swait.ge [sflag:s11], $0x2800  }
0x384: {  	[sflag:s11] =	ssyncset.done $0x0  }
0x385: {  	s3 =	simm.s32 $0x1800;
	[sflag:s11] =	ssyncadd.s32 $0xFFFFD800  }
0x386: {  	[spmem:s2] =	stream.indirect.scatter.add.f32 [tilespmem:s30], [sflag:$0x4], $0x80, s3, s26, $0xb8;
	[tilespmem:$0x1D100] =	vst v63  }
0x387: {  	_ =	swait.ge [sflag:s24], $0x2800  }
0x388: {  	[sflag:s24] =	ssyncset.done $0x0  }
0x389: {  	s8 =	simm.s32 $0x980;
	[sflag:s24] =	ssyncadd.s32 $0xFFFFD800  }
0x38a: {  	[tilespmem:s30], [sflag:$0x2] =	stream.indirect.gather [hbm4b:s4+s26], $0x80, s8, s26, $0xb8;
	[tilespmem:$0x1D100] =	vst v63  }
0x38b: {  	_ =	swait.ge [sflag:s15], $0x2800  }
0x38c: {  	[sflag:s15] =	ssyncset.done $0x0  }
0x38d: {  	s9 =	simm.s32 $0x1880;
	[sflag:s15] =	ssyncadd.s32 $0xFFFFD800  }
0x38e: {  	[spmem:s2] =	stream.indirect.scatter.add.f32 [tilespmem:s31], [sflag:$0x4], $0x80, s9, s26, $0xb8;
	[tilespmem:$0x1D100] =	vst v63  }
0x38f: {  	_ =	swait.ge [sflag:s24], $0x2800  }
0x390: {  	[sflag:s24] =	ssyncset.done $0x0  }
0x391: {  	s10 =	simm.s32 $0xA00;
	[sflag:s24] =	ssyncadd.s32 $0xFFFFD800  }
0x392: {  	[tilespmem:s31], [sflag:$0x3] =	stream.indirect.gather [hbm4b:s4+s26], $0x80, s10, s26, $0xb8;
	[tilespmem:$0x1D100] =	vst v63  }
0x393: {  	_ =	swait.ge [sflag:s29], $0x2800  }
0x394: {  	[sflag:s29] =	ssyncset.done $0x0  }
0x395: {  	s12 =	simm.s32 $0x1900;
	[sflag:s29] =	ssyncadd.s32 $0xFFFFD800  }
0x396: {  	[spmem:s2] =	stream.indirect.scatter.add.f32 [tilespmem:s28], [sflag:$0x4], $0x80, s12, s26, $0xb8;
	[tilespmem:$0x1D100] =	vst v63  }
0x397: {  	_ =	swait.ge [sflag:s24], $0x2800  }
0x398: {  	[sflag:s24] =	ssyncset.done $0x0  }
0x399: {  	s13 =	simm.s32 $0xA80;
	[sflag:s24] =	ssyncadd.s32 $0xFFFFD800  }
0x39a: {  	[tilespmem:s28], [sflag:$0x1] =	stream.indirect.gather [hbm4b:s4+s26], $0x80, s13, s26, $0xb8;
	[tilespmem:$0x1D100] =	vst v63  }
0x39b: {  	_ =	swait.ge [sflag:s11], $0x2800  }
0x39c: {  	[sflag:s11] =	ssyncset.done $0x0  }
0x39d: {  	s14 =	simm.s32 $0x1980;
	[sflag:s11] =	ssyncadd.s32 $0xFFFFD800  }
0x39e: {  	[spmem:s2] =	stream.indirect.scatter.add.f32 [tilespmem:s30], [sflag:$0x4], $0x80, s14, s26, $0xb8;
	[tilespmem:$0x1D100] =	vst v63  }
0x39f: {  	_ =	swait.ge [sflag:s24], $0x2800  }
0x3a0: {  	[sflag:s24] =	ssyncset.done $0x0  }
0x3a1: {  	s16 =	simm.s32 $0xB00;
	[sflag:s24] =	ssyncadd.s32 $0xFFFFD800  }
0x3a2: {  	[tilespmem:s30], [sflag:$0x2] =	stream.indirect.gather [hbm4b:s4+s26], $0x80, s16, s26, $0xb8;
	[tilespmem:$0x1D100] =	vst v63  }
0x3a3: {  	_ =	swait.ge [sflag:s15], $0x2800  }
0x3a4: {  	[sflag:s15] =	ssyncset.done $0x0  }
0x3a5: {  	s17 =	simm.s32 $0x1A00;
	[sflag:s15] =	ssyncadd.s32 $0xFFFFD800  }
0x3a6: {  	[spmem:s2] =	stream.indirect.scatter.add.f32 [tilespmem:s31], [sflag:$0x4], $0x80, s17, s26, $0xb8;
	[tilespmem:$0x1D100] =	vst v63  }
0x3a7: {  	_ =	swait.ge [sflag:s24], $0x2800  }
0x3a8: {  	[sflag:s24] =	ssyncset.done $0x0  }
0x3a9: {  	s18 =	simm.s32 $0xB80;
	[sflag:s24] =	ssyncadd.s32 $0xFFFFD800  }
0x3aa: {  	[tilespmem:s31], [sflag:$0x3] =	stream.indirect.gather [hbm4b:s4+s26], $0x80, s18, s26, $0xb8;
	[tilespmem:$0x1D100] =	vst v63  }
0x3ab: {  	_ =	swait.ge [sflag:s29], $0x2800  }
0x3ac: {  	[sflag:s29] =	ssyncset.done $0x0  }
0x3ad: {  	s19 =	simm.s32 $0x1A80;
	[sflag:s29] =	ssyncadd.s32 $0xFFFFD800  }
0x3ae: {  	[spmem:s2] =	stream.indirect.scatter.add.f32 [tilespmem:s28], [sflag:$0x4], $0x80, s19, s26, $0xb8;
	[tilespmem:$0x1D100] =	vst v63  }
0x3af: {  	_ =	swait.ge [sflag:s24], $0x2800  }
0x3b0: {  	[sflag:s24] =	ssyncset.done $0x0  }
0x3b1: {  	s20 =	simm.s32 $0xC00;
	[sflag:s24] =	ssyncadd.s32 $0xFFFFD800  }
0x3b2: {  	[tilespmem:s28], [sflag:$0x1] =	stream.indirect.gather [hbm4b:s4+s26], $0x80, s20, s26, $0xb8;
	[tilespmem:$0x1D100] =	vst v63  }
0x3b3: {  	_ =	swait.ge [sflag:s11], $0x2800  }
0x3b4: {  	[sflag:s11] =	ssyncset.done $0x0  }
0x3b5: {  	s21 =	simm.s32 $0x1B00;
	[sflag:s11] =	ssyncadd.s32 $0xFFFFD800  }
0x3b6: {  	[spmem:s2] =	stream.indirect.scatter.add.f32 [tilespmem:s30], [sflag:$0x4], $0x80, s21, s26, $0xb8;
	[tilespmem:$0x1D100] =	vst v63  }
0x3b7: {  	_ =	swait.ge [sflag:s24], $0x2800  }
0x3b8: {  	[sflag:s24] =	ssyncset.done $0x0  }
0x3b9: {  	[sflag:s24] =	ssyncadd.s32 $0xFFFFD800  }
0x3ba: {  	_ =	swait.ge [sflag:s15], $0x2800  }
0x3bb: {  	[sflag:s15] =	ssyncset.done $0x0  }
0x3bc: {  	s22 =	simm.s32 $0x1B80;
	[sflag:s15] =	ssyncadd.s32 $0xFFFFD800  }
0x3bd: {  	[spmem:s2] =	stream.indirect.scatter.add.f32 [tilespmem:s31], [sflag:$0x4], $0x80, s22, s26, $0xb8;
	[tilespmem:$0x1D100] =	vst v63  }
0x3be: {  	_ =	swait.ge [sflag:s24], $0x2800  }
0x3bf: {  	[sflag:s24] =	ssyncset.done $0x0  }
0x3c0: {  	[sflag:s24] =	ssyncadd.s32 $0xFFFFD800  }
0x3c1: {  	_ =	swait.ge [sflag:s29], $0x2800  }
0x3c2: {  	[sflag:s29] =	ssyncset.done $0x0  }
0x3c3: {  	s25 =	simm.s32 $0x1C00;
	[sflag:s29] =	ssyncadd.s32 $0xFFFFD800  }
0x3c4: {  	[spmem:s2] =	stream.indirect.scatter.add.f32 [tilespmem:s28], [sflag:$0x4], $0x80, s25, s26, $0xb8;
	[tilespmem:$0x1D100] =	vst v63  }
0x3c5: {  	_ =	swait.ge [sflag:s24], $0x2800  }
0x3c6: {  	[sflag:s24] =	ssyncset.done $0x0  }
0x3c7: {  	[sflag:s24] =	ssyncadd.s32 $0xFFFFD800  }
0x3c8: {  	[bflag:$0x0] =	sbarrier.arrive $0xFFFF  }
0x3c9: {  	s8 =	rddreg [dreg:$0xa]  }
0x3ca: {  	s3 =	simm.s32 @p1 $0x1FC4;
	s0 =	rddreg [dreg:$0x16]  }
0x3cb: {  	[hbm:s8], [sflag:s3] =	dma.local @p1 [spmem:s0], $0x2800  }
0x3cc: {  	s3 =	simm.s32 @p1 $0x4  }
0x3cd: {  	_ =	swait.ge @p1 [sflag:s3], $0x2800  }
0x3ce: {  	s0 =	rddreg [dreg:$0x14]  }
0x3cf: {  	[sflag:s3] =	ssyncset.done @p1 $0x0;
	s1 =	rddreg [dreg:$0x15]  }
0x3d0: {  	[sflag:s3] =	ssyncadd.s32 @p1 $0xFFFFD800;
	s3 =	rddreg [dreg:$0x9]  }
0x3d1: {  	[hbm:s3], [sflag:s1] =	dma.local @!p1 [spmem:s0], $0x2700  }
.Ltmp5:
0x3d2: {  	_ = 	snop;
	(pc) =	sbr.rel .LBB2_10-.Ltmp5, $4  }
0x3d3: {  	s3 =	simm.s32 @!p1 $0x4  }
0x3d4: {  	_ =	swait.ge @!p1 [sflag:s3], $0x2700  }
0x3d5: {  	[sflag:s3] =	ssyncset.done @!p1 $0x0  }
0x3d6: {  	s0 =	rddreg [dreg:$0x13];
	[sflag:s3] =	ssyncadd.s32 @!p1 $0xFFFFD900  }
.LBB2_7:
0x3d7: {  	s3 =	sadd.s32 @!p2 $0x0, s6;
	s8 =	simm.s32 @!p2 $0x0;
	s19 =	simm.s32 @!p2 $0x4  }
0x3d8: {  	[tilespmem:s8], [sflag:$0x4] =	stream.linear.gather @!p2 [hbm4b:s3+s8], $0xC80, $0x38;
	[tilespmem:$0x1D100] =	vst v63  }
0x3d9: {  	_ =	swait.ge @!p2 [sflag:s19], $0xC80  }
0x3da: {  	[sflag:s19] =	ssyncset.done @!p2 $0x0  }
0x3db: {  	s20 =	simm.s32 @!p2 $0x1000;
	s3 =	sadd.s32 @!p2 $0x0, s7;
	[sflag:s19] =	ssyncadd.s32 @!p2 $0xFFFFF380  }
0x3dc: {  	[tilespmem:s20], [sflag:$0x4] =	stream.linear.gather @!p2 [hbm4b:s3+s8], $0xC80, $0x38;
	[tilespmem:$0x1D100] =	vst v63  }
0x3dd: {  	_ =	swait.ge @!p2 [sflag:s19], $0xC80  }
0x3de: {  	[sflag:s19] =	ssyncset.done @!p2 $0x0  }
0x3df: {  	s3 =	simm.s32 @!p2 $0x50;
	[sflag:s19] =	ssyncadd.s32 @!p2 $0xFFFFF380;
	s19 =	simm.s32 @!p2 $0x2000  }
0x3e0: {  	[tilespmem:s19], [sflag:$0x1] =	stream.indirect.gather @!p2 [hbm4b:s5+s3], $0x80, s8, s3, $0xb8;
	[tilespmem:$0x1D100] =	vst v63  }
0x3e1: {  	s8 =	simm.s32 @!p2 $0x80;
	s19 =	simm.s32 @!p2 $0x4800  }
0x3e2: {  	[tilespmem:s19], [sflag:$0x2] =	stream.indirect.gather @!p2 [hbm4b:s5+s3], $0x80, s8, s3, $0xb8;
	[tilespmem:$0x1D100] =	vst v63  }
0x3e3: {  	s8 =	simm.s32 @!p2 $0x100;
	s19 =	simm.s32 @!p2 $0x7000  }
0x3e4: {  	[tilespmem:s19], [sflag:$0x3] =	stream.indirect.gather @!p2 [hbm4b:s5+s3], $0x80, s8, s3, $0xb8;
	[tilespmem:$0x1D100] =	vst v63  }
0x3e5: {  	_ =	swait.ge [sflag:s29], $0x2800  }
0x3e6: {  	[sflag:s29] =	ssyncset.done $0x0  }
0x3e7: {  	[sflag:s29] =	ssyncadd.s32 $0xFFFFD800  }
0x3e8: {  	[spmem:s2] =	stream.indirect.scatter.add.f32 [tilespmem:s28], [sflag:$0x4], $0x80, s23, s26, $0xb8;
	[tilespmem:$0x1D100] =	vst v63  }
0x3e9: {  	_ =	swait.ge [sflag:s24], $0x2800  }
0x3ea: {  	[sflag:s24] =	ssyncset.done $0x0  }
0x3eb: {  	s19 =	simm.s32 $0x180;
	[sflag:s24] =	ssyncadd.s32 $0xFFFFD800  }
0x3ec: {  	[tilespmem:s28], [sflag:$0x1] =	stream.indirect.gather [hbm4b:s5+s26], $0x80, s19, s26, $0xb8;
	[tilespmem:$0x1D100] =	vst v63  }
0x3ed: {  	_ =	swait.ge [sflag:s11], $0x2800  }
0x3ee: {  	[sflag:s11] =	ssyncset.done $0x0  }
0x3ef: {  	s21 =	simm.s32 $0x1080;
	[sflag:s11] =	ssyncadd.s32 $0xFFFFD800  }
0x3f0: {  	[spmem:s2] =	stream.indirect.scatter.add.f32 [tilespmem:s30], [sflag:$0x4], $0x80, s21, s26, $0xb8;
	[tilespmem:$0x1D100] =	vst v63  }
0x3f1: {  	_ =	swait.ge [sflag:s24], $0x2800  }
0x3f2: {  	[sflag:s24] =	ssyncset.done $0x0  }
0x3f3: {  	s25 =	simm.s32 $0x200;
	[sflag:s24] =	ssyncadd.s32 $0xFFFFD800  }
0x3f4: {  	[tilespmem:s30], [sflag:$0x2] =	stream.indirect.gather [hbm4b:s5+s26], $0x80, s25, s26, $0xb8;
	[tilespmem:$0x1D100] =	vst v63  }
0x3f5: {  	_ =	swait.ge [sflag:s15], $0x2800  }
0x3f6: {  	[sflag:s15] =	ssyncset.done $0x0  }
0x3f7: {  	s0 =	simm.s32 $0x1100;
	[sflag:s15] =	ssyncadd.s32 $0xFFFFD800  }
0x3f8: {  	[spmem:s2] =	stream.indirect.scatter.add.f32 [tilespmem:s31], [sflag:$0x4], $0x80, s0, s26, $0xb8;
	[tilespmem:$0x1D100] =	vst v63  }
0x3f9: {  	_ =	swait.ge [sflag:s24], $0x2800  }
0x3fa: {  	[sflag:s24] =	ssyncset.done $0x0  }
0x3fb: {  	s13 =	simm.s32 $0x280;
	[sflag:s24] =	ssyncadd.s32 $0xFFFFD800  }
0x3fc: {  	[tilespmem:s31], [sflag:$0x3] =	stream.indirect.gather [hbm4b:s5+s26], $0x80, s13, s26, $0xb8;
	[tilespmem:$0x1D100] =	vst v63  }
0x3fd: {  	_ =	swait.ge [sflag:s29], $0x2800  }
0x3fe: {  	[sflag:s29] =	ssyncset.done $0x0  }
0x3ff: {  	s14 =	simm.s32 $0x1180;
	[sflag:s29] =	ssyncadd.s32 $0xFFFFD800  }
0x400: {  	[spmem:s2] =	stream.indirect.scatter.add.f32 [tilespmem:s28], [sflag:$0x4], $0x80, s14, s26, $0xb8;
	[tilespmem:$0x1D100] =	vst v63  }
0x401: {  	_ =	swait.ge [sflag:s24], $0x2800  }
0x402: {  	[sflag:s24] =	ssyncset.done $0x0  }
0x403: {  	s1 =	simm.s32 $0x300;
	[sflag:s24] =	ssyncadd.s32 $0xFFFFD800  }
0x404: {  	[tilespmem:s28], [sflag:$0x1] =	stream.indirect.gather [hbm4b:s5+s26], $0x80, s1, s26, $0xb8;
	[tilespmem:$0x1D100] =	vst v63  }
0x405: {  	_ =	swait.ge [sflag:s11], $0x2800  }
0x406: {  	[sflag:s11] =	ssyncset.done $0x0  }
0x407: {  	s9 =	simm.s32 $0x1200;
	[sflag:s11] =	ssyncadd.s32 $0xFFFFD800  }
0x408: {  	[spmem:s2] =	stream.indirect.scatter.add.f32 [tilespmem:s30], [sflag:$0x4], $0x80, s9, s26, $0xb8;
	[tilespmem:$0x1D100] =	vst v63  }
0x409: {  	_ =	swait.ge [sflag:s24], $0x2800  }
0x40a: {  	[sflag:s24] =	ssyncset.done $0x0  }
0x40b: {  	s10 =	simm.s32 $0x380;
	[sflag:s24] =	ssyncadd.s32 $0xFFFFD800  }
0x40c: {  	[tilespmem:s30], [sflag:$0x2] =	stream.indirect.gather [hbm4b:s5+s26], $0x80, s10, s26, $0xb8;
	[tilespmem:$0x1D100] =	vst v63  }
0x40d: {  	_ =	swait.ge [sflag:s15], $0x2800  }
0x40e: {  	[sflag:s15] =	ssyncset.done $0x0  }
0x40f: {  	s12 =	simm.s32 $0x1280;
	[sflag:s15] =	ssyncadd.s32 $0xFFFFD800  }
0x410: {  	[spmem:s2] =	stream.indirect.scatter.add.f32 [tilespmem:s31], [sflag:$0x4], $0x80, s12, s26, $0xb8;
	[tilespmem:$0x1D100] =	vst v63  }
0x411: {  	_ =	swait.ge [sflag:s24], $0x2800  }
0x412: {  	[sflag:s24] =	ssyncset.done $0x0  }
0x413: {  	s16 =	simm.s32 $0x400;
	[sflag:s24] =	ssyncadd.s32 $0xFFFFD800  }
0x414: {  	[tilespmem:s31], [sflag:$0x3] =	stream.indirect.gather [hbm4b:s5+s26], $0x80, s16, s26, $0xb8;
	[tilespmem:$0x1D100] =	vst v63  }
0x415: {  	_ =	swait.ge [sflag:s29], $0x2800  }
0x416: {  	[sflag:s29] =	ssyncset.done $0x0  }
0x417: {  	s17 =	simm.s32 $0x1300;
	[sflag:s29] =	ssyncadd.s32 $0xFFFFD800  }
0x418: {  	[spmem:s2] =	stream.indirect.scatter.add.f32 [tilespmem:s28], [sflag:$0x4], $0x80, s17, s26, $0xb8;
	[tilespmem:$0x1D100] =	vst v63  }
0x419: {  	_ =	swait.ge [sflag:s24], $0x2800  }
0x41a: {  	[sflag:s24] =	ssyncset.done $0x0  }
0x41b: {  	s18 =	simm.s32 $0x480;
	[sflag:s24] =	ssyncadd.s32 $0xFFFFD800  }
0x41c: {  	[tilespmem:s28], [sflag:$0x1] =	stream.indirect.gather [hbm4b:s5+s26], $0x80, s18, s26, $0xb8;
	[tilespmem:$0x1D100] =	vst v63  }
0x41d: {  	_ =	swait.ge [sflag:s11], $0x2800  }
0x41e: {  	[sflag:s11] =	ssyncset.done $0x0  }
0x41f: {  	s20 =	simm.s32 $0x1380;
	[sflag:s11] =	ssyncadd.s32 $0xFFFFD800  }
0x420: {  	[spmem:s2] =	stream.indirect.scatter.add.f32 [tilespmem:s30], [sflag:$0x4], $0x80, s20, s26, $0xb8;
	[tilespmem:$0x1D100] =	vst v63  }
0x421: {  	_ =	swait.ge [sflag:s24], $0x2800  }
0x422: {  	[sflag:s24] =	ssyncset.done $0x0  }
0x423: {  	s22 =	simm.s32 $0x500;
	[sflag:s24] =	ssyncadd.s32 $0xFFFFD800  }
0x424: {  	[tilespmem:s30], [sflag:$0x2] =	stream.indirect.gather [hbm4b:s5+s26], $0x80, s22, s26, $0xb8;
	[tilespmem:$0x1D100] =	vst v63  }
0x425: {  	_ =	swait.ge [sflag:s15], $0x2800  }
0x426: {  	[sflag:s15] =	ssyncset.done $0x0  }
0x427: {  	s23 =	simm.s32 $0x1400;
	[sflag:s15] =	ssyncadd.s32 $0xFFFFD800  }
0x428: {  	[spmem:s2] =	stream.indirect.scatter.add.f32 [tilespmem:s31], [sflag:$0x4], $0x80, s23, s26, $0xb8;
	[tilespmem:$0x1D100] =	vst v63  }
0x429: {  	_ =	swait.ge [sflag:s24], $0x2800  }
0x42a: {  	[sflag:s24] =	ssyncset.done $0x0  }
0x42b: {  	s8 =	simm.s32 $0x580;
	[sflag:s24] =	ssyncadd.s32 $0xFFFFD800  }
0x42c: {  	[tilespmem:s31], [sflag:$0x3] =	stream.indirect.gather [hbm4b:s5+s26], $0x80, s8, s26, $0xb8;
	[tilespmem:$0x1D100] =	vst v63  }
0x42d: {  	_ =	swait.ge [sflag:s29], $0x2800  }
0x42e: {  	[sflag:s29] =	ssyncset.done $0x0  }
0x42f: {  	s19 =	simm.s32 $0x1480;
	[sflag:s29] =	ssyncadd.s32 $0xFFFFD800  }
0x430: {  	[spmem:s2] =	stream.indirect.scatter.add.f32 [tilespmem:s28], [sflag:$0x4], $0x80, s19, s26, $0xb8;
	[tilespmem:$0x1D100] =	vst v63  }
0x431: {  	_ =	swait.ge [sflag:s24], $0x2800  }
0x432: {  	[sflag:s24] =	ssyncset.done $0x0  }
0x433: {  	s20 =	simm.s32 $0x600;
	[sflag:s24] =	ssyncadd.s32 $0xFFFFD800  }
0x434: {  	[tilespmem:s28], [sflag:$0x1] =	stream.indirect.gather [hbm4b:s5+s26], $0x80, s20, s26, $0xb8;
	[tilespmem:$0x1D100] =	vst v63  }
0x435: {  	_ =	swait.ge [sflag:s11], $0x2800  }
0x436: {  	[sflag:s11] =	ssyncset.done $0x0  }
0x437: {  	s22 =	simm.s32 $0x1500;
	[sflag:s11] =	ssyncadd.s32 $0xFFFFD800  }
0x438: {  	[spmem:s2] =	stream.indirect.scatter.add.f32 [tilespmem:s30], [sflag:$0x4], $0x80, s22, s26, $0xb8;
	[tilespmem:$0x1D100] =	vst v63  }
0x439: {  	_ =	swait.ge [sflag:s24], $0x2800  }
0x43a: {  	[sflag:s24] =	ssyncset.done $0x0  }
0x43b: {  	s23 =	simm.s32 $0x680;
	[sflag:s24] =	ssyncadd.s32 $0xFFFFD800  }
0x43c: {  	[tilespmem:s30], [sflag:$0x2] =	stream.indirect.gather [hbm4b:s5+s26], $0x80, s23, s26, $0xb8;
	[tilespmem:$0x1D100] =	vst v63  }
0x43d: {  	_ =	swait.ge [sflag:s15], $0x2800  }
0x43e: {  	[sflag:s15] =	ssyncset.done $0x0  }
0x43f: {  	s8 =	simm.s32 $0x1580;
	[sflag:s15] =	ssyncadd.s32 $0xFFFFD800  }
0x440: {  	[spmem:s2] =	stream.indirect.scatter.add.f32 [tilespmem:s31], [sflag:$0x4], $0x80, s8, s26, $0xb8;
	[tilespmem:$0x1D100] =	vst v63  }
0x441: {  	_ =	swait.ge [sflag:s24], $0x2800  }
0x442: {  	[sflag:s24] =	ssyncset.done $0x0  }
0x443: {  	s19 =	simm.s32 $0x700;
	[sflag:s24] =	ssyncadd.s32 $0xFFFFD800  }
0x444: {  	[tilespmem:s31], [sflag:$0x3] =	stream.indirect.gather [hbm4b:s5+s26], $0x80, s19, s26, $0xb8;
	[tilespmem:$0x1D100] =	vst v63  }
0x445: {  	_ =	swait.ge [sflag:s29], $0x2800  }
0x446: {  	[sflag:s29] =	ssyncset.done $0x0  }
0x447: {  	s20 =	simm.s32 $0x1600;
	[sflag:s29] =	ssyncadd.s32 $0xFFFFD800  }
0x448: {  	[spmem:s2] =	stream.indirect.scatter.add.f32 [tilespmem:s28], [sflag:$0x4], $0x80, s20, s26, $0xb8;
	[tilespmem:$0x1D100] =	vst v63  }
0x449: {  	_ =	swait.ge [sflag:s24], $0x2800  }
0x44a: {  	[sflag:s24] =	ssyncset.done $0x0  }
0x44b: {  	s22 =	simm.s32 $0x780;
	[sflag:s24] =	ssyncadd.s32 $0xFFFFD800  }
0x44c: {  	[tilespmem:s28], [sflag:$0x1] =	stream.indirect.gather [hbm4b:s5+s26], $0x80, s22, s26, $0xb8;
	[tilespmem:$0x1D100] =	vst v63  }
0x44d: {  	_ =	swait.ge [sflag:s11], $0x2800  }
0x44e: {  	[sflag:s11] =	ssyncset.done $0x0  }
0x44f: {  	s23 =	simm.s32 $0x1680;
	[sflag:s11] =	ssyncadd.s32 $0xFFFFD800  }
0x450: {  	[spmem:s2] =	stream.indirect.scatter.add.f32 [tilespmem:s30], [sflag:$0x4], $0x80, s23, s26, $0xb8;
	[tilespmem:$0x1D100] =	vst v63  }
0x451: {  	_ =	swait.ge [sflag:s24], $0x2800  }
0x452: {  	[sflag:s24] =	ssyncset.done $0x0  }
0x453: {  	s8 =	simm.s32 $0x800;
	[sflag:s24] =	ssyncadd.s32 $0xFFFFD800  }
0x454: {  	[tilespmem:s30], [sflag:$0x2] =	stream.indirect.gather [hbm4b:s5+s26], $0x80, s8, s26, $0xb8;
	[tilespmem:$0x1D100] =	vst v63  }
0x455: {  	_ =	swait.ge [sflag:s15], $0x2800  }
0x456: {  	[sflag:s15] =	ssyncset.done $0x0  }
0x457: {  	s19 =	simm.s32 $0x1700;
	[sflag:s15] =	ssyncadd.s32 $0xFFFFD800  }
0x458: {  	[spmem:s2] =	stream.indirect.scatter.add.f32 [tilespmem:s31], [sflag:$0x4], $0x80, s19, s26, $0xb8;
	[tilespmem:$0x1D100] =	vst v63  }
0x459: {  	_ =	swait.ge [sflag:s24], $0x2800  }
0x45a: {  	[sflag:s24] =	ssyncset.done $0x0  }
0x45b: {  	s20 =	simm.s32 $0x880;
	[sflag:s24] =	ssyncadd.s32 $0xFFFFD800  }
0x45c: {  	[tilespmem:s31], [sflag:$0x3] =	stream.indirect.gather [hbm4b:s5+s26], $0x80, s20, s26, $0xb8;
	[tilespmem:$0x1D100] =	vst v63  }
0x45d: {  	_ =	swait.ge [sflag:s29], $0x2800  }
0x45e: {  	[sflag:s29] =	ssyncset.done $0x0  }
0x45f: {  	s22 =	simm.s32 $0x1780;
	[sflag:s29] =	ssyncadd.s32 $0xFFFFD800  }
0x460: {  	[spmem:s2] =	stream.indirect.scatter.add.f32 [tilespmem:s28], [sflag:$0x4], $0x80, s22, s26, $0xb8;
	[tilespmem:$0x1D100] =	vst v63  }
0x461: {  	_ =	swait.ge [sflag:s24], $0x2800  }
0x462: {  	[sflag:s24] =	ssyncset.done $0x0  }
0x463: {  	s23 =	simm.s32 $0x900;
	[sflag:s24] =	ssyncadd.s32 $0xFFFFD800  }
0x464: {  	[tilespmem:s28], [sflag:$0x1] =	stream.indirect.gather [hbm4b:s5+s26], $0x80, s23, s26, $0xb8;
	[tilespmem:$0x1D100] =	vst v63  }
0x465: {  	_ =	swait.ge [sflag:s11], $0x2800  }
0x466: {  	[sflag:s11] =	ssyncset.done $0x0  }
0x467: {  	s8 =	simm.s32 $0x1800;
	[sflag:s11] =	ssyncadd.s32 $0xFFFFD800  }
0x468: {  	[spmem:s2] =	stream.indirect.scatter.add.f32 [tilespmem:s30], [sflag:$0x4], $0x80, s8, s26, $0xb8;
	[tilespmem:$0x1D100] =	vst v63  }
0x469: {  	_ =	swait.ge [sflag:s24], $0x2800  }
0x46a: {  	[sflag:s24] =	ssyncset.done $0x0  }
0x46b: {  	s19 =	simm.s32 $0x980;
	[sflag:s24] =	ssyncadd.s32 $0xFFFFD800  }
0x46c: {  	[tilespmem:s30], [sflag:$0x2] =	stream.indirect.gather [hbm4b:s5+s26], $0x80, s19, s26, $0xb8;
	[tilespmem:$0x1D100] =	vst v63  }
0x46d: {  	_ =	swait.ge [sflag:s15], $0x2800  }
0x46e: {  	[sflag:s15] =	ssyncset.done $0x0  }
0x46f: {  	s20 =	simm.s32 $0x1880;
	[sflag:s15] =	ssyncadd.s32 $0xFFFFD800  }
0x470: {  	[spmem:s2] =	stream.indirect.scatter.add.f32 [tilespmem:s31], [sflag:$0x4], $0x80, s20, s26, $0xb8;
	[tilespmem:$0x1D100] =	vst v63  }
0x471: {  	_ =	swait.ge [sflag:s24], $0x2800  }
0x472: {  	[sflag:s24] =	ssyncset.done $0x0  }
0x473: {  	s22 =	simm.s32 $0xA00;
	[sflag:s24] =	ssyncadd.s32 $0xFFFFD800  }
0x474: {  	[tilespmem:s31], [sflag:$0x3] =	stream.indirect.gather [hbm4b:s5+s26], $0x80, s22, s26, $0xb8;
	[tilespmem:$0x1D100] =	vst v63  }
0x475: {  	_ =	swait.ge [sflag:s29], $0x2800  }
0x476: {  	[sflag:s29] =	ssyncset.done $0x0  }
0x477: {  	s23 =	simm.s32 $0x1900;
	[sflag:s29] =	ssyncadd.s32 $0xFFFFD800  }
0x478: {  	[spmem:s2] =	stream.indirect.scatter.add.f32 [tilespmem:s28], [sflag:$0x4], $0x80, s23, s26, $0xb8;
	[tilespmem:$0x1D100] =	vst v63  }
0x479: {  	_ =	swait.ge [sflag:s24], $0x2800  }
0x47a: {  	[sflag:s24] =	ssyncset.done $0x0  }
0x47b: {  	s8 =	simm.s32 $0xA80;
	[sflag:s24] =	ssyncadd.s32 $0xFFFFD800  }
0x47c: {  	[tilespmem:s28], [sflag:$0x1] =	stream.indirect.gather [hbm4b:s5+s26], $0x80, s8, s26, $0xb8;
	[tilespmem:$0x1D100] =	vst v63  }
0x47d: {  	_ =	swait.ge [sflag:s11], $0x2800  }
0x47e: {  	[sflag:s11] =	ssyncset.done $0x0  }
0x47f: {  	s19 =	simm.s32 $0x1980;
	[sflag:s11] =	ssyncadd.s32 $0xFFFFD800  }
0x480: {  	[spmem:s2] =	stream.indirect.scatter.add.f32 [tilespmem:s30], [sflag:$0x4], $0x80, s19, s26, $0xb8;
	[tilespmem:$0x1D100] =	vst v63  }
0x481: {  	_ =	swait.ge [sflag:s24], $0x2800  }
0x482: {  	[sflag:s24] =	ssyncset.done $0x0  }
0x483: {  	s20 =	simm.s32 $0xB00;
	[sflag:s24] =	ssyncadd.s32 $0xFFFFD800  }
0x484: {  	[tilespmem:s30], [sflag:$0x2] =	stream.indirect.gather [hbm4b:s5+s26], $0x80, s20, s26, $0xb8;
	[tilespmem:$0x1D100] =	vst v63  }
0x485: {  	_ =	swait.ge [sflag:s15], $0x2800  }
0x486: {  	[sflag:s15] =	ssyncset.done $0x0  }
0x487: {  	s22 =	simm.s32 $0x1A00;
	[sflag:s15] =	ssyncadd.s32 $0xFFFFD800  }
0x488: {  	[spmem:s2] =	stream.indirect.scatter.add.f32 [tilespmem:s31], [sflag:$0x4], $0x80, s22, s26, $0xb8;
	[tilespmem:$0x1D100] =	vst v63  }
0x489: {  	_ =	swait.ge [sflag:s24], $0x2800  }
0x48a: {  	[sflag:s24] =	ssyncset.done $0x0  }
0x48b: {  	s23 =	simm.s32 $0xB80;
	[sflag:s24] =	ssyncadd.s32 $0xFFFFD800  }
0x48c: {  	[tilespmem:s31], [sflag:$0x3] =	stream.indirect.gather [hbm4b:s5+s26], $0x80, s23, s26, $0xb8;
	[tilespmem:$0x1D100] =	vst v63  }
0x48d: {  	_ =	swait.ge [sflag:s29], $0x2800  }
0x48e: {  	[sflag:s29] =	ssyncset.done $0x0  }
0x48f: {  	s8 =	simm.s32 $0x1A80;
	[sflag:s29] =	ssyncadd.s32 $0xFFFFD800  }
0x490: {  	[spmem:s2] =	stream.indirect.scatter.add.f32 [tilespmem:s28], [sflag:$0x4], $0x80, s8, s26, $0xb8;
	[tilespmem:$0x1D100] =	vst v63  }
0x491: {  	_ =	swait.ge [sflag:s24], $0x2800  }
0x492: {  	[sflag:s24] =	ssyncset.done $0x0  }
0x493: {  	s19 =	simm.s32 $0xC00;
	[sflag:s24] =	ssyncadd.s32 $0xFFFFD800  }
0x494: {  	[tilespmem:s28], [sflag:$0x1] =	stream.indirect.gather [hbm4b:s5+s26], $0x80, s19, s26, $0xb8;
	[tilespmem:$0x1D100] =	vst v63  }
0x495: {  	_ =	swait.ge [sflag:s11], $0x2800  }
0x496: {  	[sflag:s11] =	ssyncset.done $0x0  }
0x497: {  	s20 =	simm.s32 $0x1B00;
	[sflag:s11] =	ssyncadd.s32 $0xFFFFD800  }
0x498: {  	[spmem:s2] =	stream.indirect.scatter.add.f32 [tilespmem:s30], [sflag:$0x4], $0x80, s20, s26, $0xb8;
	[tilespmem:$0x1D100] =	vst v63  }
0x499: {  	_ =	swait.ge [sflag:s24], $0x2800  }
0x49a: {  	[sflag:s24] =	ssyncset.done $0x0  }
0x49b: {  	[sflag:s24] =	ssyncadd.s32 $0xFFFFD800  }
0x49c: {  	_ =	swait.ge [sflag:s15], $0x2800  }
0x49d: {  	[sflag:s15] =	ssyncset.done $0x0  }
0x49e: {  	s22 =	simm.s32 $0x1B80;
	[sflag:s15] =	ssyncadd.s32 $0xFFFFD800  }
0x49f: {  	[spmem:s2] =	stream.indirect.scatter.add.f32 [tilespmem:s31], [sflag:$0x4], $0x80, s22, s26, $0xb8;
	[tilespmem:$0x1D100] =	vst v63  }
0x4a0: {  	_ =	swait.ge [sflag:s24], $0x2800  }
0x4a1: {  	[sflag:s24] =	ssyncset.done $0x0  }
0x4a2: {  	[sflag:s24] =	ssyncadd.s32 $0xFFFFD800  }
0x4a3: {  	_ =	swait.ge [sflag:s29], $0x2800  }
0x4a4: {  	[sflag:s29] =	ssyncset.done $0x0  }
0x4a5: {  	p3 =	por $0x0, $0x0;
	s23 =	simm.s32 $0x1C00;
	[sflag:s29] =	ssyncadd.s32 $0xFFFFD800  }
0x4a6: {  	[spmem:s2] =	stream.indirect.scatter.add.f32 [tilespmem:s28], [sflag:$0x4], $0x80, s23, s26, $0xb8;
	[tilespmem:$0x1D100] =	vst v63  }
0x4a7: {  	s19 =	simm.s32 $0x200;
	s20 =	simm.s32 $0x400;
	_ =	swait.ge [sflag:s24], $0x2800  }
.LBB2_8:
0x4a8: {  	s3 =	sadd.s32 @!p3 s19, s6  }
0x4a9: {  	s8 =	simm.s32 @!p3 $0x0;
	[sflag:s24] =	ssyncset.done $0x0;
	s22 =	smov.u32 s20  }
0x4aa: {  	s20 =	sadd.s32 $0x200, s20;
	s23 =	simm.s32 @!p3 $0x4;
	[sflag:s24] =	ssyncadd.s32 $0xFFFFD800  }
0x4ab: {  	[tilespmem:s8], [sflag:$0x4] =	stream.linear.gather @!p3 [hbm4b:s3+s8], $0xC80, $0x38;
	[tilespmem:$0x1D100] =	vst v63  }
0x4ac: {  	p2 =	sne.s32 s20, $0xA00;
	_ =	swait.ge @!p3 [sflag:s23], $0xC80  }
0x4ad: {  	[sflag:s23] =	ssyncset.done @!p3 $0x0  }
0x4ae: {  	s3 =	sadd.s32 @!p3 s19, s7;
	s19 =	simm.s32 @!p3 $0x1000;
	[sflag:s23] =	ssyncadd.s32 @!p3 $0xFFFFF380  }
0x4af: {  	[tilespmem:s19], [sflag:$0x4] =	stream.linear.gather @!p3 [hbm4b:s3+s8], $0xC80, $0x38;
	[tilespmem:$0x1D100] =	vst v63  }
0x4b0: {  	s19 =	smov.u32 s22;
	_ =	swait.ge @!p3 [sflag:s23], $0xC80  }
0x4b1: {  	s3 =	simm.s32 @!p3 $0x50;
	[sflag:s23] =	ssyncset.done @!p3 $0x0  }
0x4b2: {  	s22 =	simm.s32 @!p3 $0x2000;
	[sflag:s23] =	ssyncadd.s32 @!p3 $0xFFFFF380;
	s23 =	simm.s32 $0x1000  }
0x4b3: {  	[tilespmem:s22], [sflag:$0x1] =	stream.indirect.gather @!p3 [hbm4b:s5+s3], $0x80, s8, s3, $0xb8;
	[tilespmem:$0x1D100] =	vst v63  }
0x4b4: {  	s8 =	simm.s32 @!p3 $0x80;
	s22 =	simm.s32 @!p3 $0x4800  }
0x4b5: {  	[tilespmem:s22], [sflag:$0x2] =	stream.indirect.gather @!p3 [hbm4b:s5+s3], $0x80, s8, s3, $0xb8;
	[tilespmem:$0x1D100] =	vst v63  }
0x4b6: {  	s8 =	simm.s32 @!p3 $0x100;
	s22 =	simm.s32 @!p3 $0x7000  }
0x4b7: {  	[tilespmem:s22], [sflag:$0x3] =	stream.indirect.gather @!p3 [hbm4b:s5+s3], $0x80, s8, s3, $0xb8;
	[tilespmem:$0x1D100] =	vst v63  }
0x4b8: {  	s22 =	simm.s32 $0x180  }
0x4b9: {  	_ =	swait.ge [sflag:s29], $0x2800  }
0x4ba: {  	[sflag:s29] =	ssyncset.done $0x0  }
0x4bb: {  	[sflag:s29] =	ssyncadd.s32 $0xFFFFD800  }
0x4bc: {  	[spmem:s2] =	stream.indirect.scatter.add.f32 [tilespmem:s28], [sflag:$0x4], $0x80, s23, s26, $0xb8;
	[tilespmem:$0x1D100] =	vst v63  }
0x4bd: {  	_ =	swait.ge [sflag:s24], $0x2800  }
0x4be: {  	[sflag:s24] =	ssyncset.done $0x0  }
0x4bf: {  	[sflag:s24] =	ssyncadd.s32 $0xFFFFD800  }
0x4c0: {  	[tilespmem:s28], [sflag:$0x1] =	stream.indirect.gather [hbm4b:s5+s26], $0x80, s22, s26, $0xb8;
	[tilespmem:$0x1D100] =	vst v63  }
0x4c1: {  	_ =	swait.ge [sflag:s11], $0x2800  }
0x4c2: {  	[sflag:s11] =	ssyncset.done $0x0  }
0x4c3: {  	[sflag:s11] =	ssyncadd.s32 $0xFFFFD800  }
0x4c4: {  	[spmem:s2] =	stream.indirect.scatter.add.f32 [tilespmem:s30], [sflag:$0x4], $0x80, s21, s26, $0xb8;
	[tilespmem:$0x1D100] =	vst v63  }
0x4c5: {  	_ =	swait.ge [sflag:s24], $0x2800  }
0x4c6: {  	[sflag:s24] =	ssyncset.done $0x0  }
0x4c7: {  	[sflag:s24] =	ssyncadd.s32 $0xFFFFD800  }
0x4c8: {  	[tilespmem:s30], [sflag:$0x2] =	stream.indirect.gather [hbm4b:s5+s26], $0x80, s25, s26, $0xb8;
	[tilespmem:$0x1D100] =	vst v63  }
0x4c9: {  	_ =	swait.ge [sflag:s15], $0x2800  }
0x4ca: {  	[sflag:s15] =	ssyncset.done $0x0  }
0x4cb: {  	[sflag:s15] =	ssyncadd.s32 $0xFFFFD800  }
0x4cc: {  	[spmem:s2] =	stream.indirect.scatter.add.f32 [tilespmem:s31], [sflag:$0x4], $0x80, s0, s26, $0xb8;
	[tilespmem:$0x1D100] =	vst v63  }
0x4cd: {  	_ =	swait.ge [sflag:s24], $0x2800  }
0x4ce: {  	[sflag:s24] =	ssyncset.done $0x0  }
0x4cf: {  	[sflag:s24] =	ssyncadd.s32 $0xFFFFD800  }
0x4d0: {  	[tilespmem:s31], [sflag:$0x3] =	stream.indirect.gather [hbm4b:s5+s26], $0x80, s13, s26, $0xb8;
	[tilespmem:$0x1D100] =	vst v63  }
0x4d1: {  	_ =	swait.ge [sflag:s29], $0x2800  }
0x4d2: {  	[sflag:s29] =	ssyncset.done $0x0  }
0x4d3: {  	[sflag:s29] =	ssyncadd.s32 $0xFFFFD800  }
0x4d4: {  	[spmem:s2] =	stream.indirect.scatter.add.f32 [tilespmem:s28], [sflag:$0x4], $0x80, s14, s26, $0xb8;
	[tilespmem:$0x1D100] =	vst v63  }
0x4d5: {  	_ =	swait.ge [sflag:s24], $0x2800  }
0x4d6: {  	[sflag:s24] =	ssyncset.done $0x0  }
0x4d7: {  	[sflag:s24] =	ssyncadd.s32 $0xFFFFD800  }
0x4d8: {  	[tilespmem:s28], [sflag:$0x1] =	stream.indirect.gather [hbm4b:s5+s26], $0x80, s1, s26, $0xb8;
	[tilespmem:$0x1D100] =	vst v63  }
0x4d9: {  	_ =	swait.ge [sflag:s11], $0x2800  }
0x4da: {  	[sflag:s11] =	ssyncset.done $0x0  }
0x4db: {  	[sflag:s11] =	ssyncadd.s32 $0xFFFFD800  }
0x4dc: {  	[spmem:s2] =	stream.indirect.scatter.add.f32 [tilespmem:s30], [sflag:$0x4], $0x80, s9, s26, $0xb8;
	[tilespmem:$0x1D100] =	vst v63  }
0x4dd: {  	_ =	swait.ge [sflag:s24], $0x2800  }
0x4de: {  	[sflag:s24] =	ssyncset.done $0x0  }
0x4df: {  	[sflag:s24] =	ssyncadd.s32 $0xFFFFD800  }
0x4e0: {  	[tilespmem:s30], [sflag:$0x2] =	stream.indirect.gather [hbm4b:s5+s26], $0x80, s10, s26, $0xb8;
	[tilespmem:$0x1D100] =	vst v63  }
0x4e1: {  	_ =	swait.ge [sflag:s15], $0x2800  }
0x4e2: {  	[sflag:s15] =	ssyncset.done $0x0  }
0x4e3: {  	[sflag:s15] =	ssyncadd.s32 $0xFFFFD800  }
0x4e4: {  	[spmem:s2] =	stream.indirect.scatter.add.f32 [tilespmem:s31], [sflag:$0x4], $0x80, s12, s26, $0xb8;
	[tilespmem:$0x1D100] =	vst v63  }
0x4e5: {  	_ =	swait.ge [sflag:s24], $0x2800  }
0x4e6: {  	[sflag:s24] =	ssyncset.done $0x0  }
0x4e7: {  	[sflag:s24] =	ssyncadd.s32 $0xFFFFD800  }
0x4e8: {  	[tilespmem:s31], [sflag:$0x3] =	stream.indirect.gather [hbm4b:s5+s26], $0x80, s16, s26, $0xb8;
	[tilespmem:$0x1D100] =	vst v63  }
0x4e9: {  	_ =	swait.ge [sflag:s29], $0x2800  }
0x4ea: {  	[sflag:s29] =	ssyncset.done $0x0  }
0x4eb: {  	[sflag:s29] =	ssyncadd.s32 $0xFFFFD800  }
0x4ec: {  	[spmem:s2] =	stream.indirect.scatter.add.f32 [tilespmem:s28], [sflag:$0x4], $0x80, s17, s26, $0xb8;
	[tilespmem:$0x1D100] =	vst v63  }
0x4ed: {  	_ =	swait.ge [sflag:s24], $0x2800  }
0x4ee: {  	[sflag:s24] =	ssyncset.done $0x0  }
0x4ef: {  	[sflag:s24] =	ssyncadd.s32 $0xFFFFD800  }
0x4f0: {  	[tilespmem:s28], [sflag:$0x1] =	stream.indirect.gather [hbm4b:s5+s26], $0x80, s18, s26, $0xb8;
	[tilespmem:$0x1D100] =	vst v63  }
0x4f1: {  	_ =	swait.ge [sflag:s11], $0x2800  }
0x4f2: {  	[sflag:s11] =	ssyncset.done $0x0  }
0x4f3: {  	s3 =	simm.s32 $0x1380;
	[sflag:s11] =	ssyncadd.s32 $0xFFFFD800  }
0x4f4: {  	[spmem:s2] =	stream.indirect.scatter.add.f32 [tilespmem:s30], [sflag:$0x4], $0x80, s3, s26, $0xb8;
	[tilespmem:$0x1D100] =	vst v63  }
0x4f5: {  	_ =	swait.ge [sflag:s24], $0x2800  }
0x4f6: {  	[sflag:s24] =	ssyncset.done $0x0  }
0x4f7: {  	s3 =	simm.s32 $0x500;
	[sflag:s24] =	ssyncadd.s32 $0xFFFFD800  }
0x4f8: {  	[tilespmem:s30], [sflag:$0x2] =	stream.indirect.gather [hbm4b:s5+s26], $0x80, s3, s26, $0xb8;
	[tilespmem:$0x1D100] =	vst v63  }
0x4f9: {  	_ =	swait.ge [sflag:s15], $0x2800  }
0x4fa: {  	[sflag:s15] =	ssyncset.done $0x0  }
0x4fb: {  	s3 =	simm.s32 $0x1400;
	[sflag:s15] =	ssyncadd.s32 $0xFFFFD800  }
0x4fc: {  	[spmem:s2] =	stream.indirect.scatter.add.f32 [tilespmem:s31], [sflag:$0x4], $0x80, s3, s26, $0xb8;
	[tilespmem:$0x1D100] =	vst v63  }
0x4fd: {  	_ =	swait.ge [sflag:s24], $0x2800  }
0x4fe: {  	[sflag:s24] =	ssyncset.done $0x0  }
0x4ff: {  	s3 =	simm.s32 $0x580;
	[sflag:s24] =	ssyncadd.s32 $0xFFFFD800  }
0x500: {  	[tilespmem:s31], [sflag:$0x3] =	stream.indirect.gather [hbm4b:s5+s26], $0x80, s3, s26, $0xb8;
	[tilespmem:$0x1D100] =	vst v63  }
0x501: {  	_ =	swait.ge [sflag:s29], $0x2800  }
0x502: {  	[sflag:s29] =	ssyncset.done $0x0  }
0x503: {  	s3 =	simm.s32 $0x1480;
	[sflag:s29] =	ssyncadd.s32 $0xFFFFD800  }
0x504: {  	[spmem:s2] =	stream.indirect.scatter.add.f32 [tilespmem:s28], [sflag:$0x4], $0x80, s3, s26, $0xb8;
	[tilespmem:$0x1D100] =	vst v63  }
0x505: {  	_ =	swait.ge [sflag:s24], $0x2800  }
0x506: {  	[sflag:s24] =	ssyncset.done $0x0  }
0x507: {  	s3 =	simm.s32 $0x600;
	[sflag:s24] =	ssyncadd.s32 $0xFFFFD800  }
0x508: {  	[tilespmem:s28], [sflag:$0x1] =	stream.indirect.gather [hbm4b:s5+s26], $0x80, s3, s26, $0xb8;
	[tilespmem:$0x1D100] =	vst v63  }
0x509: {  	_ =	swait.ge [sflag:s11], $0x2800  }
0x50a: {  	[sflag:s11] =	ssyncset.done $0x0  }
0x50b: {  	s3 =	simm.s32 $0x1500;
	[sflag:s11] =	ssyncadd.s32 $0xFFFFD800  }
0x50c: {  	[spmem:s2] =	stream.indirect.scatter.add.f32 [tilespmem:s30], [sflag:$0x4], $0x80, s3, s26, $0xb8;
	[tilespmem:$0x1D100] =	vst v63  }
0x50d: {  	_ =	swait.ge [sflag:s24], $0x2800  }
0x50e: {  	[sflag:s24] =	ssyncset.done $0x0  }
0x50f: {  	s3 =	simm.s32 $0x680;
	[sflag:s24] =	ssyncadd.s32 $0xFFFFD800  }
0x510: {  	[tilespmem:s30], [sflag:$0x2] =	stream.indirect.gather [hbm4b:s5+s26], $0x80, s3, s26, $0xb8;
	[tilespmem:$0x1D100] =	vst v63  }
0x511: {  	_ =	swait.ge [sflag:s15], $0x2800  }
0x512: {  	[sflag:s15] =	ssyncset.done $0x0  }
0x513: {  	s3 =	simm.s32 $0x1580;
	[sflag:s15] =	ssyncadd.s32 $0xFFFFD800  }
0x514: {  	[spmem:s2] =	stream.indirect.scatter.add.f32 [tilespmem:s31], [sflag:$0x4], $0x80, s3, s26, $0xb8;
	[tilespmem:$0x1D100] =	vst v63  }
0x515: {  	_ =	swait.ge [sflag:s24], $0x2800  }
0x516: {  	[sflag:s24] =	ssyncset.done $0x0  }
0x517: {  	s3 =	simm.s32 $0x700;
	[sflag:s24] =	ssyncadd.s32 $0xFFFFD800  }
0x518: {  	[tilespmem:s31], [sflag:$0x3] =	stream.indirect.gather [hbm4b:s5+s26], $0x80, s3, s26, $0xb8;
	[tilespmem:$0x1D100] =	vst v63  }
0x519: {  	_ =	swait.ge [sflag:s29], $0x2800  }
0x51a: {  	[sflag:s29] =	ssyncset.done $0x0  }
0x51b: {  	s3 =	simm.s32 $0x1600;
	[sflag:s29] =	ssyncadd.s32 $0xFFFFD800  }
0x51c: {  	[spmem:s2] =	stream.indirect.scatter.add.f32 [tilespmem:s28], [sflag:$0x4], $0x80, s3, s26, $0xb8;
	[tilespmem:$0x1D100] =	vst v63  }
0x51d: {  	_ =	swait.ge [sflag:s24], $0x2800  }
0x51e: {  	[sflag:s24] =	ssyncset.done $0x0  }
0x51f: {  	s3 =	simm.s32 $0x780;
	[sflag:s24] =	ssyncadd.s32 $0xFFFFD800  }
0x520: {  	[tilespmem:s28], [sflag:$0x1] =	stream.indirect.gather [hbm4b:s5+s26], $0x80, s3, s26, $0xb8;
	[tilespmem:$0x1D100] =	vst v63  }
0x521: {  	_ =	swait.ge [sflag:s11], $0x2800  }
0x522: {  	[sflag:s11] =	ssyncset.done $0x0  }
0x523: {  	s3 =	simm.s32 $0x1680;
	[sflag:s11] =	ssyncadd.s32 $0xFFFFD800  }
0x524: {  	[spmem:s2] =	stream.indirect.scatter.add.f32 [tilespmem:s30], [sflag:$0x4], $0x80, s3, s26, $0xb8;
	[tilespmem:$0x1D100] =	vst v63  }
0x525: {  	_ =	swait.ge [sflag:s24], $0x2800  }
0x526: {  	[sflag:s24] =	ssyncset.done $0x0  }
0x527: {  	s3 =	simm.s32 $0x800;
	[sflag:s24] =	ssyncadd.s32 $0xFFFFD800  }
0x528: {  	[tilespmem:s30], [sflag:$0x2] =	stream.indirect.gather [hbm4b:s5+s26], $0x80, s3, s26, $0xb8;
	[tilespmem:$0x1D100] =	vst v63  }
0x529: {  	_ =	swait.ge [sflag:s15], $0x2800  }
0x52a: {  	[sflag:s15] =	ssyncset.done $0x0  }
0x52b: {  	s3 =	simm.s32 $0x1700;
	[sflag:s15] =	ssyncadd.s32 $0xFFFFD800  }
0x52c: {  	[spmem:s2] =	stream.indirect.scatter.add.f32 [tilespmem:s31], [sflag:$0x4], $0x80, s3, s26, $0xb8;
	[tilespmem:$0x1D100] =	vst v63  }
0x52d: {  	_ =	swait.ge [sflag:s24], $0x2800  }
0x52e: {  	[sflag:s24] =	ssyncset.done $0x0  }
0x52f: {  	s3 =	simm.s32 $0x880;
	[sflag:s24] =	ssyncadd.s32 $0xFFFFD800  }
0x530: {  	[tilespmem:s31], [sflag:$0x3] =	stream.indirect.gather [hbm4b:s5+s26], $0x80, s3, s26, $0xb8;
	[tilespmem:$0x1D100] =	vst v63  }
0x531: {  	_ =	swait.ge [sflag:s29], $0x2800  }
0x532: {  	[sflag:s29] =	ssyncset.done $0x0  }
0x533: {  	s3 =	simm.s32 $0x1780;
	[sflag:s29] =	ssyncadd.s32 $0xFFFFD800  }
0x534: {  	[spmem:s2] =	stream.indirect.scatter.add.f32 [tilespmem:s28], [sflag:$0x4], $0x80, s3, s26, $0xb8;
	[tilespmem:$0x1D100] =	vst v63  }
0x535: {  	_ =	swait.ge [sflag:s24], $0x2800  }
0x536: {  	[sflag:s24] =	ssyncset.done $0x0  }
0x537: {  	s3 =	simm.s32 $0x900;
	[sflag:s24] =	ssyncadd.s32 $0xFFFFD800  }
0x538: {  	[tilespmem:s28], [sflag:$0x1] =	stream.indirect.gather [hbm4b:s5+s26], $0x80, s3, s26, $0xb8;
	[tilespmem:$0x1D100] =	vst v63  }
0x539: {  	_ =	swait.ge [sflag:s11], $0x2800  }
0x53a: {  	[sflag:s11] =	ssyncset.done $0x0  }
0x53b: {  	s3 =	simm.s32 $0x1800;
	[sflag:s11] =	ssyncadd.s32 $0xFFFFD800  }
0x53c: {  	[spmem:s2] =	stream.indirect.scatter.add.f32 [tilespmem:s30], [sflag:$0x4], $0x80, s3, s26, $0xb8;
	[tilespmem:$0x1D100] =	vst v63  }
0x53d: {  	_ =	swait.ge [sflag:s24], $0x2800  }
0x53e: {  	[sflag:s24] =	ssyncset.done $0x0  }
0x53f: {  	s3 =	simm.s32 $0x980;
	[sflag:s24] =	ssyncadd.s32 $0xFFFFD800  }
0x540: {  	[tilespmem:s30], [sflag:$0x2] =	stream.indirect.gather [hbm4b:s5+s26], $0x80, s3, s26, $0xb8;
	[tilespmem:$0x1D100] =	vst v63  }
0x541: {  	_ =	swait.ge [sflag:s15], $0x2800  }
0x542: {  	[sflag:s15] =	ssyncset.done $0x0  }
0x543: {  	s3 =	simm.s32 $0x1880;
	[sflag:s15] =	ssyncadd.s32 $0xFFFFD800  }
0x544: {  	[spmem:s2] =	stream.indirect.scatter.add.f32 [tilespmem:s31], [sflag:$0x4], $0x80, s3, s26, $0xb8;
	[tilespmem:$0x1D100] =	vst v63  }
0x545: {  	_ =	swait.ge [sflag:s24], $0x2800  }
0x546: {  	[sflag:s24] =	ssyncset.done $0x0  }
0x547: {  	s3 =	simm.s32 $0xA00;
	[sflag:s24] =	ssyncadd.s32 $0xFFFFD800  }
0x548: {  	[tilespmem:s31], [sflag:$0x3] =	stream.indirect.gather [hbm4b:s5+s26], $0x80, s3, s26, $0xb8;
	[tilespmem:$0x1D100] =	vst v63  }
0x549: {  	_ =	swait.ge [sflag:s29], $0x2800  }
0x54a: {  	[sflag:s29] =	ssyncset.done $0x0  }
0x54b: {  	s3 =	simm.s32 $0x1900;
	[sflag:s29] =	ssyncadd.s32 $0xFFFFD800  }
0x54c: {  	[spmem:s2] =	stream.indirect.scatter.add.f32 [tilespmem:s28], [sflag:$0x4], $0x80, s3, s26, $0xb8;
	[tilespmem:$0x1D100] =	vst v63  }
0x54d: {  	_ =	swait.ge [sflag:s24], $0x2800  }
0x54e: {  	[sflag:s24] =	ssyncset.done $0x0  }
0x54f: {  	s3 =	simm.s32 $0xA80;
	[sflag:s24] =	ssyncadd.s32 $0xFFFFD800  }
0x550: {  	[tilespmem:s28], [sflag:$0x1] =	stream.indirect.gather [hbm4b:s5+s26], $0x80, s3, s26, $0xb8;
	[tilespmem:$0x1D100] =	vst v63  }
0x551: {  	_ =	swait.ge [sflag:s11], $0x2800  }
0x552: {  	[sflag:s11] =	ssyncset.done $0x0  }
0x553: {  	s3 =	simm.s32 $0x1980;
	[sflag:s11] =	ssyncadd.s32 $0xFFFFD800  }
0x554: {  	[spmem:s2] =	stream.indirect.scatter.add.f32 [tilespmem:s30], [sflag:$0x4], $0x80, s3, s26, $0xb8;
	[tilespmem:$0x1D100] =	vst v63  }
0x555: {  	_ =	swait.ge [sflag:s24], $0x2800  }
0x556: {  	[sflag:s24] =	ssyncset.done $0x0  }
0x557: {  	s3 =	simm.s32 $0xB00;
	[sflag:s24] =	ssyncadd.s32 $0xFFFFD800  }
0x558: {  	[tilespmem:s30], [sflag:$0x2] =	stream.indirect.gather [hbm4b:s5+s26], $0x80, s3, s26, $0xb8;
	[tilespmem:$0x1D100] =	vst v63  }
0x559: {  	_ =	swait.ge [sflag:s15], $0x2800  }
0x55a: {  	[sflag:s15] =	ssyncset.done $0x0  }
0x55b: {  	s3 =	simm.s32 $0x1A00;
	[sflag:s15] =	ssyncadd.s32 $0xFFFFD800  }
0x55c: {  	[spmem:s2] =	stream.indirect.scatter.add.f32 [tilespmem:s31], [sflag:$0x4], $0x80, s3, s26, $0xb8;
	[tilespmem:$0x1D100] =	vst v63  }
0x55d: {  	_ =	swait.ge [sflag:s24], $0x2800  }
0x55e: {  	[sflag:s24] =	ssyncset.done $0x0  }
0x55f: {  	s3 =	simm.s32 $0xB80;
	[sflag:s24] =	ssyncadd.s32 $0xFFFFD800  }
0x560: {  	[tilespmem:s31], [sflag:$0x3] =	stream.indirect.gather [hbm4b:s5+s26], $0x80, s3, s26, $0xb8;
	[tilespmem:$0x1D100] =	vst v63  }
0x561: {  	_ =	swait.ge [sflag:s29], $0x2800  }
0x562: {  	[sflag:s29] =	ssyncset.done $0x0  }
0x563: {  	s3 =	simm.s32 $0x1A80;
	[sflag:s29] =	ssyncadd.s32 $0xFFFFD800  }
0x564: {  	[spmem:s2] =	stream.indirect.scatter.add.f32 [tilespmem:s28], [sflag:$0x4], $0x80, s3, s26, $0xb8;
	[tilespmem:$0x1D100] =	vst v63  }
0x565: {  	_ =	swait.ge [sflag:s24], $0x2800  }
0x566: {  	[sflag:s24] =	ssyncset.done $0x0  }
0x567: {  	s3 =	simm.s32 $0xC00;
	[sflag:s24] =	ssyncadd.s32 $0xFFFFD800  }
0x568: {  	[tilespmem:s28], [sflag:$0x1] =	stream.indirect.gather [hbm4b:s5+s26], $0x80, s3, s26, $0xb8;
	[tilespmem:$0x1D100] =	vst v63  }
0x569: {  	_ =	swait.ge [sflag:s11], $0x2800  }
0x56a: {  	[sflag:s11] =	ssyncset.done $0x0  }
0x56b: {  	s3 =	simm.s32 $0x1B00;
	[sflag:s11] =	ssyncadd.s32 $0xFFFFD800  }
0x56c: {  	[spmem:s2] =	stream.indirect.scatter.add.f32 [tilespmem:s30], [sflag:$0x4], $0x80, s3, s26, $0xb8;
	[tilespmem:$0x1D100] =	vst v63  }
0x56d: {  	_ =	swait.ge [sflag:s24], $0x2800  }
0x56e: {  	[sflag:s24] =	ssyncset.done $0x0  }
0x56f: {  	[sflag:s24] =	ssyncadd.s32 $0xFFFFD800  }
0x570: {  	_ =	swait.ge [sflag:s15], $0x2800  }
0x571: {  	[sflag:s15] =	ssyncset.done $0x0  }
0x572: {  	s3 =	simm.s32 $0x1B80;
	[sflag:s15] =	ssyncadd.s32 $0xFFFFD800  }
0x573: {  	[spmem:s2] =	stream.indirect.scatter.add.f32 [tilespmem:s31], [sflag:$0x4], $0x80, s3, s26, $0xb8;
	[tilespmem:$0x1D100] =	vst v63  }
0x574: {  	_ =	swait.ge [sflag:s24], $0x2800  }
0x575: {  	[sflag:s24] =	ssyncset.done $0x0  }
0x576: {  	[sflag:s24] =	ssyncadd.s32 $0xFFFFD800  }
.Ltmp6:
0x577: {  	_ =	swait.ge [sflag:s29], $0x2800;
	(pc) =	sbr.rel @p2 .LBB2_8-.Ltmp6, $4  }
0x578: {  	[sflag:s29] =	ssyncset.done $0x0  }
0x579: {  	s3 =	simm.s32 $0x1C00;
	[sflag:s29] =	ssyncadd.s32 $0xFFFFD800  }
0x57a: {  	[spmem:s2] =	stream.indirect.scatter.add.f32 [tilespmem:s28], [sflag:$0x4], $0x80, s3, s26, $0xb8;
	[tilespmem:$0x1D100] =	vst v63  }
0x57b: {  	p3 =	seq.s32 s19, $0x0;
	_ =	swait.ge [sflag:s24], $0x2800  }
.Ltmp7:
0x57c: {  	_ = 	snop;
	(pc) =	sbr.rel .LBB2_9-.Ltmp7, $1  }
0x57d: {  	_ =	sdelay $0x3  }
.LBB2_11:
0x57e: {  	_ =	sfence.sel $0x180000  }
0x57f: {  	[bflag:$0x0] =	sbarrier.arrive $0xFFFF  }
0x580: {  	_ =	strace $0x9000004A  }
0x581: {  	s0 =	stileid.u32;
	[bflag:$0x2] =	sbarrier.arrive $0xFFFF  }
0x582: {  	p0 =	sne.s32 s0, $0x0;
	s0 =	rddreg [dreg:$0x2]  }
0x583: {  	s0 =	sadd.s32 @!p0 $0x100000, s0  }
0x584: {  	[sflag:s0] =	ssyncadd.tile.s32 @!p0 $0x1;
	_ =	shalt  }
.Lfunc_end2:
_tile_overlayer_lowered:
.L_overlay_start_2:
0x585: {  	(tag) =	ssettag $0x2  }
0x586: {  	s0 =	rddreg [dreg:$0x0];
	s2 =	stileid.u32  }
0x587: {  	s1 =	rddreg [dreg:$0x1];
	p0 =	sne.s32 s2, $0x0  }
0x588: {  	s3 =	rddreg [dreg:$0x2];
	[bflag:$0x3] =	sbarrier.arrive $0xFFFF;
	s2 =	simm.s32 @!p0 $0x1C04  }
0x589: {  	[timem:s3], [sflag:s2] =	dma.local @!p0 [hbm:s0], s1  }
0x58a: {  	s0 =	simm.s32 @!p0 $0x4  }
0x58b: {  	_ =	swait.ge @!p0 [sflag:s0], s1  }
0x58c: {  	s1 =	ssub.s32 @!p0 $0x0, s1;
	[sflag:s0] =	ssyncset.done @!p0 $0x0  }
0x58d: {  	[sflag:s0] =	ssyncadd.s32 @!p0 s1  }
0x58e: {  	[bflag:$0x3] =	sbarrier.arrive $0xFFFF  }
0x58f: {  	_ =	shalt  }

// kernel: sc_agg_deg.3.cloned.1.call-start
scs
__scs_entry_jumppad:
0x0: {  	(pc) =	sbr.rel $0x88, $3  }
0x1: {  	(tag) =	ssettag $0x0;
	lr =	simm.s32 $0x1  }
0x2: {  	[smem:$0x3F9B] =	sst lr;
	_ =	strace $0xD0000000  }
0x3: {  	_ = 	snop  }
0x4: {  	_ = 	snop  }
0x5: {  	_ = 	snop  }
0x6: {  	_ = 	snop  }
0x7: {  	_ = 	snop  }
__scs_overlays_trampoline_lowered:
0x8: {  	[smem:$0x3FAA] =	sst s0  }
0x9: {  	[smem:$0x3FAB] =	sst s1  }
0xa: {  	[smem:$0x3FAC] =	sst s2  }
0xb: {  	[smem:$0x3FAD] =	sst s3  }
0xc: {  	[smem:$0x3FAE] =	sst s4  }
0xd: {  	[smem:$0x3FAF] =	sst s5  }
0xe: {  	[smem:$0x3FB0] =	sst s6  }
0xf: {  	[smem:$0x3FB1] =	sst s7  }
0x10: {  	[smem:$0x3FB2] =	sst s8  }
0x11: {  	[smem:$0x3FB3] =	sst s9;
	s0 =	simm.s32 @!p0 $0x0  }
0x12: {  	s1 =	sld [smem:$0x3F99];
	s0 =	simm.s32 @p0 $0x1  }
0x13: {  	[smem:$0x3FB4] =	sst s0;
	s0 =	simm.s32 @!p1 $0x0  }
0x14: {  	s2 =	sld [smem:$0x3F98];
	s0 =	simm.s32 @p1 $0x1  }
0x15: {  	[smem:$0x3FB5] =	sst s0;
	s0 =	simm.s32 @!p2 $0x0  }
0x16: {  	s3 =	sld [smem:$0x3FDB];
	s0 =	simm.s32 @p2 $0x1  }
0x17: {  	s4 =	simm.s32 $0x1BF5;
	[smem:$0x3FB7] =	sst s0  }
0x18: {  	s0 =	sld [smem:$0x3F9A];
	_ =	swait.ge [sflag:s4], $0x0  }
0x19: {  	s7 =	sld [smem:$0x3F9B]  }
0x1a: {  	s8 =	sadd.s32 $0xFFFFE003, lr  }
0x1b: {  	s9 =	sadd.s32 $0xFFFFFEF7, lr;
	s5 =	simm.s32 $0xFFFFFFFF;
	p2 =	slt.u32 s8, $0xFFFFF086  }
0x1c: {  	p1 =	slt.u32 s9, $0xF7A;
	s5 =	simm.s32 @!p2 $0x0  }
0x1d: {  	s5 =	simm.s32 @p1 $0x1;
	p0 =	seq.s32 s7, s2  }
0x1e: {  	s7 =	smul.u32 @!p0 $0xF7A, s2;
	p2 =	seq.s32 @!p0 s5, $0x0  }
0x1f: {  	s9 =	smul.u32 $0xF7A, s1;
	s8 =	simm.s32 @!p0 $0x1BF5;
	p2 =	por !p2, p0  }
0x20: {  	[sflag:s8] =	ssyncset.s32 @!p0 $0xFFFFF086;
	s6 =	sadd.s32 @!p0 s3, s7;
	s7 =	simm.s32 @!p0 $0x108  }
0x21: {  	s3 =	sadd.s32 s3, s9;
	s6 =	sadd.s32 @!p0 $0x88, s6;
	s7 =	simm.s32 @p2 $0x1082  }
0x22: {  	[simem:s7], [sflag:s8] =	dma.local @!p0 [hbm:s6], $0xF7A  }
0x23: {  	s9 =	sor.u32 $0xD0000000, s2;
	s6 =	simm.s32 $0x108;
	_ =	swait.ge @!p0 [sflag:s8], $0x0  }
0x24: {  	s3 =	sadd.s32 $0x88, s3;
	s6 =	simm.s32 @!p1 $0x1082;
	[sflag:s4] =	ssyncset.s32 $0xFFFFF086  }
0x25: {  	[simem:s6], [sflag:s4] =	dma.local [hbm:s3], $0xF7A  }
0x26: {  	[smem:$0x3F9B] =	sst s1;
	(tag) =	ssettag s2;
	_ =	strace s9  }
0x27: {  	s1 =	sld [smem:$0x3FAB]  }
0x28: {  	s2 =	sld [smem:$0x3FAC]  }
0x29: {  	s4 =	sld [smem:$0x3FAE]  }
0x2a: {  	p0 =	seq.s32 s5, $0x0;
	s5 =	sld [smem:$0x3FAF]  }
0x2b: {  	s6 =	sld [smem:$0x3FB0]  }
0x2c: {  	s7 =	sld [smem:$0x3FB1]  }
0x2d: {  	s3 =	simm.s32 $0x108;
	s8 =	sld [smem:$0x3FB2]  }
0x2e: {  	s3 =	simm.s32 @!p0 $0x1082;
	s9 =	sld [smem:$0x3FB3]  }
0x2f: {  	lr =	sadd.s32 s0, s3;
	s0 =	sld [smem:$0x3FAA]  }
0x30: {  	s3 =	sld [smem:$0x3FAD]  }
0x31: {  	[smem:$0x3FB6] =	sst s10  }
0x32: {  	s10 =	sld [smem:$0x3FB4];
	_ =	sdelay $0x3  }
0x33: {  	p0 =	seq.s32 s10, $0x1;
	s10 =	sld [smem:$0x3FB6];
	_ =	sdelay $0x3  }
0x34: {  	[smem:$0x3FB6] =	sst s10  }
0x35: {  	s10 =	sld [smem:$0x3FB5];
	_ =	sdelay $0x3  }
0x36: {  	p1 =	seq.s32 s10, $0x1;
	s10 =	sld [smem:$0x3FB6];
	_ =	sdelay $0x3  }
0x37: {  	[smem:$0x3FB6] =	sst s10  }
0x38: {  	s10 =	sld [smem:$0x3FB7]  }
0x39: {  	_ = 	snop;
	(pc) =	sbr.ind lr, $3  }
0x3a: {  	_ = 	snop  }
0x3b: {  	_ = 	snop  }
0x3c: {  	p2 =	seq.s32 s10, $0x1;
	s10 =	sld [smem:$0x3FB6]  }
0x3d: {  	_ =	shalt  }
0x3e: {  	_ =	shalt  }
0x3f: {  	_ =	shalt  }
0x40: {  	_ =	shalt  }
0x41: {  	_ =	shalt  }
0x42: {  	_ =	shalt  }
0x43: {  	_ =	shalt  }
0x44: {  	_ =	shalt  }
0x45: {  	_ =	shalt  }
0x46: {  	_ =	shalt  }
0x47: {  	_ =	shalt  }
0x48: {  	_ =	shalt  }
0x49: {  	_ =	shalt  }
0x4a: {  	_ =	shalt  }
0x4b: {  	_ =	shalt  }
0x4c: {  	_ =	shalt  }
0x4d: {  	_ =	shalt  }
0x4e: {  	_ =	shalt  }
0x4f: {  	_ =	shalt  }
0x50: {  	_ =	shalt  }
0x51: {  	_ =	shalt  }
0x52: {  	_ =	shalt  }
0x53: {  	_ =	shalt  }
0x54: {  	_ =	shalt  }
0x55: {  	_ =	shalt  }
0x56: {  	_ =	shalt  }
0x57: {  	_ =	shalt  }
0x58: {  	_ =	shalt  }
0x59: {  	_ =	shalt  }
0x5a: {  	_ =	shalt  }
0x5b: {  	_ =	shalt  }
0x5c: {  	_ =	shalt  }
0x5d: {  	_ =	shalt  }
0x5e: {  	_ =	shalt  }
0x5f: {  	_ =	shalt  }
0x60: {  	_ =	shalt  }
0x61: {  	_ =	shalt  }
0x62: {  	_ =	shalt  }
0x63: {  	_ =	shalt  }
0x64: {  	_ =	shalt  }
0x65: {  	_ =	shalt  }
0x66: {  	_ =	shalt  }
0x67: {  	_ =	shalt  }
0x68: {  	_ =	shalt  }
0x69: {  	_ =	shalt  }
0x6a: {  	_ =	shalt  }
0x6b: {  	_ =	shalt  }
0x6c: {  	_ =	shalt  }
0x6d: {  	_ =	shalt  }
0x6e: {  	_ =	shalt  }
0x6f: {  	_ =	shalt  }
0x70: {  	_ =	shalt  }
0x71: {  	_ =	shalt  }
0x72: {  	_ =	shalt  }
0x73: {  	_ =	shalt  }
0x74: {  	_ =	shalt  }
0x75: {  	_ =	shalt  }
0x76: {  	_ =	shalt  }
0x77: {  	_ =	shalt  }
0x78: {  	_ =	shalt  }
0x79: {  	_ =	shalt  }
0x7a: {  	_ =	shalt  }
0x7b: {  	_ =	shalt  }
0x7c: {  	_ =	shalt  }
0x7d: {  	_ =	shalt  }
0x7e: {  	_ =	shalt  }
0x7f: {  	_ =	shalt  }
0x80: {  	_ =	shalt  }
0x81: {  	_ =	shalt  }
0x82: {  	_ =	shalt  }
0x83: {  	_ =	shalt  }
0x84: {  	_ =	shalt  }
0x85: {  	_ =	shalt  }
0x86: {  	_ =	shalt  }
0x87: {  	_ =	shalt  }
.Lfunc_end0:
.L_simem_size_0:
called_computation_lowered:
.L_overlay_start_0:
0x88: {  	s2 =	sld [smem:$0x3FD9]  }
0x89: {  	s3 =	sld [smem:$0x3FFE];
	_ =	sdelay $0x1  }
0x8a: {  	s1 =	srdreg.scid  }
0x8b: {  	s0 =	sand.u32 $0x1, s1  }
0x8c: {  	s17 =	sshll.u32 s0, $0xA;
	s2 =	sadd.s32 s3, s2  }
0x8d: {  	s2 =	sadd.s32 s2, s17  }
0x8e: {  	[smem:$0x3FC2] =	sst s2  }
0x8f: {  	_ = 	snop  }
0x90: {  	s2 =	sld [smem:$0x3FD0];
	(tm) =	ssettm $0x1  }
0x91: {  	s18 =	sld [smem:$0x3FFB];
	_ =	sdelay $0x3  }
0x92: {  	_ =	strace s18  }
0x93: {  	s3 =	sld [smem:$0x3FFC];
	_ =	sdelay $0x3  }
0x94: {  	_ =	strace s3  }
0x95: {  	s3 =	sld [smem:$0x3FFD];
	_ =	sdelay $0x3  }
0x96: {  	_ =	strace s3  }
0x97: {  	_ =	strace $0x8FFFFFFF  }
0x98: {  	s19 =	sld [smem:$0x3FDB];
	_ =	sdelay $0x1  }
0x99: {  	s4 =	simm.s32 $_scs_section_size  }
0x9a: {  	s5 =	simm.s32 $_size__tile_overlayer_lowered;
	s6 =	simm.s32 $_tile_overlayer_lowered  }
0x9b: {  	s22 =	simm.s32 $0x1BFF;
	s21 =	sshll.u32 s6, $0x1;
	s3 =	sadd.s32 s4, s19  }
0x9c: {  	s7 =	simm.s32 $0x0;
	s20 =	sshll.u32 s5, $0x1;
	s5 =	sadd.s32 s21, s3  }
0x9d: {  	[timem:s7], [sflag:s22] =	dma.local [hbm:s5], s20  }
0x9e: {  	_ =	swait.ge [sflag:s22], s20  }
0x9f: {  	s4 =	ssub.s32 $0x0, s20;
	[sflag:s22] =	ssyncset.done $0x0  }
0xa0: {  	[sflag:s22] =	ssyncadd.s32 s4;
	_ =	sdelay $0x1  }
0xa1: {  	s23 =	simm.s32 $0x1B8B  }
0xa2: {  	_ =	swait.ge [sflag:s23], $0x1  }
0xa3: {  	[sflag:s23] =	ssyncset.done $0x0  }
0xa4: {  	s25 =	simm.s32 $0x1B8E;
	s24 =	sld [smem:$0x3FFE];
	[sflag:s23] =	ssyncadd.s32 $0xFFFFFFFF  }
0xa5: {  	s26 =	simm.s32 $execute0_lowered;
	[smem:$0x3FD2] =	sst s25  }
0xa6: {  	s5 =	sshll.u32 s26, $0x1;
	_ =	strace $0x80000046;
	[dreg:$0x1] =	wrdreg $0xFFFFFFFF  }
0xa7: {  	s28 =	simm.s32 $_size_execute0_lowered;
	s3 =	sadd.s32 s3, s5;
	[dreg:$0x0] =	wrdreg $0x0  }
0xa8: {  	s5 =	sshll.u32 s28, $0x1;
	[dreg:$0x2] =	wrdreg s3  }
0xa9: {  	[dreg:$0x3] =	wrdreg s5  }
0xaa: {  	[dreg:$0x4] =	wrdreg $0xC0  }
0xab: {  	_ =	task [dreg:s7], $0x5FFFF  }
0xac: {  	[dreg:$0x1] =	wrdreg $0xFFFFFFFF  }
0xad: {  	[dreg:$0x0] =	wrdreg $0x60  }
0xae: {  	[dreg:$0x2] =	wrdreg s2  }
0xaf: {  	[dreg:$0x3] =	wrdreg s24  }
0xb0: {  	[dreg:$0x4] =	wrdreg $0x9C800  }
0xb1: {  	[dreg:$0x5] =	wrdreg $0x1D5000  }
0xb2: {  	[dreg:$0x6] =	wrdreg $0x9  }
0xb3: {  	_ =	task.clear_ibuf [dreg:s7], $0x7FFFF;
	_ =	strace $0x90000046  }
0xb4: {  	s29 =	simm.s32 $0x9;
	_ =	strace $0x80000048  }
0xb5: {  	_ =	swait.ge [sflag:s29], $0x1  }
0xb6: {  	[sflag:s29] =	ssyncadd.s32 $0xFFFFFFFF  }
0xb7: {  	_ =	strace $0x90000048  }
0xb8: {  	_ =	sfence  }
0xb9: {  	s30 =	sld [smem:$0x0];
	_ =	sdelay $0x2  }
0xba: {  	s31 =	sshll.u32 s1, $0xD;
	s1 =	sshrl.u32 s1, $0x2  }
0xbb: {  	s3 =	sand.u32 $0x4000, s31;
	s1 =	sadd.s32 s1, s30  }
0xbc: {  	s0 =	sor.u32 s3, s0;
	s1 =	sshll.u32 s1, $0x11  }
0xbd: {  	s0 =	sor.u32 s1, s0  }
0xbe: {  	s0 =	sadd.s32 $0x8F2B, s0  }
0xbf: {  	[sflag:s0] =	ssyncadd.remote.s32 $0x1  }
0xc0: {  	_ =	sfence.sel $0xFFFF  }
0xc1: {  	[dreg:$0x0] =	wrdreg $0xFFFFFFFF;
	(pc) =	sbr.abs _section_cstart, $3  }
0xc2: {  	[dreg:$0x1] =	wrdreg $0xFFFFFFFF  }
0xc3: {  	_ =	task.clear_ibuf [dreg:s7], $0x2FFFF;
	_ =	strace $0x9FFFFFFF  }
0xc4: {  	(tm) =	ssettm $0x7FFFFFFF  }
0xc5: {  	_ =	shalt  }
tec
execute0_lowered:
.L_overlay_start_1:
0x0: {  	(tag) =	ssettag $0x1  }
0x1: {  	s1 =	rddreg [dreg:$0x0]  }
0x2: {  	s0 =	rddreg [dreg:$0x1]  }
0x3: {  	s2 =	rddreg [dreg:$0x2]  }
0x4: {  	s4 =	rddreg [dreg:$0x3];
	s26 =	simm.s32 $0x0  }
0x5: {  	s5 =	simm.s32 $0x180;
	[smem:$0x7FF] =	sst s26  }
0x6: {  	s10 =	simm.s32 $0x1080;
	_ =	strace $0x80000047;
	[dreg:$0x5] =	wrdreg s5  }
0x7: {  	s11 =	simm.s32 $0x200;
	[dreg:$0x6] =	wrdreg s10  }
0x8: {  	s12 =	simm.s32 $0x1100;
	[dreg:$0x7] =	wrdreg s11  }
0x9: {  	s13 =	simm.s32 $0x280;
	[dreg:$0x8] =	wrdreg s12  }
0xa: {  	s14 =	simm.s32 $0x1180;
	[dreg:$0x9] =	wrdreg s13  }
0xb: {  	s16 =	simm.s32 $0x300;
	[dreg:$0xa] =	wrdreg s14  }
0xc: {  	s17 =	simm.s32 $0x1200;
	[dreg:$0xb] =	wrdreg s16  }
0xd: {  	s9 =	simm.s32 $0x380;
	[dreg:$0xc] =	wrdreg s17  }
0xe: {  	s19 =	simm.s32 $0x1280;
	[dreg:$0xd] =	wrdreg s9  }
0xf: {  	s21 =	simm.s32 $0x400;
	[dreg:$0xe] =	wrdreg s19  }
0x10: {  	s22 =	simm.s32 $0x1300;
	[dreg:$0xf] =	wrdreg s21  }
0x11: {  	s23 =	simm.s32 $0x480;
	[dreg:$0x10] =	wrdreg s22  }
0x12: {  	s25 =	simm.s32 $0x1380;
	[dreg:$0x11] =	wrdreg s23  }
0x13: {  	s24 =	stileid.u32;
	s28 =	simm.s32 $0x500;
	[dreg:$0x12] =	wrdreg s25  }
0x14: {  	s18 =	srdreg.scid;
	[dreg:$0x13] =	wrdreg s28;
	s14 =	simm.s32 $0x1400  }
0x15: {  	s29 =	simm.s32 $0x4;
	s16 =	simm.s32 $0x1480;
	[dreg:$0x14] =	wrdreg s14  }
0x16: {  	s30 =	simm.s32 $0x1000;
	s17 =	simm.s32 $0x600;
	[dreg:$0x16] =	wrdreg s16  }
0x17: {  	s31 =	simm.s32 $0x50;
	s19 =	sadd.s32 $0x136000, s2;
	[dreg:$0x17] =	wrdreg s17  }
0x18: {  	s3 =	smul.u32 $0xA00, s24;
	s21 =	simm.s32 $0x1580;
	[smem:$0x7E0] =	sst s19  }
0x19: {  	s6 =	sadd.s32 $0x16E00, s0;
	s22 =	simm.s32 $0x700;
	[dreg:$0x1a] =	wrdreg s21  }
0x1a: {  	s7 =	smul.u32 $0x2700, s24;
	s25 =	simm.s32 $0x1600;
	[dreg:$0x1b] =	wrdreg s22  }
0x1b: {  	s28 =	simm.s32 $0x780;
	s8 =	sadd.s32 s3, s0;
	[dreg:$0x1c] =	wrdreg s25  }
0x1c: {  	s3 =	sand.u32 $0x1, s18;
	s18 =	simm.s32 $0x1500;
	[dreg:$0x1d] =	wrdreg s28  }
0x1d: {  	p0 =	slt.u32 s24, $0xA;
	s16 =	simm.s32 $0x800;
	[dreg:$0x18] =	wrdreg s18  }
0x1e: {  	s5 =	smul.u32 $0x3E8, s24;
	s19 =	sadd.s32 $0x124800, s2;
	[dreg:$0x1f] =	wrdreg s16  }
0x1f: {  	s13 =	smul.u32 $0x4E000, s24;
	s21 =	sadd.s32 $0x8A100, s0;
	[smem:$0x7E3] =	sst s19  }
0x20: {  	s23 =	smul.u32 $0xFA0, s24;
	s22 =	simm.s32 $0x1780;
	[smem:$0x7E5] =	sst s21  }
0x21: {  	s11 =	sadd.s32 s7, s0;
	s25 =	simm.s32 $0x1800;
	[smem:$0x7E8] =	sst s22  }
0x22: {  	s28 =	simm.s32 $0x980;
	s15 =	sshrl.u32 s5, $0x3;
	[smem:$0x7EC] =	sst s25  }
0x23: {  	s20 =	ssub.s32 $0x2, s3;
	s17 =	sadd.s32 $0x65800, s11;
	[smem:$0x7EE] =	sst s28  }
0x24: {  	s7 =	sadd.s32 $0xCE00, s8;
	s18 =	simm.s32 $0x1700;
	[smem:$0x7E2] =	sst s17  }
0x25: {  	s8 =	sadd.s32 $0x2E00, s8;
	s11 =	sadd.s32 $0x3E600, s11;
	[smem:$0x7E4] =	sst s18  }
0x26: {  	p2 =	seq.s32 s3, $0x0;
	s5 =	sadd.s32 s5, s4;
	[smem:$0x7E7] =	sst s11  }
0x27: {  	s13 =	sshrl.u32 s13, $0x2;
	s16 =	simm.s32 $0x1900;
	[smem:$0x7EB] =	sst s5  }
0x28: {  	p1 =	sne.s32 s3, $0x0;
	s21 =	simm.s32 $0xB00;
	[smem:$0x7F4] =	sst s16  }
0x29: {  	s10 =	sadd.s32 s15, s0;
	s15 =	simm.s32 $0x580;
	[smem:$0x7F8] =	sst s21  }
0x2a: {  	s25 =	smov.u32 s6;
	s0 =	sadd.s32 $0x62F00, s0;
	[dreg:$0x15] =	wrdreg s15  }
0x2b: {  	s3 =	simm.s32 $0x9800;
	s11 =	simm.s32 $0x1880;
	[smem:$0x7E9] =	sst s0  }
0x2c: {  	s12 =	sshrl.u32 s20, $0x1;
	s18 =	simm.s32 $0xA80;
	[smem:$0x7F0] =	sst s11  }
0x2d: {  	s14 =	sadd.s32 s13, s2;
	p0 =	por !p2, !p0;
	[smem:$0x7F6] =	sst s18  }
0x2e: {  	s25 =	smov.u32 @p2 s1;
	p2 =	seq.s32 s24, $0xF;
	[smem:$0x7FB] =	sst s14  }
0x2f: {  	s16 =	simm.s32 $0x2;
	s13 =	sadd.s32 $0x11800, s14;
	[smem:$0x7FD] =	sst s25  }
0x30: {  	s9 =	ssub.s32 s20, s12;
	s20 =	simm.s32 $0x680;
	[smem:$0x7DF] =	sst s13  }
0x31: {  	s21 =	simm.s32 $0xB80;
	s15 =	simm.s32 $0x1680;
	[dreg:$0x19] =	wrdreg s20  }
0x32: {  	p0 =	por !p0, !p0;
	s10 =	sadd.s32 $0x3E000, s10;
	[dreg:$0x1e] =	wrdreg s15  }
0x33: {  	s17 =	sadd.s32 $0x5000, s14;
	s19 =	sadd.s32 $0x7800, s14;
	[smem:$0x7ED] =	sst s10  }
0x34: {  	s22 =	sadd.s32 $0xA000, s14;
	s28 =	sadd.s32 $0xF000, s14;
	[smem:$0x7F3] =	sst s17  }
0x35: {  	s0 =	simm.s32 $0x2000;
	s18 =	simm.s32 $0x1A80;
	[smem:$0x7F5] =	sst s19  }
0x36: {  	s11 =	simm.s32 $0x1B80;
	s13 =	sshrl.u32 s23, $0x2;
	[smem:$0x7F9] =	sst s22  }
0x37: {  	s20 =	simm.s32 $0x880;
	s23 =	simm.s32 $0x900;
	[smem:$0x7FC] =	sst s28  }
0x38: {  	s12 =	smax.u32 s9, $0x1;
	s15 =	sadd.s32 $0x2800, s14;
	[smem:$0x7E6] =	sst s20  }
0x39: {  	s17 =	simm.s32 $0x3;
	s19 =	simm.s32 $0xC00;
	[smem:$0x7EA] =	sst s23  }
0x3a: {  	s10 =	simm.s32 $0x1B00;
	s22 =	simm.s32 $0x0;
	[smem:$0x7EF] =	sst s12  }
.Ltmp0:
0x3b: {  	s13 =	sadd.s32 s13, s4;
	[smem:$0x7F1] =	sst s15;
	(pc) =	sbr.rel .LBB2_1-.Ltmp0, $4  }
0x3c: {  	s20 =	simm.s32 $0x1980;
	s23 =	sadd.s32 $0xC800, s14;
	[smem:$0x7E1] =	sst s13  }
0x3d: {  	s15 =	simm.s32 $0x4800;
	s12 =	simm.s32 $0x7000;
	[smem:$0x7F7] =	sst s20  }
0x3e: {  	s14 =	simm.s32 $0x1C00;
	s13 =	simm.s32 $0xA00;
	[smem:$0x7FA] =	sst s23  }
0x3f: {  	v0 =	vimm.f32 $0.0e+00;
	v1 =	vimm.f32 $1.000000000e+00;
	s20 =	simm.s32 $0x1A00;
	[smem:$0x7F2] =	sst s13;
	s13 =	simm.s32 $0x1  }
.LBB2_13:
0x40: {  	s5 =	sadd.s32 @!p4 s28, s7;
	[sflag:s29] =	ssyncset.done $0x0  }
0x41: {  	s9 =	simm.s32 @!p4 $0x0;
	s23 =	simm.s32 @!p4 $0x4;
	[sflag:s29] =	ssyncadd.s32 $0xFFFFD800  }
0x42: {  	[tilespmem:s9], [sflag:$0x4] =	stream.linear.gather @!p4 [hbm4b:s5+s9], $0xC80, $0x38;
	[tilespmem:$0x1D778] =	vst v63  }
0x43: {  	_ =	swait.ge @!p4 [sflag:s23], $0xC80  }
0x44: {  	[sflag:s23] =	ssyncset.done @!p4 $0x0  }
0x45: {  	s24 =	simm.s32 @!p4 $0x1000;
	s5 =	sadd.s32 @!p4 s28, s8;
	[sflag:s23] =	ssyncadd.s32 @!p4 $0xFFFFF380  }
0x46: {  	[tilespmem:s24], [sflag:$0x4] =	stream.linear.gather @!p4 [hbm4b:s5+s9], $0xC80, $0x38;
	[tilespmem:$0x1D778] =	vst v63  }
0x47: {  	_ =	swait.ge @!p4 [sflag:s23], $0xC80  }
0x48: {  	[sflag:s23] =	ssyncset.done @!p4 $0x0  }
0x49: {  	s5 =	simm.s32 @!p4 $0x50;
	[sflag:s23] =	ssyncadd.s32 @!p4 $0xFFFFF380;
	s23 =	simm.s32 @!p4 $0x2000  }
0x4a: {  	[tilespmem:s23], [sflag:$0x1] =	stream.indirect.gather @!p4 [hbm4b:s6+s5], $0x80, s9, s5, $0xb8;
	[tilespmem:$0x1D778] =	vst v63  }
0x4b: {  	s9 =	simm.s32 @!p4 $0x80;
	s23 =	simm.s32 @!p4 $0x4800  }
0x4c: {  	[tilespmem:s23], [sflag:$0x2] =	stream.indirect.gather @!p4 [hbm4b:s6+s5], $0x80, s9, s5, $0xb8;
	[tilespmem:$0x1D778] =	vst v63  }
0x4d: {  	s9 =	simm.s32 @!p4 $0x100;
	s23 =	simm.s32 @!p4 $0x7000  }
0x4e: {  	[tilespmem:s23], [sflag:$0x3] =	stream.indirect.gather @!p4 [hbm4b:s6+s5], $0x80, s9, s5, $0xb8;
	[tilespmem:$0x1D778] =	vst v63  }
0x4f: {  	_ =	swait.ge [sflag:s13], $0x2800  }
0x50: {  	[sflag:s13] =	ssyncset.done $0x0  }
0x51: {  	[sflag:s13] =	ssyncadd.s32 $0xFFFFD800  }
0x52: {  	[spmem:s2] =	stream.indirect.scatter.add.f32 [tilespmem:s0], [sflag:$0x4], $0x80, s30, s31, $0xb8;
	[tilespmem:$0x1D778] =	vst v63  }
0x53: {  	_ =	swait.ge [sflag:s29], $0x2800  }
0x54: {  	[sflag:s29] =	ssyncset.done $0x0  }
0x55: {  	s25 =	rddreg [dreg:$0x5];
	[sflag:s29] =	ssyncadd.s32 $0xFFFFD800  }
0x56: {  	[tilespmem:s0], [sflag:$0x1] =	stream.indirect.gather [hbm4b:s6+s31], $0x80, s25, s31, $0xb8;
	[tilespmem:$0x1D778] =	vst v63  }
0x57: {  	_ =	swait.ge [sflag:s16], $0x2800  }
0x58: {  	[sflag:s16] =	ssyncset.done $0x0  }
0x59: {  	s26 =	rddreg [dreg:$0x6];
	[sflag:s16] =	ssyncadd.s32 $0xFFFFD800  }
0x5a: {  	[spmem:s2] =	stream.indirect.scatter.add.f32 [tilespmem:s15], [sflag:$0x4], $0x80, s26, s31, $0xb8;
	[tilespmem:$0x1D778] =	vst v63  }
0x5b: {  	_ =	swait.ge [sflag:s29], $0x2800  }
0x5c: {  	[sflag:s29] =	ssyncset.done $0x0  }
0x5d: {  	s28 =	rddreg [dreg:$0x7];
	[sflag:s29] =	ssyncadd.s32 $0xFFFFD800  }
0x5e: {  	[tilespmem:s15], [sflag:$0x2] =	stream.indirect.gather [hbm4b:s6+s31], $0x80, s28, s31, $0xb8;
	[tilespmem:$0x1D778] =	vst v63  }
0x5f: {  	_ =	swait.ge [sflag:s17], $0x2800  }
0x60: {  	[sflag:s17] =	ssyncset.done $0x0  }
0x61: {  	s9 =	rddreg [dreg:$0x8];
	[sflag:s17] =	ssyncadd.s32 $0xFFFFD800  }
0x62: {  	[spmem:s2] =	stream.indirect.scatter.add.f32 [tilespmem:s12], [sflag:$0x4], $0x80, s9, s31, $0xb8;
	[tilespmem:$0x1D778] =	vst v63  }
0x63: {  	_ =	swait.ge [sflag:s29], $0x2800  }
0x64: {  	[sflag:s29] =	ssyncset.done $0x0  }
0x65: {  	s23 =	rddreg [dreg:$0x9];
	[sflag:s29] =	ssyncadd.s32 $0xFFFFD800  }
0x66: {  	[tilespmem:s12], [sflag:$0x3] =	stream.indirect.gather [hbm4b:s6+s31], $0x80, s23, s31, $0xb8;
	[tilespmem:$0x1D778] =	vst v63  }
0x67: {  	_ =	swait.ge [sflag:s13], $0x2800  }
0x68: {  	[sflag:s13] =	ssyncset.done $0x0  }
0x69: {  	s24 =	rddreg [dreg:$0xa];
	[sflag:s13] =	ssyncadd.s32 $0xFFFFD800  }
0x6a: {  	[spmem:s2] =	stream.indirect.scatter.add.f32 [tilespmem:s0], [sflag:$0x4], $0x80, s24, s31, $0xb8;
	[tilespmem:$0x1D778] =	vst v63  }
0x6b: {  	_ =	swait.ge [sflag:s29], $0x2800  }
0x6c: {  	[sflag:s29] =	ssyncset.done $0x0  }
0x6d: {  	s25 =	rddreg [dreg:$0xb];
	[sflag:s29] =	ssyncadd.s32 $0xFFFFD800  }
0x6e: {  	[tilespmem:s0], [sflag:$0x1] =	stream.indirect.gather [hbm4b:s6+s31], $0x80, s25, s31, $0xb8;
	[tilespmem:$0x1D778] =	vst v63  }
0x6f: {  	_ =	swait.ge [sflag:s16], $0x2800  }
0x70: {  	[sflag:s16] =	ssyncset.done $0x0  }
0x71: {  	s26 =	rddreg [dreg:$0xc];
	[sflag:s16] =	ssyncadd.s32 $0xFFFFD800  }
0x72: {  	[spmem:s2] =	stream.indirect.scatter.add.f32 [tilespmem:s15], [sflag:$0x4], $0x80, s26, s31, $0xb8;
	[tilespmem:$0x1D778] =	vst v63  }
0x73: {  	_ =	swait.ge [sflag:s29], $0x2800  }
0x74: {  	[sflag:s29] =	ssyncset.done $0x0  }
0x75: {  	s28 =	rddreg [dreg:$0xd];
	[sflag:s29] =	ssyncadd.s32 $0xFFFFD800  }
0x76: {  	[tilespmem:s15], [sflag:$0x2] =	stream.indirect.gather [hbm4b:s6+s31], $0x80, s28, s31, $0xb8;
	[tilespmem:$0x1D778] =	vst v63  }
0x77: {  	_ =	swait.ge [sflag:s17], $0x2800  }
0x78: {  	[sflag:s17] =	ssyncset.done $0x0  }
0x79: {  	s9 =	rddreg [dreg:$0xe];
	[sflag:s17] =	ssyncadd.s32 $0xFFFFD800  }
0x7a: {  	[spmem:s2] =	stream.indirect.scatter.add.f32 [tilespmem:s12], [sflag:$0x4], $0x80, s9, s31, $0xb8;
	[tilespmem:$0x1D778] =	vst v63  }
0x7b: {  	_ =	swait.ge [sflag:s29], $0x2800  }
0x7c: {  	[sflag:s29] =	ssyncset.done $0x0  }
0x7d: {  	s23 =	rddreg [dreg:$0xf];
	[sflag:s29] =	ssyncadd.s32 $0xFFFFD800  }
0x7e: {  	[tilespmem:s12], [sflag:$0x3] =	stream.indirect.gather [hbm4b:s6+s31], $0x80, s23, s31, $0xb8;
	[tilespmem:$0x1D778] =	vst v63  }
0x7f: {  	_ =	swait.ge [sflag:s13], $0x2800  }
0x80: {  	[sflag:s13] =	ssyncset.done $0x0  }
0x81: {  	s24 =	rddreg [dreg:$0x10];
	[sflag:s13] =	ssyncadd.s32 $0xFFFFD800  }
0x82: {  	[spmem:s2] =	stream.indirect.scatter.add.f32 [tilespmem:s0], [sflag:$0x4], $0x80, s24, s31, $0xb8;
	[tilespmem:$0x1D778] =	vst v63  }
0x83: {  	_ =	swait.ge [sflag:s29], $0x2800  }
0x84: {  	[sflag:s29] =	ssyncset.done $0x0  }
0x85: {  	s25 =	rddreg [dreg:$0x11];
	[sflag:s29] =	ssyncadd.s32 $0xFFFFD800  }
0x86: {  	[tilespmem:s0], [sflag:$0x1] =	stream.indirect.gather [hbm4b:s6+s31], $0x80, s25, s31, $0xb8;
	[tilespmem:$0x1D778] =	vst v63  }
0x87: {  	_ =	swait.ge [sflag:s16], $0x2800  }
0x88: {  	[sflag:s16] =	ssyncset.done $0x0  }
0x89: {  	s26 =	rddreg [dreg:$0x12];
	[sflag:s16] =	ssyncadd.s32 $0xFFFFD800  }
0x8a: {  	[spmem:s2] =	stream.indirect.scatter.add.f32 [tilespmem:s15], [sflag:$0x4], $0x80, s26, s31, $0xb8;
	[tilespmem:$0x1D778] =	vst v63  }
0x8b: {  	_ =	swait.ge [sflag:s29], $0x2800  }
0x8c: {  	[sflag:s29] =	ssyncset.done $0x0  }
0x8d: {  	s28 =	rddreg [dreg:$0x13];
	[sflag:s29] =	ssyncadd.s32 $0xFFFFD800  }
0x8e: {  	[tilespmem:s15], [sflag:$0x2] =	stream.indirect.gather [hbm4b:s6+s31], $0x80, s28, s31, $0xb8;
	[tilespmem:$0x1D778] =	vst v63  }
0x8f: {  	_ =	swait.ge [sflag:s17], $0x2800  }
0x90: {  	[sflag:s17] =	ssyncset.done $0x0  }
0x91: {  	s9 =	rddreg [dreg:$0x14];
	[sflag:s17] =	ssyncadd.s32 $0xFFFFD800  }
0x92: {  	[spmem:s2] =	stream.indirect.scatter.add.f32 [tilespmem:s12], [sflag:$0x4], $0x80, s9, s31, $0xb8;
	[tilespmem:$0x1D778] =	vst v63  }
0x93: {  	_ =	swait.ge [sflag:s29], $0x2800  }
0x94: {  	[sflag:s29] =	ssyncset.done $0x0  }
0x95: {  	s23 =	rddreg [dreg:$0x15];
	[sflag:s29] =	ssyncadd.s32 $0xFFFFD800  }
0x96: {  	[tilespmem:s12], [sflag:$0x3] =	stream.indirect.gather [hbm4b:s6+s31], $0x80, s23, s31, $0xb8;
	[tilespmem:$0x1D778] =	vst v63  }
0x97: {  	_ =	swait.ge [sflag:s13], $0x2800  }
0x98: {  	[sflag:s13] =	ssyncset.done $0x0  }
0x99: {  	s24 =	rddreg [dreg:$0x16];
	[sflag:s13] =	ssyncadd.s32 $0xFFFFD800  }
0x9a: {  	[spmem:s2] =	stream.indirect.scatter.add.f32 [tilespmem:s0], [sflag:$0x4], $0x80, s24, s31, $0xb8;
	[tilespmem:$0x1D778] =	vst v63  }
0x9b: {  	_ =	swait.ge [sflag:s29], $0x2800  }
0x9c: {  	[sflag:s29] =	ssyncset.done $0x0  }
0x9d: {  	s25 =	rddreg [dreg:$0x17];
	[sflag:s29] =	ssyncadd.s32 $0xFFFFD800  }
0x9e: {  	[tilespmem:s0], [sflag:$0x1] =	stream.indirect.gather [hbm4b:s6+s31], $0x80, s25, s31, $0xb8;
	[tilespmem:$0x1D778] =	vst v63  }
0x9f: {  	_ =	swait.ge [sflag:s16], $0x2800  }
0xa0: {  	[sflag:s16] =	ssyncset.done $0x0  }
0xa1: {  	s26 =	rddreg [dreg:$0x18];
	[sflag:s16] =	ssyncadd.s32 $0xFFFFD800  }
0xa2: {  	[spmem:s2] =	stream.indirect.scatter.add.f32 [tilespmem:s15], [sflag:$0x4], $0x80, s26, s31, $0xb8;
	[tilespmem:$0x1D778] =	vst v63  }
0xa3: {  	_ =	swait.ge [sflag:s29], $0x2800  }
0xa4: {  	[sflag:s29] =	ssyncset.done $0x0  }
0xa5: {  	s28 =	rddreg [dreg:$0x19];
	[sflag:s29] =	ssyncadd.s32 $0xFFFFD800  }
0xa6: {  	[tilespmem:s15], [sflag:$0x2] =	stream.indirect.gather [hbm4b:s6+s31], $0x80, s28, s31, $0xb8;
	[tilespmem:$0x1D778] =	vst v63  }
0xa7: {  	_ =	swait.ge [sflag:s17], $0x2800  }
0xa8: {  	[sflag:s17] =	ssyncset.done $0x0  }
0xa9: {  	s9 =	rddreg [dreg:$0x1a];
	[sflag:s17] =	ssyncadd.s32 $0xFFFFD800  }
0xaa: {  	[spmem:s2] =	stream.indirect.scatter.add.f32 [tilespmem:s12], [sflag:$0x4], $0x80, s9, s31, $0xb8;
	[tilespmem:$0x1D778] =	vst v63  }
0xab: {  	_ =	swait.ge [sflag:s29], $0x2800  }
0xac: {  	[sflag:s29] =	ssyncset.done $0x0  }
0xad: {  	s23 =	rddreg [dreg:$0x1b];
	[sflag:s29] =	ssyncadd.s32 $0xFFFFD800  }
0xae: {  	[tilespmem:s12], [sflag:$0x3] =	stream.indirect.gather [hbm4b:s6+s31], $0x80, s23, s31, $0xb8;
	[tilespmem:$0x1D778] =	vst v63  }
0xaf: {  	_ =	swait.ge [sflag:s13], $0x2800  }
0xb0: {  	[sflag:s13] =	ssyncset.done $0x0  }
0xb1: {  	s24 =	rddreg [dreg:$0x1c];
	[sflag:s13] =	ssyncadd.s32 $0xFFFFD800  }
0xb2: {  	[spmem:s2] =	stream.indirect.scatter.add.f32 [tilespmem:s0], [sflag:$0x4], $0x80, s24, s31, $0xb8;
	[tilespmem:$0x1D778] =	vst v63  }
0xb3: {  	_ =	swait.ge [sflag:s29], $0x2800  }
0xb4: {  	[sflag:s29] =	ssyncset.done $0x0  }
0xb5: {  	s25 =	rddreg [dreg:$0x1d];
	[sflag:s29] =	ssyncadd.s32 $0xFFFFD800  }
0xb6: {  	[tilespmem:s0], [sflag:$0x1] =	stream.indirect.gather [hbm4b:s6+s31], $0x80, s25, s31, $0xb8;
	[tilespmem:$0x1D778] =	vst v63  }
0xb7: {  	_ =	swait.ge [sflag:s16], $0x2800  }
0xb8: {  	[sflag:s16] =	ssyncset.done $0x0  }
0xb9: {  	s26 =	rddreg [dreg:$0x1e];
	[sflag:s16] =	ssyncadd.s32 $0xFFFFD800  }
0xba: {  	[spmem:s2] =	stream.indirect.scatter.add.f32 [tilespmem:s15], [sflag:$0x4], $0x80, s26, s31, $0xb8;
	[tilespmem:$0x1D778] =	vst v63  }
0xbb: {  	_ =	swait.ge [sflag:s29], $0x2800  }
0xbc: {  	[sflag:s29] =	ssyncset.done $0x0  }
0xbd: {  	s28 =	rddreg [dreg:$0x1f];
	[sflag:s29] =	ssyncadd.s32 $0xFFFFD800  }
0xbe: {  	[tilespmem:s15], [sflag:$0x2] =	stream.indirect.gather [hbm4b:s6+s31], $0x80, s28, s31, $0xb8;
	[tilespmem:$0x1D778] =	vst v63  }
0xbf: {  	_ =	swait.ge [sflag:s17], $0x2800  }
0xc0: {  	s9 =	sld [smem:$0x7E4]  }
0xc1: {  	[sflag:s17] =	ssyncset.done $0x0  }
0xc2: {  	[sflag:s17] =	ssyncadd.s32 $0xFFFFD800  }
0xc3: {  	[spmem:s2] =	stream.indirect.scatter.add.f32 [tilespmem:s12], [sflag:$0x4], $0x80, s9, s31, $0xb8;
	[tilespmem:$0x1D778] =	vst v63  }
0xc4: {  	_ =	swait.ge [sflag:s29], $0x2800  }
0xc5: {  	s23 =	sld [smem:$0x7E6]  }
0xc6: {  	[sflag:s29] =	ssyncset.done $0x0  }
0xc7: {  	[sflag:s29] =	ssyncadd.s32 $0xFFFFD800  }
0xc8: {  	[tilespmem:s12], [sflag:$0x3] =	stream.indirect.gather [hbm4b:s6+s31], $0x80, s23, s31, $0xb8;
	[tilespmem:$0x1D778] =	vst v63  }
0xc9: {  	_ =	swait.ge [sflag:s13], $0x2800  }
0xca: {  	s24 =	sld [smem:$0x7E8]  }
0xcb: {  	[sflag:s13] =	ssyncset.done $0x0  }
0xcc: {  	[sflag:s13] =	ssyncadd.s32 $0xFFFFD800  }
0xcd: {  	[spmem:s2] =	stream.indirect.scatter.add.f32 [tilespmem:s0], [sflag:$0x4], $0x80, s24, s31, $0xb8;
	[tilespmem:$0x1D778] =	vst v63  }
0xce: {  	_ =	swait.ge [sflag:s29], $0x2800  }
0xcf: {  	s25 =	sld [smem:$0x7EA]  }
0xd0: {  	[sflag:s29] =	ssyncset.done $0x0  }
0xd1: {  	[sflag:s29] =	ssyncadd.s32 $0xFFFFD800  }
0xd2: {  	[tilespmem:s0], [sflag:$0x1] =	stream.indirect.gather [hbm4b:s6+s31], $0x80, s25, s31, $0xb8;
	[tilespmem:$0x1D778] =	vst v63  }
0xd3: {  	_ =	swait.ge [sflag:s16], $0x2800  }
0xd4: {  	s26 =	sld [smem:$0x7EC]  }
0xd5: {  	[sflag:s16] =	ssyncset.done $0x0  }
0xd6: {  	[sflag:s16] =	ssyncadd.s32 $0xFFFFD800  }
0xd7: {  	[spmem:s2] =	stream.indirect.scatter.add.f32 [tilespmem:s15], [sflag:$0x4], $0x80, s26, s31, $0xb8;
	[tilespmem:$0x1D778] =	vst v63  }
0xd8: {  	_ =	swait.ge [sflag:s29], $0x2800  }
0xd9: {  	s28 =	sld [smem:$0x7EE]  }
0xda: {  	[sflag:s29] =	ssyncset.done $0x0  }
0xdb: {  	[sflag:s29] =	ssyncadd.s32 $0xFFFFD800  }
0xdc: {  	[tilespmem:s15], [sflag:$0x2] =	stream.indirect.gather [hbm4b:s6+s31], $0x80, s28, s31, $0xb8;
	[tilespmem:$0x1D778] =	vst v63  }
0xdd: {  	_ =	swait.ge [sflag:s17], $0x2800  }
0xde: {  	s9 =	sld [smem:$0x7F0]  }
0xdf: {  	[sflag:s17] =	ssyncset.done $0x0  }
0xe0: {  	[sflag:s17] =	ssyncadd.s32 $0xFFFFD800  }
0xe1: {  	[spmem:s2] =	stream.indirect.scatter.add.f32 [tilespmem:s12], [sflag:$0x4], $0x80, s9, s31, $0xb8;
	[tilespmem:$0x1D778] =	vst v63  }
0xe2: {  	_ =	swait.ge [sflag:s29], $0x2800  }
0xe3: {  	s23 =	sld [smem:$0x7F2]  }
0xe4: {  	[sflag:s29] =	ssyncset.done $0x0  }
0xe5: {  	[sflag:s29] =	ssyncadd.s32 $0xFFFFD800  }
0xe6: {  	[tilespmem:s12], [sflag:$0x3] =	stream.indirect.gather [hbm4b:s6+s31], $0x80, s23, s31, $0xb8;
	[tilespmem:$0x1D778] =	vst v63  }
0xe7: {  	_ =	swait.ge [sflag:s13], $0x2800  }
0xe8: {  	s24 =	sld [smem:$0x7F4]  }
0xe9: {  	[sflag:s13] =	ssyncset.done $0x0  }
0xea: {  	[sflag:s13] =	ssyncadd.s32 $0xFFFFD800  }
0xeb: {  	[spmem:s2] =	stream.indirect.scatter.add.f32 [tilespmem:s0], [sflag:$0x4], $0x80, s24, s31, $0xb8;
	[tilespmem:$0x1D778] =	vst v63  }
0xec: {  	_ =	swait.ge [sflag:s29], $0x2800  }
0xed: {  	s25 =	sld [smem:$0x7F6]  }
0xee: {  	[sflag:s29] =	ssyncset.done $0x0  }
0xef: {  	[sflag:s29] =	ssyncadd.s32 $0xFFFFD800  }
0xf0: {  	[tilespmem:s0], [sflag:$0x1] =	stream.indirect.gather [hbm4b:s6+s31], $0x80, s25, s31, $0xb8;
	[tilespmem:$0x1D778] =	vst v63  }
0xf1: {  	_ =	swait.ge [sflag:s16], $0x2800  }
0xf2: {  	s26 =	sld [smem:$0x7F7]  }
0xf3: {  	[sflag:s16] =	ssyncset.done $0x0  }
0xf4: {  	[sflag:s16] =	ssyncadd.s32 $0xFFFFD800  }
0xf5: {  	[spmem:s2] =	stream.indirect.scatter.add.f32 [tilespmem:s15], [sflag:$0x4], $0x80, s26, s31, $0xb8;
	[tilespmem:$0x1D778] =	vst v63  }
0xf6: {  	_ =	swait.ge [sflag:s29], $0x2800  }
0xf7: {  	s28 =	sld [smem:$0x7F8]  }
0xf8: {  	[sflag:s29] =	ssyncset.done $0x0  }
0xf9: {  	[sflag:s29] =	ssyncadd.s32 $0xFFFFD800  }
0xfa: {  	[tilespmem:s15], [sflag:$0x2] =	stream.indirect.gather [hbm4b:s6+s31], $0x80, s28, s31, $0xb8;
	[tilespmem:$0x1D778] =	vst v63  }
0xfb: {  	_ =	swait.ge [sflag:s17], $0x2800  }
0xfc: {  	[sflag:s17] =	ssyncset.done $0x0  }
0xfd: {  	[sflag:s17] =	ssyncadd.s32 $0xFFFFD800  }
0xfe: {  	[spmem:s2] =	stream.indirect.scatter.add.f32 [tilespmem:s12], [sflag:$0x4], $0x80, s20, s31, $0xb8;
	[tilespmem:$0x1D778] =	vst v63  }
0xff: {  	_ =	swait.ge [sflag:s29], $0x2800  }
0x100: {  	[sflag:s29] =	ssyncset.done $0x0  }
0x101: {  	[sflag:s29] =	ssyncadd.s32 $0xFFFFD800  }
0x102: {  	[tilespmem:s12], [sflag:$0x3] =	stream.indirect.gather [hbm4b:s6+s31], $0x80, s21, s31, $0xb8;
	[tilespmem:$0x1D778] =	vst v63  }
0x103: {  	_ =	swait.ge [sflag:s13], $0x2800  }
0x104: {  	[sflag:s13] =	ssyncset.done $0x0  }
0x105: {  	[sflag:s13] =	ssyncadd.s32 $0xFFFFD800  }
0x106: {  	[spmem:s2] =	stream.indirect.scatter.add.f32 [tilespmem:s0], [sflag:$0x4], $0x80, s18, s31, $0xb8;
	[tilespmem:$0x1D778] =	vst v63  }
0x107: {  	_ =	swait.ge [sflag:s29], $0x2800  }
0x108: {  	[sflag:s29] =	ssyncset.done $0x0  }
0x109: {  	[sflag:s29] =	ssyncadd.s32 $0xFFFFD800  }
0x10a: {  	[tilespmem:s0], [sflag:$0x1] =	stream.indirect.gather [hbm4b:s6+s31], $0x80, s19, s31, $0xb8;
	[tilespmem:$0x1D778] =	vst v63  }
0x10b: {  	_ =	swait.ge [sflag:s16], $0x2800  }
0x10c: {  	[sflag:s16] =	ssyncset.done $0x0  }
0x10d: {  	[sflag:s16] =	ssyncadd.s32 $0xFFFFD800  }
0x10e: {  	[spmem:s2] =	stream.indirect.scatter.add.f32 [tilespmem:s15], [sflag:$0x4], $0x80, s10, s31, $0xb8;
	[tilespmem:$0x1D778] =	vst v63  }
0x10f: {  	_ =	swait.ge [sflag:s29], $0x2800  }
0x110: {  	[sflag:s29] =	ssyncset.done $0x0  }
0x111: {  	[sflag:s29] =	ssyncadd.s32 $0xFFFFD800  }
0x112: {  	_ =	swait.ge [sflag:s17], $0x2800  }
0x113: {  	[sflag:s17] =	ssyncset.done $0x0  }
0x114: {  	[sflag:s17] =	ssyncadd.s32 $0xFFFFD800  }
0x115: {  	[spmem:s2] =	stream.indirect.scatter.add.f32 [tilespmem:s12], [sflag:$0x4], $0x80, s11, s31, $0xb8;
	[tilespmem:$0x1D778] =	vst v63  }
0x116: {  	_ =	swait.ge [sflag:s29], $0x2800  }
0x117: {  	[sflag:s29] =	ssyncset.done $0x0  }
0x118: {  	[sflag:s29] =	ssyncadd.s32 $0xFFFFD800  }
0x119: {  	_ =	swait.ge [sflag:s13], $0x2800  }
0x11a: {  	[sflag:s13] =	ssyncset.done $0x0  }
0x11b: {  	[sflag:s13] =	ssyncadd.s32 $0xFFFFD800  }
0x11c: {  	[spmem:s2] =	stream.indirect.scatter.add.f32 [tilespmem:s0], [sflag:$0x4], $0x80, s14, s31, $0xb8;
	[tilespmem:$0x1D778] =	vst v63  }
0x11d: {  	_ =	swait.ge [sflag:s29], $0x2800  }
0x11e: {  	[sflag:s29] =	ssyncset.done $0x0  }
0x11f: {  	[sflag:s29] =	ssyncadd.s32 $0xFFFFD800  }
0x120: {  	[bflag:$0x0] =	sbarrier.arrive $0xFFFF  }
0x121: {  	s9 =	sld [smem:$0x7E5]  }
0x122: {  	s23 =	sld [smem:$0x7DC];
	_ =	sdelay $0x1  }
0x123: {  	s5 =	simm.s32 @p2 $0x1FC4  }
0x124: {  	[hbm:s9], [sflag:s5] =	dma.local @p2 [spmem:s23], $0x2800  }
0x125: {  	s5 =	simm.s32 @p2 $0x4  }
0x126: {  	_ =	swait.ge @p2 [sflag:s5], $0x2800  }
0x127: {  	s9 =	sld [smem:$0x7DD]  }
0x128: {  	[sflag:s5] =	ssyncset.done @p2 $0x0;
	s23 =	sld [smem:$0x7DE]  }
0x129: {  	[sflag:s5] =	ssyncadd.s32 @p2 $0xFFFFD800;
	s5 =	sld [smem:$0x7E2];
	_ =	sdelay $0x2  }
0x12a: {  	[hbm:s5], [sflag:s23] =	dma.local @!p2 [spmem:s9], $0x2700  }
0x12b: {  	s5 =	simm.s32 @!p2 $0x4  }
0x12c: {  	_ =	swait.ge @!p2 [sflag:s5], $0x2700  }
0x12d: {  	s24 =	stileid.u32;
	[sflag:s5] =	ssyncset.done @!p2 $0x0  }
0x12e: {  	s26 =	simm.s32 $0x0;
	s25 =	sld [smem:$0x7FD];
	[sflag:s5] =	ssyncadd.s32 @!p2 $0xFFFFD900  }
.LBB2_14:
0x12f: {  	s5 =	sld [smem:$0x7EF];
	_ =	sdelay $0x1  }
0x130: {  	s22 =	sadd.s32 $0x1, s22  }
0x131: {  	p3 =	sne.s32 s22, s5  }
.Ltmp1:
0x132: {  	_ = 	snop;
	(pc) =	sbr.rel @!p3 .LBB2_15-.Ltmp1, $1  }
0x133: {  	_ =	sdelay $0x3  }
.LBB2_1:
0x134: {  	[tilespmem:s26], [sflag:$0x4] =	stream.linear.gather [hbm4b:s7+s26], $0xC80, $0x38;
	[tilespmem:$0x1D778] =	vst v63  }
0x135: {  	_ =	swait.ge [sflag:s29], $0xC80  }
0x136: {  	[sflag:s29] =	ssyncset.done $0x0  }
0x137: {  	[sflag:s29] =	ssyncadd.s32 $0xFFFFF380  }
0x138: {  	[tilespmem:s30], [sflag:$0x4] =	stream.linear.gather [hbm4b:s8+s26], $0xC80, $0x38;
	[tilespmem:$0x1D778] =	vst v63  }
0x139: {  	_ =	swait.ge [sflag:s29], $0xC80  }
0x13a: {  	[sflag:s29] =	ssyncset.done $0x0  }
0x13b: {  	[sflag:s29] =	ssyncadd.s32 $0xFFFFF380  }
0x13c: {  	[tilespmem:s0], [sflag:$0x1] =	stream.indirect.gather [hbm4b:s25+s31], $0x80, s26, s31, $0xb8;
	[tilespmem:$0x1D778] =	vst v63  }
0x13d: {  	s5 =	simm.s32 $0x80  }
0x13e: {  	[tilespmem:s15], [sflag:$0x2] =	stream.indirect.gather [hbm4b:s25+s31], $0x80, s5, s31, $0xb8;
	[tilespmem:$0x1D778] =	vst v63  }
0x13f: {  	s9 =	simm.s32 $0x200;
	s5 =	simm.s32 $0x0  }
.LBB2_2:
0x140: {  	p3 =	sne.s32 s9, $0x9E00;
	[tilespmem:s5+$0x7070] =	vst v0  }
0x141: {  	[tilespmem:s5+$0x7000] =	vst v0  }
0x142: {  	[tilespmem:s5+$0x7010] =	vst v0  }
.Ltmp2:
0x143: {  	[tilespmem:s5+$0x7020] =	vst v0;
	(pc) =	sbr.rel @p3 .LBB2_2-.Ltmp2, $4  }
0x144: {  	[tilespmem:s5+$0x7030] =	vst v0  }
0x145: {  	[tilespmem:s5+$0x7040] =	vst v0  }
0x146: {  	[tilespmem:s5+$0x7050] =	vst v0  }
0x147: {  	[tilespmem:s5+$0x7060] =	vst v0;
	s5 =	sshra.s32 s9, $0x2;
	s9 =	sadd.s32 $0x200, s9  }
0x148: {  	[tilespmem:s5+$0x7070] =	vst v0  }
0x149: {  	[tilespmem:s5+$0x7000] =	vst v0  }
0x14a: {  	[tilespmem:s5+$0x7010] =	vst v0  }
0x14b: {  	[tilespmem:s5+$0x7020] =	vst v0  }
0x14c: {  	[tilespmem:s5+$0x7030] =	vst v0  }
0x14d: {  	[tilespmem:s5+$0x7040] =	vst v0;
	s9 =	sld [smem:$0x7FB]  }
0x14e: {  	[tilespmem:s5+$0x7050] =	vst v0  }
0x14f: {  	[tilespmem:s5+$0x7060] =	vst v0  }
0x150: {  	[spmem:s9] =	stream.linear.scatter [tilespmem:s12], [sflag:$0x4], $0x2800, $0x38;
	[tilespmem:$0x1D778] =	vst v63  }
0x151: {  	_ =	swait.ge [sflag:s29], $0x2800  }
0x152: {  	s28 =	sld [smem:$0x7F1]  }
0x153: {  	[sflag:s29] =	ssyncset.done $0x0  }
0x154: {  	[sflag:s29] =	ssyncadd.s32 $0xFFFFD800  }
0x155: {  	[spmem:s28] =	stream.linear.scatter [tilespmem:s12], [sflag:$0x4], $0x2800, $0x38;
	[tilespmem:$0x1D778] =	vst v63  }
0x156: {  	_ =	swait.ge [sflag:s29], $0x2800  }
0x157: {  	s23 =	sld [smem:$0x7F3]  }
0x158: {  	[sflag:s29] =	ssyncset.done $0x0  }
0x159: {  	[sflag:s29] =	ssyncadd.s32 $0xFFFFD800  }
0x15a: {  	[spmem:s23] =	stream.linear.scatter [tilespmem:s12], [sflag:$0x4], $0x2800, $0x38;
	[tilespmem:$0x1D778] =	vst v63  }
0x15b: {  	_ =	swait.ge [sflag:s29], $0x2800  }
0x15c: {  	s28 =	sld [smem:$0x7F5]  }
0x15d: {  	[sflag:s29] =	ssyncset.done $0x0  }
0x15e: {  	[sflag:s29] =	ssyncadd.s32 $0xFFFFD800  }
0x15f: {  	[spmem:s28] =	stream.linear.scatter [tilespmem:s12], [sflag:$0x4], $0x2800, $0x38;
	[tilespmem:$0x1D778] =	vst v63  }
0x160: {  	_ =	swait.ge [sflag:s29], $0x2800  }
0x161: {  	s23 =	sld [smem:$0x7F9]  }
0x162: {  	[sflag:s29] =	ssyncset.done $0x0  }
0x163: {  	[sflag:s29] =	ssyncadd.s32 $0xFFFFD800  }
0x164: {  	[spmem:s23] =	stream.linear.scatter [tilespmem:s12], [sflag:$0x4], $0x2800, $0x38;
	[tilespmem:$0x1D778] =	vst v63  }
0x165: {  	_ =	swait.ge [sflag:s29], $0x2800  }
0x166: {  	s28 =	sld [smem:$0x7FA]  }
0x167: {  	[sflag:s29] =	ssyncset.done $0x0  }
0x168: {  	[sflag:s29] =	ssyncadd.s32 $0xFFFFD800  }
0x169: {  	[spmem:s28] =	stream.linear.scatter [tilespmem:s12], [sflag:$0x4], $0x2800, $0x38;
	[tilespmem:$0x1D778] =	vst v63  }
0x16a: {  	_ =	swait.ge [sflag:s29], $0x2800  }
0x16b: {  	s23 =	sld [smem:$0x7FC]  }
0x16c: {  	[sflag:s29] =	ssyncset.done $0x0  }
0x16d: {  	[sflag:s29] =	ssyncadd.s32 $0xFFFFD800  }
0x16e: {  	[spmem:s23] =	stream.linear.scatter [tilespmem:s12], [sflag:$0x4], $0x2800, $0x38;
	[tilespmem:$0x1D778] =	vst v63  }
0x16f: {  	_ =	swait.ge [sflag:s29], $0x2800  }
0x170: {  	s23 =	sld [smem:$0x7E0]  }
0x171: {  	[sflag:s29] =	ssyncset.done $0x0  }
0x172: {  	s5 =	simm.s32 @p2 $0x7000;
	[sflag:s29] =	ssyncadd.s32 $0xFFFFD800  }
0x173: {  	[spmem:s23] =	stream.linear.scatter @p2 [tilespmem:s5], [sflag:$0x4], $0x2800, $0x38;
	[tilespmem:$0x1D778] =	vst v63  }
0x174: {  	s5 =	simm.s32 @p2 $0x4  }
0x175: {  	_ =	swait.ge @p2 [sflag:s5], $0x2800  }
0x176: {  	s23 =	sld [smem:$0x7DF]  }
0x177: {  	[sflag:s5] =	ssyncset.done @p2 $0x0  }
0x178: {  	[sflag:s5] =	ssyncadd.s32 @p2 $0xFFFFD800;
	s5 =	simm.s32 @!p2 $0x7000  }
0x179: {  	[spmem:s23] =	stream.linear.scatter @!p2 [tilespmem:s5], [sflag:$0x4], $0x2000, $0x38;
	[tilespmem:$0x1D778] =	vst v63  }
0x17a: {  	s5 =	simm.s32 @!p2 $0x4  }
0x17b: {  	_ =	swait.ge @!p2 [sflag:s5], $0x2000  }
0x17c: {  	[sflag:s5] =	ssyncset.done @!p2 $0x0  }
0x17d: {  	s28 =	simm.s32 $0x100;
	[sflag:s5] =	ssyncadd.s32 @!p2 $0xFFFFE000  }
0x17e: {  	[tilespmem:s12], [sflag:$0x3] =	stream.indirect.gather [hbm4b:s25+s31], $0x80, s28, s31, $0xb8;
	[tilespmem:$0x1D778] =	vst v63  }
0x17f: {  	[tilespmem:$0x9800] =	vst v1  }
0x180: {  	[tilespmem:$0x9810] =	vst v1  }
0x181: {  	[tilespmem:$0x9820] =	vst v1  }
0x182: {  	[tilespmem:$0x9830] =	vst v1  }
0x183: {  	[tilespmem:$0x9840] =	vst v1  }
0x184: {  	[tilespmem:$0x9880] =	vst v0  }
0x185: {  	[tilespmem:$0x9890] =	vst v0  }
0x186: {  	[tilespmem:$0x98A0] =	vst v0  }
0x187: {  	[tilespmem:$0x98B0] =	vst v0  }
0x188: {  	[tilespmem:$0x98C0] =	vst v0  }
0x189: {  	[tilespmem:$0x98D0] =	vst v0  }
0x18a: {  	[tilespmem:$0x98E0] =	vst v0  }
0x18b: {  	[tilespmem:$0x98F0] =	vst v0  }
0x18c: {  	[tilespmem:$0x9900] =	vst v0  }
0x18d: {  	[tilespmem:$0x9910] =	vst v0  }
0x18e: {  	[tilespmem:$0x9920] =	vst v0  }
0x18f: {  	[tilespmem:$0x9930] =	vst v0  }
0x190: {  	[tilespmem:$0x9940] =	vst v0  }
0x191: {  	[tilespmem:$0x9950] =	vst v0  }
0x192: {  	[tilespmem:$0x9960] =	vst v0  }
0x193: {  	[tilespmem:$0x9970] =	vst v0  }
0x194: {  	[tilespmem:$0x9980] =	vst v0  }
0x195: {  	[tilespmem:$0x9990] =	vst v0  }
0x196: {  	[tilespmem:$0x99A0] =	vst v0  }
0x197: {  	[tilespmem:$0x99B0] =	vst v0  }
0x198: {  	[tilespmem:$0x99C0] =	vst v0  }
0x199: {  	[tilespmem:$0x99D0] =	vst v0  }
0x19a: {  	[tilespmem:$0x99E0] =	vst v0  }
0x19b: {  	[tilespmem:$0x99F0] =	vst v0  }
0x19c: {  	[tilespmem:$0x9A00] =	vst v0  }
0x19d: {  	[tilespmem:$0x9A10] =	vst v0  }
0x19e: {  	[tilespmem:$0x9A20] =	vst v0  }
0x19f: {  	[tilespmem:$0x9A30] =	vst v0  }
0x1a0: {  	[tilespmem:$0x9A40] =	vst v0  }
0x1a1: {  	[tilespmem:$0x9A50] =	vst v0  }
0x1a2: {  	[tilespmem:$0x9A60] =	vst v0  }
0x1a3: {  	[tilespmem:$0x9A70] =	vst v0  }
0x1a4: {  	[tilespmem:$0x9A80] =	vst v0  }
0x1a5: {  	[tilespmem:$0x9A90] =	vst v0  }
0x1a6: {  	[tilespmem:$0x9AA0] =	vst v0  }
0x1a7: {  	[tilespmem:$0x9AB0] =	vst v0  }
0x1a8: {  	[tilespmem:$0x9AC0] =	vst v0  }
0x1a9: {  	[tilespmem:$0x9AD0] =	vst v0  }
0x1aa: {  	[tilespmem:$0x9AE0] =	vst v0  }
0x1ab: {  	[tilespmem:$0x9AF0] =	vst v0  }
0x1ac: {  	[tilespmem:$0x9B00] =	vst v0  }
0x1ad: {  	[tilespmem:$0x9B10] =	vst v0  }
0x1ae: {  	[tilespmem:$0x9B20] =	vst v0  }
0x1af: {  	[tilespmem:$0x9B30] =	vst v0  }
0x1b0: {  	[tilespmem:$0x9B40] =	vst v0  }
0x1b1: {  	[tilespmem:$0x9B50] =	vst v0  }
0x1b2: {  	[tilespmem:$0x9B60] =	vst v0  }
0x1b3: {  	[tilespmem:$0x9B70] =	vst v0  }
0x1b4: {  	[tilespmem:$0x9B80] =	vst v0  }
0x1b5: {  	[tilespmem:$0x9B90] =	vst v0  }
0x1b6: {  	[tilespmem:$0x9BA0] =	vst v0  }
0x1b7: {  	[tilespmem:$0x9BB0] =	vst v0  }
0x1b8: {  	[tilespmem:$0x9BC0] =	vst v0  }
0x1b9: {  	[tilespmem:$0x9BD0] =	vst v0  }
0x1ba: {  	[tilespmem:$0x9BE0] =	vst v0  }
0x1bb: {  	[tilespmem:$0x9BF0] =	vst v0  }
0x1bc: {  	[tilespmem:$0x9C00] =	vst v0  }
0x1bd: {  	[tilespmem:$0x9C10] =	vst v0  }
0x1be: {  	[tilespmem:$0x9C20] =	vst v0  }
.Ltmp3:
0x1bf: {  	s23 =	sld [smem:$0x7E3];
	[tilespmem:$0x9C30] =	vst v0;
	(pc) =	sbr.rel @!p0 .LBB2_5-.Ltmp3, $4  }
0x1c0: {  	s9 =	sshrl.u32 @!p2 s9, $0x3;
	s5 =	sshll.u32 @!p2 s24, $0x6;
	[tilespmem:$0x9C40] =	vst v0  }
0x1c1: {  	[smem:$0x7DD] =	sst s9;
	s5 =	sor.u32 @!p2 $0x1C04, s5;
	[tilespmem:$0x9C50] =	vst v0  }
0x1c2: {  	[tilespmem:$0x9C60] =	vst v0;
	s23 =	sshrl.u32 @p2 s23, $0x3;
	[smem:$0x7DE] =	sst s5  }
0x1c3: {  	[tilespmem:$0x9C70] =	vst v0;
	[smem:$0x7DC] =	sst s23  }
0x1c4: {  	s5 =	sld [smem:$0x7E1];
	_ =	sdelay $0x1  }
0x1c5: {  	s9 =	simm.s32 $0x9880  }
0x1c6: {  	[spmem:s5] =	stream.linear.scatter [tilespmem:s9], [sflag:$0x4], $0x3E8, $0x38;
	[tilespmem:$0x1D778] =	vst v63  }
.Ltmp4:
0x1c7: {  	_ =	swait.ge [sflag:s29], $0x3E8;
	(pc) =	sbr.rel .LBB2_6-.Ltmp4, $3  }
0x1c8: {  	[sflag:s29] =	ssyncset.done $0x0  }
0x1c9: {  	[sflag:s29] =	ssyncadd.s32 $0xFFFFFC18  }
0x1ca: {  	[bflag:$0x0] =	sbarrier.arrive $0xFFFF;
	_ =	sdelay $0x1  }
.LBB2_5:
.Ltmp5:
0x1cb: {  	(pc) =	sbr.rel @p1 .LBB2_11-.Ltmp5, $2  }
0x1cc: {  	_ =	sdelay $0x1  }
0x1cd: {  	[bflag:$0x0] =	sbarrier.arrive $0xFFFF;
	_ =	sdelay $0x1  }
.LBB2_6:
0x1ce: {  	s5 =	simm.s32 $0x0  }
.LBB2_7:
0x1cf: {  	p3 =	seq.s32 s5, $0x0  }
0x1d0: {  	s9 =	sshll.u32 @!p3 s5, $0x9  }
0x1d1: {  	s23 =	simm.s32 @!p3 $0x0;
	s28 =	sadd.s32 @!p3 s7, s9  }
0x1d2: {  	[tilespmem:s23], [sflag:$0x4] =	stream.linear.gather @!p3 [hbm4b:s28+s23], $0xC80, $0x38;
	[tilespmem:$0x1D778] =	vst v63  }
0x1d3: {  	s28 =	simm.s32 @!p3 $0x4  }
0x1d4: {  	_ =	swait.ge @!p3 [sflag:s28], $0xC80  }
0x1d5: {  	[sflag:s28] =	ssyncset.done @!p3 $0x0  }
0x1d6: {  	s25 =	simm.s32 @!p3 $0x1000;
	s9 =	sadd.s32 @!p3 s8, s9;
	[sflag:s28] =	ssyncadd.s32 @!p3 $0xFFFFF380  }
0x1d7: {  	[tilespmem:s25], [sflag:$0x4] =	stream.linear.gather @!p3 [hbm4b:s9+s23], $0xC80, $0x38;
	[tilespmem:$0x1D778] =	vst v63  }
0x1d8: {  	_ =	swait.ge @!p3 [sflag:s28], $0xC80  }
0x1d9: {  	[sflag:s28] =	ssyncset.done @!p3 $0x0  }
0x1da: {  	s9 =	simm.s32 @!p3 $0x50;
	s25 =	simm.s32 @!p3 $0x2000;
	[sflag:s28] =	ssyncadd.s32 @!p3 $0xFFFFF380  }
0x1db: {  	[tilespmem:s25], [sflag:$0x1] =	stream.indirect.gather @!p3 [hbm4b:s1+s9], $0x80, s23, s9, $0xb8;
	[tilespmem:$0x1D778] =	vst v63  }
0x1dc: {  	s23 =	simm.s32 @!p3 $0x80;
	s25 =	simm.s32 @!p3 $0x4800  }
0x1dd: {  	[tilespmem:s25], [sflag:$0x2] =	stream.indirect.gather @!p3 [hbm4b:s1+s9], $0x80, s23, s9, $0xb8;
	[tilespmem:$0x1D778] =	vst v63  }
0x1de: {  	s23 =	simm.s32 @!p3 $0x100;
	s25 =	simm.s32 @!p3 $0x7000  }
0x1df: {  	[tilespmem:s25], [sflag:$0x3] =	stream.indirect.gather @!p3 [hbm4b:s1+s9], $0x80, s23, s9, $0xb8;
	[tilespmem:$0x1D778] =	vst v63  }
0x1e0: {  	_ =	swait.ge [sflag:s13], $0x2800  }
0x1e1: {  	[sflag:s13] =	ssyncset.done $0x0  }
0x1e2: {  	s25 =	simm.s32 $0x1000;
	[sflag:s13] =	ssyncadd.s32 $0xFFFFD800  }
0x1e3: {  	[spmem:s2] =	stream.indirect.scatter.add.f32 [tilespmem:s0], [sflag:$0x4], $0x80, s25, s31, $0xb8;
	[tilespmem:$0x1D778] =	vst v63  }
0x1e4: {  	_ =	swait.ge [sflag:s29], $0x2800  }
0x1e5: {  	[sflag:s29] =	ssyncset.done $0x0  }
0x1e6: {  	[sflag:s29] =	ssyncadd.s32 $0xFFFFD800  }
0x1e7: {  	[spmem:s4] =	stream.indirect.scatter.add.f32 [tilespmem:s3], [sflag:$0x4], $0x1, s25, s31, $0xb8;
	[tilespmem:$0x1D778] =	vst v63  }
0x1e8: {  	_ =	swait.ge [sflag:s29], $0x50  }
0x1e9: {  	[sflag:s29] =	ssyncset.done $0x0  }
0x1ea: {  	s23 =	simm.s32 $0x180;
	[sflag:s29] =	ssyncadd.s32 $0xFFFFFFB0  }
0x1eb: {  	[tilespmem:s0], [sflag:$0x1] =	stream.indirect.gather [hbm4b:s1+s31], $0x80, s23, s31, $0xb8;
	[tilespmem:$0x1D778] =	vst v63  }
0x1ec: {  	_ =	swait.ge [sflag:s16], $0x2800  }
0x1ed: {  	[sflag:s16] =	ssyncset.done $0x0  }
0x1ee: {  	s25 =	simm.s32 $0x1080;
	[sflag:s16] =	ssyncadd.s32 $0xFFFFD800  }
0x1ef: {  	[spmem:s2] =	stream.indirect.scatter.add.f32 [tilespmem:s15], [sflag:$0x4], $0x80, s25, s31, $0xb8;
	[tilespmem:$0x1D778] =	vst v63  }
0x1f0: {  	_ =	swait.ge [sflag:s29], $0x2800  }
0x1f1: {  	[sflag:s29] =	ssyncset.done $0x0  }
0x1f2: {  	[sflag:s29] =	ssyncadd.s32 $0xFFFFD800  }
0x1f3: {  	[spmem:s4] =	stream.indirect.scatter.add.f32 [tilespmem:s3], [sflag:$0x4], $0x1, s25, s31, $0xb8;
	[tilespmem:$0x1D778] =	vst v63  }
0x1f4: {  	_ =	swait.ge [sflag:s29], $0x50  }
0x1f5: {  	[sflag:s29] =	ssyncset.done $0x0  }
0x1f6: {  	s23 =	simm.s32 $0x200;
	[sflag:s29] =	ssyncadd.s32 $0xFFFFFFB0  }
0x1f7: {  	[tilespmem:s15], [sflag:$0x2] =	stream.indirect.gather [hbm4b:s1+s31], $0x80, s23, s31, $0xb8;
	[tilespmem:$0x1D778] =	vst v63  }
0x1f8: {  	_ =	swait.ge [sflag:s17], $0x2800  }
0x1f9: {  	[sflag:s17] =	ssyncset.done $0x0  }
0x1fa: {  	s25 =	simm.s32 $0x1100;
	[sflag:s17] =	ssyncadd.s32 $0xFFFFD800  }
0x1fb: {  	[spmem:s2] =	stream.indirect.scatter.add.f32 [tilespmem:s12], [sflag:$0x4], $0x80, s25, s31, $0xb8;
	[tilespmem:$0x1D778] =	vst v63  }
0x1fc: {  	_ =	swait.ge [sflag:s29], $0x2800  }
0x1fd: {  	[sflag:s29] =	ssyncset.done $0x0  }
0x1fe: {  	[sflag:s29] =	ssyncadd.s32 $0xFFFFD800  }
0x1ff: {  	[spmem:s4] =	stream.indirect.scatter.add.f32 [tilespmem:s3], [sflag:$0x4], $0x1, s25, s31, $0xb8;
	[tilespmem:$0x1D778] =	vst v63  }
0x200: {  	_ =	swait.ge [sflag:s29], $0x50  }
0x201: {  	[sflag:s29] =	ssyncset.done $0x0  }
0x202: {  	s28 =	simm.s32 $0x600;
	s9 =	simm.s32 $0x280;
	[sflag:s29] =	ssyncadd.s32 $0xFFFFFFB0  }
.LBB2_8:
0x203: {  	[tilespmem:s12], [sflag:$0x3] =	stream.indirect.gather [hbm4b:s1+s31], $0x80, s9, s31, $0xb8;
	[tilespmem:$0x1D778] =	vst v63  }
0x204: {  	s9 =	smov.u32 s28  }
0x205: {  	p3 =	sne.s32 s28, $0x2400;
	s28 =	sadd.s32 $0x600, s28;
	_ =	swait.ge [sflag:s13], $0x2800  }
0x206: {  	s9 =	sshra.s32 s9, $0x2;
	[sflag:s13] =	ssyncset.done $0x0  }
0x207: {  	s23 =	sadd.s32 $0x1000, s9;
	[sflag:s13] =	ssyncadd.s32 $0xFFFFD800  }
0x208: {  	[spmem:s2] =	stream.indirect.scatter.add.f32 [tilespmem:s0], [sflag:$0x4], $0x80, s23, s31, $0xb8;
	[tilespmem:$0x1D778] =	vst v63  }
0x209: {  	_ =	swait.ge [sflag:s29], $0x2800  }
0x20a: {  	[sflag:s29] =	ssyncset.done $0x0  }
0x20b: {  	[sflag:s29] =	ssyncadd.s32 $0xFFFFD800  }
0x20c: {  	[spmem:s4] =	stream.indirect.scatter.add.f32 [tilespmem:s3], [sflag:$0x4], $0x1, s23, s31, $0xb8;
	[tilespmem:$0x1D778] =	vst v63  }
0x20d: {  	_ =	swait.ge [sflag:s29], $0x50  }
0x20e: {  	[sflag:s29] =	ssyncset.done $0x0  }
0x20f: {  	s23 =	sadd.s32 $0x180, s9;
	[sflag:s29] =	ssyncadd.s32 $0xFFFFFFB0  }
0x210: {  	[tilespmem:s0], [sflag:$0x1] =	stream.indirect.gather [hbm4b:s1+s31], $0x80, s23, s31, $0xb8;
	[tilespmem:$0x1D778] =	vst v63  }
0x211: {  	_ =	swait.ge [sflag:s16], $0x2800  }
0x212: {  	[sflag:s16] =	ssyncset.done $0x0  }
0x213: {  	s23 =	sadd.s32 $0x1080, s9;
	[sflag:s16] =	ssyncadd.s32 $0xFFFFD800  }
0x214: {  	[spmem:s2] =	stream.indirect.scatter.add.f32 [tilespmem:s15], [sflag:$0x4], $0x80, s23, s31, $0xb8;
	[tilespmem:$0x1D778] =	vst v63  }
0x215: {  	_ =	swait.ge [sflag:s29], $0x2800  }
0x216: {  	[sflag:s29] =	ssyncset.done $0x0  }
0x217: {  	[sflag:s29] =	ssyncadd.s32 $0xFFFFD800  }
0x218: {  	[spmem:s4] =	stream.indirect.scatter.add.f32 [tilespmem:s3], [sflag:$0x4], $0x1, s23, s31, $0xb8;
	[tilespmem:$0x1D778] =	vst v63  }
0x219: {  	_ =	swait.ge [sflag:s29], $0x50  }
0x21a: {  	[sflag:s29] =	ssyncset.done $0x0  }
0x21b: {  	s23 =	sadd.s32 $0x200, s9;
	[sflag:s29] =	ssyncadd.s32 $0xFFFFFFB0  }
0x21c: {  	[tilespmem:s15], [sflag:$0x2] =	stream.indirect.gather [hbm4b:s1+s31], $0x80, s23, s31, $0xb8;
	[tilespmem:$0x1D778] =	vst v63  }
0x21d: {  	_ =	swait.ge [sflag:s17], $0x2800  }
0x21e: {  	[sflag:s17] =	ssyncset.done $0x0  }
0x21f: {  	s23 =	sadd.s32 $0x1100, s9;
	[sflag:s17] =	ssyncadd.s32 $0xFFFFD800  }
0x220: {  	[spmem:s2] =	stream.indirect.scatter.add.f32 [tilespmem:s12], [sflag:$0x4], $0x80, s23, s31, $0xb8;
	[tilespmem:$0x1D778] =	vst v63  }
0x221: {  	_ =	swait.ge [sflag:s29], $0x2800  }
0x222: {  	[sflag:s29] =	ssyncset.done $0x0  }
.Ltmp6:
0x223: {  	[sflag:s29] =	ssyncadd.s32 $0xFFFFD800;
	(pc) =	sbr.rel @p3 .LBB2_8-.Ltmp6, $4  }
0x224: {  	[spmem:s4] =	stream.indirect.scatter.add.f32 [tilespmem:s3], [sflag:$0x4], $0x1, s23, s31, $0xb8;
	[tilespmem:$0x1D778] =	vst v63  }
0x225: {  	_ =	swait.ge [sflag:s29], $0x50  }
0x226: {  	[sflag:s29] =	ssyncset.done $0x0  }
0x227: {  	s9 =	sadd.s32 $0x280, s9;
	[sflag:s29] =	ssyncadd.s32 $0xFFFFFFB0  }
0x228: {  	[tilespmem:s12], [sflag:$0x3] =	stream.indirect.gather [hbm4b:s1+s31], $0x80, s9, s31, $0xb8;
	[tilespmem:$0x1D778] =	vst v63  }
0x229: {  	_ =	swait.ge [sflag:s13], $0x2800  }
0x22a: {  	[sflag:s13] =	ssyncset.done $0x0  }
0x22b: {  	[sflag:s13] =	ssyncadd.s32 $0xFFFFD800  }
0x22c: {  	[spmem:s2] =	stream.indirect.scatter.add.f32 [tilespmem:s0], [sflag:$0x4], $0x80, s18, s31, $0xb8;
	[tilespmem:$0x1D778] =	vst v63  }
0x22d: {  	_ =	swait.ge [sflag:s29], $0x2800  }
0x22e: {  	[sflag:s29] =	ssyncset.done $0x0  }
0x22f: {  	[sflag:s29] =	ssyncadd.s32 $0xFFFFD800  }
0x230: {  	[spmem:s4] =	stream.indirect.scatter.add.f32 [tilespmem:s3], [sflag:$0x4], $0x1, s18, s31, $0xb8;
	[tilespmem:$0x1D778] =	vst v63  }
0x231: {  	_ =	swait.ge [sflag:s29], $0x50  }
0x232: {  	[sflag:s29] =	ssyncset.done $0x0  }
0x233: {  	[sflag:s29] =	ssyncadd.s32 $0xFFFFFFB0  }
0x234: {  	[tilespmem:s0], [sflag:$0x1] =	stream.indirect.gather [hbm4b:s1+s31], $0x80, s19, s31, $0xb8;
	[tilespmem:$0x1D778] =	vst v63  }
0x235: {  	_ =	swait.ge [sflag:s16], $0x2800  }
0x236: {  	[sflag:s16] =	ssyncset.done $0x0  }
0x237: {  	[sflag:s16] =	ssyncadd.s32 $0xFFFFD800  }
0x238: {  	[spmem:s2] =	stream.indirect.scatter.add.f32 [tilespmem:s15], [sflag:$0x4], $0x80, s10, s31, $0xb8;
	[tilespmem:$0x1D778] =	vst v63  }
0x239: {  	_ =	swait.ge [sflag:s29], $0x2800  }
0x23a: {  	[sflag:s29] =	ssyncset.done $0x0  }
0x23b: {  	[sflag:s29] =	ssyncadd.s32 $0xFFFFD800  }
0x23c: {  	[spmem:s4] =	stream.indirect.scatter.add.f32 [tilespmem:s3], [sflag:$0x4], $0x1, s10, s31, $0xb8;
	[tilespmem:$0x1D778] =	vst v63  }
0x23d: {  	_ =	swait.ge [sflag:s29], $0x50  }
0x23e: {  	[sflag:s29] =	ssyncset.done $0x0  }
0x23f: {  	[sflag:s29] =	ssyncadd.s32 $0xFFFFFFB0  }
0x240: {  	_ =	swait.ge [sflag:s17], $0x2800  }
0x241: {  	[sflag:s17] =	ssyncset.done $0x0  }
0x242: {  	[sflag:s17] =	ssyncadd.s32 $0xFFFFD800  }
0x243: {  	[spmem:s2] =	stream.indirect.scatter.add.f32 [tilespmem:s12], [sflag:$0x4], $0x80, s11, s31, $0xb8;
	[tilespmem:$0x1D778] =	vst v63  }
0x244: {  	_ =	swait.ge [sflag:s29], $0x2800  }
0x245: {  	[sflag:s29] =	ssyncset.done $0x0  }
0x246: {  	[sflag:s29] =	ssyncadd.s32 $0xFFFFD800  }
0x247: {  	[spmem:s4] =	stream.indirect.scatter.add.f32 [tilespmem:s3], [sflag:$0x4], $0x1, s11, s31, $0xb8;
	[tilespmem:$0x1D778] =	vst v63  }
0x248: {  	_ =	swait.ge [sflag:s29], $0x50  }
0x249: {  	[sflag:s29] =	ssyncset.done $0x0  }
0x24a: {  	[sflag:s29] =	ssyncadd.s32 $0xFFFFFFB0  }
0x24b: {  	_ =	swait.ge [sflag:s13], $0x2800  }
0x24c: {  	[sflag:s13] =	ssyncset.done $0x0  }
0x24d: {  	[sflag:s13] =	ssyncadd.s32 $0xFFFFD800  }
0x24e: {  	[spmem:s2] =	stream.indirect.scatter.add.f32 [tilespmem:s0], [sflag:$0x4], $0x80, s14, s31, $0xb8;
	[tilespmem:$0x1D778] =	vst v63  }
0x24f: {  	s5 =	sadd.s32 $0x1, s5;
	_ =	swait.ge [sflag:s29], $0x2800  }
0x250: {  	p3 =	sne.s32 s5, $0x5;
	[sflag:s29] =	ssyncset.done $0x0  }
.Ltmp7:
0x251: {  	[sflag:s29] =	ssyncadd.s32 $0xFFFFD800;
	(pc) =	sbr.rel @p3 .LBB2_7-.Ltmp7, $4  }
0x252: {  	[spmem:s4] =	stream.indirect.scatter.add.f32 [tilespmem:s3], [sflag:$0x4], $0x1, s14, s31, $0xb8;
	[tilespmem:$0x1D778] =	vst v63  }
0x253: {  	_ =	swait.ge [sflag:s29], $0x50  }
0x254: {  	[sflag:s29] =	ssyncset.done $0x0  }
0x255: {  	[sflag:s29] =	ssyncadd.s32 $0xFFFFFFB0  }
0x256: {  	[bflag:$0x0] =	sbarrier.arrive $0xFFFF  }
0x257: {  	s9 =	sld [smem:$0x7E9]  }
0x258: {  	s23 =	sld [smem:$0x7DC];
	_ =	sdelay $0x1  }
0x259: {  	s5 =	simm.s32 @p2 $0x1FC4  }
0x25a: {  	[hbm:s9], [sflag:s5] =	dma.local @p2 [spmem:s23], $0x2800  }
0x25b: {  	s5 =	simm.s32 @p2 $0x4  }
0x25c: {  	_ =	swait.ge @p2 [sflag:s5], $0x2800  }
0x25d: {  	s9 =	sld [smem:$0x7DD]  }
0x25e: {  	[sflag:s5] =	ssyncset.done @p2 $0x0;
	s23 =	sld [smem:$0x7DE]  }
0x25f: {  	[sflag:s5] =	ssyncadd.s32 @p2 $0xFFFFD800;
	s5 =	sld [smem:$0x7E7];
	_ =	sdelay $0x2  }
0x260: {  	[hbm:s5], [sflag:s23] =	dma.local @!p2 [spmem:s9], $0x2700  }
0x261: {  	s5 =	simm.s32 @!p2 $0x4  }
0x262: {  	_ =	swait.ge @!p2 [sflag:s5], $0x2700  }
0x263: {  	s9 =	sld [smem:$0x7EB]  }
0x264: {  	[sflag:s5] =	ssyncset.done @!p2 $0x0  }
0x265: {  	[sflag:s5] =	ssyncadd.s32 @!p2 $0xFFFFD900;
	s5 =	simm.s32 @p0 $0x9880  }
0x266: {  	[tilespmem:s5], [sflag:$0x4] =	stream.linear.gather @p0 [spmem:s9], $0x3E8, $0x38;
	[tilespmem:$0x1D778] =	vst v63  }
0x267: {  	s9 =	simm.s32 @p0 $0x4  }
0x268: {  	_ =	swait.ge @p0 [sflag:s9], $0x3E8  }
0x269: {  	s25 =	sld [smem:$0x7ED]  }
0x26a: {  	[sflag:s9] =	ssyncset.done @p0 $0x0  }
.Ltmp8:
0x26b: {  	s23 =	simm.s32 @p0 $0x0;
	[sflag:s9] =	ssyncadd.s32 @p0 $0xFFFFFC18;
	(pc) =	sbr.rel .LBB2_14-.Ltmp8, $4  }
0x26c: {  	[hbm4b:s25+s23] =	stream.linear.scatter @p0 [tilespmem:s5], [sflag:$0x4], $0x3E8, $0x38;
	[tilespmem:$0x1D778] =	vst v63  }
0x26d: {  	_ =	swait.ge @p0 [sflag:s9], $0x3E8  }
0x26e: {  	[sflag:s9] =	ssyncset.done @p0 $0x0  }
0x26f: {  	s25 =	sld [smem:$0x7FD];
	[sflag:s9] =	ssyncadd.s32 @p0 $0xFFFFFC18  }
.LBB2_11:
0x270: {  	p3 =	por $0x1, $0x1  }
0x271: {  	s5 =	sadd.s32 @!p3 $0x0, s7;
	s9 =	simm.s32 @!p3 $0x0;
	s23 =	simm.s32 @!p3 $0x4  }
0x272: {  	[tilespmem:s9], [sflag:$0x4] =	stream.linear.gather @!p3 [hbm4b:s5+s9], $0xC80, $0x38;
	[tilespmem:$0x1D778] =	vst v63  }
0x273: {  	_ =	swait.ge @!p3 [sflag:s23], $0xC80  }
0x274: {  	[sflag:s23] =	ssyncset.done @!p3 $0x0  }
0x275: {  	s25 =	simm.s32 @!p3 $0x1000;
	s5 =	sadd.s32 @!p3 $0x0, s8;
	[sflag:s23] =	ssyncadd.s32 @!p3 $0xFFFFF380  }
0x276: {  	[tilespmem:s25], [sflag:$0x4] =	stream.linear.gather @!p3 [hbm4b:s5+s9], $0xC80, $0x38;
	[tilespmem:$0x1D778] =	vst v63  }
0x277: {  	_ =	swait.ge @!p3 [sflag:s23], $0xC80  }
0x278: {  	[sflag:s23] =	ssyncset.done @!p3 $0x0  }
0x279: {  	s5 =	simm.s32 @!p3 $0x50;
	[sflag:s23] =	ssyncadd.s32 @!p3 $0xFFFFF380;
	s23 =	simm.s32 @!p3 $0x2000  }
0x27a: {  	[tilespmem:s23], [sflag:$0x1] =	stream.indirect.gather @!p3 [hbm4b:s6+s5], $0x80, s9, s5, $0xb8;
	[tilespmem:$0x1D778] =	vst v63  }
0x27b: {  	s9 =	simm.s32 @!p3 $0x80;
	s23 =	simm.s32 @!p3 $0x4800  }
0x27c: {  	[tilespmem:s23], [sflag:$0x2] =	stream.indirect.gather @!p3 [hbm4b:s6+s5], $0x80, s9, s5, $0xb8;
	[tilespmem:$0x1D778] =	vst v63  }
0x27d: {  	s9 =	simm.s32 @!p3 $0x100;
	s23 =	simm.s32 @!p3 $0x7000  }
0x27e: {  	[tilespmem:s23], [sflag:$0x3] =	stream.indirect.gather @!p3 [hbm4b:s6+s5], $0x80, s9, s5, $0xb8;
	[tilespmem:$0x1D778] =	vst v63  }
0x27f: {  	_ =	swait.ge [sflag:s13], $0x2800  }
0x280: {  	[sflag:s13] =	ssyncset.done $0x0  }
0x281: {  	[sflag:s13] =	ssyncadd.s32 $0xFFFFD800  }
0x282: {  	[spmem:s2] =	stream.indirect.scatter.add.f32 [tilespmem:s0], [sflag:$0x4], $0x80, s30, s31, $0xb8;
	[tilespmem:$0x1D778] =	vst v63  }
0x283: {  	_ =	swait.ge [sflag:s29], $0x2800  }
0x284: {  	[sflag:s29] =	ssyncset.done $0x0  }
0x285: {  	s23 =	rddreg [dreg:$0x5];
	[sflag:s29] =	ssyncadd.s32 $0xFFFFD800  }
0x286: {  	[tilespmem:s0], [sflag:$0x1] =	stream.indirect.gather [hbm4b:s6+s31], $0x80, s23, s31, $0xb8;
	[tilespmem:$0x1D778] =	vst v63  }
0x287: {  	_ =	swait.ge [sflag:s16], $0x2800  }
0x288: {  	[sflag:s16] =	ssyncset.done $0x0  }
0x289: {  	s24 =	rddreg [dreg:$0x6];
	[sflag:s16] =	ssyncadd.s32 $0xFFFFD800  }
0x28a: {  	[spmem:s2] =	stream.indirect.scatter.add.f32 [tilespmem:s15], [sflag:$0x4], $0x80, s24, s31, $0xb8;
	[tilespmem:$0x1D778] =	vst v63  }
0x28b: {  	_ =	swait.ge [sflag:s29], $0x2800  }
0x28c: {  	[sflag:s29] =	ssyncset.done $0x0  }
0x28d: {  	s25 =	rddreg [dreg:$0x7];
	[sflag:s29] =	ssyncadd.s32 $0xFFFFD800  }
0x28e: {  	[tilespmem:s15], [sflag:$0x2] =	stream.indirect.gather [hbm4b:s6+s31], $0x80, s25, s31, $0xb8;
	[tilespmem:$0x1D778] =	vst v63  }
0x28f: {  	_ =	swait.ge [sflag:s17], $0x2800  }
0x290: {  	[sflag:s17] =	ssyncset.done $0x0  }
0x291: {  	s26 =	rddreg [dreg:$0x8];
	[sflag:s17] =	ssyncadd.s32 $0xFFFFD800  }
0x292: {  	[spmem:s2] =	stream.indirect.scatter.add.f32 [tilespmem:s12], [sflag:$0x4], $0x80, s26, s31, $0xb8;
	[tilespmem:$0x1D778] =	vst v63  }
0x293: {  	_ =	swait.ge [sflag:s29], $0x2800  }
0x294: {  	[sflag:s29] =	ssyncset.done $0x0  }
0x295: {  	s9 =	rddreg [dreg:$0x9];
	[sflag:s29] =	ssyncadd.s32 $0xFFFFD800  }
0x296: {  	[tilespmem:s12], [sflag:$0x3] =	stream.indirect.gather [hbm4b:s6+s31], $0x80, s9, s31, $0xb8;
	[tilespmem:$0x1D778] =	vst v63  }
0x297: {  	_ =	swait.ge [sflag:s13], $0x2800  }
0x298: {  	[sflag:s13] =	ssyncset.done $0x0  }
0x299: {  	s23 =	rddreg [dreg:$0xa];
	[sflag:s13] =	ssyncadd.s32 $0xFFFFD800  }
0x29a: {  	[spmem:s2] =	stream.indirect.scatter.add.f32 [tilespmem:s0], [sflag:$0x4], $0x80, s23, s31, $0xb8;
	[tilespmem:$0x1D778] =	vst v63  }
0x29b: {  	_ =	swait.ge [sflag:s29], $0x2800  }
0x29c: {  	[sflag:s29] =	ssyncset.done $0x0  }
0x29d: {  	s24 =	rddreg [dreg:$0xb];
	[sflag:s29] =	ssyncadd.s32 $0xFFFFD800  }
0x29e: {  	[tilespmem:s0], [sflag:$0x1] =	stream.indirect.gather [hbm4b:s6+s31], $0x80, s24, s31, $0xb8;
	[tilespmem:$0x1D778] =	vst v63  }
0x29f: {  	_ =	swait.ge [sflag:s16], $0x2800  }
0x2a0: {  	[sflag:s16] =	ssyncset.done $0x0  }
0x2a1: {  	s25 =	rddreg [dreg:$0xc];
	[sflag:s16] =	ssyncadd.s32 $0xFFFFD800  }
0x2a2: {  	[spmem:s2] =	stream.indirect.scatter.add.f32 [tilespmem:s15], [sflag:$0x4], $0x80, s25, s31, $0xb8;
	[tilespmem:$0x1D778] =	vst v63  }
0x2a3: {  	_ =	swait.ge [sflag:s29], $0x2800  }
0x2a4: {  	[sflag:s29] =	ssyncset.done $0x0  }
0x2a5: {  	s26 =	rddreg [dreg:$0xd];
	[sflag:s29] =	ssyncadd.s32 $0xFFFFD800  }
0x2a6: {  	[tilespmem:s15], [sflag:$0x2] =	stream.indirect.gather [hbm4b:s6+s31], $0x80, s26, s31, $0xb8;
	[tilespmem:$0x1D778] =	vst v63  }
0x2a7: {  	_ =	swait.ge [sflag:s17], $0x2800  }
0x2a8: {  	[sflag:s17] =	ssyncset.done $0x0  }
0x2a9: {  	s9 =	rddreg [dreg:$0xe];
	[sflag:s17] =	ssyncadd.s32 $0xFFFFD800  }
0x2aa: {  	[spmem:s2] =	stream.indirect.scatter.add.f32 [tilespmem:s12], [sflag:$0x4], $0x80, s9, s31, $0xb8;
	[tilespmem:$0x1D778] =	vst v63  }
0x2ab: {  	_ =	swait.ge [sflag:s29], $0x2800  }
0x2ac: {  	[sflag:s29] =	ssyncset.done $0x0  }
0x2ad: {  	s23 =	rddreg [dreg:$0xf];
	[sflag:s29] =	ssyncadd.s32 $0xFFFFD800  }
0x2ae: {  	[tilespmem:s12], [sflag:$0x3] =	stream.indirect.gather [hbm4b:s6+s31], $0x80, s23, s31, $0xb8;
	[tilespmem:$0x1D778] =	vst v63  }
0x2af: {  	_ =	swait.ge [sflag:s13], $0x2800  }
0x2b0: {  	[sflag:s13] =	ssyncset.done $0x0  }
0x2b1: {  	s24 =	rddreg [dreg:$0x10];
	[sflag:s13] =	ssyncadd.s32 $0xFFFFD800  }
0x2b2: {  	[spmem:s2] =	stream.indirect.scatter.add.f32 [tilespmem:s0], [sflag:$0x4], $0x80, s24, s31, $0xb8;
	[tilespmem:$0x1D778] =	vst v63  }
0x2b3: {  	_ =	swait.ge [sflag:s29], $0x2800  }
0x2b4: {  	[sflag:s29] =	ssyncset.done $0x0  }
0x2b5: {  	s25 =	rddreg [dreg:$0x11];
	[sflag:s29] =	ssyncadd.s32 $0xFFFFD800  }
0x2b6: {  	[tilespmem:s0], [sflag:$0x1] =	stream.indirect.gather [hbm4b:s6+s31], $0x80, s25, s31, $0xb8;
	[tilespmem:$0x1D778] =	vst v63  }
0x2b7: {  	_ =	swait.ge [sflag:s16], $0x2800  }
0x2b8: {  	[sflag:s16] =	ssyncset.done $0x0  }
0x2b9: {  	s26 =	rddreg [dreg:$0x12];
	[sflag:s16] =	ssyncadd.s32 $0xFFFFD800  }
0x2ba: {  	[spmem:s2] =	stream.indirect.scatter.add.f32 [tilespmem:s15], [sflag:$0x4], $0x80, s26, s31, $0xb8;
	[tilespmem:$0x1D778] =	vst v63  }
0x2bb: {  	_ =	swait.ge [sflag:s29], $0x2800  }
0x2bc: {  	[sflag:s29] =	ssyncset.done $0x0  }
0x2bd: {  	s9 =	rddreg [dreg:$0x13];
	[sflag:s29] =	ssyncadd.s32 $0xFFFFD800  }
0x2be: {  	[tilespmem:s15], [sflag:$0x2] =	stream.indirect.gather [hbm4b:s6+s31], $0x80, s9, s31, $0xb8;
	[tilespmem:$0x1D778] =	vst v63  }
0x2bf: {  	_ =	swait.ge [sflag:s17], $0x2800  }
0x2c0: {  	[sflag:s17] =	ssyncset.done $0x0  }
0x2c1: {  	s23 =	rddreg [dreg:$0x14];
	[sflag:s17] =	ssyncadd.s32 $0xFFFFD800  }
0x2c2: {  	[spmem:s2] =	stream.indirect.scatter.add.f32 [tilespmem:s12], [sflag:$0x4], $0x80, s23, s31, $0xb8;
	[tilespmem:$0x1D778] =	vst v63  }
0x2c3: {  	_ =	swait.ge [sflag:s29], $0x2800  }
0x2c4: {  	[sflag:s29] =	ssyncset.done $0x0  }
0x2c5: {  	s24 =	rddreg [dreg:$0x15];
	[sflag:s29] =	ssyncadd.s32 $0xFFFFD800  }
0x2c6: {  	[tilespmem:s12], [sflag:$0x3] =	stream.indirect.gather [hbm4b:s6+s31], $0x80, s24, s31, $0xb8;
	[tilespmem:$0x1D778] =	vst v63  }
0x2c7: {  	_ =	swait.ge [sflag:s13], $0x2800  }
0x2c8: {  	[sflag:s13] =	ssyncset.done $0x0  }
0x2c9: {  	s25 =	rddreg [dreg:$0x16];
	[sflag:s13] =	ssyncadd.s32 $0xFFFFD800  }
0x2ca: {  	[spmem:s2] =	stream.indirect.scatter.add.f32 [tilespmem:s0], [sflag:$0x4], $0x80, s25, s31, $0xb8;
	[tilespmem:$0x1D778] =	vst v63  }
0x2cb: {  	_ =	swait.ge [sflag:s29], $0x2800  }
0x2cc: {  	[sflag:s29] =	ssyncset.done $0x0  }
0x2cd: {  	s26 =	rddreg [dreg:$0x17];
	[sflag:s29] =	ssyncadd.s32 $0xFFFFD800  }
0x2ce: {  	[tilespmem:s0], [sflag:$0x1] =	stream.indirect.gather [hbm4b:s6+s31], $0x80, s26, s31, $0xb8;
	[tilespmem:$0x1D778] =	vst v63  }
0x2cf: {  	_ =	swait.ge [sflag:s16], $0x2800  }
0x2d0: {  	[sflag:s16] =	ssyncset.done $0x0  }
0x2d1: {  	s9 =	rddreg [dreg:$0x18];
	[sflag:s16] =	ssyncadd.s32 $0xFFFFD800  }
0x2d2: {  	[spmem:s2] =	stream.indirect.scatter.add.f32 [tilespmem:s15], [sflag:$0x4], $0x80, s9, s31, $0xb8;
	[tilespmem:$0x1D778] =	vst v63  }
0x2d3: {  	_ =	swait.ge [sflag:s29], $0x2800  }
0x2d4: {  	[sflag:s29] =	ssyncset.done $0x0  }
0x2d5: {  	s23 =	rddreg [dreg:$0x19];
	[sflag:s29] =	ssyncadd.s32 $0xFFFFD800  }
0x2d6: {  	[tilespmem:s15], [sflag:$0x2] =	stream.indirect.gather [hbm4b:s6+s31], $0x80, s23, s31, $0xb8;
	[tilespmem:$0x1D778] =	vst v63  }
0x2d7: {  	_ =	swait.ge [sflag:s17], $0x2800  }
0x2d8: {  	[sflag:s17] =	ssyncset.done $0x0  }
0x2d9: {  	s24 =	rddreg [dreg:$0x1a];
	[sflag:s17] =	ssyncadd.s32 $0xFFFFD800  }
0x2da: {  	[spmem:s2] =	stream.indirect.scatter.add.f32 [tilespmem:s12], [sflag:$0x4], $0x80, s24, s31, $0xb8;
	[tilespmem:$0x1D778] =	vst v63  }
0x2db: {  	_ =	swait.ge [sflag:s29], $0x2800  }
0x2dc: {  	[sflag:s29] =	ssyncset.done $0x0  }
0x2dd: {  	s25 =	rddreg [dreg:$0x1b];
	[sflag:s29] =	ssyncadd.s32 $0xFFFFD800  }
0x2de: {  	[tilespmem:s12], [sflag:$0x3] =	stream.indirect.gather [hbm4b:s6+s31], $0x80, s25, s31, $0xb8;
	[tilespmem:$0x1D778] =	vst v63  }
0x2df: {  	_ =	swait.ge [sflag:s13], $0x2800  }
0x2e0: {  	[sflag:s13] =	ssyncset.done $0x0  }
0x2e1: {  	s26 =	rddreg [dreg:$0x1c];
	[sflag:s13] =	ssyncadd.s32 $0xFFFFD800  }
0x2e2: {  	[spmem:s2] =	stream.indirect.scatter.add.f32 [tilespmem:s0], [sflag:$0x4], $0x80, s26, s31, $0xb8;
	[tilespmem:$0x1D778] =	vst v63  }
0x2e3: {  	_ =	swait.ge [sflag:s29], $0x2800  }
0x2e4: {  	[sflag:s29] =	ssyncset.done $0x0  }
0x2e5: {  	s9 =	rddreg [dreg:$0x1d];
	[sflag:s29] =	ssyncadd.s32 $0xFFFFD800  }
0x2e6: {  	[tilespmem:s0], [sflag:$0x1] =	stream.indirect.gather [hbm4b:s6+s31], $0x80, s9, s31, $0xb8;
	[tilespmem:$0x1D778] =	vst v63  }
0x2e7: {  	_ =	swait.ge [sflag:s16], $0x2800  }
0x2e8: {  	[sflag:s16] =	ssyncset.done $0x0  }
0x2e9: {  	s23 =	rddreg [dreg:$0x1e];
	[sflag:s16] =	ssyncadd.s32 $0xFFFFD800  }
0x2ea: {  	[spmem:s2] =	stream.indirect.scatter.add.f32 [tilespmem:s15], [sflag:$0x4], $0x80, s23, s31, $0xb8;
	[tilespmem:$0x1D778] =	vst v63  }
0x2eb: {  	_ =	swait.ge [sflag:s29], $0x2800  }
0x2ec: {  	[sflag:s29] =	ssyncset.done $0x0  }
0x2ed: {  	s24 =	rddreg [dreg:$0x1f];
	[sflag:s29] =	ssyncadd.s32 $0xFFFFD800  }
0x2ee: {  	[tilespmem:s15], [sflag:$0x2] =	stream.indirect.gather [hbm4b:s6+s31], $0x80, s24, s31, $0xb8;
	[tilespmem:$0x1D778] =	vst v63  }
0x2ef: {  	_ =	swait.ge [sflag:s17], $0x2800  }
0x2f0: {  	s25 =	sld [smem:$0x7E4]  }
0x2f1: {  	[sflag:s17] =	ssyncset.done $0x0  }
0x2f2: {  	[sflag:s17] =	ssyncadd.s32 $0xFFFFD800  }
0x2f3: {  	[spmem:s2] =	stream.indirect.scatter.add.f32 [tilespmem:s12], [sflag:$0x4], $0x80, s25, s31, $0xb8;
	[tilespmem:$0x1D778] =	vst v63  }
0x2f4: {  	_ =	swait.ge [sflag:s29], $0x2800  }
0x2f5: {  	s26 =	sld [smem:$0x7E6]  }
0x2f6: {  	[sflag:s29] =	ssyncset.done $0x0  }
0x2f7: {  	[sflag:s29] =	ssyncadd.s32 $0xFFFFD800  }
0x2f8: {  	[tilespmem:s12], [sflag:$0x3] =	stream.indirect.gather [hbm4b:s6+s31], $0x80, s26, s31, $0xb8;
	[tilespmem:$0x1D778] =	vst v63  }
0x2f9: {  	_ =	swait.ge [sflag:s13], $0x2800  }
0x2fa: {  	s9 =	sld [smem:$0x7E8]  }
0x2fb: {  	[sflag:s13] =	ssyncset.done $0x0  }
0x2fc: {  	[sflag:s13] =	ssyncadd.s32 $0xFFFFD800  }
0x2fd: {  	[spmem:s2] =	stream.indirect.scatter.add.f32 [tilespmem:s0], [sflag:$0x4], $0x80, s9, s31, $0xb8;
	[tilespmem:$0x1D778] =	vst v63  }
0x2fe: {  	_ =	swait.ge [sflag:s29], $0x2800  }
0x2ff: {  	s23 =	sld [smem:$0x7EA]  }
0x300: {  	[sflag:s29] =	ssyncset.done $0x0  }
0x301: {  	[sflag:s29] =	ssyncadd.s32 $0xFFFFD800  }
0x302: {  	[tilespmem:s0], [sflag:$0x1] =	stream.indirect.gather [hbm4b:s6+s31], $0x80, s23, s31, $0xb8;
	[tilespmem:$0x1D778] =	vst v63  }
0x303: {  	_ =	swait.ge [sflag:s16], $0x2800  }
0x304: {  	s24 =	sld [smem:$0x7EC]  }
0x305: {  	[sflag:s16] =	ssyncset.done $0x0  }
0x306: {  	[sflag:s16] =	ssyncadd.s32 $0xFFFFD800  }
0x307: {  	[spmem:s2] =	stream.indirect.scatter.add.f32 [tilespmem:s15], [sflag:$0x4], $0x80, s24, s31, $0xb8;
	[tilespmem:$0x1D778] =	vst v63  }
0x308: {  	_ =	swait.ge [sflag:s29], $0x2800  }
0x309: {  	s25 =	sld [smem:$0x7EE]  }
0x30a: {  	[sflag:s29] =	ssyncset.done $0x0  }
0x30b: {  	[sflag:s29] =	ssyncadd.s32 $0xFFFFD800  }
0x30c: {  	[tilespmem:s15], [sflag:$0x2] =	stream.indirect.gather [hbm4b:s6+s31], $0x80, s25, s31, $0xb8;
	[tilespmem:$0x1D778] =	vst v63  }
0x30d: {  	_ =	swait.ge [sflag:s17], $0x2800  }
0x30e: {  	s26 =	sld [smem:$0x7F0]  }
0x30f: {  	[sflag:s17] =	ssyncset.done $0x0  }
0x310: {  	[sflag:s17] =	ssyncadd.s32 $0xFFFFD800  }
0x311: {  	[spmem:s2] =	stream.indirect.scatter.add.f32 [tilespmem:s12], [sflag:$0x4], $0x80, s26, s31, $0xb8;
	[tilespmem:$0x1D778] =	vst v63  }
0x312: {  	_ =	swait.ge [sflag:s29], $0x2800  }
0x313: {  	s9 =	sld [smem:$0x7F2]  }
0x314: {  	[sflag:s29] =	ssyncset.done $0x0  }
0x315: {  	[sflag:s29] =	ssyncadd.s32 $0xFFFFD800  }
0x316: {  	[tilespmem:s12], [sflag:$0x3] =	stream.indirect.gather [hbm4b:s6+s31], $0x80, s9, s31, $0xb8;
	[tilespmem:$0x1D778] =	vst v63  }
0x317: {  	_ =	swait.ge [sflag:s13], $0x2800  }
0x318: {  	s23 =	sld [smem:$0x7F4]  }
0x319: {  	[sflag:s13] =	ssyncset.done $0x0  }
0x31a: {  	[sflag:s13] =	ssyncadd.s32 $0xFFFFD800  }
0x31b: {  	[spmem:s2] =	stream.indirect.scatter.add.f32 [tilespmem:s0], [sflag:$0x4], $0x80, s23, s31, $0xb8;
	[tilespmem:$0x1D778] =	vst v63  }
0x31c: {  	_ =	swait.ge [sflag:s29], $0x2800  }
0x31d: {  	s24 =	sld [smem:$0x7F6]  }
0x31e: {  	[sflag:s29] =	ssyncset.done $0x0  }
0x31f: {  	[sflag:s29] =	ssyncadd.s32 $0xFFFFD800  }
0x320: {  	[tilespmem:s0], [sflag:$0x1] =	stream.indirect.gather [hbm4b:s6+s31], $0x80, s24, s31, $0xb8;
	[tilespmem:$0x1D778] =	vst v63  }
0x321: {  	_ =	swait.ge [sflag:s16], $0x2800  }
0x322: {  	s25 =	sld [smem:$0x7F7]  }
0x323: {  	[sflag:s16] =	ssyncset.done $0x0  }
0x324: {  	[sflag:s16] =	ssyncadd.s32 $0xFFFFD800  }
0x325: {  	[spmem:s2] =	stream.indirect.scatter.add.f32 [tilespmem:s15], [sflag:$0x4], $0x80, s25, s31, $0xb8;
	[tilespmem:$0x1D778] =	vst v63  }
0x326: {  	_ =	swait.ge [sflag:s29], $0x2800  }
0x327: {  	s26 =	sld [smem:$0x7F8]  }
0x328: {  	[sflag:s29] =	ssyncset.done $0x0  }
0x329: {  	[sflag:s29] =	ssyncadd.s32 $0xFFFFD800  }
0x32a: {  	[tilespmem:s15], [sflag:$0x2] =	stream.indirect.gather [hbm4b:s6+s31], $0x80, s26, s31, $0xb8;
	[tilespmem:$0x1D778] =	vst v63  }
0x32b: {  	_ =	swait.ge [sflag:s17], $0x2800  }
0x32c: {  	[sflag:s17] =	ssyncset.done $0x0  }
0x32d: {  	[sflag:s17] =	ssyncadd.s32 $0xFFFFD800  }
0x32e: {  	[spmem:s2] =	stream.indirect.scatter.add.f32 [tilespmem:s12], [sflag:$0x4], $0x80, s20, s31, $0xb8;
	[tilespmem:$0x1D778] =	vst v63  }
0x32f: {  	_ =	swait.ge [sflag:s29], $0x2800  }
0x330: {  	[sflag:s29] =	ssyncset.done $0x0  }
0x331: {  	[sflag:s29] =	ssyncadd.s32 $0xFFFFD800  }
0x332: {  	[tilespmem:s12], [sflag:$0x3] =	stream.indirect.gather [hbm4b:s6+s31], $0x80, s21, s31, $0xb8;
	[tilespmem:$0x1D778] =	vst v63  }
0x333: {  	_ =	swait.ge [sflag:s13], $0x2800  }
0x334: {  	[sflag:s13] =	ssyncset.done $0x0  }
0x335: {  	[sflag:s13] =	ssyncadd.s32 $0xFFFFD800  }
0x336: {  	[spmem:s2] =	stream.indirect.scatter.add.f32 [tilespmem:s0], [sflag:$0x4], $0x80, s18, s31, $0xb8;
	[tilespmem:$0x1D778] =	vst v63  }
0x337: {  	_ =	swait.ge [sflag:s29], $0x2800  }
0x338: {  	[sflag:s29] =	ssyncset.done $0x0  }
0x339: {  	[sflag:s29] =	ssyncadd.s32 $0xFFFFD800  }
0x33a: {  	[tilespmem:s0], [sflag:$0x1] =	stream.indirect.gather [hbm4b:s6+s31], $0x80, s19, s31, $0xb8;
	[tilespmem:$0x1D778] =	vst v63  }
0x33b: {  	_ =	swait.ge [sflag:s16], $0x2800  }
0x33c: {  	[sflag:s16] =	ssyncset.done $0x0  }
0x33d: {  	[sflag:s16] =	ssyncadd.s32 $0xFFFFD800  }
0x33e: {  	[spmem:s2] =	stream.indirect.scatter.add.f32 [tilespmem:s15], [sflag:$0x4], $0x80, s10, s31, $0xb8;
	[tilespmem:$0x1D778] =	vst v63  }
0x33f: {  	_ =	swait.ge [sflag:s29], $0x2800  }
0x340: {  	[sflag:s29] =	ssyncset.done $0x0  }
0x341: {  	[sflag:s29] =	ssyncadd.s32 $0xFFFFD800  }
0x342: {  	_ =	swait.ge [sflag:s17], $0x2800  }
0x343: {  	[sflag:s17] =	ssyncset.done $0x0  }
0x344: {  	[sflag:s17] =	ssyncadd.s32 $0xFFFFD800  }
0x345: {  	[spmem:s2] =	stream.indirect.scatter.add.f32 [tilespmem:s12], [sflag:$0x4], $0x80, s11, s31, $0xb8;
	[tilespmem:$0x1D778] =	vst v63  }
0x346: {  	_ =	swait.ge [sflag:s29], $0x2800  }
0x347: {  	[sflag:s29] =	ssyncset.done $0x0  }
0x348: {  	[sflag:s29] =	ssyncadd.s32 $0xFFFFD800  }
0x349: {  	_ =	swait.ge [sflag:s13], $0x2800  }
0x34a: {  	[sflag:s13] =	ssyncset.done $0x0  }
0x34b: {  	s28 =	simm.s32 $0x200;
	[sflag:s13] =	ssyncadd.s32 $0xFFFFD800  }
0x34c: {  	[spmem:s2] =	stream.indirect.scatter.add.f32 [tilespmem:s0], [sflag:$0x4], $0x80, s14, s31, $0xb8;
	[tilespmem:$0x1D778] =	vst v63  }
0x34d: {  	p4 =	por $0x0, $0x0;
	s5 =	simm.s32 $0x400;
	_ =	swait.ge [sflag:s29], $0x2800  }
.LBB2_12:
0x34e: {  	s9 =	sadd.s32 @!p4 s28, s7;
	[sflag:s29] =	ssyncset.done $0x0  }
0x34f: {  	s23 =	simm.s32 @!p4 $0x0;
	s26 =	simm.s32 @!p4 $0x4;
	[sflag:s29] =	ssyncadd.s32 $0xFFFFD800  }
0x350: {  	[tilespmem:s23], [sflag:$0x4] =	stream.linear.gather @!p4 [hbm4b:s9+s23], $0xC80, $0x38;
	[tilespmem:$0x1D778] =	vst v63  }
0x351: {  	_ =	swait.ge @!p4 [sflag:s26], $0xC80  }
0x352: {  	[sflag:s26] =	ssyncset.done @!p4 $0x0  }
0x353: {  	s24 =	simm.s32 @!p4 $0x1000;
	s9 =	sadd.s32 @!p4 s28, s8;
	[sflag:s26] =	ssyncadd.s32 @!p4 $0xFFFFF380  }
0x354: {  	[tilespmem:s24], [sflag:$0x4] =	stream.linear.gather @!p4 [hbm4b:s9+s23], $0xC80, $0x38;
	[tilespmem:$0x1D778] =	vst v63  }
0x355: {  	_ =	swait.ge @!p4 [sflag:s26], $0xC80  }
0x356: {  	s25 =	smov.u32 s5;
	[sflag:s26] =	ssyncset.done @!p4 $0x0  }
0x357: {  	s9 =	simm.s32 @!p4 $0x50;
	s24 =	simm.s32 @!p4 $0x2000;
	[sflag:s26] =	ssyncadd.s32 @!p4 $0xFFFFF380  }
0x358: {  	[tilespmem:s24], [sflag:$0x1] =	stream.indirect.gather @!p4 [hbm4b:s6+s9], $0x80, s23, s9, $0xb8;
	[tilespmem:$0x1D778] =	vst v63  }
0x359: {  	s28 =	smov.u32 s25;
	s25 =	simm.s32 @!p4 $0x80;
	s26 =	simm.s32 @!p4 $0x4800  }
0x35a: {  	[tilespmem:s26], [sflag:$0x2] =	stream.indirect.gather @!p4 [hbm4b:s6+s9], $0x80, s25, s9, $0xb8;
	[tilespmem:$0x1D778] =	vst v63  }
0x35b: {  	s23 =	simm.s32 @!p4 $0x100;
	s24 =	simm.s32 @!p4 $0x7000  }
0x35c: {  	[tilespmem:s24], [sflag:$0x3] =	stream.indirect.gather @!p4 [hbm4b:s6+s9], $0x80, s23, s9, $0xb8;
	[tilespmem:$0x1D778] =	vst v63  }
0x35d: {  	_ =	swait.ge [sflag:s13], $0x2800  }
0x35e: {  	[sflag:s13] =	ssyncset.done $0x0  }
0x35f: {  	[sflag:s13] =	ssyncadd.s32 $0xFFFFD800  }
0x360: {  	[spmem:s2] =	stream.indirect.scatter.add.f32 [tilespmem:s0], [sflag:$0x4], $0x80, s30, s31, $0xb8;
	[tilespmem:$0x1D778] =	vst v63  }
0x361: {  	_ =	swait.ge [sflag:s29], $0x2800  }
0x362: {  	[sflag:s29] =	ssyncset.done $0x0  }
0x363: {  	s24 =	rddreg [dreg:$0x5];
	[sflag:s29] =	ssyncadd.s32 $0xFFFFD800  }
0x364: {  	[tilespmem:s0], [sflag:$0x1] =	stream.indirect.gather [hbm4b:s6+s31], $0x80, s24, s31, $0xb8;
	[tilespmem:$0x1D778] =	vst v63  }
0x365: {  	_ =	swait.ge [sflag:s16], $0x2800  }
0x366: {  	[sflag:s16] =	ssyncset.done $0x0  }
0x367: {  	s25 =	rddreg [dreg:$0x6];
	[sflag:s16] =	ssyncadd.s32 $0xFFFFD800  }
0x368: {  	[spmem:s2] =	stream.indirect.scatter.add.f32 [tilespmem:s15], [sflag:$0x4], $0x80, s25, s31, $0xb8;
	[tilespmem:$0x1D778] =	vst v63  }
0x369: {  	_ =	swait.ge [sflag:s29], $0x2800  }
0x36a: {  	[sflag:s29] =	ssyncset.done $0x0  }
0x36b: {  	s26 =	rddreg [dreg:$0x7];
	[sflag:s29] =	ssyncadd.s32 $0xFFFFD800  }
0x36c: {  	[tilespmem:s15], [sflag:$0x2] =	stream.indirect.gather [hbm4b:s6+s31], $0x80, s26, s31, $0xb8;
	[tilespmem:$0x1D778] =	vst v63  }
0x36d: {  	_ =	swait.ge [sflag:s17], $0x2800  }
0x36e: {  	[sflag:s17] =	ssyncset.done $0x0  }
0x36f: {  	s23 =	rddreg [dreg:$0x8];
	[sflag:s17] =	ssyncadd.s32 $0xFFFFD800  }
0x370: {  	[spmem:s2] =	stream.indirect.scatter.add.f32 [tilespmem:s12], [sflag:$0x4], $0x80, s23, s31, $0xb8;
	[tilespmem:$0x1D778] =	vst v63  }
0x371: {  	_ =	swait.ge [sflag:s29], $0x2800  }
0x372: {  	[sflag:s29] =	ssyncset.done $0x0  }
0x373: {  	s24 =	rddreg [dreg:$0x9];
	[sflag:s29] =	ssyncadd.s32 $0xFFFFD800  }
0x374: {  	[tilespmem:s12], [sflag:$0x3] =	stream.indirect.gather [hbm4b:s6+s31], $0x80, s24, s31, $0xb8;
	[tilespmem:$0x1D778] =	vst v63  }
0x375: {  	_ =	swait.ge [sflag:s13], $0x2800  }
0x376: {  	[sflag:s13] =	ssyncset.done $0x0  }
0x377: {  	s25 =	rddreg [dreg:$0xa];
	[sflag:s13] =	ssyncadd.s32 $0xFFFFD800  }
0x378: {  	[spmem:s2] =	stream.indirect.scatter.add.f32 [tilespmem:s0], [sflag:$0x4], $0x80, s25, s31, $0xb8;
	[tilespmem:$0x1D778] =	vst v63  }
0x379: {  	_ =	swait.ge [sflag:s29], $0x2800  }
0x37a: {  	[sflag:s29] =	ssyncset.done $0x0  }
0x37b: {  	s26 =	rddreg [dreg:$0xb];
	[sflag:s29] =	ssyncadd.s32 $0xFFFFD800  }
0x37c: {  	[tilespmem:s0], [sflag:$0x1] =	stream.indirect.gather [hbm4b:s6+s31], $0x80, s26, s31, $0xb8;
	[tilespmem:$0x1D778] =	vst v63  }
0x37d: {  	_ =	swait.ge [sflag:s16], $0x2800  }
0x37e: {  	[sflag:s16] =	ssyncset.done $0x0  }
0x37f: {  	s23 =	rddreg [dreg:$0xc];
	[sflag:s16] =	ssyncadd.s32 $0xFFFFD800  }
0x380: {  	[spmem:s2] =	stream.indirect.scatter.add.f32 [tilespmem:s15], [sflag:$0x4], $0x80, s23, s31, $0xb8;
	[tilespmem:$0x1D778] =	vst v63  }
0x381: {  	_ =	swait.ge [sflag:s29], $0x2800  }
0x382: {  	[sflag:s29] =	ssyncset.done $0x0  }
0x383: {  	s24 =	rddreg [dreg:$0xd];
	[sflag:s29] =	ssyncadd.s32 $0xFFFFD800  }
0x384: {  	[tilespmem:s15], [sflag:$0x2] =	stream.indirect.gather [hbm4b:s6+s31], $0x80, s24, s31, $0xb8;
	[tilespmem:$0x1D778] =	vst v63  }
0x385: {  	_ =	swait.ge [sflag:s17], $0x2800  }
0x386: {  	[sflag:s17] =	ssyncset.done $0x0  }
0x387: {  	s25 =	rddreg [dreg:$0xe];
	[sflag:s17] =	ssyncadd.s32 $0xFFFFD800  }
0x388: {  	[spmem:s2] =	stream.indirect.scatter.add.f32 [tilespmem:s12], [sflag:$0x4], $0x80, s25, s31, $0xb8;
	[tilespmem:$0x1D778] =	vst v63  }
0x389: {  	_ =	swait.ge [sflag:s29], $0x2800  }
0x38a: {  	[sflag:s29] =	ssyncset.done $0x0  }
0x38b: {  	s26 =	rddreg [dreg:$0xf];
	[sflag:s29] =	ssyncadd.s32 $0xFFFFD800  }
0x38c: {  	[tilespmem:s12], [sflag:$0x3] =	stream.indirect.gather [hbm4b:s6+s31], $0x80, s26, s31, $0xb8;
	[tilespmem:$0x1D778] =	vst v63  }
0x38d: {  	_ =	swait.ge [sflag:s13], $0x2800  }
0x38e: {  	[sflag:s13] =	ssyncset.done $0x0  }
0x38f: {  	s23 =	rddreg [dreg:$0x10];
	[sflag:s13] =	ssyncadd.s32 $0xFFFFD800  }
0x390: {  	[spmem:s2] =	stream.indirect.scatter.add.f32 [tilespmem:s0], [sflag:$0x4], $0x80, s23, s31, $0xb8;
	[tilespmem:$0x1D778] =	vst v63  }
0x391: {  	_ =	swait.ge [sflag:s29], $0x2800  }
0x392: {  	[sflag:s29] =	ssyncset.done $0x0  }
0x393: {  	s24 =	rddreg [dreg:$0x11];
	[sflag:s29] =	ssyncadd.s32 $0xFFFFD800  }
0x394: {  	[tilespmem:s0], [sflag:$0x1] =	stream.indirect.gather [hbm4b:s6+s31], $0x80, s24, s31, $0xb8;
	[tilespmem:$0x1D778] =	vst v63  }
0x395: {  	_ =	swait.ge [sflag:s16], $0x2800  }
0x396: {  	[sflag:s16] =	ssyncset.done $0x0  }
0x397: {  	s25 =	rddreg [dreg:$0x12];
	[sflag:s16] =	ssyncadd.s32 $0xFFFFD800  }
0x398: {  	[spmem:s2] =	stream.indirect.scatter.add.f32 [tilespmem:s15], [sflag:$0x4], $0x80, s25, s31, $0xb8;
	[tilespmem:$0x1D778] =	vst v63  }
0x399: {  	_ =	swait.ge [sflag:s29], $0x2800  }
0x39a: {  	[sflag:s29] =	ssyncset.done $0x0  }
0x39b: {  	s26 =	rddreg [dreg:$0x13];
	[sflag:s29] =	ssyncadd.s32 $0xFFFFD800  }
0x39c: {  	[tilespmem:s15], [sflag:$0x2] =	stream.indirect.gather [hbm4b:s6+s31], $0x80, s26, s31, $0xb8;
	[tilespmem:$0x1D778] =	vst v63  }
0x39d: {  	_ =	swait.ge [sflag:s17], $0x2800  }
0x39e: {  	[sflag:s17] =	ssyncset.done $0x0  }
0x39f: {  	s23 =	rddreg [dreg:$0x14];
	[sflag:s17] =	ssyncadd.s32 $0xFFFFD800  }
0x3a0: {  	[spmem:s2] =	stream.indirect.scatter.add.f32 [tilespmem:s12], [sflag:$0x4], $0x80, s23, s31, $0xb8;
	[tilespmem:$0x1D778] =	vst v63  }
0x3a1: {  	_ =	swait.ge [sflag:s29], $0x2800  }
0x3a2: {  	[sflag:s29] =	ssyncset.done $0x0  }
0x3a3: {  	s24 =	rddreg [dreg:$0x15];
	[sflag:s29] =	ssyncadd.s32 $0xFFFFD800  }
0x3a4: {  	[tilespmem:s12], [sflag:$0x3] =	stream.indirect.gather [hbm4b:s6+s31], $0x80, s24, s31, $0xb8;
	[tilespmem:$0x1D778] =	vst v63  }
0x3a5: {  	_ =	swait.ge [sflag:s13], $0x2800  }
0x3a6: {  	[sflag:s13] =	ssyncset.done $0x0  }
0x3a7: {  	s25 =	rddreg [dreg:$0x16];
	[sflag:s13] =	ssyncadd.s32 $0xFFFFD800  }
0x3a8: {  	[spmem:s2] =	stream.indirect.scatter.add.f32 [tilespmem:s0], [sflag:$0x4], $0x80, s25, s31, $0xb8;
	[tilespmem:$0x1D778] =	vst v63  }
0x3a9: {  	_ =	swait.ge [sflag:s29], $0x2800  }
0x3aa: {  	[sflag:s29] =	ssyncset.done $0x0  }
0x3ab: {  	s26 =	rddreg [dreg:$0x17];
	[sflag:s29] =	ssyncadd.s32 $0xFFFFD800  }
0x3ac: {  	[tilespmem:s0], [sflag:$0x1] =	stream.indirect.gather [hbm4b:s6+s31], $0x80, s26, s31, $0xb8;
	[tilespmem:$0x1D778] =	vst v63  }
0x3ad: {  	_ =	swait.ge [sflag:s16], $0x2800  }
0x3ae: {  	[sflag:s16] =	ssyncset.done $0x0  }
0x3af: {  	s23 =	rddreg [dreg:$0x18];
	[sflag:s16] =	ssyncadd.s32 $0xFFFFD800  }
0x3b0: {  	[spmem:s2] =	stream.indirect.scatter.add.f32 [tilespmem:s15], [sflag:$0x4], $0x80, s23, s31, $0xb8;
	[tilespmem:$0x1D778] =	vst v63  }
0x3b1: {  	_ =	swait.ge [sflag:s29], $0x2800  }
0x3b2: {  	[sflag:s29] =	ssyncset.done $0x0  }
0x3b3: {  	s24 =	rddreg [dreg:$0x19];
	[sflag:s29] =	ssyncadd.s32 $0xFFFFD800  }
0x3b4: {  	[tilespmem:s15], [sflag:$0x2] =	stream.indirect.gather [hbm4b:s6+s31], $0x80, s24, s31, $0xb8;
	[tilespmem:$0x1D778] =	vst v63  }
0x3b5: {  	_ =	swait.ge [sflag:s17], $0x2800  }
0x3b6: {  	[sflag:s17] =	ssyncset.done $0x0  }
0x3b7: {  	s25 =	rddreg [dreg:$0x1a];
	[sflag:s17] =	ssyncadd.s32 $0xFFFFD800  }
0x3b8: {  	[spmem:s2] =	stream.indirect.scatter.add.f32 [tilespmem:s12], [sflag:$0x4], $0x80, s25, s31, $0xb8;
	[tilespmem:$0x1D778] =	vst v63  }
0x3b9: {  	_ =	swait.ge [sflag:s29], $0x2800  }
0x3ba: {  	[sflag:s29] =	ssyncset.done $0x0  }
0x3bb: {  	s26 =	rddreg [dreg:$0x1b];
	[sflag:s29] =	ssyncadd.s32 $0xFFFFD800  }
0x3bc: {  	[tilespmem:s12], [sflag:$0x3] =	stream.indirect.gather [hbm4b:s6+s31], $0x80, s26, s31, $0xb8;
	[tilespmem:$0x1D778] =	vst v63  }
0x3bd: {  	_ =	swait.ge [sflag:s13], $0x2800  }
0x3be: {  	[sflag:s13] =	ssyncset.done $0x0  }
0x3bf: {  	s23 =	rddreg [dreg:$0x1c];
	[sflag:s13] =	ssyncadd.s32 $0xFFFFD800  }
0x3c0: {  	[spmem:s2] =	stream.indirect.scatter.add.f32 [tilespmem:s0], [sflag:$0x4], $0x80, s23, s31, $0xb8;
	[tilespmem:$0x1D778] =	vst v63  }
0x3c1: {  	_ =	swait.ge [sflag:s29], $0x2800  }
0x3c2: {  	[sflag:s29] =	ssyncset.done $0x0  }
0x3c3: {  	s24 =	rddreg [dreg:$0x1d];
	[sflag:s29] =	ssyncadd.s32 $0xFFFFD800  }
0x3c4: {  	[tilespmem:s0], [sflag:$0x1] =	stream.indirect.gather [hbm4b:s6+s31], $0x80, s24, s31, $0xb8;
	[tilespmem:$0x1D778] =	vst v63  }
0x3c5: {  	_ =	swait.ge [sflag:s16], $0x2800  }
0x3c6: {  	[sflag:s16] =	ssyncset.done $0x0  }
0x3c7: {  	s25 =	rddreg [dreg:$0x1e];
	[sflag:s16] =	ssyncadd.s32 $0xFFFFD800  }
0x3c8: {  	[spmem:s2] =	stream.indirect.scatter.add.f32 [tilespmem:s15], [sflag:$0x4], $0x80, s25, s31, $0xb8;
	[tilespmem:$0x1D778] =	vst v63  }
0x3c9: {  	_ =	swait.ge [sflag:s29], $0x2800  }
0x3ca: {  	[sflag:s29] =	ssyncset.done $0x0  }
0x3cb: {  	s26 =	rddreg [dreg:$0x1f];
	[sflag:s29] =	ssyncadd.s32 $0xFFFFD800  }
0x3cc: {  	[tilespmem:s15], [sflag:$0x2] =	stream.indirect.gather [hbm4b:s6+s31], $0x80, s26, s31, $0xb8;
	[tilespmem:$0x1D778] =	vst v63  }
0x3cd: {  	_ =	swait.ge [sflag:s17], $0x2800  }
0x3ce: {  	s23 =	sld [smem:$0x7E4]  }
0x3cf: {  	[sflag:s17] =	ssyncset.done $0x0  }
0x3d0: {  	[sflag:s17] =	ssyncadd.s32 $0xFFFFD800  }
0x3d1: {  	[spmem:s2] =	stream.indirect.scatter.add.f32 [tilespmem:s12], [sflag:$0x4], $0x80, s23, s31, $0xb8;
	[tilespmem:$0x1D778] =	vst v63  }
0x3d2: {  	_ =	swait.ge [sflag:s29], $0x2800  }
0x3d3: {  	s24 =	sld [smem:$0x7E6]  }
0x3d4: {  	[sflag:s29] =	ssyncset.done $0x0  }
0x3d5: {  	[sflag:s29] =	ssyncadd.s32 $0xFFFFD800  }
0x3d6: {  	[tilespmem:s12], [sflag:$0x3] =	stream.indirect.gather [hbm4b:s6+s31], $0x80, s24, s31, $0xb8;
	[tilespmem:$0x1D778] =	vst v63  }
0x3d7: {  	_ =	swait.ge [sflag:s13], $0x2800  }
0x3d8: {  	s25 =	sld [smem:$0x7E8]  }
0x3d9: {  	[sflag:s13] =	ssyncset.done $0x0  }
0x3da: {  	[sflag:s13] =	ssyncadd.s32 $0xFFFFD800  }
0x3db: {  	[spmem:s2] =	stream.indirect.scatter.add.f32 [tilespmem:s0], [sflag:$0x4], $0x80, s25, s31, $0xb8;
	[tilespmem:$0x1D778] =	vst v63  }
0x3dc: {  	_ =	swait.ge [sflag:s29], $0x2800  }
0x3dd: {  	s26 =	sld [smem:$0x7EA]  }
0x3de: {  	[sflag:s29] =	ssyncset.done $0x0  }
0x3df: {  	[sflag:s29] =	ssyncadd.s32 $0xFFFFD800  }
0x3e0: {  	[tilespmem:s0], [sflag:$0x1] =	stream.indirect.gather [hbm4b:s6+s31], $0x80, s26, s31, $0xb8;
	[tilespmem:$0x1D778] =	vst v63  }
0x3e1: {  	_ =	swait.ge [sflag:s16], $0x2800  }
0x3e2: {  	s23 =	sld [smem:$0x7EC]  }
0x3e3: {  	[sflag:s16] =	ssyncset.done $0x0  }
0x3e4: {  	[sflag:s16] =	ssyncadd.s32 $0xFFFFD800  }
0x3e5: {  	[spmem:s2] =	stream.indirect.scatter.add.f32 [tilespmem:s15], [sflag:$0x4], $0x80, s23, s31, $0xb8;
	[tilespmem:$0x1D778] =	vst v63  }
0x3e6: {  	_ =	swait.ge [sflag:s29], $0x2800  }
0x3e7: {  	s24 =	sld [smem:$0x7EE]  }
0x3e8: {  	[sflag:s29] =	ssyncset.done $0x0  }
0x3e9: {  	[sflag:s29] =	ssyncadd.s32 $0xFFFFD800  }
0x3ea: {  	[tilespmem:s15], [sflag:$0x2] =	stream.indirect.gather [hbm4b:s6+s31], $0x80, s24, s31, $0xb8;
	[tilespmem:$0x1D778] =	vst v63  }
0x3eb: {  	_ =	swait.ge [sflag:s17], $0x2800  }
0x3ec: {  	s25 =	sld [smem:$0x7F0]  }
0x3ed: {  	[sflag:s17] =	ssyncset.done $0x0  }
0x3ee: {  	[sflag:s17] =	ssyncadd.s32 $0xFFFFD800  }
0x3ef: {  	[spmem:s2] =	stream.indirect.scatter.add.f32 [tilespmem:s12], [sflag:$0x4], $0x80, s25, s31, $0xb8;
	[tilespmem:$0x1D778] =	vst v63  }
0x3f0: {  	_ =	swait.ge [sflag:s29], $0x2800  }
0x3f1: {  	s26 =	sld [smem:$0x7F2]  }
0x3f2: {  	[sflag:s29] =	ssyncset.done $0x0  }
0x3f3: {  	[sflag:s29] =	ssyncadd.s32 $0xFFFFD800  }
0x3f4: {  	[tilespmem:s12], [sflag:$0x3] =	stream.indirect.gather [hbm4b:s6+s31], $0x80, s26, s31, $0xb8;
	[tilespmem:$0x1D778] =	vst v63  }
0x3f5: {  	_ =	swait.ge [sflag:s13], $0x2800  }
0x3f6: {  	s23 =	sld [smem:$0x7F4]  }
0x3f7: {  	[sflag:s13] =	ssyncset.done $0x0  }
0x3f8: {  	[sflag:s13] =	ssyncadd.s32 $0xFFFFD800  }
0x3f9: {  	[spmem:s2] =	stream.indirect.scatter.add.f32 [tilespmem:s0], [sflag:$0x4], $0x80, s23, s31, $0xb8;
	[tilespmem:$0x1D778] =	vst v63  }
0x3fa: {  	_ =	swait.ge [sflag:s29], $0x2800  }
0x3fb: {  	s24 =	sld [smem:$0x7F6]  }
0x3fc: {  	[sflag:s29] =	ssyncset.done $0x0  }
0x3fd: {  	[sflag:s29] =	ssyncadd.s32 $0xFFFFD800  }
0x3fe: {  	[tilespmem:s0], [sflag:$0x1] =	stream.indirect.gather [hbm4b:s6+s31], $0x80, s24, s31, $0xb8;
	[tilespmem:$0x1D778] =	vst v63  }
0x3ff: {  	_ =	swait.ge [sflag:s16], $0x2800  }
0x400: {  	s25 =	sld [smem:$0x7F7]  }
0x401: {  	[sflag:s16] =	ssyncset.done $0x0  }
0x402: {  	[sflag:s16] =	ssyncadd.s32 $0xFFFFD800  }
0x403: {  	[spmem:s2] =	stream.indirect.scatter.add.f32 [tilespmem:s15], [sflag:$0x4], $0x80, s25, s31, $0xb8;
	[tilespmem:$0x1D778] =	vst v63  }
0x404: {  	_ =	swait.ge [sflag:s29], $0x2800  }
0x405: {  	s26 =	sld [smem:$0x7F8]  }
0x406: {  	[sflag:s29] =	ssyncset.done $0x0  }
0x407: {  	[sflag:s29] =	ssyncadd.s32 $0xFFFFD800  }
0x408: {  	[tilespmem:s15], [sflag:$0x2] =	stream.indirect.gather [hbm4b:s6+s31], $0x80, s26, s31, $0xb8;
	[tilespmem:$0x1D778] =	vst v63  }
0x409: {  	_ =	swait.ge [sflag:s17], $0x2800  }
0x40a: {  	[sflag:s17] =	ssyncset.done $0x0  }
0x40b: {  	[sflag:s17] =	ssyncadd.s32 $0xFFFFD800  }
0x40c: {  	[spmem:s2] =	stream.indirect.scatter.add.f32 [tilespmem:s12], [sflag:$0x4], $0x80, s20, s31, $0xb8;
	[tilespmem:$0x1D778] =	vst v63  }
0x40d: {  	_ =	swait.ge [sflag:s29], $0x2800  }
0x40e: {  	[sflag:s29] =	ssyncset.done $0x0  }
0x40f: {  	[sflag:s29] =	ssyncadd.s32 $0xFFFFD800  }
0x410: {  	[tilespmem:s12], [sflag:$0x3] =	stream.indirect.gather [hbm4b:s6+s31], $0x80, s21, s31, $0xb8;
	[tilespmem:$0x1D778] =	vst v63  }
0x411: {  	_ =	swait.ge [sflag:s13], $0x2800  }
0x412: {  	[sflag:s13] =	ssyncset.done $0x0  }
0x413: {  	[sflag:s13] =	ssyncadd.s32 $0xFFFFD800  }
0x414: {  	[spmem:s2] =	stream.indirect.scatter.add.f32 [tilespmem:s0], [sflag:$0x4], $0x80, s18, s31, $0xb8;
	[tilespmem:$0x1D778] =	vst v63  }
0x415: {  	_ =	swait.ge [sflag:s29], $0x2800  }
0x416: {  	[sflag:s29] =	ssyncset.done $0x0  }
0x417: {  	[sflag:s29] =	ssyncadd.s32 $0xFFFFD800  }
0x418: {  	[tilespmem:s0], [sflag:$0x1] =	stream.indirect.gather [hbm4b:s6+s31], $0x80, s19, s31, $0xb8;
	[tilespmem:$0x1D778] =	vst v63  }
0x419: {  	_ =	swait.ge [sflag:s16], $0x2800  }
0x41a: {  	[sflag:s16] =	ssyncset.done $0x0  }
0x41b: {  	[sflag:s16] =	ssyncadd.s32 $0xFFFFD800  }
0x41c: {  	[spmem:s2] =	stream.indirect.scatter.add.f32 [tilespmem:s15], [sflag:$0x4], $0x80, s10, s31, $0xb8;
	[tilespmem:$0x1D778] =	vst v63  }
0x41d: {  	_ =	swait.ge [sflag:s29], $0x2800  }
0x41e: {  	[sflag:s29] =	ssyncset.done $0x0  }
0x41f: {  	[sflag:s29] =	ssyncadd.s32 $0xFFFFD800  }
0x420: {  	_ =	swait.ge [sflag:s17], $0x2800  }
0x421: {  	[sflag:s17] =	ssyncset.done $0x0  }
0x422: {  	[sflag:s17] =	ssyncadd.s32 $0xFFFFD800  }
0x423: {  	[spmem:s2] =	stream.indirect.scatter.add.f32 [tilespmem:s12], [sflag:$0x4], $0x80, s11, s31, $0xb8;
	[tilespmem:$0x1D778] =	vst v63  }
0x424: {  	_ =	swait.ge [sflag:s29], $0x2800  }
0x425: {  	s5 =	sadd.s32 $0x200, s5;
	[sflag:s29] =	ssyncset.done $0x0  }
0x426: {  	p3 =	sne.s32 s5, $0xA00;
	[sflag:s29] =	ssyncadd.s32 $0xFFFFD800  }
.Ltmp9:
0x427: {  	_ =	swait.ge [sflag:s13], $0x2800;
	(pc) =	sbr.rel @p3 .LBB2_12-.Ltmp9, $4  }
0x428: {  	[sflag:s13] =	ssyncset.done $0x0  }
0x429: {  	[sflag:s13] =	ssyncadd.s32 $0xFFFFD800  }
0x42a: {  	[spmem:s2] =	stream.indirect.scatter.add.f32 [tilespmem:s0], [sflag:$0x4], $0x80, s14, s31, $0xb8;
	[tilespmem:$0x1D778] =	vst v63  }
0x42b: {  	p4 =	seq.s32 s28, $0x0;
	_ =	swait.ge [sflag:s29], $0x2800  }
.Ltmp10:
0x42c: {  	_ = 	snop;
	(pc) =	sbr.rel .LBB2_13-.Ltmp10, $1  }
0x42d: {  	_ =	sdelay $0x3  }
.LBB2_15:
0x42e: {  	_ =	sfence.sel $0x180000  }
0x42f: {  	[bflag:$0x0] =	sbarrier.arrive $0xFFFF  }
0x430: {  	_ =	strace $0x90000047  }
0x431: {  	[bflag:$0x2] =	sbarrier.arrive $0xFFFF  }
0x432: {  	p0 =	sne.s32 s24, $0x0;
	s0 =	rddreg [dreg:$0x4]  }
0x433: {  	s0 =	sadd.s32 @!p0 $0x100000, s0  }
0x434: {  	[sflag:s0] =	ssyncadd.tile.s32 @!p0 $0x1;
	_ =	shalt  }
.Lfunc_end2:
_tile_overlayer_lowered:
.L_overlay_start_2:
0x435: {  	(tag) =	ssettag $0x2  }
0x436: {  	s0 =	rddreg [dreg:$0x0];
	s2 =	stileid.u32  }
0x437: {  	s1 =	rddreg [dreg:$0x1];
	p0 =	sne.s32 s2, $0x0  }
0x438: {  	s3 =	rddreg [dreg:$0x2];
	[bflag:$0x3] =	sbarrier.arrive $0xFFFF;
	s2 =	simm.s32 @!p0 $0x1C04  }
0x439: {  	[timem:s3], [sflag:s2] =	dma.local @!p0 [hbm:s0], s1  }
0x43a: {  	s0 =	simm.s32 @!p0 $0x4  }
0x43b: {  	_ =	swait.ge @!p0 [sflag:s0], s1  }
0x43c: {  	s1 =	ssub.s32 @!p0 $0x0, s1;
	[sflag:s0] =	ssyncset.done @!p0 $0x0  }
0x43d: {  	[sflag:s0] =	ssyncadd.s32 @!p0 s1  }
0x43e: {  	[bflag:$0x3] =	sbarrier.arrive $0xFFFF  }
0x43f: {  	_ =	shalt  }

</sc_bundles>
